<compile_context>
chip_gen: v7x
topology: tpu7x:2x2x1
jax: 0.10.2.dev20260603
libtpu: 0.0.44.dev20260713+nightly
codegen_flags: <defaults>
</compile_context>

<pallas_src>
import functools

import jax
import jax.numpy as jnp
from jax import lax
from jax.experimental import pallas as pl
from jax.experimental.pallas import tpu as pltpu
from jax.experimental.pallas import tpu_sc as plsc

HIDDEN = 64
DCHUNK = 8
NBUF = 2
NSTAGE = HIDDEN // DCHUNK


def _make_sc_kernel(batch):
    info = plsc.get_sparse_core_info()
    nc, ns = info.num_cores, info.num_subcores
    nw = nc * ns
    assert batch % (8 * nw) == 0
    bpw = batch // nw

    mesh = plsc.VectorSubcoreMesh(core_axis_name="c", subcore_axis_name="s")

    @functools.partial(
        pl.kernel,
        mesh=mesh,
        compiler_params=pltpu.CompilerParams(
            needs_layout_passes=False, use_tc_tiling_on_sc=False
        ),
        out_type=jax.ShapeDtypeStruct((batch,), jnp.float32),
        scratch_types=[
            pltpu.VMEM((bpw,), jnp.int32),
            pltpu.VMEM((bpw,), jnp.int32),
            pltpu.VMEM((bpw,), jnp.int32),
            pltpu.VMEM((NBUF, DCHUNK, bpw), jnp.float32),
            pltpu.VMEM((NBUF, DCHUNK, bpw), jnp.float32),
            pltpu.VMEM((NBUF, DCHUNK, bpw), jnp.float32),
            pltpu.VMEM((bpw,), jnp.float32),
            pltpu.SemaphoreType.DMA((NBUF,)),
        ],
    )
    def k(entT_hbm, relT_hbm, hidx_hbm, ridx_hbm, tidx_hbm, out_hbm,
          hidx_v, ridx_v, tidx_v, hbuf, rbuf, tbuf, score_v, sems):
        wid = lax.axis_index("s") * nc + lax.axis_index("c")
        base = wid * bpw
        pltpu.sync_copy(hidx_hbm.at[pl.ds(base, bpw)], hidx_v)
        pltpu.sync_copy(ridx_hbm.at[pl.ds(base, bpw)], ridx_v)
        pltpu.sync_copy(tidx_hbm.at[pl.ds(base, bpw)], tidx_v)

        def fire(stage, slot):
            for j in range(DCHUNK):
                d = stage * DCHUNK + j
                pltpu.async_copy(
                    entT_hbm.at[d].at[hidx_v], hbuf.at[slot, j], sems.at[slot]
                )
                pltpu.async_copy(
                    relT_hbm.at[d].at[ridx_v], rbuf.at[slot, j], sems.at[slot]
                )
                pltpu.async_copy(
                    entT_hbm.at[d].at[tidx_v], tbuf.at[slot, j], sems.at[slot]
                )

        def drain(slot):
            for j in range(DCHUNK):
                pltpu.make_async_copy(
                    entT_hbm.at[0].at[hidx_v], hbuf.at[slot, j], sems.at[slot]
                ).wait()
                pltpu.make_async_copy(
                    relT_hbm.at[0].at[ridx_v], rbuf.at[slot, j], sems.at[slot]
                ).wait()
                pltpu.make_async_copy(
                    entT_hbm.at[0].at[tidx_v], tbuf.at[slot, j], sems.at[slot]
                ).wait()

        def compute(slot):
            def vbody(v, carry):
                sl = pl.ds(v * 16, 16)
                acc = score_v[sl]
                for j in range(DCHUNK):
                    acc = acc + (hbuf[slot, j, sl]
                                 * rbuf[slot, j, sl]
                                 * tbuf[slot, j, sl])
                score_v[sl] = acc
                return carry

            lax.fori_loop(0, bpw // 16, vbody, 0)

        def zbody(v, carry):
            score_v[pl.ds(v * 16, 16)] = jnp.zeros((16,), jnp.float32)
            return carry

        lax.fori_loop(0, bpw // 16, zbody, 0)

        fire(0, 0)

        def stage_pair(p, carry):
            s0 = p * 2
            fire(s0 + 1, 1)
            drain(0)
            compute(0)

            @pl.when(s0 + 2 < NSTAGE)
            def _():
                fire(s0 + 2, 0)

            drain(1)
            compute(1)
            return carry

        lax.fori_loop(0, NSTAGE // 2, stage_pair, 0)

        pltpu.sync_copy(score_v, out_hbm.at[pl.ds(base, bpw)])

    return k


@jax.jit
def kernel(entity_embedding, relation_embedding, sample):
    batch = sample.shape[0]
    hidx = sample[:, 0]
    ridx = sample[:, 1]
    tidx = sample[:, 2]
    k = _make_sc_kernel(batch)
    score = k(entity_embedding.T, relation_embedding.T, hidx, ridx, tidx)
    return score.reshape(batch, 1)

# --- scband reference (transcript-rebuilt; emitter-appended) ---
"""Pipeline reference for scband-kgemodel-72078141161922 (READ-ONLY COPY).

The authoritative reference and input builder live on the scoring server;
editing this copy changes nothing except your own understanding.
"""

import jax, jax.numpy as jnp
import numpy as np

NENTITY = 1000000
NRELATION = 1000000
HIDDEN_DIM = 64
GAMMA = 12.0
EPSILON = 2.0
EMB_RANGE = (GAMMA + EPSILON) / HIDDEN_DIM
BATCH = 16384


def setup_inputs(seed: int = 0) -> dict:
    key = jax.random.key(seed)
    k1, k2, k3 = jax.random.split(key, 3)
    entity_embedding = jax.random.uniform(k1, (NENTITY, HIDDEN_DIM), minval=-EMB_RANGE, maxval=EMB_RANGE, dtype=jnp.float32)
    relation_embedding = jax.random.uniform(k2, (NRELATION, HIDDEN_DIM), minval=-EMB_RANGE, maxval=EMB_RANGE, dtype=jnp.float32)
    sample = jax.random.randint(k3, (BATCH, 3), 0, NENTITY, dtype=jnp.int32)
    return {"entity_embedding": entity_embedding, "relation_embedding": relation_embedding, "sample": sample}


def reference(entity_embedding, relation_embedding, sample):
    # mode='single', model_name='DistMult'
    head = jnp.take(entity_embedding, sample[:, 0], axis=0)[:, None, :]
    relation = jnp.take(relation_embedding, sample[:, 1], axis=0)[:, None, :]
    tail = jnp.take(entity_embedding, sample[:, 2], axis=0)[:, None, :]
    score = (head * relation * tail).sum(axis=2)
    return score

if __name__ == "__main__":
    import jax
    _d = setup_inputs()
    print(jax.jit(kernel)(*tuple(_d.values())))

</pallas_src>

<mosaic_0001>
#map = affine_map<(d0, d1) -> (0, 0)>
#map1 = affine_map<(d0, d1) -> (0)>
module attributes {stable_mosaic.version = 14 : i64} {
  func.func @k(%arg0: i32, %arg1: i32, %arg2: memref<64x1000000xf32, #tpu.memory_space<hbm>>, %arg3: memref<64x1000000xf32, #tpu.memory_space<hbm>>, %arg4: memref<16384xi32, #tpu.memory_space<hbm>>, %arg5: memref<16384xi32, #tpu.memory_space<hbm>>, %arg6: memref<16384xi32, #tpu.memory_space<hbm>>, %arg7: memref<16384xf32, #tpu.memory_space<hbm>>, %arg8: memref<512xi32, #tpu.memory_space<vmem>>, %arg9: memref<512xi32, #tpu.memory_space<vmem>>, %arg10: memref<512xi32, #tpu.memory_space<vmem>>, %arg11: memref<2x8x512xf32, #tpu.memory_space<vmem>>, %arg12: memref<2x8x512xf32, #tpu.memory_space<vmem>>, %arg13: memref<2x8x512xf32, #tpu.memory_space<vmem>>, %arg14: memref<512xf32, #tpu.memory_space<vmem>>, %arg15: memref<2x!tpu.dma_semaphore, #tpu.memory_space<semaphore_mem>>) attributes {dimension_semantics = [#tpu.dimension_semantics<core_parallel>, #tpu.dimension_semantics<subcore_parallel>], iteration_bounds = array<i64: 2, 16>, scalar_prefetch = 0 : i64, scratch_operands = 8 : i64, tpu.core_type = #tpu.core_type<sc_vector_subcore>, window_params = [{transform_indices = #map}, {transform_indices = #map}, {transform_indices = #map1}, {transform_indices = #map1}, {transform_indices = #map1}, {transform_indices = #map1}]} {
    %mul3A = arith.constant 2 : i32
    %mul3A_0 = arith.muli %arg1, %mul3A : i32
    %add3A = arith.addi %mul3A_0, %arg0 : i32
    %mul3A_1 = arith.constant 512 : i32
    %mul3A_2 = arith.muli %add3A, %mul3A_1 : i32
    "tpu.region"() ({
      %run_scoped3A = tpu.sem_alloc : memref<!tpu.dma_semaphore, #tpu.memory_space<semaphore_mem>>
      %dma_start3A_349 = tpu.memref_slice %arg4[%mul3A_2] : memref<16384xi32, #tpu.memory_space<hbm>> -> memref<512xi32, #tpu.memory_space<hbm>>
      %dma_start3A_350 = tpu.memref_slice %arg4[%mul3A_2] : memref<16384xi32, #tpu.memory_space<hbm>> -> memref<512xi32, #tpu.memory_space<hbm>>
      tpu.enqueue_dma source(%dma_start3A_350 : memref<512xi32, #tpu.memory_space<hbm>>) target(%arg8 : memref<512xi32, #tpu.memory_space<vmem>>) target_semaphore(%run_scoped3A : memref<!tpu.dma_semaphore, #tpu.memory_space<semaphore_mem>>)
      %dma_wait3A = tpu.memref_slice %arg4[%mul3A_2] : memref<16384xi32, #tpu.memory_space<hbm>> -> memref<512xi32, #tpu.memory_space<hbm>>
      %dma_wait3A_351 = tpu.memref_slice %arg4[%mul3A_2] : memref<16384xi32, #tpu.memory_space<hbm>> -> memref<512xi32, #tpu.memory_space<hbm>>
      tpu.wait_dma2 semaphore(%run_scoped3A : memref<!tpu.dma_semaphore, #tpu.memory_space<semaphore_mem>>) src(%dma_wait3A_351 : memref<512xi32, #tpu.memory_space<hbm>>) dst(%arg8 : memref<512xi32, #tpu.memory_space<vmem>>)
      tpu.yield
    }) : () -> ()
    "tpu.region"() ({
      %run_scoped3A = tpu.sem_alloc : memref<!tpu.dma_semaphore, #tpu.memory_space<semaphore_mem>>
      %dma_start3A_349 = tpu.memref_slice %arg5[%mul3A_2] : memref<16384xi32, #tpu.memory_space<hbm>> -> memref<512xi32, #tpu.memory_space<hbm>>
      %dma_start3A_350 = tpu.memref_slice %arg5[%mul3A_2] : memref<16384xi32, #tpu.memory_space<hbm>> -> memref<512xi32, #tpu.memory_space<hbm>>
      tpu.enqueue_dma source(%dma_start3A_350 : memref<512xi32, #tpu.memory_space<hbm>>) target(%arg9 : memref<512xi32, #tpu.memory_space<vmem>>) target_semaphore(%run_scoped3A : memref<!tpu.dma_semaphore, #tpu.memory_space<semaphore_mem>>)
      %dma_wait3A = tpu.memref_slice %arg5[%mul3A_2] : memref<16384xi32, #tpu.memory_space<hbm>> -> memref<512xi32, #tpu.memory_space<hbm>>
      %dma_wait3A_351 = tpu.memref_slice %arg5[%mul3A_2] : memref<16384xi32, #tpu.memory_space<hbm>> -> memref<512xi32, #tpu.memory_space<hbm>>
      tpu.wait_dma2 semaphore(%run_scoped3A : memref<!tpu.dma_semaphore, #tpu.memory_space<semaphore_mem>>) src(%dma_wait3A_351 : memref<512xi32, #tpu.memory_space<hbm>>) dst(%arg9 : memref<512xi32, #tpu.memory_space<vmem>>)
      tpu.yield
    }) : () -> ()
    "tpu.region"() ({
      %run_scoped3A = tpu.sem_alloc : memref<!tpu.dma_semaphore, #tpu.memory_space<semaphore_mem>>
      %dma_start3A_349 = tpu.memref_slice %arg6[%mul3A_2] : memref<16384xi32, #tpu.memory_space<hbm>> -> memref<512xi32, #tpu.memory_space<hbm>>
      %dma_start3A_350 = tpu.memref_slice %arg6[%mul3A_2] : memref<16384xi32, #tpu.memory_space<hbm>> -> memref<512xi32, #tpu.memory_space<hbm>>
      tpu.enqueue_dma source(%dma_start3A_350 : memref<512xi32, #tpu.memory_space<hbm>>) target(%arg10 : memref<512xi32, #tpu.memory_space<vmem>>) target_semaphore(%run_scoped3A : memref<!tpu.dma_semaphore, #tpu.memory_space<semaphore_mem>>)
      %dma_wait3A = tpu.memref_slice %arg6[%mul3A_2] : memref<16384xi32, #tpu.memory_space<hbm>> -> memref<512xi32, #tpu.memory_space<hbm>>
      %dma_wait3A_351 = tpu.memref_slice %arg6[%mul3A_2] : memref<16384xi32, #tpu.memory_space<hbm>> -> memref<512xi32, #tpu.memory_space<hbm>>
      tpu.wait_dma2 semaphore(%run_scoped3A : memref<!tpu.dma_semaphore, #tpu.memory_space<semaphore_mem>>) src(%dma_wait3A_351 : memref<512xi32, #tpu.memory_space<hbm>>) dst(%arg10 : memref<512xi32, #tpu.memory_space<vmem>>)
      tpu.yield
    }) : () -> ()
    %scan3A = arith.constant 0 : i32
    %scan3A_3 = arith.constant 0 : i32
    %scan3A_4 = arith.constant 32 : i32
    %scan3A_5 = arith.addi %scan3A_3, %scan3A_4 : i32
    %scan3A_6 = arith.constant 1 : i32
    scf.for %scan3A_349 = %scan3A_3 to %scan3A_5 step %scan3A_6  : i32 {
      %broadcast_in_dim3A = arith.constant 0.000000e+00 : f32
      %broadcast_in_dim3A_350 = vector.broadcast %broadcast_in_dim3A : f32 to vector<16xf32>
      %mul3A_351 = arith.constant 16 : i32
      %mul3A_352 = arith.muli %scan3A_349, %mul3A_351 : i32
      %swap3A = arith.index_cast %mul3A_352 : i32 to index
      %swap3A_353 = tpu.vector_load %arg14[%swap3A] {strides = array<i32>} : memref<512xf32, #tpu.memory_space<vmem>>, vector<16xf32>,
      tpu.vector_store %arg14[%swap3A], %broadcast_in_dim3A_350 {strides = array<i32>} : memref<512xf32, #tpu.memory_space<vmem>>, vector<16xf32>,
    }
    %scan3A_7 = arith.constant 32 : i32
    %dma_start3A = arith.constant 0 : i32
    %dma_start3A_8 = arith.constant 0 : i32
    %dma_start3A_9 = arith.constant 0 : i32
    %dma_start3A_10 = arith.constant 0 : i32
    %dma_start3A_11 = arith.constant 0 : i32
    %dma_start3A_12 = tpu.memref_slice %arg11[%dma_start3A_8, %dma_start3A_9, %dma_start3A_11] : memref<2x8x512xf32, #tpu.memory_space<vmem>> -> memref<1x1x512xf32, #tpu.memory_space<vmem>>
    %dma_start3A_13 = tpu.memref_squeeze %dma_start3A_12 : memref<1x1x512xf32, #tpu.memory_space<vmem>> -> memref<512xf32, #tpu.memory_space<vmem>>
    %dma_start3A_14 = arith.constant 0 : i32
    %dma_start3A_15 = tpu.memref_slice %arg2[%dma_start3A, %dma_start3A_14] : memref<64x1000000xf32, #tpu.memory_space<hbm>> -> memref<1x1000000xf32, #tpu.memory_space<hbm>>
    %dma_start3A_16 = tpu.memref_squeeze %dma_start3A_15 : memref<1x1000000xf32, #tpu.memory_space<hbm>> -> memref<1000000xf32, #tpu.memory_space<hbm>>
    %dma_start3A_17 = arith.constant 0 : i32
    %dma_start3A_18 = tpu.memref_slice %dma_start3A_16[%dma_start3A_17] : memref<1000000xf32, #tpu.memory_space<hbm>> -> memref<1000000xf32, #tpu.memory_space<hbm>>
    %dma_start3A_19 = tpu.memref_slice %arg15[%dma_start3A_10] : memref<2x!tpu.dma_semaphore, #tpu.memory_space<semaphore_mem>> -> memref<1x!tpu.dma_semaphore, #tpu.memory_space<semaphore_mem>>
    %dma_start3A_20 = tpu.memref_squeeze %dma_start3A_19 : memref<1x!tpu.dma_semaphore, #tpu.memory_space<semaphore_mem>> -> memref<!tpu.dma_semaphore, #tpu.memory_space<semaphore_mem>>
    tpu.enqueue_indirect_dma source(%dma_start3A_18 : memref<1000000xf32, #tpu.memory_space<hbm>>) target(%dma_start3A_13 : memref<512xf32, #tpu.memory_space<vmem>>) offsets(%arg8 : memref<512xi32, #tpu.memory_space<vmem>>) semaphore(%dma_start3A_20 : memref<!tpu.dma_semaphore, #tpu.memory_space<semaphore_mem>>)
    %dma_start3A_21 = arith.constant 0 : i32
    %dma_start3A_22 = arith.constant 0 : i32
    %dma_start3A_23 = arith.constant 0 : i32
    %dma_start3A_24 = arith.constant 0 : i32
    %dma_start3A_25 = arith.constant 0 : i32
    %dma_start3A_26 = tpu.memref_slice %arg12[%dma_start3A_22, %dma_start3A_23, %dma_start3A_25] : memref<2x8x512xf32, #tpu.memory_space<vmem>> -> memref<1x1x512xf32, #tpu.memory_space<vmem>>
    %dma_start3A_27 = tpu.memref_squeeze %dma_start3A_26 : memref<1x1x512xf32, #tpu.memory_space<vmem>> -> memref<512xf32, #tpu.memory_space<vmem>>
    %dma_start3A_28 = arith.constant 0 : i32
    %dma_start3A_29 = tpu.memref_slice %arg3[%dma_start3A_21, %dma_start3A_28] : memref<64x1000000xf32, #tpu.memory_space<hbm>> -> memref<1x1000000xf32, #tpu.memory_space<hbm>>
    %dma_start3A_30 = tpu.memref_squeeze %dma_start3A_29 : memref<1x1000000xf32, #tpu.memory_space<hbm>> -> memref<1000000xf32, #tpu.memory_space<hbm>>
    %dma_start3A_31 = arith.constant 0 : i32
    %dma_start3A_32 = tpu.memref_slice %dma_start3A_30[%dma_start3A_31] : memref<1000000xf32, #tpu.memory_space<hbm>> -> memref<1000000xf32, #tpu.memory_space<hbm>>
    %dma_start3A_33 = tpu.memref_slice %arg15[%dma_start3A_24] : memref<2x!tpu.dma_semaphore, #tpu.memory_space<semaphore_mem>> -> memref<1x!tpu.dma_semaphore, #tpu.memory_space<semaphore_mem>>
    %dma_start3A_34 = tpu.memref_squeeze %dma_start3A_33 : memref<1x!tpu.dma_semaphore, #tpu.memory_space<semaphore_mem>> -> memref<!tpu.dma_semaphore, #tpu.memory_space<semaphore_mem>>
    tpu.enqueue_indirect_dma source(%dma_start3A_32 : memref<1000000xf32, #tpu.memory_space<hbm>>) target(%dma_start3A_27 : memref<512xf32, #tpu.memory_space<vmem>>) offsets(%arg9 : memref<512xi32, #tpu.memory_space<vmem>>) semaphore(%dma_start3A_34 : memref<!tpu.dma_semaphore, #tpu.memory_space<semaphore_mem>>)
    %dma_start3A_35 = arith.constant 0 : i32
    %dma_start3A_36 = arith.constant 0 : i32
    %dma_start3A_37 = arith.constant 0 : i32
    %dma_start3A_38 = arith.constant 0 : i32
    %dma_start3A_39 = arith.constant 0 : i32
    %dma_start3A_40 = tpu.memref_slice %arg13[%dma_start3A_36, %dma_start3A_37, %dma_start3A_39] : memref<2x8x512xf32, #tpu.memory_space<vmem>> -> memref<1x1x512xf32, #tpu.memory_space<vmem>>
    %dma_start3A_41 = tpu.memref_squeeze %dma_start3A_40 : memref<1x1x512xf32, #tpu.memory_space<vmem>> -> memref<512xf32, #tpu.memory_space<vmem>>
    %dma_start3A_42 = arith.constant 0 : i32
    %dma_start3A_43 = tpu.memref_slice %arg2[%dma_start3A_35, %dma_start3A_42] : memref<64x1000000xf32, #tpu.memory_space<hbm>> -> memref<1x1000000xf32, #tpu.memory_space<hbm>>
    %dma_start3A_44 = tpu.memref_squeeze %dma_start3A_43 : memref<1x1000000xf32, #tpu.memory_space<hbm>> -> memref<1000000xf32, #tpu.memory_space<hbm>>
    %dma_start3A_45 = arith.constant 0 : i32
    %dma_start3A_46 = tpu.memref_slice %dma_start3A_44[%dma_start3A_45] : memref<1000000xf32, #tpu.memory_space<hbm>> -> memref<1000000xf32, #tpu.memory_space<hbm>>
    %dma_start3A_47 = tpu.memref_slice %arg15[%dma_start3A_38] : memref<2x!tpu.dma_semaphore, #tpu.memory_space<semaphore_mem>> -> memref<1x!tpu.dma_semaphore, #tpu.memory_space<semaphore_mem>>
    %dma_start3A_48 = tpu.memref_squeeze %dma_start3A_47 : memref<1x!tpu.dma_semaphore, #tpu.memory_space<semaphore_mem>> -> memref<!tpu.dma_semaphore, #tpu.memory_space<semaphore_mem>>
    tpu.enqueue_indirect_dma source(%dma_start3A_46 : memref<1000000xf32, #tpu.memory_space<hbm>>) target(%dma_start3A_41 : memref<512xf32, #tpu.memory_space<vmem>>) offsets(%arg10 : memref<512xi32, #tpu.memory_space<vmem>>) semaphore(%dma_start3A_48 : memref<!tpu.dma_semaphore, #tpu.memory_space<semaphore_mem>>)
    %dma_start3A_49 = arith.constant 1 : i32
    %dma_start3A_50 = arith.constant 0 : i32
    %dma_start3A_51 = arith.constant 1 : i32
    %dma_start3A_52 = arith.constant 0 : i32
    %dma_start3A_53 = arith.constant 0 : i32
    %dma_start3A_54 = tpu.memref_slice %arg11[%dma_start3A_50, %dma_start3A_51, %dma_start3A_53] : memref<2x8x512xf32, #tpu.memory_space<vmem>> -> memref<1x1x512xf32, #tpu.memory_space<vmem>>
    %dma_start3A_55 = tpu.memref_squeeze %dma_start3A_54 : memref<1x1x512xf32, #tpu.memory_space<vmem>> -> memref<512xf32, #tpu.memory_space<vmem>>
    %dma_start3A_56 = arith.constant 0 : i32
    %dma_start3A_57 = tpu.memref_slice %arg2[%dma_start3A_49, %dma_start3A_56] : memref<64x1000000xf32, #tpu.memory_space<hbm>> -> memref<1x1000000xf32, #tpu.memory_space<hbm>>
    %dma_start3A_58 = tpu.memref_squeeze %dma_start3A_57 : memref<1x1000000xf32, #tpu.memory_space<hbm>> -> memref<1000000xf32, #tpu.memory_space<hbm>>
    %dma_start3A_59 = arith.constant 0 : i32
    %dma_start3A_60 = tpu.memref_slice %dma_start3A_58[%dma_start3A_59] : memref<1000000xf32, #tpu.memory_space<hbm>> -> memref<1000000xf32, #tpu.memory_space<hbm>>
    %dma_start3A_61 = tpu.memref_slice %arg15[%dma_start3A_52] : memref<2x!tpu.dma_semaphore, #tpu.memory_space<semaphore_mem>> -> memref<1x!tpu.dma_semaphore, #tpu.memory_space<semaphore_mem>>
    %dma_start3A_62 = tpu.memref_squeeze %dma_start3A_61 : memref<1x!tpu.dma_semaphore, #tpu.memory_space<semaphore_mem>> -> memref<!tpu.dma_semaphore, #tpu.memory_space<semaphore_mem>>
    tpu.enqueue_indirect_dma source(%dma_start3A_60 : memref<1000000xf32, #tpu.memory_space<hbm>>) target(%dma_start3A_55 : memref<512xf32, #tpu.memory_space<vmem>>) offsets(%arg8 : memref<512xi32, #tpu.memory_space<vmem>>) semaphore(%dma_start3A_62 : memref<!tpu.dma_semaphore, #tpu.memory_space<semaphore_mem>>)
    %dma_start3A_63 = arith.constant 1 : i32
    %dma_start3A_64 = arith.constant 0 : i32
    %dma_start3A_65 = arith.constant 1 : i32
    %dma_start3A_66 = arith.constant 0 : i32
    %dma_start3A_67 = arith.constant 0 : i32
    %dma_start3A_68 = tpu.memref_slice %arg12[%dma_start3A_64, %dma_start3A_65, %dma_start3A_67] : memref<2x8x512xf32, #tpu.memory_space<vmem>> -> memref<1x1x512xf32, #tpu.memory_space<vmem>>
    %dma_start3A_69 = tpu.memref_squeeze %dma_start3A_68 : memref<1x1x512xf32, #tpu.memory_space<vmem>> -> memref<512xf32, #tpu.memory_space<vmem>>
    %dma_start3A_70 = arith.constant 0 : i32
    %dma_start3A_71 = tpu.memref_slice %arg3[%dma_start3A_63, %dma_start3A_70] : memref<64x1000000xf32, #tpu.memory_space<hbm>> -> memref<1x1000000xf32, #tpu.memory_space<hbm>>
    %dma_start3A_72 = tpu.memref_squeeze %dma_start3A_71 : memref<1x1000000xf32, #tpu.memory_space<hbm>> -> memref<1000000xf32, #tpu.memory_space<hbm>>
    %dma_start3A_73 = arith.constant 0 : i32
    %dma_start3A_74 = tpu.memref_slice %dma_start3A_72[%dma_start3A_73] : memref<1000000xf32, #tpu.memory_space<hbm>> -> memref<1000000xf32, #tpu.memory_space<hbm>>
    %dma_start3A_75 = tpu.memref_slice %arg15[%dma_start3A_66] : memref<2x!tpu.dma_semaphore, #tpu.memory_space<semaphore_mem>> -> memref<1x!tpu.dma_semaphore, #tpu.memory_space<semaphore_mem>>
    %dma_start3A_76 = tpu.memref_squeeze %dma_start3A_75 : memref<1x!tpu.dma_semaphore, #tpu.memory_space<semaphore_mem>> -> memref<!tpu.dma_semaphore, #tpu.memory_space<semaphore_mem>>
    tpu.enqueue_indirect_dma source(%dma_start3A_74 : memref<1000000xf32, #tpu.memory_space<hbm>>) target(%dma_start3A_69 : memref<512xf32, #tpu.memory_space<vmem>>) offsets(%arg9 : memref<512xi32, #tpu.memory_space<vmem>>) semaphore(%dma_start3A_76 : memref<!tpu.dma_semaphore, #tpu.memory_space<semaphore_mem>>)
    %dma_start3A_77 = arith.constant 1 : i32
    %dma_start3A_78 = arith.constant 0 : i32
    %dma_start3A_79 = arith.constant 1 : i32
    %dma_start3A_80 = arith.constant 0 : i32
    %dma_start3A_81 = arith.constant 0 : i32
    %dma_start3A_82 = tpu.memref_slice %arg13[%dma_start3A_78, %dma_start3A_79, %dma_start3A_81] : memref<2x8x512xf32, #tpu.memory_space<vmem>> -> memref<1x1x512xf32, #tpu.memory_space<vmem>>
    %dma_start3A_83 = tpu.memref_squeeze %dma_start3A_82 : memref<1x1x512xf32, #tpu.memory_space<vmem>> -> memref<512xf32, #tpu.memory_space<vmem>>
    %dma_start3A_84 = arith.constant 0 : i32
    %dma_start3A_85 = tpu.memref_slice %arg2[%dma_start3A_77, %dma_start3A_84] : memref<64x1000000xf32, #tpu.memory_space<hbm>> -> memref<1x1000000xf32, #tpu.memory_space<hbm>>
    %dma_start3A_86 = tpu.memref_squeeze %dma_start3A_85 : memref<1x1000000xf32, #tpu.memory_space<hbm>> -> memref<1000000xf32, #tpu.memory_space<hbm>>
    %dma_start3A_87 = arith.constant 0 : i32
    %dma_start3A_88 = tpu.memref_slice %dma_start3A_86[%dma_start3A_87] : memref<1000000xf32, #tpu.memory_space<hbm>> -> memref<1000000xf32, #tpu.memory_space<hbm>>
    %dma_start3A_89 = tpu.memref_slice %arg15[%dma_start3A_80] : memref<2x!tpu.dma_semaphore, #tpu.memory_space<semaphore_mem>> -> memref<1x!tpu.dma_semaphore, #tpu.memory_space<semaphore_mem>>
    %dma_start3A_90 = tpu.memref_squeeze %dma_start3A_89 : memref<1x!tpu.dma_semaphore, #tpu.memory_space<semaphore_mem>> -> memref<!tpu.dma_semaphore, #tpu.memory_space<semaphore_mem>>
    tpu.enqueue_indirect_dma source(%dma_start3A_88 : memref<1000000xf32, #tpu.memory_space<hbm>>) target(%dma_start3A_83 : memref<512xf32, #tpu.memory_space<vmem>>) offsets(%arg10 : memref<512xi32, #tpu.memory_space<vmem>>) semaphore(%dma_start3A_90 : memref<!tpu.dma_semaphore, #tpu.memory_space<semaphore_mem>>)
    %dma_start3A_91 = arith.constant 2 : i32
    %dma_start3A_92 = arith.constant 0 : i32
    %dma_start3A_93 = arith.constant 2 : i32
    %dma_start3A_94 = arith.constant 0 : i32
    %dma_start3A_95 = arith.constant 0 : i32
    %dma_start3A_96 = tpu.memref_slice %arg11[%dma_start3A_92, %dma_start3A_93, %dma_start3A_95] : memref<2x8x512xf32, #tpu.memory_space<vmem>> -> memref<1x1x512xf32, #tpu.memory_space<vmem>>
    %dma_start3A_97 = tpu.memref_squeeze %dma_start3A_96 : memref<1x1x512xf32, #tpu.memory_space<vmem>> -> memref<512xf32, #tpu.memory_space<vmem>>
    %dma_start3A_98 = arith.constant 0 : i32
    %dma_start3A_99 = tpu.memref_slice %arg2[%dma_start3A_91, %dma_start3A_98] : memref<64x1000000xf32, #tpu.memory_space<hbm>> -> memref<1x1000000xf32, #tpu.memory_space<hbm>>
    %dma_start3A_100 = tpu.memref_squeeze %dma_start3A_99 : memref<1x1000000xf32, #tpu.memory_space<hbm>> -> memref<1000000xf32, #tpu.memory_space<hbm>>
    %dma_start3A_101 = arith.constant 0 : i32
    %dma_start3A_102 = tpu.memref_slice %dma_start3A_100[%dma_start3A_101] : memref<1000000xf32, #tpu.memory_space<hbm>> -> memref<1000000xf32, #tpu.memory_space<hbm>>
    %dma_start3A_103 = tpu.memref_slice %arg15[%dma_start3A_94] : memref<2x!tpu.dma_semaphore, #tpu.memory_space<semaphore_mem>> -> memref<1x!tpu.dma_semaphore, #tpu.memory_space<semaphore_mem>>
    %dma_start3A_104 = tpu.memref_squeeze %dma_start3A_103 : memref<1x!tpu.dma_semaphore, #tpu.memory_space<semaphore_mem>> -> memref<!tpu.dma_semaphore, #tpu.memory_space<semaphore_mem>>
    tpu.enqueue_indirect_dma source(%dma_start3A_102 : memref<1000000xf32, #tpu.memory_space<hbm>>) target(%dma_start3A_97 : memref<512xf32, #tpu.memory_space<vmem>>) offsets(%arg8 : memref<512xi32, #tpu.memory_space<vmem>>) semaphore(%dma_start3A_104 : memref<!tpu.dma_semaphore, #tpu.memory_space<semaphore_mem>>)
    %dma_start3A_105 = arith.constant 2 : i32
    %dma_start3A_106 = arith.constant 0 : i32
    %dma_start3A_107 = arith.constant 2 : i32
    %dma_start3A_108 = arith.constant 0 : i32
    %dma_start3A_109 = arith.constant 0 : i32
    %dma_start3A_110 = tpu.memref_slice %arg12[%dma_start3A_106, %dma_start3A_107, %dma_start3A_109] : memref<2x8x512xf32, #tpu.memory_space<vmem>> -> memref<1x1x512xf32, #tpu.memory_space<vmem>>
    %dma_start3A_111 = tpu.memref_squeeze %dma_start3A_110 : memref<1x1x512xf32, #tpu.memory_space<vmem>> -> memref<512xf32, #tpu.memory_space<vmem>>
    %dma_start3A_112 = arith.constant 0 : i32
    %dma_start3A_113 = tpu.memref_slice %arg3[%dma_start3A_105, %dma_start3A_112] : memref<64x1000000xf32, #tpu.memory_space<hbm>> -> memref<1x1000000xf32, #tpu.memory_space<hbm>>
    %dma_start3A_114 = tpu.memref_squeeze %dma_start3A_113 : memref<1x1000000xf32, #tpu.memory_space<hbm>> -> memref<1000000xf32, #tpu.memory_space<hbm>>
    %dma_start3A_115 = arith.constant 0 : i32
    %dma_start3A_116 = tpu.memref_slice %dma_start3A_114[%dma_start3A_115] : memref<1000000xf32, #tpu.memory_space<hbm>> -> memref<1000000xf32, #tpu.memory_space<hbm>>
    %dma_start3A_117 = tpu.memref_slice %arg15[%dma_start3A_108] : memref<2x!tpu.dma_semaphore, #tpu.memory_space<semaphore_mem>> -> memref<1x!tpu.dma_semaphore, #tpu.memory_space<semaphore_mem>>
    %dma_start3A_118 = tpu.memref_squeeze %dma_start3A_117 : memref<1x!tpu.dma_semaphore, #tpu.memory_space<semaphore_mem>> -> memref<!tpu.dma_semaphore, #tpu.memory_space<semaphore_mem>>
    tpu.enqueue_indirect_dma source(%dma_start3A_116 : memref<1000000xf32, #tpu.memory_space<hbm>>) target(%dma_start3A_111 : memref<512xf32, #tpu.memory_space<vmem>>) offsets(%arg9 : memref<512xi32, #tpu.memory_space<vmem>>) semaphore(%dma_start3A_118 : memref<!tpu.dma_semaphore, #tpu.memory_space<semaphore_mem>>)
    %dma_start3A_119 = arith.constant 2 : i32
    %dma_start3A_120 = arith.constant 0 : i32
    %dma_start3A_121 = arith.constant 2 : i32
    %dma_start3A_122 = arith.constant 0 : i32
    %dma_start3A_123 = arith.constant 0 : i32
    %dma_start3A_124 = tpu.memref_slice %arg13[%dma_start3A_120, %dma_start3A_121, %dma_start3A_123] : memref<2x8x512xf32, #tpu.memory_space<vmem>> -> memref<1x1x512xf32, #tpu.memory_space<vmem>>
    %dma_start3A_125 = tpu.memref_squeeze %dma_start3A_124 : memref<1x1x512xf32, #tpu.memory_space<vmem>> -> memref<512xf32, #tpu.memory_space<vmem>>
    %dma_start3A_126 = arith.constant 0 : i32
    %dma_start3A_127 = tpu.memref_slice %arg2[%dma_start3A_119, %dma_start3A_126] : memref<64x1000000xf32, #tpu.memory_space<hbm>> -> memref<1x1000000xf32, #tpu.memory_space<hbm>>
    %dma_start3A_128 = tpu.memref_squeeze %dma_start3A_127 : memref<1x1000000xf32, #tpu.memory_space<hbm>> -> memref<1000000xf32, #tpu.memory_space<hbm>>
    %dma_start3A_129 = arith.constant 0 : i32
    %dma_start3A_130 = tpu.memref_slice %dma_start3A_128[%dma_start3A_129] : memref<1000000xf32, #tpu.memory_space<hbm>> -> memref<1000000xf32, #tpu.memory_space<hbm>>
    %dma_start3A_131 = tpu.memref_slice %arg15[%dma_start3A_122] : memref<2x!tpu.dma_semaphore, #tpu.memory_space<semaphore_mem>> -> memref<1x!tpu.dma_semaphore, #tpu.memory_space<semaphore_mem>>
    %dma_start3A_132 = tpu.memref_squeeze %dma_start3A_131 : memref<1x!tpu.dma_semaphore, #tpu.memory_space<semaphore_mem>> -> memref<!tpu.dma_semaphore, #tpu.memory_space<semaphore_mem>>
    tpu.enqueue_indirect_dma source(%dma_start3A_130 : memref<1000000xf32, #tpu.memory_space<hbm>>) target(%dma_start3A_125 : memref<512xf32, #tpu.memory_space<vmem>>) offsets(%arg10 : memref<512xi32, #tpu.memory_space<vmem>>) semaphore(%dma_start3A_132 : memref<!tpu.dma_semaphore, #tpu.memory_space<semaphore_mem>>)
    %dma_start3A_133 = arith.constant 3 : i32
    %dma_start3A_134 = arith.constant 0 : i32
    %dma_start3A_135 = arith.constant 3 : i32
    %dma_start3A_136 = arith.constant 0 : i32
    %dma_start3A_137 = arith.constant 0 : i32
    %dma_start3A_138 = tpu.memref_slice %arg11[%dma_start3A_134, %dma_start3A_135, %dma_start3A_137] : memref<2x8x512xf32, #tpu.memory_space<vmem>> -> memref<1x1x512xf32, #tpu.memory_space<vmem>>
    %dma_start3A_139 = tpu.memref_squeeze %dma_start3A_138 : memref<1x1x512xf32, #tpu.memory_space<vmem>> -> memref<512xf32, #tpu.memory_space<vmem>>
    %dma_start3A_140 = arith.constant 0 : i32
    %dma_start3A_141 = tpu.memref_slice %arg2[%dma_start3A_133, %dma_start3A_140] : memref<64x1000000xf32, #tpu.memory_space<hbm>> -> memref<1x1000000xf32, #tpu.memory_space<hbm>>
    %dma_start3A_142 = tpu.memref_squeeze %dma_start3A_141 : memref<1x1000000xf32, #tpu.memory_space<hbm>> -> memref<1000000xf32, #tpu.memory_space<hbm>>
    %dma_start3A_143 = arith.constant 0 : i32
    %dma_start3A_144 = tpu.memref_slice %dma_start3A_142[%dma_start3A_143] : memref<1000000xf32, #tpu.memory_space<hbm>> -> memref<1000000xf32, #tpu.memory_space<hbm>>
    %dma_start3A_145 = tpu.memref_slice %arg15[%dma_start3A_136] : memref<2x!tpu.dma_semaphore, #tpu.memory_space<semaphore_mem>> -> memref<1x!tpu.dma_semaphore, #tpu.memory_space<semaphore_mem>>
    %dma_start3A_146 = tpu.memref_squeeze %dma_start3A_145 : memref<1x!tpu.dma_semaphore, #tpu.memory_space<semaphore_mem>> -> memref<!tpu.dma_semaphore, #tpu.memory_space<semaphore_mem>>
    tpu.enqueue_indirect_dma source(%dma_start3A_144 : memref<1000000xf32, #tpu.memory_space<hbm>>) target(%dma_start3A_139 : memref<512xf32, #tpu.memory_space<vmem>>) offsets(%arg8 : memref<512xi32, #tpu.memory_space<vmem>>) semaphore(%dma_start3A_146 : memref<!tpu.dma_semaphore, #tpu.memory_space<semaphore_mem>>)
    %dma_start3A_147 = arith.constant 3 : i32
    %dma_start3A_148 = arith.constant 0 : i32
    %dma_start3A_149 = arith.constant 3 : i32
    %dma_start3A_150 = arith.constant 0 : i32
    %dma_start3A_151 = arith.constant 0 : i32
    %dma_start3A_152 = tpu.memref_slice %arg12[%dma_start3A_148, %dma_start3A_149, %dma_start3A_151] : memref<2x8x512xf32, #tpu.memory_space<vmem>> -> memref<1x1x512xf32, #tpu.memory_space<vmem>>
    %dma_start3A_153 = tpu.memref_squeeze %dma_start3A_152 : memref<1x1x512xf32, #tpu.memory_space<vmem>> -> memref<512xf32, #tpu.memory_space<vmem>>
    %dma_start3A_154 = arith.constant 0 : i32
    %dma_start3A_155 = tpu.memref_slice %arg3[%dma_start3A_147, %dma_start3A_154] : memref<64x1000000xf32, #tpu.memory_space<hbm>> -> memref<1x1000000xf32, #tpu.memory_space<hbm>>
    %dma_start3A_156 = tpu.memref_squeeze %dma_start3A_155 : memref<1x1000000xf32, #tpu.memory_space<hbm>> -> memref<1000000xf32, #tpu.memory_space<hbm>>
    %dma_start3A_157 = arith.constant 0 : i32
    %dma_start3A_158 = tpu.memref_slice %dma_start3A_156[%dma_start3A_157] : memref<1000000xf32, #tpu.memory_space<hbm>> -> memref<1000000xf32, #tpu.memory_space<hbm>>
    %dma_start3A_159 = tpu.memref_slice %arg15[%dma_start3A_150] : memref<2x!tpu.dma_semaphore, #tpu.memory_space<semaphore_mem>> -> memref<1x!tpu.dma_semaphore, #tpu.memory_space<semaphore_mem>>
    %dma_start3A_160 = tpu.memref_squeeze %dma_start3A_159 : memref<1x!tpu.dma_semaphore, #tpu.memory_space<semaphore_mem>> -> memref<!tpu.dma_semaphore, #tpu.memory_space<semaphore_mem>>
    tpu.enqueue_indirect_dma source(%dma_start3A_158 : memref<1000000xf32, #tpu.memory_space<hbm>>) target(%dma_start3A_153 : memref<512xf32, #tpu.memory_space<vmem>>) offsets(%arg9 : memref<512xi32, #tpu.memory_space<vmem>>) semaphore(%dma_start3A_160 : memref<!tpu.dma_semaphore, #tpu.memory_space<semaphore_mem>>)
    %dma_start3A_161 = arith.constant 3 : i32
    %dma_start3A_162 = arith.constant 0 : i32
    %dma_start3A_163 = arith.constant 3 : i32
    %dma_start3A_164 = arith.constant 0 : i32
    %dma_start3A_165 = arith.constant 0 : i32
    %dma_start3A_166 = tpu.memref_slice %arg13[%dma_start3A_162, %dma_start3A_163, %dma_start3A_165] : memref<2x8x512xf32, #tpu.memory_space<vmem>> -> memref<1x1x512xf32, #tpu.memory_space<vmem>>
    %dma_start3A_167 = tpu.memref_squeeze %dma_start3A_166 : memref<1x1x512xf32, #tpu.memory_space<vmem>> -> memref<512xf32, #tpu.memory_space<vmem>>
    %dma_start3A_168 = arith.constant 0 : i32
    %dma_start3A_169 = tpu.memref_slice %arg2[%dma_start3A_161, %dma_start3A_168] : memref<64x1000000xf32, #tpu.memory_space<hbm>> -> memref<1x1000000xf32, #tpu.memory_space<hbm>>
    %dma_start3A_170 = tpu.memref_squeeze %dma_start3A_169 : memref<1x1000000xf32, #tpu.memory_space<hbm>> -> memref<1000000xf32, #tpu.memory_space<hbm>>
    %dma_start3A_171 = arith.constant 0 : i32
    %dma_start3A_172 = tpu.memref_slice %dma_start3A_170[%dma_start3A_171] : memref<1000000xf32, #tpu.memory_space<hbm>> -> memref<1000000xf32, #tpu.memory_space<hbm>>
    %dma_start3A_173 = tpu.memref_slice %arg15[%dma_start3A_164] : memref<2x!tpu.dma_semaphore, #tpu.memory_space<semaphore_mem>> -> memref<1x!tpu.dma_semaphore, #tpu.memory_space<semaphore_mem>>
    %dma_start3A_174 = tpu.memref_squeeze %dma_start3A_173 : memref<1x!tpu.dma_semaphore, #tpu.memory_space<semaphore_mem>> -> memref<!tpu.dma_semaphore, #tpu.memory_space<semaphore_mem>>
    tpu.enqueue_indirect_dma source(%dma_start3A_172 : memref<1000000xf32, #tpu.memory_space<hbm>>) target(%dma_start3A_167 : memref<512xf32, #tpu.memory_space<vmem>>) offsets(%arg10 : memref<512xi32, #tpu.memory_space<vmem>>) semaphore(%dma_start3A_174 : memref<!tpu.dma_semaphore, #tpu.memory_space<semaphore_mem>>)
    %dma_start3A_175 = arith.constant 4 : i32
    %dma_start3A_176 = arith.constant 0 : i32
    %dma_start3A_177 = arith.constant 4 : i32
    %dma_start3A_178 = arith.constant 0 : i32
    %dma_start3A_179 = arith.constant 0 : i32
    %dma_start3A_180 = tpu.memref_slice %arg11[%dma_start3A_176, %dma_start3A_177, %dma_start3A_179] : memref<2x8x512xf32, #tpu.memory_space<vmem>> -> memref<1x1x512xf32, #tpu.memory_space<vmem>>
    %dma_start3A_181 = tpu.memref_squeeze %dma_start3A_180 : memref<1x1x512xf32, #tpu.memory_space<vmem>> -> memref<512xf32, #tpu.memory_space<vmem>>
    %dma_start3A_182 = arith.constant 0 : i32
    %dma_start3A_183 = tpu.memref_slice %arg2[%dma_start3A_175, %dma_start3A_182] : memref<64x1000000xf32, #tpu.memory_space<hbm>> -> memref<1x1000000xf32, #tpu.memory_space<hbm>>
    %dma_start3A_184 = tpu.memref_squeeze %dma_start3A_183 : memref<1x1000000xf32, #tpu.memory_space<hbm>> -> memref<1000000xf32, #tpu.memory_space<hbm>>
    %dma_start3A_185 = arith.constant 0 : i32
    %dma_start3A_186 = tpu.memref_slice %dma_start3A_184[%dma_start3A_185] : memref<1000000xf32, #tpu.memory_space<hbm>> -> memref<1000000xf32, #tpu.memory_space<hbm>>
    %dma_start3A_187 = tpu.memref_slice %arg15[%dma_start3A_178] : memref<2x!tpu.dma_semaphore, #tpu.memory_space<semaphore_mem>> -> memref<1x!tpu.dma_semaphore, #tpu.memory_space<semaphore_mem>>
    %dma_start3A_188 = tpu.memref_squeeze %dma_start3A_187 : memref<1x!tpu.dma_semaphore, #tpu.memory_space<semaphore_mem>> -> memref<!tpu.dma_semaphore, #tpu.memory_space<semaphore_mem>>
    tpu.enqueue_indirect_dma source(%dma_start3A_186 : memref<1000000xf32, #tpu.memory_space<hbm>>) target(%dma_start3A_181 : memref<512xf32, #tpu.memory_space<vmem>>) offsets(%arg8 : memref<512xi32, #tpu.memory_space<vmem>>) semaphore(%dma_start3A_188 : memref<!tpu.dma_semaphore, #tpu.memory_space<semaphore_mem>>)
    %dma_start3A_189 = arith.constant 4 : i32
    %dma_start3A_190 = arith.constant 0 : i32
    %dma_start3A_191 = arith.constant 4 : i32
    %dma_start3A_192 = arith.constant 0 : i32
    %dma_start3A_193 = arith.constant 0 : i32
    %dma_start3A_194 = tpu.memref_slice %arg12[%dma_start3A_190, %dma_start3A_191, %dma_start3A_193] : memref<2x8x512xf32, #tpu.memory_space<vmem>> -> memref<1x1x512xf32, #tpu.memory_space<vmem>>
    %dma_start3A_195 = tpu.memref_squeeze %dma_start3A_194 : memref<1x1x512xf32, #tpu.memory_space<vmem>> -> memref<512xf32, #tpu.memory_space<vmem>>
    %dma_start3A_196 = arith.constant 0 : i32
    %dma_start3A_197 = tpu.memref_slice %arg3[%dma_start3A_189, %dma_start3A_196] : memref<64x1000000xf32, #tpu.memory_space<hbm>> -> memref<1x1000000xf32, #tpu.memory_space<hbm>>
    %dma_start3A_198 = tpu.memref_squeeze %dma_start3A_197 : memref<1x1000000xf32, #tpu.memory_space<hbm>> -> memref<1000000xf32, #tpu.memory_space<hbm>>
    %dma_start3A_199 = arith.constant 0 : i32
    %dma_start3A_200 = tpu.memref_slice %dma_start3A_198[%dma_start3A_199] : memref<1000000xf32, #tpu.memory_space<hbm>> -> memref<1000000xf32, #tpu.memory_space<hbm>>
    %dma_start3A_201 = tpu.memref_slice %arg15[%dma_start3A_192] : memref<2x!tpu.dma_semaphore, #tpu.memory_space<semaphore_mem>> -> memref<1x!tpu.dma_semaphore, #tpu.memory_space<semaphore_mem>>
    %dma_start3A_202 = tpu.memref_squeeze %dma_start3A_201 : memref<1x!tpu.dma_semaphore, #tpu.memory_space<semaphore_mem>> -> memref<!tpu.dma_semaphore, #tpu.memory_space<semaphore_mem>>
    tpu.enqueue_indirect_dma source(%dma_start3A_200 : memref<1000000xf32, #tpu.memory_space<hbm>>) target(%dma_start3A_195 : memref<512xf32, #tpu.memory_space<vmem>>) offsets(%arg9 : memref<512xi32, #tpu.memory_space<vmem>>) semaphore(%dma_start3A_202 : memref<!tpu.dma_semaphore, #tpu.memory_space<semaphore_mem>>)
    %dma_start3A_203 = arith.constant 4 : i32
    %dma_start3A_204 = arith.constant 0 : i32
    %dma_start3A_205 = arith.constant 4 : i32
    %dma_start3A_206 = arith.constant 0 : i32
    %dma_start3A_207 = arith.constant 0 : i32
    %dma_start3A_208 = tpu.memref_slice %arg13[%dma_start3A_204, %dma_start3A_205, %dma_start3A_207] : memref<2x8x512xf32, #tpu.memory_space<vmem>> -> memref<1x1x512xf32, #tpu.memory_space<vmem>>
    %dma_start3A_209 = tpu.memref_squeeze %dma_start3A_208 : memref<1x1x512xf32, #tpu.memory_space<vmem>> -> memref<512xf32, #tpu.memory_space<vmem>>
    %dma_start3A_210 = arith.constant 0 : i32
    %dma_start3A_211 = tpu.memref_slice %arg2[%dma_start3A_203, %dma_start3A_210] : memref<64x1000000xf32, #tpu.memory_space<hbm>> -> memref<1x1000000xf32, #tpu.memory_space<hbm>>
    %dma_start3A_212 = tpu.memref_squeeze %dma_start3A_211 : memref<1x1000000xf32, #tpu.memory_space<hbm>> -> memref<1000000xf32, #tpu.memory_space<hbm>>
    %dma_start3A_213 = arith.constant 0 : i32
    %dma_start3A_214 = tpu.memref_slice %dma_start3A_212[%dma_start3A_213] : memref<1000000xf32, #tpu.memory_space<hbm>> -> memref<1000000xf32, #tpu.memory_space<hbm>>
    %dma_start3A_215 = tpu.memref_slice %arg15[%dma_start3A_206] : memref<2x!tpu.dma_semaphore, #tpu.memory_space<semaphore_mem>> -> memref<1x!tpu.dma_semaphore, #tpu.memory_space<semaphore_mem>>
    %dma_start3A_216 = tpu.memref_squeeze %dma_start3A_215 : memref<1x!tpu.dma_semaphore, #tpu.memory_space<semaphore_mem>> -> memref<!tpu.dma_semaphore, #tpu.memory_space<semaphore_mem>>
    tpu.enqueue_indirect_dma source(%dma_start3A_214 : memref<1000000xf32, #tpu.memory_space<hbm>>) target(%dma_start3A_209 : memref<512xf32, #tpu.memory_space<vmem>>) offsets(%arg10 : memref<512xi32, #tpu.memory_space<vmem>>) semaphore(%dma_start3A_216 : memref<!tpu.dma_semaphore, #tpu.memory_space<semaphore_mem>>)
    %dma_start3A_217 = arith.constant 5 : i32
    %dma_start3A_218 = arith.constant 0 : i32
    %dma_start3A_219 = arith.constant 5 : i32
    %dma_start3A_220 = arith.constant 0 : i32
    %dma_start3A_221 = arith.constant 0 : i32
    %dma_start3A_222 = tpu.memref_slice %arg11[%dma_start3A_218, %dma_start3A_219, %dma_start3A_221] : memref<2x8x512xf32, #tpu.memory_space<vmem>> -> memref<1x1x512xf32, #tpu.memory_space<vmem>>
    %dma_start3A_223 = tpu.memref_squeeze %dma_start3A_222 : memref<1x1x512xf32, #tpu.memory_space<vmem>> -> memref<512xf32, #tpu.memory_space<vmem>>
    %dma_start3A_224 = arith.constant 0 : i32
    %dma_start3A_225 = tpu.memref_slice %arg2[%dma_start3A_217, %dma_start3A_224] : memref<64x1000000xf32, #tpu.memory_space<hbm>> -> memref<1x1000000xf32, #tpu.memory_space<hbm>>
    %dma_start3A_226 = tpu.memref_squeeze %dma_start3A_225 : memref<1x1000000xf32, #tpu.memory_space<hbm>> -> memref<1000000xf32, #tpu.memory_space<hbm>>
    %dma_start3A_227 = arith.constant 0 : i32
    %dma_start3A_228 = tpu.memref_slice %dma_start3A_226[%dma_start3A_227] : memref<1000000xf32, #tpu.memory_space<hbm>> -> memref<1000000xf32, #tpu.memory_space<hbm>>
    %dma_start3A_229 = tpu.memref_slice %arg15[%dma_start3A_220] : memref<2x!tpu.dma_semaphore, #tpu.memory_space<semaphore_mem>> -> memref<1x!tpu.dma_semaphore, #tpu.memory_space<semaphore_mem>>
    %dma_start3A_230 = tpu.memref_squeeze %dma_start3A_229 : memref<1x!tpu.dma_semaphore, #tpu.memory_space<semaphore_mem>> -> memref<!tpu.dma_semaphore, #tpu.memory_space<semaphore_mem>>
    tpu.enqueue_indirect_dma source(%dma_start3A_228 : memref<1000000xf32, #tpu.memory_space<hbm>>) target(%dma_start3A_223 : memref<512xf32, #tpu.memory_space<vmem>>) offsets(%arg8 : memref<512xi32, #tpu.memory_space<vmem>>) semaphore(%dma_start3A_230 : memref<!tpu.dma_semaphore, #tpu.memory_space<semaphore_mem>>)
    %dma_start3A_231 = arith.constant 5 : i32
    %dma_start3A_232 = arith.constant 0 : i32
    %dma_start3A_233 = arith.constant 5 : i32
    %dma_start3A_234 = arith.constant 0 : i32
    %dma_start3A_235 = arith.constant 0 : i32
    %dma_start3A_236 = tpu.memref_slice %arg12[%dma_start3A_232, %dma_start3A_233, %dma_start3A_235] : memref<2x8x512xf32, #tpu.memory_space<vmem>> -> memref<1x1x512xf32, #tpu.memory_space<vmem>>
    %dma_start3A_237 = tpu.memref_squeeze %dma_start3A_236 : memref<1x1x512xf32, #tpu.memory_space<vmem>> -> memref<512xf32, #tpu.memory_space<vmem>>
    %dma_start3A_238 = arith.constant 0 : i32
    %dma_start3A_239 = tpu.memref_slice %arg3[%dma_start3A_231, %dma_start3A_238] : memref<64x1000000xf32, #tpu.memory_space<hbm>> -> memref<1x1000000xf32, #tpu.memory_space<hbm>>
    %dma_start3A_240 = tpu.memref_squeeze %dma_start3A_239 : memref<1x1000000xf32, #tpu.memory_space<hbm>> -> memref<1000000xf32, #tpu.memory_space<hbm>>
    %dma_start3A_241 = arith.constant 0 : i32
    %dma_start3A_242 = tpu.memref_slice %dma_start3A_240[%dma_start3A_241] : memref<1000000xf32, #tpu.memory_space<hbm>> -> memref<1000000xf32, #tpu.memory_space<hbm>>
    %dma_start3A_243 = tpu.memref_slice %arg15[%dma_start3A_234] : memref<2x!tpu.dma_semaphore, #tpu.memory_space<semaphore_mem>> -> memref<1x!tpu.dma_semaphore, #tpu.memory_space<semaphore_mem>>
    %dma_start3A_244 = tpu.memref_squeeze %dma_start3A_243 : memref<1x!tpu.dma_semaphore, #tpu.memory_space<semaphore_mem>> -> memref<!tpu.dma_semaphore, #tpu.memory_space<semaphore_mem>>
    tpu.enqueue_indirect_dma source(%dma_start3A_242 : memref<1000000xf32, #tpu.memory_space<hbm>>) target(%dma_start3A_237 : memref<512xf32, #tpu.memory_space<vmem>>) offsets(%arg9 : memref<512xi32, #tpu.memory_space<vmem>>) semaphore(%dma_start3A_244 : memref<!tpu.dma_semaphore, #tpu.memory_space<semaphore_mem>>)
    %dma_start3A_245 = arith.constant 5 : i32
    %dma_start3A_246 = arith.constant 0 : i32
    %dma_start3A_247 = arith.constant 5 : i32
    %dma_start3A_248 = arith.constant 0 : i32
    %dma_start3A_249 = arith.constant 0 : i32
    %dma_start3A_250 = tpu.memref_slice %arg13[%dma_start3A_246, %dma_start3A_247, %dma_start3A_249] : memref<2x8x512xf32, #tpu.memory_space<vmem>> -> memref<1x1x512xf32, #tpu.memory_space<vmem>>
    %dma_start3A_251 = tpu.memref_squeeze %dma_start3A_250 : memref<1x1x512xf32, #tpu.memory_space<vmem>> -> memref<512xf32, #tpu.memory_space<vmem>>
    %dma_start3A_252 = arith.constant 0 : i32
    %dma_start3A_253 = tpu.memref_slice %arg2[%dma_start3A_245, %dma_start3A_252] : memref<64x1000000xf32, #tpu.memory_space<hbm>> -> memref<1x1000000xf32, #tpu.memory_space<hbm>>
    %dma_start3A_254 = tpu.memref_squeeze %dma_start3A_253 : memref<1x1000000xf32, #tpu.memory_space<hbm>> -> memref<1000000xf32, #tpu.memory_space<hbm>>
    %dma_start3A_255 = arith.constant 0 : i32
    %dma_start3A_256 = tpu.memref_slice %dma_start3A_254[%dma_start3A_255] : memref<1000000xf32, #tpu.memory_space<hbm>> -> memref<1000000xf32, #tpu.memory_space<hbm>>
    %dma_start3A_257 = tpu.memref_slice %arg15[%dma_start3A_248] : memref<2x!tpu.dma_semaphore, #tpu.memory_space<semaphore_mem>> -> memref<1x!tpu.dma_semaphore, #tpu.memory_space<semaphore_mem>>
    %dma_start3A_258 = tpu.memref_squeeze %dma_start3A_257 : memref<1x!tpu.dma_semaphore, #tpu.memory_space<semaphore_mem>> -> memref<!tpu.dma_semaphore, #tpu.memory_space<semaphore_mem>>
    tpu.enqueue_indirect_dma source(%dma_start3A_256 : memref<1000000xf32, #tpu.memory_space<hbm>>) target(%dma_start3A_251 : memref<512xf32, #tpu.memory_space<vmem>>) offsets(%arg10 : memref<512xi32, #tpu.memory_space<vmem>>) semaphore(%dma_start3A_258 : memref<!tpu.dma_semaphore, #tpu.memory_space<semaphore_mem>>)
    %dma_start3A_259 = arith.constant 6 : i32
    %dma_start3A_260 = arith.constant 0 : i32
    %dma_start3A_261 = arith.constant 6 : i32
    %dma_start3A_262 = arith.constant 0 : i32
    %dma_start3A_263 = arith.constant 0 : i32
    %dma_start3A_264 = tpu.memref_slice %arg11[%dma_start3A_260, %dma_start3A_261, %dma_start3A_263] : memref<2x8x512xf32, #tpu.memory_space<vmem>> -> memref<1x1x512xf32, #tpu.memory_space<vmem>>
    %dma_start3A_265 = tpu.memref_squeeze %dma_start3A_264 : memref<1x1x512xf32, #tpu.memory_space<vmem>> -> memref<512xf32, #tpu.memory_space<vmem>>
    %dma_start3A_266 = arith.constant 0 : i32
    %dma_start3A_267 = tpu.memref_slice %arg2[%dma_start3A_259, %dma_start3A_266] : memref<64x1000000xf32, #tpu.memory_space<hbm>> -> memref<1x1000000xf32, #tpu.memory_space<hbm>>
    %dma_start3A_268 = tpu.memref_squeeze %dma_start3A_267 : memref<1x1000000xf32, #tpu.memory_space<hbm>> -> memref<1000000xf32, #tpu.memory_space<hbm>>
    %dma_start3A_269 = arith.constant 0 : i32
    %dma_start3A_270 = tpu.memref_slice %dma_start3A_268[%dma_start3A_269] : memref<1000000xf32, #tpu.memory_space<hbm>> -> memref<1000000xf32, #tpu.memory_space<hbm>>
    %dma_start3A_271 = tpu.memref_slice %arg15[%dma_start3A_262] : memref<2x!tpu.dma_semaphore, #tpu.memory_space<semaphore_mem>> -> memref<1x!tpu.dma_semaphore, #tpu.memory_space<semaphore_mem>>
    %dma_start3A_272 = tpu.memref_squeeze %dma_start3A_271 : memref<1x!tpu.dma_semaphore, #tpu.memory_space<semaphore_mem>> -> memref<!tpu.dma_semaphore, #tpu.memory_space<semaphore_mem>>
    tpu.enqueue_indirect_dma source(%dma_start3A_270 : memref<1000000xf32, #tpu.memory_space<hbm>>) target(%dma_start3A_265 : memref<512xf32, #tpu.memory_space<vmem>>) offsets(%arg8 : memref<512xi32, #tpu.memory_space<vmem>>) semaphore(%dma_start3A_272 : memref<!tpu.dma_semaphore, #tpu.memory_space<semaphore_mem>>)
    %dma_start3A_273 = arith.constant 6 : i32
    %dma_start3A_274 = arith.constant 0 : i32
    %dma_start3A_275 = arith.constant 6 : i32
    %dma_start3A_276 = arith.constant 0 : i32
    %dma_start3A_277 = arith.constant 0 : i32
    %dma_start3A_278 = tpu.memref_slice %arg12[%dma_start3A_274, %dma_start3A_275, %dma_start3A_277] : memref<2x8x512xf32, #tpu.memory_space<vmem>> -> memref<1x1x512xf32, #tpu.memory_space<vmem>>
    %dma_start3A_279 = tpu.memref_squeeze %dma_start3A_278 : memref<1x1x512xf32, #tpu.memory_space<vmem>> -> memref<512xf32, #tpu.memory_space<vmem>>
    %dma_start3A_280 = arith.constant 0 : i32
    %dma_start3A_281 = tpu.memref_slice %arg3[%dma_start3A_273, %dma_start3A_280] : memref<64x1000000xf32, #tpu.memory_space<hbm>> -> memref<1x1000000xf32, #tpu.memory_space<hbm>>
    %dma_start3A_282 = tpu.memref_squeeze %dma_start3A_281 : memref<1x1000000xf32, #tpu.memory_space<hbm>> -> memref<1000000xf32, #tpu.memory_space<hbm>>
    %dma_start3A_283 = arith.constant 0 : i32
    %dma_start3A_284 = tpu.memref_slice %dma_start3A_282[%dma_start3A_283] : memref<1000000xf32, #tpu.memory_space<hbm>> -> memref<1000000xf32, #tpu.memory_space<hbm>>
    %dma_start3A_285 = tpu.memref_slice %arg15[%dma_start3A_276] : memref<2x!tpu.dma_semaphore, #tpu.memory_space<semaphore_mem>> -> memref<1x!tpu.dma_semaphore, #tpu.memory_space<semaphore_mem>>
    %dma_start3A_286 = tpu.memref_squeeze %dma_start3A_285 : memref<1x!tpu.dma_semaphore, #tpu.memory_space<semaphore_mem>> -> memref<!tpu.dma_semaphore, #tpu.memory_space<semaphore_mem>>
    tpu.enqueue_indirect_dma source(%dma_start3A_284 : memref<1000000xf32, #tpu.memory_space<hbm>>) target(%dma_start3A_279 : memref<512xf32, #tpu.memory_space<vmem>>) offsets(%arg9 : memref<512xi32, #tpu.memory_space<vmem>>) semaphore(%dma_start3A_286 : memref<!tpu.dma_semaphore, #tpu.memory_space<semaphore_mem>>)
    %dma_start3A_287 = arith.constant 6 : i32
    %dma_start3A_288 = arith.constant 0 : i32
    %dma_start3A_289 = arith.constant 6 : i32
    %dma_start3A_290 = arith.constant 0 : i32
    %dma_start3A_291 = arith.constant 0 : i32
    %dma_start3A_292 = tpu.memref_slice %arg13[%dma_start3A_288, %dma_start3A_289, %dma_start3A_291] : memref<2x8x512xf32, #tpu.memory_space<vmem>> -> memref<1x1x512xf32, #tpu.memory_space<vmem>>
    %dma_start3A_293 = tpu.memref_squeeze %dma_start3A_292 : memref<1x1x512xf32, #tpu.memory_space<vmem>> -> memref<512xf32, #tpu.memory_space<vmem>>
    %dma_start3A_294 = arith.constant 0 : i32
    %dma_start3A_295 = tpu.memref_slice %arg2[%dma_start3A_287, %dma_start3A_294] : memref<64x1000000xf32, #tpu.memory_space<hbm>> -> memref<1x1000000xf32, #tpu.memory_space<hbm>>
    %dma_start3A_296 = tpu.memref_squeeze %dma_start3A_295 : memref<1x1000000xf32, #tpu.memory_space<hbm>> -> memref<1000000xf32, #tpu.memory_space<hbm>>
    %dma_start3A_297 = arith.constant 0 : i32
    %dma_start3A_298 = tpu.memref_slice %dma_start3A_296[%dma_start3A_297] : memref<1000000xf32, #tpu.memory_space<hbm>> -> memref<1000000xf32, #tpu.memory_space<hbm>>
    %dma_start3A_299 = tpu.memref_slice %arg15[%dma_start3A_290] : memref<2x!tpu.dma_semaphore, #tpu.memory_space<semaphore_mem>> -> memref<1x!tpu.dma_semaphore, #tpu.memory_space<semaphore_mem>>
    %dma_start3A_300 = tpu.memref_squeeze %dma_start3A_299 : memref<1x!tpu.dma_semaphore, #tpu.memory_space<semaphore_mem>> -> memref<!tpu.dma_semaphore, #tpu.memory_space<semaphore_mem>>
    tpu.enqueue_indirect_dma source(%dma_start3A_298 : memref<1000000xf32, #tpu.memory_space<hbm>>) target(%dma_start3A_293 : memref<512xf32, #tpu.memory_space<vmem>>) offsets(%arg10 : memref<512xi32, #tpu.memory_space<vmem>>) semaphore(%dma_start3A_300 : memref<!tpu.dma_semaphore, #tpu.memory_space<semaphore_mem>>)
    %dma_start3A_301 = arith.constant 7 : i32
    %dma_start3A_302 = arith.constant 0 : i32
    %dma_start3A_303 = arith.constant 7 : i32
    %dma_start3A_304 = arith.constant 0 : i32
    %dma_start3A_305 = arith.constant 0 : i32
    %dma_start3A_306 = tpu.memref_slice %arg11[%dma_start3A_302, %dma_start3A_303, %dma_start3A_305] : memref<2x8x512xf32, #tpu.memory_space<vmem>> -> memref<1x1x512xf32, #tpu.memory_space<vmem>>
    %dma_start3A_307 = tpu.memref_squeeze %dma_start3A_306 : memref<1x1x512xf32, #tpu.memory_space<vmem>> -> memref<512xf32, #tpu.memory_space<vmem>>
    %dma_start3A_308 = arith.constant 0 : i32
    %dma_start3A_309 = tpu.memref_slice %arg2[%dma_start3A_301, %dma_start3A_308] : memref<64x1000000xf32, #tpu.memory_space<hbm>> -> memref<1x1000000xf32, #tpu.memory_space<hbm>>
    %dma_start3A_310 = tpu.memref_squeeze %dma_start3A_309 : memref<1x1000000xf32, #tpu.memory_space<hbm>> -> memref<1000000xf32, #tpu.memory_space<hbm>>
    %dma_start3A_311 = arith.constant 0 : i32
    %dma_start3A_312 = tpu.memref_slice %dma_start3A_310[%dma_start3A_311] : memref<1000000xf32, #tpu.memory_space<hbm>> -> memref<1000000xf32, #tpu.memory_space<hbm>>
    %dma_start3A_313 = tpu.memref_slice %arg15[%dma_start3A_304] : memref<2x!tpu.dma_semaphore, #tpu.memory_space<semaphore_mem>> -> memref<1x!tpu.dma_semaphore, #tpu.memory_space<semaphore_mem>>
    %dma_start3A_314 = tpu.memref_squeeze %dma_start3A_313 : memref<1x!tpu.dma_semaphore, #tpu.memory_space<semaphore_mem>> -> memref<!tpu.dma_semaphore, #tpu.memory_space<semaphore_mem>>
    tpu.enqueue_indirect_dma source(%dma_start3A_312 : memref<1000000xf32, #tpu.memory_space<hbm>>) target(%dma_start3A_307 : memref<512xf32, #tpu.memory_space<vmem>>) offsets(%arg8 : memref<512xi32, #tpu.memory_space<vmem>>) semaphore(%dma_start3A_314 : memref<!tpu.dma_semaphore, #tpu.memory_space<semaphore_mem>>)
    %dma_start3A_315 = arith.constant 7 : i32
    %dma_start3A_316 = arith.constant 0 : i32
    %dma_start3A_317 = arith.constant 7 : i32
    %dma_start3A_318 = arith.constant 0 : i32
    %dma_start3A_319 = arith.constant 0 : i32
    %dma_start3A_320 = tpu.memref_slice %arg12[%dma_start3A_316, %dma_start3A_317, %dma_start3A_319] : memref<2x8x512xf32, #tpu.memory_space<vmem>> -> memref<1x1x512xf32, #tpu.memory_space<vmem>>
    %dma_start3A_321 = tpu.memref_squeeze %dma_start3A_320 : memref<1x1x512xf32, #tpu.memory_space<vmem>> -> memref<512xf32, #tpu.memory_space<vmem>>
    %dma_start3A_322 = arith.constant 0 : i32
    %dma_start3A_323 = tpu.memref_slice %arg3[%dma_start3A_315, %dma_start3A_322] : memref<64x1000000xf32, #tpu.memory_space<hbm>> -> memref<1x1000000xf32, #tpu.memory_space<hbm>>
    %dma_start3A_324 = tpu.memref_squeeze %dma_start3A_323 : memref<1x1000000xf32, #tpu.memory_space<hbm>> -> memref<1000000xf32, #tpu.memory_space<hbm>>
    %dma_start3A_325 = arith.constant 0 : i32
    %dma_start3A_326 = tpu.memref_slice %dma_start3A_324[%dma_start3A_325] : memref<1000000xf32, #tpu.memory_space<hbm>> -> memref<1000000xf32, #tpu.memory_space<hbm>>
    %dma_start3A_327 = tpu.memref_slice %arg15[%dma_start3A_318] : memref<2x!tpu.dma_semaphore, #tpu.memory_space<semaphore_mem>> -> memref<1x!tpu.dma_semaphore, #tpu.memory_space<semaphore_mem>>
    %dma_start3A_328 = tpu.memref_squeeze %dma_start3A_327 : memref<1x!tpu.dma_semaphore, #tpu.memory_space<semaphore_mem>> -> memref<!tpu.dma_semaphore, #tpu.memory_space<semaphore_mem>>
    tpu.enqueue_indirect_dma source(%dma_start3A_326 : memref<1000000xf32, #tpu.memory_space<hbm>>) target(%dma_start3A_321 : memref<512xf32, #tpu.memory_space<vmem>>) offsets(%arg9 : memref<512xi32, #tpu.memory_space<vmem>>) semaphore(%dma_start3A_328 : memref<!tpu.dma_semaphore, #tpu.memory_space<semaphore_mem>>)
    %dma_start3A_329 = arith.constant 7 : i32
    %dma_start3A_330 = arith.constant 0 : i32
    %dma_start3A_331 = arith.constant 7 : i32
    %dma_start3A_332 = arith.constant 0 : i32
    %dma_start3A_333 = arith.constant 0 : i32
    %dma_start3A_334 = tpu.memref_slice %arg13[%dma_start3A_330, %dma_start3A_331, %dma_start3A_333] : memref<2x8x512xf32, #tpu.memory_space<vmem>> -> memref<1x1x512xf32, #tpu.memory_space<vmem>>
    %dma_start3A_335 = tpu.memref_squeeze %dma_start3A_334 : memref<1x1x512xf32, #tpu.memory_space<vmem>> -> memref<512xf32, #tpu.memory_space<vmem>>
    %dma_start3A_336 = arith.constant 0 : i32
    %dma_start3A_337 = tpu.memref_slice %arg2[%dma_start3A_329, %dma_start3A_336] : memref<64x1000000xf32, #tpu.memory_space<hbm>> -> memref<1x1000000xf32, #tpu.memory_space<hbm>>
    %dma_start3A_338 = tpu.memref_squeeze %dma_start3A_337 : memref<1x1000000xf32, #tpu.memory_space<hbm>> -> memref<1000000xf32, #tpu.memory_space<hbm>>
    %dma_start3A_339 = arith.constant 0 : i32
    %dma_start3A_340 = tpu.memref_slice %dma_start3A_338[%dma_start3A_339] : memref<1000000xf32, #tpu.memory_space<hbm>> -> memref<1000000xf32, #tpu.memory_space<hbm>>
    %dma_start3A_341 = tpu.memref_slice %arg15[%dma_start3A_332] : memref<2x!tpu.dma_semaphore, #tpu.memory_space<semaphore_mem>> -> memref<1x!tpu.dma_semaphore, #tpu.memory_space<semaphore_mem>>
    %dma_start3A_342 = tpu.memref_squeeze %dma_start3A_341 : memref<1x!tpu.dma_semaphore, #tpu.memory_space<semaphore_mem>> -> memref<!tpu.dma_semaphore, #tpu.memory_space<semaphore_mem>>
    tpu.enqueue_indirect_dma source(%dma_start3A_340 : memref<1000000xf32, #tpu.memory_space<hbm>>) target(%dma_start3A_335 : memref<512xf32, #tpu.memory_space<vmem>>) offsets(%arg10 : memref<512xi32, #tpu.memory_space<vmem>>) semaphore(%dma_start3A_342 : memref<!tpu.dma_semaphore, #tpu.memory_space<semaphore_mem>>)
    %scan3A_343 = arith.constant 0 : i32
    %scan3A_344 = arith.constant 0 : i32
    %scan3A_345 = arith.constant 4 : i32
    %scan3A_346 = arith.addi %scan3A_344, %scan3A_345 : i32
    %scan3A_347 = arith.constant 1 : i32
    scf.for %scan3A_349 = %scan3A_344 to %scan3A_346 step %scan3A_347  : i32 {
      %mul3A_350 = arith.constant 2 : i32
      %mul3A_351 = arith.muli %scan3A_349, %mul3A_350 : i32
      %add3A_352 = arith.constant 1 : i32
      %add3A_353 = arith.addi %mul3A_351, %add3A_352 : i32
      %mul3A_354 = arith.constant 8 : i32
      %mul3A_355 = arith.muli %add3A_353, %mul3A_354 : i32
      %add3A_356 = arith.constant 0 : i32
      %add3A_357 = arith.addi %mul3A_355, %add3A_356 : i32
      %dma_start3A_358 = arith.constant 1 : i32
      %dma_start3A_359 = arith.constant 0 : i32
      %dma_start3A_360 = arith.constant 1 : i32
      %dma_start3A_361 = arith.constant 0 : i32
      %dma_start3A_362 = tpu.memref_slice %arg11[%dma_start3A_358, %dma_start3A_359, %dma_start3A_361] : memref<2x8x512xf32, #tpu.memory_space<vmem>> -> memref<1x1x512xf32, #tpu.memory_space<vmem>>
      %dma_start3A_363 = tpu.memref_squeeze %dma_start3A_362 : memref<1x1x512xf32, #tpu.memory_space<vmem>> -> memref<512xf32, #tpu.memory_space<vmem>>
      %dma_start3A_364 = arith.constant 0 : i32
      %dma_start3A_365 = tpu.memref_slice %arg2[%add3A_357, %dma_start3A_364] : memref<64x1000000xf32, #tpu.memory_space<hbm>> -> memref<1x1000000xf32, #tpu.memory_space<hbm>>
      %dma_start3A_366 = tpu.memref_squeeze %dma_start3A_365 : memref<1x1000000xf32, #tpu.memory_space<hbm>> -> memref<1000000xf32, #tpu.memory_space<hbm>>
      %dma_start3A_367 = arith.constant 0 : i32
      %dma_start3A_368 = tpu.memref_slice %dma_start3A_366[%dma_start3A_367] : memref<1000000xf32, #tpu.memory_space<hbm>> -> memref<1000000xf32, #tpu.memory_space<hbm>>
      %dma_start3A_369 = tpu.memref_slice %arg15[%dma_start3A_360] : memref<2x!tpu.dma_semaphore, #tpu.memory_space<semaphore_mem>> -> memref<1x!tpu.dma_semaphore, #tpu.memory_space<semaphore_mem>>
      %dma_start3A_370 = tpu.memref_squeeze %dma_start3A_369 : memref<1x!tpu.dma_semaphore, #tpu.memory_space<semaphore_mem>> -> memref<!tpu.dma_semaphore, #tpu.memory_space<semaphore_mem>>
      tpu.enqueue_indirect_dma source(%dma_start3A_368 : memref<1000000xf32, #tpu.memory_space<hbm>>) target(%dma_start3A_363 : memref<512xf32, #tpu.memory_space<vmem>>) offsets(%arg8 : memref<512xi32, #tpu.memory_space<vmem>>) semaphore(%dma_start3A_370 : memref<!tpu.dma_semaphore, #tpu.memory_space<semaphore_mem>>)
      %dma_start3A_371 = arith.constant 1 : i32
      %dma_start3A_372 = arith.constant 0 : i32
      %dma_start3A_373 = arith.constant 1 : i32
      %dma_start3A_374 = arith.constant 0 : i32
      %dma_start3A_375 = tpu.memref_slice %arg12[%dma_start3A_371, %dma_start3A_372, %dma_start3A_374] : memref<2x8x512xf32, #tpu.memory_space<vmem>> -> memref<1x1x512xf32, #tpu.memory_space<vmem>>
      %dma_start3A_376 = tpu.memref_squeeze %dma_start3A_375 : memref<1x1x512xf32, #tpu.memory_space<vmem>> -> memref<512xf32, #tpu.memory_space<vmem>>
      %dma_start3A_377 = arith.constant 0 : i32
      %dma_start3A_378 = tpu.memref_slice %arg3[%add3A_357, %dma_start3A_377] : memref<64x1000000xf32, #tpu.memory_space<hbm>> -> memref<1x1000000xf32, #tpu.memory_space<hbm>>
      %dma_start3A_379 = tpu.memref_squeeze %dma_start3A_378 : memref<1x1000000xf32, #tpu.memory_space<hbm>> -> memref<1000000xf32, #tpu.memory_space<hbm>>
      %dma_start3A_380 = arith.constant 0 : i32
      %dma_start3A_381 = tpu.memref_slice %dma_start3A_379[%dma_start3A_380] : memref<1000000xf32, #tpu.memory_space<hbm>> -> memref<1000000xf32, #tpu.memory_space<hbm>>
      %dma_start3A_382 = tpu.memref_slice %arg15[%dma_start3A_373] : memref<2x!tpu.dma_semaphore, #tpu.memory_space<semaphore_mem>> -> memref<1x!tpu.dma_semaphore, #tpu.memory_space<semaphore_mem>>
      %dma_start3A_383 = tpu.memref_squeeze %dma_start3A_382 : memref<1x!tpu.dma_semaphore, #tpu.memory_space<semaphore_mem>> -> memref<!tpu.dma_semaphore, #tpu.memory_space<semaphore_mem>>
      tpu.enqueue_indirect_dma source(%dma_start3A_381 : memref<1000000xf32, #tpu.memory_space<hbm>>) target(%dma_start3A_376 : memref<512xf32, #tpu.memory_space<vmem>>) offsets(%arg9 : memref<512xi32, #tpu.memory_space<vmem>>) semaphore(%dma_start3A_383 : memref<!tpu.dma_semaphore, #tpu.memory_space<semaphore_mem>>)
      %dma_start3A_384 = arith.constant 1 : i32
      %dma_start3A_385 = arith.constant 0 : i32
      %dma_start3A_386 = arith.constant 1 : i32
      %dma_start3A_387 = arith.constant 0 : i32
      %dma_start3A_388 = tpu.memref_slice %arg13[%dma_start3A_384, %dma_start3A_385, %dma_start3A_387] : memref<2x8x512xf32, #tpu.memory_space<vmem>> -> memref<1x1x512xf32, #tpu.memory_space<vmem>>
      %dma_start3A_389 = tpu.memref_squeeze %dma_start3A_388 : memref<1x1x512xf32, #tpu.memory_space<vmem>> -> memref<512xf32, #tpu.memory_space<vmem>>
      %dma_start3A_390 = arith.constant 0 : i32
      %dma_start3A_391 = tpu.memref_slice %arg2[%add3A_357, %dma_start3A_390] : memref<64x1000000xf32, #tpu.memory_space<hbm>> -> memref<1x1000000xf32, #tpu.memory_space<hbm>>
      %dma_start3A_392 = tpu.memref_squeeze %dma_start3A_391 : memref<1x1000000xf32, #tpu.memory_space<hbm>> -> memref<1000000xf32, #tpu.memory_space<hbm>>
      %dma_start3A_393 = arith.constant 0 : i32
      %dma_start3A_394 = tpu.memref_slice %dma_start3A_392[%dma_start3A_393] : memref<1000000xf32, #tpu.memory_space<hbm>> -> memref<1000000xf32, #tpu.memory_space<hbm>>
      %dma_start3A_395 = tpu.memref_slice %arg15[%dma_start3A_386] : memref<2x!tpu.dma_semaphore, #tpu.memory_space<semaphore_mem>> -> memref<1x!tpu.dma_semaphore, #tpu.memory_space<semaphore_mem>>
      %dma_start3A_396 = tpu.memref_squeeze %dma_start3A_395 : memref<1x!tpu.dma_semaphore, #tpu.memory_space<semaphore_mem>> -> memref<!tpu.dma_semaphore, #tpu.memory_space<semaphore_mem>>
      tpu.enqueue_indirect_dma source(%dma_start3A_394 : memref<1000000xf32, #tpu.memory_space<hbm>>) target(%dma_start3A_389 : memref<512xf32, #tpu.memory_space<vmem>>) offsets(%arg10 : memref<512xi32, #tpu.memory_space<vmem>>) semaphore(%dma_start3A_396 : memref<!tpu.dma_semaphore, #tpu.memory_space<semaphore_mem>>)
      %mul3A_397 = arith.constant 8 : i32
      %mul3A_398 = arith.muli %add3A_353, %mul3A_397 : i32
      %add3A_399 = arith.constant 1 : i32
      %add3A_400 = arith.addi %mul3A_398, %add3A_399 : i32
      %dma_start3A_401 = arith.constant 1 : i32
      %dma_start3A_402 = arith.constant 1 : i32
      %dma_start3A_403 = arith.constant 1 : i32
      %dma_start3A_404 = arith.constant 0 : i32
      %dma_start3A_405 = tpu.memref_slice %arg11[%dma_start3A_401, %dma_start3A_402, %dma_start3A_404] : memref<2x8x512xf32, #tpu.memory_space<vmem>> -> memref<1x1x512xf32, #tpu.memory_space<vmem>>
      %dma_start3A_406 = tpu.memref_squeeze %dma_start3A_405 : memref<1x1x512xf32, #tpu.memory_space<vmem>> -> memref<512xf32, #tpu.memory_space<vmem>>
      %dma_start3A_407 = arith.constant 0 : i32
      %dma_start3A_408 = tpu.memref_slice %arg2[%add3A_400, %dma_start3A_407] : memref<64x1000000xf32, #tpu.memory_space<hbm>> -> memref<1x1000000xf32, #tpu.memory_space<hbm>>
      %dma_start3A_409 = tpu.memref_squeeze %dma_start3A_408 : memref<1x1000000xf32, #tpu.memory_space<hbm>> -> memref<1000000xf32, #tpu.memory_space<hbm>>
      %dma_start3A_410 = arith.constant 0 : i32
      %dma_start3A_411 = tpu.memref_slice %dma_start3A_409[%dma_start3A_410] : memref<1000000xf32, #tpu.memory_space<hbm>> -> memref<1000000xf32, #tpu.memory_space<hbm>>
      %dma_start3A_412 = tpu.memref_slice %arg15[%dma_start3A_403] : memref<2x!tpu.dma_semaphore, #tpu.memory_space<semaphore_mem>> -> memref<1x!tpu.dma_semaphore, #tpu.memory_space<semaphore_mem>>
      %dma_start3A_413 = tpu.memref_squeeze %dma_start3A_412 : memref<1x!tpu.dma_semaphore, #tpu.memory_space<semaphore_mem>> -> memref<!tpu.dma_semaphore, #tpu.memory_space<semaphore_mem>>
      tpu.enqueue_indirect_dma source(%dma_start3A_411 : memref<1000000xf32, #tpu.memory_space<hbm>>) target(%dma_start3A_406 : memref<512xf32, #tpu.memory_space<vmem>>) offsets(%arg8 : memref<512xi32, #tpu.memory_space<vmem>>) semaphore(%dma_start3A_413 : memref<!tpu.dma_semaphore, #tpu.memory_space<semaphore_mem>>)
      %dma_start3A_414 = arith.constant 1 : i32
      %dma_start3A_415 = arith.constant 1 : i32
      %dma_start3A_416 = arith.constant 1 : i32
      %dma_start3A_417 = arith.constant 0 : i32
      %dma_start3A_418 = tpu.memref_slice %arg12[%dma_start3A_414, %dma_start3A_415, %dma_start3A_417] : memref<2x8x512xf32, #tpu.memory_space<vmem>> -> memref<1x1x512xf32, #tpu.memory_space<vmem>>
      %dma_start3A_419 = tpu.memref_squeeze %dma_start3A_418 : memref<1x1x512xf32, #tpu.memory_space<vmem>> -> memref<512xf32, #tpu.memory_space<vmem>>
      %dma_start3A_420 = arith.constant 0 : i32
      %dma_start3A_421 = tpu.memref_slice %arg3[%add3A_400, %dma_start3A_420] : memref<64x1000000xf32, #tpu.memory_space<hbm>> -> memref<1x1000000xf32, #tpu.memory_space<hbm>>
      %dma_start3A_422 = tpu.memref_squeeze %dma_start3A_421 : memref<1x1000000xf32, #tpu.memory_space<hbm>> -> memref<1000000xf32, #tpu.memory_space<hbm>>
      %dma_start3A_423 = arith.constant 0 : i32
      %dma_start3A_424 = tpu.memref_slice %dma_start3A_422[%dma_start3A_423] : memref<1000000xf32, #tpu.memory_space<hbm>> -> memref<1000000xf32, #tpu.memory_space<hbm>>
      %dma_start3A_425 = tpu.memref_slice %arg15[%dma_start3A_416] : memref<2x!tpu.dma_semaphore, #tpu.memory_space<semaphore_mem>> -> memref<1x!tpu.dma_semaphore, #tpu.memory_space<semaphore_mem>>
      %dma_start3A_426 = tpu.memref_squeeze %dma_start3A_425 : memref<1x!tpu.dma_semaphore, #tpu.memory_space<semaphore_mem>> -> memref<!tpu.dma_semaphore, #tpu.memory_space<semaphore_mem>>
      tpu.enqueue_indirect_dma source(%dma_start3A_424 : memref<1000000xf32, #tpu.memory_space<hbm>>) target(%dma_start3A_419 : memref<512xf32, #tpu.memory_space<vmem>>) offsets(%arg9 : memref<512xi32, #tpu.memory_space<vmem>>) semaphore(%dma_start3A_426 : memref<!tpu.dma_semaphore, #tpu.memory_space<semaphore_mem>>)
      %dma_start3A_427 = arith.constant 1 : i32
      %dma_start3A_428 = arith.constant 1 : i32
      %dma_start3A_429 = arith.constant 1 : i32
      %dma_start3A_430 = arith.constant 0 : i32
      %dma_start3A_431 = tpu.memref_slice %arg13[%dma_start3A_427, %dma_start3A_428, %dma_start3A_430] : memref<2x8x512xf32, #tpu.memory_space<vmem>> -> memref<1x1x512xf32, #tpu.memory_space<vmem>>
      %dma_start3A_432 = tpu.memref_squeeze %dma_start3A_431 : memref<1x1x512xf32, #tpu.memory_space<vmem>> -> memref<512xf32, #tpu.memory_space<vmem>>
      %dma_start3A_433 = arith.constant 0 : i32
      %dma_start3A_434 = tpu.memref_slice %arg2[%add3A_400, %dma_start3A_433] : memref<64x1000000xf32, #tpu.memory_space<hbm>> -> memref<1x1000000xf32, #tpu.memory_space<hbm>>
      %dma_start3A_435 = tpu.memref_squeeze %dma_start3A_434 : memref<1x1000000xf32, #tpu.memory_space<hbm>> -> memref<1000000xf32, #tpu.memory_space<hbm>>
      %dma_start3A_436 = arith.constant 0 : i32
      %dma_start3A_437 = tpu.memref_slice %dma_start3A_435[%dma_start3A_436] : memref<1000000xf32, #tpu.memory_space<hbm>> -> memref<1000000xf32, #tpu.memory_space<hbm>>
      %dma_start3A_438 = tpu.memref_slice %arg15[%dma_start3A_429] : memref<2x!tpu.dma_semaphore, #tpu.memory_space<semaphore_mem>> -> memref<1x!tpu.dma_semaphore, #tpu.memory_space<semaphore_mem>>
      %dma_start3A_439 = tpu.memref_squeeze %dma_start3A_438 : memref<1x!tpu.dma_semaphore, #tpu.memory_space<semaphore_mem>> -> memref<!tpu.dma_semaphore, #tpu.memory_space<semaphore_mem>>
      tpu.enqueue_indirect_dma source(%dma_start3A_437 : memref<1000000xf32, #tpu.memory_space<hbm>>) target(%dma_start3A_432 : memref<512xf32, #tpu.memory_space<vmem>>) offsets(%arg10 : memref<512xi32, #tpu.memory_space<vmem>>) semaphore(%dma_start3A_439 : memref<!tpu.dma_semaphore, #tpu.memory_space<semaphore_mem>>)
      %mul3A_440 = arith.constant 8 : i32
      %mul3A_441 = arith.muli %add3A_353, %mul3A_440 : i32
      %add3A_442 = arith.constant 2 : i32
      %add3A_443 = arith.addi %mul3A_441, %add3A_442 : i32
      %dma_start3A_444 = arith.constant 1 : i32
      %dma_start3A_445 = arith.constant 2 : i32
      %dma_start3A_446 = arith.constant 1 : i32
      %dma_start3A_447 = arith.constant 0 : i32
      %dma_start3A_448 = tpu.memref_slice %arg11[%dma_start3A_444, %dma_start3A_445, %dma_start3A_447] : memref<2x8x512xf32, #tpu.memory_space<vmem>> -> memref<1x1x512xf32, #tpu.memory_space<vmem>>
      %dma_start3A_449 = tpu.memref_squeeze %dma_start3A_448 : memref<1x1x512xf32, #tpu.memory_space<vmem>> -> memref<512xf32, #tpu.memory_space<vmem>>
      %dma_start3A_450 = arith.constant 0 : i32
      %dma_start3A_451 = tpu.memref_slice %arg2[%add3A_443, %dma_start3A_450] : memref<64x1000000xf32, #tpu.memory_space<hbm>> -> memref<1x1000000xf32, #tpu.memory_space<hbm>>
      %dma_start3A_452 = tpu.memref_squeeze %dma_start3A_451 : memref<1x1000000xf32, #tpu.memory_space<hbm>> -> memref<1000000xf32, #tpu.memory_space<hbm>>
      %dma_start3A_453 = arith.constant 0 : i32
      %dma_start3A_454 = tpu.memref_slice %dma_start3A_452[%dma_start3A_453] : memref<1000000xf32, #tpu.memory_space<hbm>> -> memref<1000000xf32, #tpu.memory_space<hbm>>
      %dma_start3A_455 = tpu.memref_slice %arg15[%dma_start3A_446] : memref<2x!tpu.dma_semaphore, #tpu.memory_space<semaphore_mem>> -> memref<1x!tpu.dma_semaphore, #tpu.memory_space<semaphore_mem>>
      %dma_start3A_456 = tpu.memref_squeeze %dma_start3A_455 : memref<1x!tpu.dma_semaphore, #tpu.memory_space<semaphore_mem>> -> memref<!tpu.dma_semaphore, #tpu.memory_space<semaphore_mem>>
      tpu.enqueue_indirect_dma source(%dma_start3A_454 : memref<1000000xf32, #tpu.memory_space<hbm>>) target(%dma_start3A_449 : memref<512xf32, #tpu.memory_space<vmem>>) offsets(%arg8 : memref<512xi32, #tpu.memory_space<vmem>>) semaphore(%dma_start3A_456 : memref<!tpu.dma_semaphore, #tpu.memory_space<semaphore_mem>>)
      %dma_start3A_457 = arith.constant 1 : i32
      %dma_start3A_458 = arith.constant 2 : i32
      %dma_start3A_459 = arith.constant 1 : i32
      %dma_start3A_460 = arith.constant 0 : i32
      %dma_start3A_461 = tpu.memref_slice %arg12[%dma_start3A_457, %dma_start3A_458, %dma_start3A_460] : memref<2x8x512xf32, #tpu.memory_space<vmem>> -> memref<1x1x512xf32, #tpu.memory_space<vmem>>
      %dma_start3A_462 = tpu.memref_squeeze %dma_start3A_461 : memref<1x1x512xf32, #tpu.memory_space<vmem>> -> memref<512xf32, #tpu.memory_space<vmem>>
      %dma_start3A_463 = arith.constant 0 : i32
      %dma_start3A_464 = tpu.memref_slice %arg3[%add3A_443, %dma_start3A_463] : memref<64x1000000xf32, #tpu.memory_space<hbm>> -> memref<1x1000000xf32, #tpu.memory_space<hbm>>
      %dma_start3A_465 = tpu.memref_squeeze %dma_start3A_464 : memref<1x1000000xf32, #tpu.memory_space<hbm>> -> memref<1000000xf32, #tpu.memory_space<hbm>>
      %dma_start3A_466 = arith.constant 0 : i32
      %dma_start3A_467 = tpu.memref_slice %dma_start3A_465[%dma_start3A_466] : memref<1000000xf32, #tpu.memory_space<hbm>> -> memref<1000000xf32, #tpu.memory_space<hbm>>
      %dma_start3A_468 = tpu.memref_slice %arg15[%dma_start3A_459] : memref<2x!tpu.dma_semaphore, #tpu.memory_space<semaphore_mem>> -> memref<1x!tpu.dma_semaphore, #tpu.memory_space<semaphore_mem>>
      %dma_start3A_469 = tpu.memref_squeeze %dma_start3A_468 : memref<1x!tpu.dma_semaphore, #tpu.memory_space<semaphore_mem>> -> memref<!tpu.dma_semaphore, #tpu.memory_space<semaphore_mem>>
      tpu.enqueue_indirect_dma source(%dma_start3A_467 : memref<1000000xf32, #tpu.memory_space<hbm>>) target(%dma_start3A_462 : memref<512xf32, #tpu.memory_space<vmem>>) offsets(%arg9 : memref<512xi32, #tpu.memory_space<vmem>>) semaphore(%dma_start3A_469 : memref<!tpu.dma_semaphore, #tpu.memory_space<semaphore_mem>>)
      %dma_start3A_470 = arith.constant 1 : i32
      %dma_start3A_471 = arith.constant 2 : i32
      %dma_start3A_472 = arith.constant 1 : i32
      %dma_start3A_473 = arith.constant 0 : i32
      %dma_start3A_474 = tpu.memref_slice %arg13[%dma_start3A_470, %dma_start3A_471, %dma_start3A_473] : memref<2x8x512xf32, #tpu.memory_space<vmem>> -> memref<1x1x512xf32, #tpu.memory_space<vmem>>
      %dma_start3A_475 = tpu.memref_squeeze %dma_start3A_474 : memref<1x1x512xf32, #tpu.memory_space<vmem>> -> memref<512xf32, #tpu.memory_space<vmem>>
      %dma_start3A_476 = arith.constant 0 : i32
      %dma_start3A_477 = tpu.memref_slice %arg2[%add3A_443, %dma_start3A_476] : memref<64x1000000xf32, #tpu.memory_space<hbm>> -> memref<1x1000000xf32, #tpu.memory_space<hbm>>
      %dma_start3A_478 = tpu.memref_squeeze %dma_start3A_477 : memref<1x1000000xf32, #tpu.memory_space<hbm>> -> memref<1000000xf32, #tpu.memory_space<hbm>>
      %dma_start3A_479 = arith.constant 0 : i32
      %dma_start3A_480 = tpu.memref_slice %dma_start3A_478[%dma_start3A_479] : memref<1000000xf32, #tpu.memory_space<hbm>> -> memref<1000000xf32, #tpu.memory_space<hbm>>
      %dma_start3A_481 = tpu.memref_slice %arg15[%dma_start3A_472] : memref<2x!tpu.dma_semaphore, #tpu.memory_space<semaphore_mem>> -> memref<1x!tpu.dma_semaphore, #tpu.memory_space<semaphore_mem>>
      %dma_start3A_482 = tpu.memref_squeeze %dma_start3A_481 : memref<1x!tpu.dma_semaphore, #tpu.memory_space<semaphore_mem>> -> memref<!tpu.dma_semaphore, #tpu.memory_space<semaphore_mem>>
      tpu.enqueue_indirect_dma source(%dma_start3A_480 : memref<1000000xf32, #tpu.memory_space<hbm>>) target(%dma_start3A_475 : memref<512xf32, #tpu.memory_space<vmem>>) offsets(%arg10 : memref<512xi32, #tpu.memory_space<vmem>>) semaphore(%dma_start3A_482 : memref<!tpu.dma_semaphore, #tpu.memory_space<semaphore_mem>>)
      %mul3A_483 = arith.constant 8 : i32
      %mul3A_484 = arith.muli %add3A_353, %mul3A_483 : i32
      %add3A_485 = arith.constant 3 : i32
      %add3A_486 = arith.addi %mul3A_484, %add3A_485 : i32
      %dma_start3A_487 = arith.constant 1 : i32
      %dma_start3A_488 = arith.constant 3 : i32
      %dma_start3A_489 = arith.constant 1 : i32
      %dma_start3A_490 = arith.constant 0 : i32
      %dma_start3A_491 = tpu.memref_slice %arg11[%dma_start3A_487, %dma_start3A_488, %dma_start3A_490] : memref<2x8x512xf32, #tpu.memory_space<vmem>> -> memref<1x1x512xf32, #tpu.memory_space<vmem>>
      %dma_start3A_492 = tpu.memref_squeeze %dma_start3A_491 : memref<1x1x512xf32, #tpu.memory_space<vmem>> -> memref<512xf32, #tpu.memory_space<vmem>>
      %dma_start3A_493 = arith.constant 0 : i32
      %dma_start3A_494 = tpu.memref_slice %arg2[%add3A_486, %dma_start3A_493] : memref<64x1000000xf32, #tpu.memory_space<hbm>> -> memref<1x1000000xf32, #tpu.memory_space<hbm>>
      %dma_start3A_495 = tpu.memref_squeeze %dma_start3A_494 : memref<1x1000000xf32, #tpu.memory_space<hbm>> -> memref<1000000xf32, #tpu.memory_space<hbm>>
      %dma_start3A_496 = arith.constant 0 : i32
      %dma_start3A_497 = tpu.memref_slice %dma_start3A_495[%dma_start3A_496] : memref<1000000xf32, #tpu.memory_space<hbm>> -> memref<1000000xf32, #tpu.memory_space<hbm>>
      %dma_start3A_498 = tpu.memref_slice %arg15[%dma_start3A_489] : memref<2x!tpu.dma_semaphore, #tpu.memory_space<semaphore_mem>> -> memref<1x!tpu.dma_semaphore, #tpu.memory_space<semaphore_mem>>
      %dma_start3A_499 = tpu.memref_squeeze %dma_start3A_498 : memref<1x!tpu.dma_semaphore, #tpu.memory_space<semaphore_mem>> -> memref<!tpu.dma_semaphore, #tpu.memory_space<semaphore_mem>>
      tpu.enqueue_indirect_dma source(%dma_start3A_497 : memref<1000000xf32, #tpu.memory_space<hbm>>) target(%dma_start3A_492 : memref<512xf32, #tpu.memory_space<vmem>>) offsets(%arg8 : memref<512xi32, #tpu.memory_space<vmem>>) semaphore(%dma_start3A_499 : memref<!tpu.dma_semaphore, #tpu.memory_space<semaphore_mem>>)
      %dma_start3A_500 = arith.constant 1 : i32
      %dma_start3A_501 = arith.constant 3 : i32
      %dma_start3A_502 = arith.constant 1 : i32
      %dma_start3A_503 = arith.constant 0 : i32
      %dma_start3A_504 = tpu.memref_slice %arg12[%dma_start3A_500, %dma_start3A_501, %dma_start3A_503] : memref<2x8x512xf32, #tpu.memory_space<vmem>> -> memref<1x1x512xf32, #tpu.memory_space<vmem>>
      %dma_start3A_505 = tpu.memref_squeeze %dma_start3A_504 : memref<1x1x512xf32, #tpu.memory_space<vmem>> -> memref<512xf32, #tpu.memory_space<vmem>>
      %dma_start3A_506 = arith.constant 0 : i32
      %dma_start3A_507 = tpu.memref_slice %arg3[%add3A_486, %dma_start3A_506] : memref<64x1000000xf32, #tpu.memory_space<hbm>> -> memref<1x1000000xf32, #tpu.memory_space<hbm>>
      %dma_start3A_508 = tpu.memref_squeeze %dma_start3A_507 : memref<1x1000000xf32, #tpu.memory_space<hbm>> -> memref<1000000xf32, #tpu.memory_space<hbm>>
      %dma_start3A_509 = arith.constant 0 : i32
      %dma_start3A_510 = tpu.memref_slice %dma_start3A_508[%dma_start3A_509] : memref<1000000xf32, #tpu.memory_space<hbm>> -> memref<1000000xf32, #tpu.memory_space<hbm>>
      %dma_start3A_511 = tpu.memref_slice %arg15[%dma_start3A_502] : memref<2x!tpu.dma_semaphore, #tpu.memory_space<semaphore_mem>> -> memref<1x!tpu.dma_semaphore, #tpu.memory_space<semaphore_mem>>
      %dma_start3A_512 = tpu.memref_squeeze %dma_start3A_511 : memref<1x!tpu.dma_semaphore, #tpu.memory_space<semaphore_mem>> -> memref<!tpu.dma_semaphore, #tpu.memory_space<semaphore_mem>>
      tpu.enqueue_indirect_dma source(%dma_start3A_510 : memref<1000000xf32, #tpu.memory_space<hbm>>) target(%dma_start3A_505 : memref<512xf32, #tpu.memory_space<vmem>>) offsets(%arg9 : memref<512xi32, #tpu.memory_space<vmem>>) semaphore(%dma_start3A_512 : memref<!tpu.dma_semaphore, #tpu.memory_space<semaphore_mem>>)
      %dma_start3A_513 = arith.constant 1 : i32
      %dma_start3A_514 = arith.constant 3 : i32
      %dma_start3A_515 = arith.constant 1 : i32
      %dma_start3A_516 = arith.constant 0 : i32
      %dma_start3A_517 = tpu.memref_slice %arg13[%dma_start3A_513, %dma_start3A_514, %dma_start3A_516] : memref<2x8x512xf32, #tpu.memory_space<vmem>> -> memref<1x1x512xf32, #tpu.memory_space<vmem>>
      %dma_start3A_518 = tpu.memref_squeeze %dma_start3A_517 : memref<1x1x512xf32, #tpu.memory_space<vmem>> -> memref<512xf32, #tpu.memory_space<vmem>>
      %dma_start3A_519 = arith.constant 0 : i32
      %dma_start3A_520 = tpu.memref_slice %arg2[%add3A_486, %dma_start3A_519] : memref<64x1000000xf32, #tpu.memory_space<hbm>> -> memref<1x1000000xf32, #tpu.memory_space<hbm>>
      %dma_start3A_521 = tpu.memref_squeeze %dma_start3A_520 : memref<1x1000000xf32, #tpu.memory_space<hbm>> -> memref<1000000xf32, #tpu.memory_space<hbm>>
      %dma_start3A_522 = arith.constant 0 : i32
      %dma_start3A_523 = tpu.memref_slice %dma_start3A_521[%dma_start3A_522] : memref<1000000xf32, #tpu.memory_space<hbm>> -> memref<1000000xf32, #tpu.memory_space<hbm>>
      %dma_start3A_524 = tpu.memref_slice %arg15[%dma_start3A_515] : memref<2x!tpu.dma_semaphore, #tpu.memory_space<semaphore_mem>> -> memref<1x!tpu.dma_semaphore, #tpu.memory_space<semaphore_mem>>
      %dma_start3A_525 = tpu.memref_squeeze %dma_start3A_524 : memref<1x!tpu.dma_semaphore, #tpu.memory_space<semaphore_mem>> -> memref<!tpu.dma_semaphore, #tpu.memory_space<semaphore_mem>>
      tpu.enqueue_indirect_dma source(%dma_start3A_523 : memref<1000000xf32, #tpu.memory_space<hbm>>) target(%dma_start3A_518 : memref<512xf32, #tpu.memory_space<vmem>>) offsets(%arg10 : memref<512xi32, #tpu.memory_space<vmem>>) semaphore(%dma_start3A_525 : memref<!tpu.dma_semaphore, #tpu.memory_space<semaphore_mem>>)
      %mul3A_526 = arith.constant 8 : i32
      %mul3A_527 = arith.muli %add3A_353, %mul3A_526 : i32
      %add3A_528 = arith.constant 4 : i32
      %add3A_529 = arith.addi %mul3A_527, %add3A_528 : i32
      %dma_start3A_530 = arith.constant 1 : i32
      %dma_start3A_531 = arith.constant 4 : i32
      %dma_start3A_532 = arith.constant 1 : i32
      %dma_start3A_533 = arith.constant 0 : i32
      %dma_start3A_534 = tpu.memref_slice %arg11[%dma_start3A_530, %dma_start3A_531, %dma_start3A_533] : memref<2x8x512xf32, #tpu.memory_space<vmem>> -> memref<1x1x512xf32, #tpu.memory_space<vmem>>
      %dma_start3A_535 = tpu.memref_squeeze %dma_start3A_534 : memref<1x1x512xf32, #tpu.memory_space<vmem>> -> memref<512xf32, #tpu.memory_space<vmem>>
      %dma_start3A_536 = arith.constant 0 : i32
      %dma_start3A_537 = tpu.memref_slice %arg2[%add3A_529, %dma_start3A_536] : memref<64x1000000xf32, #tpu.memory_space<hbm>> -> memref<1x1000000xf32, #tpu.memory_space<hbm>>
      %dma_start3A_538 = tpu.memref_squeeze %dma_start3A_537 : memref<1x1000000xf32, #tpu.memory_space<hbm>> -> memref<1000000xf32, #tpu.memory_space<hbm>>
      %dma_start3A_539 = arith.constant 0 : i32
      %dma_start3A_540 = tpu.memref_slice %dma_start3A_538[%dma_start3A_539] : memref<1000000xf32, #tpu.memory_space<hbm>> -> memref<1000000xf32, #tpu.memory_space<hbm>>
      %dma_start3A_541 = tpu.memref_slice %arg15[%dma_start3A_532] : memref<2x!tpu.dma_semaphore, #tpu.memory_space<semaphore_mem>> -> memref<1x!tpu.dma_semaphore, #tpu.memory_space<semaphore_mem>>
      %dma_start3A_542 = tpu.memref_squeeze %dma_start3A_541 : memref<1x!tpu.dma_semaphore, #tpu.memory_space<semaphore_mem>> -> memref<!tpu.dma_semaphore, #tpu.memory_space<semaphore_mem>>
      tpu.enqueue_indirect_dma source(%dma_start3A_540 : memref<1000000xf32, #tpu.memory_space<hbm>>) target(%dma_start3A_535 : memref<512xf32, #tpu.memory_space<vmem>>) offsets(%arg8 : memref<512xi32, #tpu.memory_space<vmem>>) semaphore(%dma_start3A_542 : memref<!tpu.dma_semaphore, #tpu.memory_space<semaphore_mem>>)
      %dma_start3A_543 = arith.constant 1 : i32
      %dma_start3A_544 = arith.constant 4 : i32
      %dma_start3A_545 = arith.constant 1 : i32
      %dma_start3A_546 = arith.constant 0 : i32
      %dma_start3A_547 = tpu.memref_slice %arg12[%dma_start3A_543, %dma_start3A_544, %dma_start3A_546] : memref<2x8x512xf32, #tpu.memory_space<vmem>> -> memref<1x1x512xf32, #tpu.memory_space<vmem>>
      %dma_start3A_548 = tpu.memref_squeeze %dma_start3A_547 : memref<1x1x512xf32, #tpu.memory_space<vmem>> -> memref<512xf32, #tpu.memory_space<vmem>>
      %dma_start3A_549 = arith.constant 0 : i32
      %dma_start3A_550 = tpu.memref_slice %arg3[%add3A_529, %dma_start3A_549] : memref<64x1000000xf32, #tpu.memory_space<hbm>> -> memref<1x1000000xf32, #tpu.memory_space<hbm>>
      %dma_start3A_551 = tpu.memref_squeeze %dma_start3A_550 : memref<1x1000000xf32, #tpu.memory_space<hbm>> -> memref<1000000xf32, #tpu.memory_space<hbm>>
      %dma_start3A_552 = arith.constant 0 : i32
      %dma_start3A_553 = tpu.memref_slice %dma_start3A_551[%dma_start3A_552] : memref<1000000xf32, #tpu.memory_space<hbm>> -> memref<1000000xf32, #tpu.memory_space<hbm>>
      %dma_start3A_554 = tpu.memref_slice %arg15[%dma_start3A_545] : memref<2x!tpu.dma_semaphore, #tpu.memory_space<semaphore_mem>> -> memref<1x!tpu.dma_semaphore, #tpu.memory_space<semaphore_mem>>
      %dma_start3A_555 = tpu.memref_squeeze %dma_start3A_554 : memref<1x!tpu.dma_semaphore, #tpu.memory_space<semaphore_mem>> -> memref<!tpu.dma_semaphore, #tpu.memory_space<semaphore_mem>>
      tpu.enqueue_indirect_dma source(%dma_start3A_553 : memref<1000000xf32, #tpu.memory_space<hbm>>) target(%dma_start3A_548 : memref<512xf32, #tpu.memory_space<vmem>>) offsets(%arg9 : memref<512xi32, #tpu.memory_space<vmem>>) semaphore(%dma_start3A_555 : memref<!tpu.dma_semaphore, #tpu.memory_space<semaphore_mem>>)
      %dma_start3A_556 = arith.constant 1 : i32
      %dma_start3A_557 = arith.constant 4 : i32
      %dma_start3A_558 = arith.constant 1 : i32
      %dma_start3A_559 = arith.constant 0 : i32
      %dma_start3A_560 = tpu.memref_slice %arg13[%dma_start3A_556, %dma_start3A_557, %dma_start3A_559] : memref<2x8x512xf32, #tpu.memory_space<vmem>> -> memref<1x1x512xf32, #tpu.memory_space<vmem>>
      %dma_start3A_561 = tpu.memref_squeeze %dma_start3A_560 : memref<1x1x512xf32, #tpu.memory_space<vmem>> -> memref<512xf32, #tpu.memory_space<vmem>>
      %dma_start3A_562 = arith.constant 0 : i32
      %dma_start3A_563 = tpu.memref_slice %arg2[%add3A_529, %dma_start3A_562] : memref<64x1000000xf32, #tpu.memory_space<hbm>> -> memref<1x1000000xf32, #tpu.memory_space<hbm>>
      %dma_start3A_564 = tpu.memref_squeeze %dma_start3A_563 : memref<1x1000000xf32, #tpu.memory_space<hbm>> -> memref<1000000xf32, #tpu.memory_space<hbm>>
      %dma_start3A_565 = arith.constant 0 : i32
      %dma_start3A_566 = tpu.memref_slice %dma_start3A_564[%dma_start3A_565] : memref<1000000xf32, #tpu.memory_space<hbm>> -> memref<1000000xf32, #tpu.memory_space<hbm>>
      %dma_start3A_567 = tpu.memref_slice %arg15[%dma_start3A_558] : memref<2x!tpu.dma_semaphore, #tpu.memory_space<semaphore_mem>> -> memref<1x!tpu.dma_semaphore, #tpu.memory_space<semaphore_mem>>
      %dma_start3A_568 = tpu.memref_squeeze %dma_start3A_567 : memref<1x!tpu.dma_semaphore, #tpu.memory_space<semaphore_mem>> -> memref<!tpu.dma_semaphore, #tpu.memory_space<semaphore_mem>>
      tpu.enqueue_indirect_dma source(%dma_start3A_566 : memref<1000000xf32, #tpu.memory_space<hbm>>) target(%dma_start3A_561 : memref<512xf32, #tpu.memory_space<vmem>>) offsets(%arg10 : memref<512xi32, #tpu.memory_space<vmem>>) semaphore(%dma_start3A_568 : memref<!tpu.dma_semaphore, #tpu.memory_space<semaphore_mem>>)
      %mul3A_569 = arith.constant 8 : i32
      %mul3A_570 = arith.muli %add3A_353, %mul3A_569 : i32
      %add3A_571 = arith.constant 5 : i32
      %add3A_572 = arith.addi %mul3A_570, %add3A_571 : i32
      %dma_start3A_573 = arith.constant 1 : i32
      %dma_start3A_574 = arith.constant 5 : i32
      %dma_start3A_575 = arith.constant 1 : i32
      %dma_start3A_576 = arith.constant 0 : i32
      %dma_start3A_577 = tpu.memref_slice %arg11[%dma_start3A_573, %dma_start3A_574, %dma_start3A_576] : memref<2x8x512xf32, #tpu.memory_space<vmem>> -> memref<1x1x512xf32, #tpu.memory_space<vmem>>
      %dma_start3A_578 = tpu.memref_squeeze %dma_start3A_577 : memref<1x1x512xf32, #tpu.memory_space<vmem>> -> memref<512xf32, #tpu.memory_space<vmem>>
      %dma_start3A_579 = arith.constant 0 : i32
      %dma_start3A_580 = tpu.memref_slice %arg2[%add3A_572, %dma_start3A_579] : memref<64x1000000xf32, #tpu.memory_space<hbm>> -> memref<1x1000000xf32, #tpu.memory_space<hbm>>
      %dma_start3A_581 = tpu.memref_squeeze %dma_start3A_580 : memref<1x1000000xf32, #tpu.memory_space<hbm>> -> memref<1000000xf32, #tpu.memory_space<hbm>>
      %dma_start3A_582 = arith.constant 0 : i32
      %dma_start3A_583 = tpu.memref_slice %dma_start3A_581[%dma_start3A_582] : memref<1000000xf32, #tpu.memory_space<hbm>> -> memref<1000000xf32, #tpu.memory_space<hbm>>
      %dma_start3A_584 = tpu.memref_slice %arg15[%dma_start3A_575] : memref<2x!tpu.dma_semaphore, #tpu.memory_space<semaphore_mem>> -> memref<1x!tpu.dma_semaphore, #tpu.memory_space<semaphore_mem>>
      %dma_start3A_585 = tpu.memref_squeeze %dma_start3A_584 : memref<1x!tpu.dma_semaphore, #tpu.memory_space<semaphore_mem>> -> memref<!tpu.dma_semaphore, #tpu.memory_space<semaphore_mem>>
      tpu.enqueue_indirect_dma source(%dma_start3A_583 : memref<1000000xf32, #tpu.memory_space<hbm>>) target(%dma_start3A_578 : memref<512xf32, #tpu.memory_space<vmem>>) offsets(%arg8 : memref<512xi32, #tpu.memory_space<vmem>>) semaphore(%dma_start3A_585 : memref<!tpu.dma_semaphore, #tpu.memory_space<semaphore_mem>>)
      %dma_start3A_586 = arith.constant 1 : i32
      %dma_start3A_587 = arith.constant 5 : i32
      %dma_start3A_588 = arith.constant 1 : i32
      %dma_start3A_589 = arith.constant 0 : i32
      %dma_start3A_590 = tpu.memref_slice %arg12[%dma_start3A_586, %dma_start3A_587, %dma_start3A_589] : memref<2x8x512xf32, #tpu.memory_space<vmem>> -> memref<1x1x512xf32, #tpu.memory_space<vmem>>
      %dma_start3A_591 = tpu.memref_squeeze %dma_start3A_590 : memref<1x1x512xf32, #tpu.memory_space<vmem>> -> memref<512xf32, #tpu.memory_space<vmem>>
      %dma_start3A_592 = arith.constant 0 : i32
      %dma_start3A_593 = tpu.memref_slice %arg3[%add3A_572, %dma_start3A_592] : memref<64x1000000xf32, #tpu.memory_space<hbm>> -> memref<1x1000000xf32, #tpu.memory_space<hbm>>
      %dma_start3A_594 = tpu.memref_squeeze %dma_start3A_593 : memref<1x1000000xf32, #tpu.memory_space<hbm>> -> memref<1000000xf32, #tpu.memory_space<hbm>>
      %dma_start3A_595 = arith.constant 0 : i32
      %dma_start3A_596 = tpu.memref_slice %dma_start3A_594[%dma_start3A_595] : memref<1000000xf32, #tpu.memory_space<hbm>> -> memref<1000000xf32, #tpu.memory_space<hbm>>
      %dma_start3A_597 = tpu.memref_slice %arg15[%dma_start3A_588] : memref<2x!tpu.dma_semaphore, #tpu.memory_space<semaphore_mem>> -> memref<1x!tpu.dma_semaphore, #tpu.memory_space<semaphore_mem>>
      %dma_start3A_598 = tpu.memref_squeeze %dma_start3A_597 : memref<1x!tpu.dma_semaphore, #tpu.memory_space<semaphore_mem>> -> memref<!tpu.dma_semaphore, #tpu.memory_space<semaphore_mem>>
      tpu.enqueue_indirect_dma source(%dma_start3A_596 : memref<1000000xf32, #tpu.memory_space<hbm>>) target(%dma_start3A_591 : memref<512xf32, #tpu.memory_space<vmem>>) offsets(%arg9 : memref<512xi32, #tpu.memory_space<vmem>>) semaphore(%dma_start3A_598 : memref<!tpu.dma_semaphore, #tpu.memory_space<semaphore_mem>>)
      %dma_start3A_599 = arith.constant 1 : i32
      %dma_start3A_600 = arith.constant 5 : i32
      %dma_start3A_601 = arith.constant 1 : i32
      %dma_start3A_602 = arith.constant 0 : i32
      %dma_start3A_603 = tpu.memref_slice %arg13[%dma_start3A_599, %dma_start3A_600, %dma_start3A_602] : memref<2x8x512xf32, #tpu.memory_space<vmem>> -> memref<1x1x512xf32, #tpu.memory_space<vmem>>
      %dma_start3A_604 = tpu.memref_squeeze %dma_start3A_603 : memref<1x1x512xf32, #tpu.memory_space<vmem>> -> memref<512xf32, #tpu.memory_space<vmem>>
      %dma_start3A_605 = arith.constant 0 : i32
      %dma_start3A_606 = tpu.memref_slice %arg2[%add3A_572, %dma_start3A_605] : memref<64x1000000xf32, #tpu.memory_space<hbm>> -> memref<1x1000000xf32, #tpu.memory_space<hbm>>
      %dma_start3A_607 = tpu.memref_squeeze %dma_start3A_606 : memref<1x1000000xf32, #tpu.memory_space<hbm>> -> memref<1000000xf32, #tpu.memory_space<hbm>>
      %dma_start3A_608 = arith.constant 0 : i32
      %dma_start3A_609 = tpu.memref_slice %dma_start3A_607[%dma_start3A_608] : memref<1000000xf32, #tpu.memory_space<hbm>> -> memref<1000000xf32, #tpu.memory_space<hbm>>
      %dma_start3A_610 = tpu.memref_slice %arg15[%dma_start3A_601] : memref<2x!tpu.dma_semaphore, #tpu.memory_space<semaphore_mem>> -> memref<1x!tpu.dma_semaphore, #tpu.memory_space<semaphore_mem>>
      %dma_start3A_611 = tpu.memref_squeeze %dma_start3A_610 : memref<1x!tpu.dma_semaphore, #tpu.memory_space<semaphore_mem>> -> memref<!tpu.dma_semaphore, #tpu.memory_space<semaphore_mem>>
      tpu.enqueue_indirect_dma source(%dma_start3A_609 : memref<1000000xf32, #tpu.memory_space<hbm>>) target(%dma_start3A_604 : memref<512xf32, #tpu.memory_space<vmem>>) offsets(%arg10 : memref<512xi32, #tpu.memory_space<vmem>>) semaphore(%dma_start3A_611 : memref<!tpu.dma_semaphore, #tpu.memory_space<semaphore_mem>>)
      %mul3A_612 = arith.constant 8 : i32
      %mul3A_613 = arith.muli %add3A_353, %mul3A_612 : i32
      %add3A_614 = arith.constant 6 : i32
      %add3A_615 = arith.addi %mul3A_613, %add3A_614 : i32
      %dma_start3A_616 = arith.constant 1 : i32
      %dma_start3A_617 = arith.constant 6 : i32
      %dma_start3A_618 = arith.constant 1 : i32
      %dma_start3A_619 = arith.constant 0 : i32
      %dma_start3A_620 = tpu.memref_slice %arg11[%dma_start3A_616, %dma_start3A_617, %dma_start3A_619] : memref<2x8x512xf32, #tpu.memory_space<vmem>> -> memref<1x1x512xf32, #tpu.memory_space<vmem>>
      %dma_start3A_621 = tpu.memref_squeeze %dma_start3A_620 : memref<1x1x512xf32, #tpu.memory_space<vmem>> -> memref<512xf32, #tpu.memory_space<vmem>>
      %dma_start3A_622 = arith.constant 0 : i32
      %dma_start3A_623 = tpu.memref_slice %arg2[%add3A_615, %dma_start3A_622] : memref<64x1000000xf32, #tpu.memory_space<hbm>> -> memref<1x1000000xf32, #tpu.memory_space<hbm>>
      %dma_start3A_624 = tpu.memref_squeeze %dma_start3A_623 : memref<1x1000000xf32, #tpu.memory_space<hbm>> -> memref<1000000xf32, #tpu.memory_space<hbm>>
      %dma_start3A_625 = arith.constant 0 : i32
      %dma_start3A_626 = tpu.memref_slice %dma_start3A_624[%dma_start3A_625] : memref<1000000xf32, #tpu.memory_space<hbm>> -> memref<1000000xf32, #tpu.memory_space<hbm>>
      %dma_start3A_627 = tpu.memref_slice %arg15[%dma_start3A_618] : memref<2x!tpu.dma_semaphore, #tpu.memory_space<semaphore_mem>> -> memref<1x!tpu.dma_semaphore, #tpu.memory_space<semaphore_mem>>
      %dma_start3A_628 = tpu.memref_squeeze %dma_start3A_627 : memref<1x!tpu.dma_semaphore, #tpu.memory_space<semaphore_mem>> -> memref<!tpu.dma_semaphore, #tpu.memory_space<semaphore_mem>>
      tpu.enqueue_indirect_dma source(%dma_start3A_626 : memref<1000000xf32, #tpu.memory_space<hbm>>) target(%dma_start3A_621 : memref<512xf32, #tpu.memory_space<vmem>>) offsets(%arg8 : memref<512xi32, #tpu.memory_space<vmem>>) semaphore(%dma_start3A_628 : memref<!tpu.dma_semaphore, #tpu.memory_space<semaphore_mem>>)
      %dma_start3A_629 = arith.constant 1 : i32
      %dma_start3A_630 = arith.constant 6 : i32
      %dma_start3A_631 = arith.constant 1 : i32
      %dma_start3A_632 = arith.constant 0 : i32
      %dma_start3A_633 = tpu.memref_slice %arg12[%dma_start3A_629, %dma_start3A_630, %dma_start3A_632] : memref<2x8x512xf32, #tpu.memory_space<vmem>> -> memref<1x1x512xf32, #tpu.memory_space<vmem>>
      %dma_start3A_634 = tpu.memref_squeeze %dma_start3A_633 : memref<1x1x512xf32, #tpu.memory_space<vmem>> -> memref<512xf32, #tpu.memory_space<vmem>>
      %dma_start3A_635 = arith.constant 0 : i32
      %dma_start3A_636 = tpu.memref_slice %arg3[%add3A_615, %dma_start3A_635] : memref<64x1000000xf32, #tpu.memory_space<hbm>> -> memref<1x1000000xf32, #tpu.memory_space<hbm>>
      %dma_start3A_637 = tpu.memref_squeeze %dma_start3A_636 : memref<1x1000000xf32, #tpu.memory_space<hbm>> -> memref<1000000xf32, #tpu.memory_space<hbm>>
      %dma_start3A_638 = arith.constant 0 : i32
      %dma_start3A_639 = tpu.memref_slice %dma_start3A_637[%dma_start3A_638] : memref<1000000xf32, #tpu.memory_space<hbm>> -> memref<1000000xf32, #tpu.memory_space<hbm>>
      %dma_start3A_640 = tpu.memref_slice %arg15[%dma_start3A_631] : memref<2x!tpu.dma_semaphore, #tpu.memory_space<semaphore_mem>> -> memref<1x!tpu.dma_semaphore, #tpu.memory_space<semaphore_mem>>
      %dma_start3A_641 = tpu.memref_squeeze %dma_start3A_640 : memref<1x!tpu.dma_semaphore, #tpu.memory_space<semaphore_mem>> -> memref<!tpu.dma_semaphore, #tpu.memory_space<semaphore_mem>>
      tpu.enqueue_indirect_dma source(%dma_start3A_639 : memref<1000000xf32, #tpu.memory_space<hbm>>) target(%dma_start3A_634 : memref<512xf32, #tpu.memory_space<vmem>>) offsets(%arg9 : memref<512xi32, #tpu.memory_space<vmem>>) semaphore(%dma_start3A_641 : memref<!tpu.dma_semaphore, #tpu.memory_space<semaphore_mem>>)
      %dma_start3A_642 = arith.constant 1 : i32
      %dma_start3A_643 = arith.constant 6 : i32
      %dma_start3A_644 = arith.constant 1 : i32
      %dma_start3A_645 = arith.constant 0 : i32
      %dma_start3A_646 = tpu.memref_slice %arg13[%dma_start3A_642, %dma_start3A_643, %dma_start3A_645] : memref<2x8x512xf32, #tpu.memory_space<vmem>> -> memref<1x1x512xf32, #tpu.memory_space<vmem>>
      %dma_start3A_647 = tpu.memref_squeeze %dma_start3A_646 : memref<1x1x512xf32, #tpu.memory_space<vmem>> -> memref<512xf32, #tpu.memory_space<vmem>>
      %dma_start3A_648 = arith.constant 0 : i32
      %dma_start3A_649 = tpu.memref_slice %arg2[%add3A_615, %dma_start3A_648] : memref<64x1000000xf32, #tpu.memory_space<hbm>> -> memref<1x1000000xf32, #tpu.memory_space<hbm>>
      %dma_start3A_650 = tpu.memref_squeeze %dma_start3A_649 : memref<1x1000000xf32, #tpu.memory_space<hbm>> -> memref<1000000xf32, #tpu.memory_space<hbm>>
      %dma_start3A_651 = arith.constant 0 : i32
      %dma_start3A_652 = tpu.memref_slice %dma_start3A_650[%dma_start3A_651] : memref<1000000xf32, #tpu.memory_space<hbm>> -> memref<1000000xf32, #tpu.memory_space<hbm>>
      %dma_start3A_653 = tpu.memref_slice %arg15[%dma_start3A_644] : memref<2x!tpu.dma_semaphore, #tpu.memory_space<semaphore_mem>> -> memref<1x!tpu.dma_semaphore, #tpu.memory_space<semaphore_mem>>
      %dma_start3A_654 = tpu.memref_squeeze %dma_start3A_653 : memref<1x!tpu.dma_semaphore, #tpu.memory_space<semaphore_mem>> -> memref<!tpu.dma_semaphore, #tpu.memory_space<semaphore_mem>>
      tpu.enqueue_indirect_dma source(%dma_start3A_652 : memref<1000000xf32, #tpu.memory_space<hbm>>) target(%dma_start3A_647 : memref<512xf32, #tpu.memory_space<vmem>>) offsets(%arg10 : memref<512xi32, #tpu.memory_space<vmem>>) semaphore(%dma_start3A_654 : memref<!tpu.dma_semaphore, #tpu.memory_space<semaphore_mem>>)
      %mul3A_655 = arith.constant 8 : i32
      %mul3A_656 = arith.muli %add3A_353, %mul3A_655 : i32
      %add3A_657 = arith.constant 7 : i32
      %add3A_658 = arith.addi %mul3A_656, %add3A_657 : i32
      %dma_start3A_659 = arith.constant 1 : i32
      %dma_start3A_660 = arith.constant 7 : i32
      %dma_start3A_661 = arith.constant 1 : i32
      %dma_start3A_662 = arith.constant 0 : i32
      %dma_start3A_663 = tpu.memref_slice %arg11[%dma_start3A_659, %dma_start3A_660, %dma_start3A_662] : memref<2x8x512xf32, #tpu.memory_space<vmem>> -> memref<1x1x512xf32, #tpu.memory_space<vmem>>
      %dma_start3A_664 = tpu.memref_squeeze %dma_start3A_663 : memref<1x1x512xf32, #tpu.memory_space<vmem>> -> memref<512xf32, #tpu.memory_space<vmem>>
      %dma_start3A_665 = arith.constant 0 : i32
      %dma_start3A_666 = tpu.memref_slice %arg2[%add3A_658, %dma_start3A_665] : memref<64x1000000xf32, #tpu.memory_space<hbm>> -> memref<1x1000000xf32, #tpu.memory_space<hbm>>
      %dma_start3A_667 = tpu.memref_squeeze %dma_start3A_666 : memref<1x1000000xf32, #tpu.memory_space<hbm>> -> memref<1000000xf32, #tpu.memory_space<hbm>>
      %dma_start3A_668 = arith.constant 0 : i32
      %dma_start3A_669 = tpu.memref_slice %dma_start3A_667[%dma_start3A_668] : memref<1000000xf32, #tpu.memory_space<hbm>> -> memref<1000000xf32, #tpu.memory_space<hbm>>
      %dma_start3A_670 = tpu.memref_slice %arg15[%dma_start3A_661] : memref<2x!tpu.dma_semaphore, #tpu.memory_space<semaphore_mem>> -> memref<1x!tpu.dma_semaphore, #tpu.memory_space<semaphore_mem>>
      %dma_start3A_671 = tpu.memref_squeeze %dma_start3A_670 : memref<1x!tpu.dma_semaphore, #tpu.memory_space<semaphore_mem>> -> memref<!tpu.dma_semaphore, #tpu.memory_space<semaphore_mem>>
      tpu.enqueue_indirect_dma source(%dma_start3A_669 : memref<1000000xf32, #tpu.memory_space<hbm>>) target(%dma_start3A_664 : memref<512xf32, #tpu.memory_space<vmem>>) offsets(%arg8 : memref<512xi32, #tpu.memory_space<vmem>>) semaphore(%dma_start3A_671 : memref<!tpu.dma_semaphore, #tpu.memory_space<semaphore_mem>>)
      %dma_start3A_672 = arith.constant 1 : i32
      %dma_start3A_673 = arith.constant 7 : i32
      %dma_start3A_674 = arith.constant 1 : i32
      %dma_start3A_675 = arith.constant 0 : i32
      %dma_start3A_676 = tpu.memref_slice %arg12[%dma_start3A_672, %dma_start3A_673, %dma_start3A_675] : memref<2x8x512xf32, #tpu.memory_space<vmem>> -> memref<1x1x512xf32, #tpu.memory_space<vmem>>
      %dma_start3A_677 = tpu.memref_squeeze %dma_start3A_676 : memref<1x1x512xf32, #tpu.memory_space<vmem>> -> memref<512xf32, #tpu.memory_space<vmem>>
      %dma_start3A_678 = arith.constant 0 : i32
      %dma_start3A_679 = tpu.memref_slice %arg3[%add3A_658, %dma_start3A_678] : memref<64x1000000xf32, #tpu.memory_space<hbm>> -> memref<1x1000000xf32, #tpu.memory_space<hbm>>
      %dma_start3A_680 = tpu.memref_squeeze %dma_start3A_679 : memref<1x1000000xf32, #tpu.memory_space<hbm>> -> memref<1000000xf32, #tpu.memory_space<hbm>>
      %dma_start3A_681 = arith.constant 0 : i32
      %dma_start3A_682 = tpu.memref_slice %dma_start3A_680[%dma_start3A_681] : memref<1000000xf32, #tpu.memory_space<hbm>> -> memref<1000000xf32, #tpu.memory_space<hbm>>
      %dma_start3A_683 = tpu.memref_slice %arg15[%dma_start3A_674] : memref<2x!tpu.dma_semaphore, #tpu.memory_space<semaphore_mem>> -> memref<1x!tpu.dma_semaphore, #tpu.memory_space<semaphore_mem>>
      %dma_start3A_684 = tpu.memref_squeeze %dma_start3A_683 : memref<1x!tpu.dma_semaphore, #tpu.memory_space<semaphore_mem>> -> memref<!tpu.dma_semaphore, #tpu.memory_space<semaphore_mem>>
      tpu.enqueue_indirect_dma source(%dma_start3A_682 : memref<1000000xf32, #tpu.memory_space<hbm>>) target(%dma_start3A_677 : memref<512xf32, #tpu.memory_space<vmem>>) offsets(%arg9 : memref<512xi32, #tpu.memory_space<vmem>>) semaphore(%dma_start3A_684 : memref<!tpu.dma_semaphore, #tpu.memory_space<semaphore_mem>>)
      %dma_start3A_685 = arith.constant 1 : i32
      %dma_start3A_686 = arith.constant 7 : i32
      %dma_start3A_687 = arith.constant 1 : i32
      %dma_start3A_688 = arith.constant 0 : i32
      %dma_start3A_689 = tpu.memref_slice %arg13[%dma_start3A_685, %dma_start3A_686, %dma_start3A_688] : memref<2x8x512xf32, #tpu.memory_space<vmem>> -> memref<1x1x512xf32, #tpu.memory_space<vmem>>
      %dma_start3A_690 = tpu.memref_squeeze %dma_start3A_689 : memref<1x1x512xf32, #tpu.memory_space<vmem>> -> memref<512xf32, #tpu.memory_space<vmem>>
      %dma_start3A_691 = arith.constant 0 : i32
      %dma_start3A_692 = tpu.memref_slice %arg2[%add3A_658, %dma_start3A_691] : memref<64x1000000xf32, #tpu.memory_space<hbm>> -> memref<1x1000000xf32, #tpu.memory_space<hbm>>
      %dma_start3A_693 = tpu.memref_squeeze %dma_start3A_692 : memref<1x1000000xf32, #tpu.memory_space<hbm>> -> memref<1000000xf32, #tpu.memory_space<hbm>>
      %dma_start3A_694 = arith.constant 0 : i32
      %dma_start3A_695 = tpu.memref_slice %dma_start3A_693[%dma_start3A_694] : memref<1000000xf32, #tpu.memory_space<hbm>> -> memref<1000000xf32, #tpu.memory_space<hbm>>
      %dma_start3A_696 = tpu.memref_slice %arg15[%dma_start3A_687] : memref<2x!tpu.dma_semaphore, #tpu.memory_space<semaphore_mem>> -> memref<1x!tpu.dma_semaphore, #tpu.memory_space<semaphore_mem>>
      %dma_start3A_697 = tpu.memref_squeeze %dma_start3A_696 : memref<1x!tpu.dma_semaphore, #tpu.memory_space<semaphore_mem>> -> memref<!tpu.dma_semaphore, #tpu.memory_space<semaphore_mem>>
      tpu.enqueue_indirect_dma source(%dma_start3A_695 : memref<1000000xf32, #tpu.memory_space<hbm>>) target(%dma_start3A_690 : memref<512xf32, #tpu.memory_space<vmem>>) offsets(%arg10 : memref<512xi32, #tpu.memory_space<vmem>>) semaphore(%dma_start3A_697 : memref<!tpu.dma_semaphore, #tpu.memory_space<semaphore_mem>>)
      %dma_wait3A = arith.constant 0 : i32
      %dma_wait3A_698 = arith.constant 0 : i32
      %dma_wait3A_699 = arith.constant 0 : i32
      %dma_wait3A_700 = arith.constant 0 : i32
      %dma_wait3A_701 = arith.constant 0 : i32
      %dma_wait3A_702 = tpu.memref_slice %arg11[%dma_wait3A_698, %dma_wait3A_699, %dma_wait3A_701] : memref<2x8x512xf32, #tpu.memory_space<vmem>> -> memref<1x1x512xf32, #tpu.memory_space<vmem>>
      %dma_wait3A_703 = tpu.memref_squeeze %dma_wait3A_702 : memref<1x1x512xf32, #tpu.memory_space<vmem>> -> memref<512xf32, #tpu.memory_space<vmem>>
      %dma_wait3A_704 = arith.constant 0 : i32
      %dma_wait3A_705 = tpu.memref_slice %arg2[%dma_wait3A, %dma_wait3A_704] : memref<64x1000000xf32, #tpu.memory_space<hbm>> -> memref<1x1000000xf32, #tpu.memory_space<hbm>>
      %dma_wait3A_706 = tpu.memref_squeeze %dma_wait3A_705 : memref<1x1000000xf32, #tpu.memory_space<hbm>> -> memref<1000000xf32, #tpu.memory_space<hbm>>
      %dma_wait3A_707 = arith.constant 0 : i32
      %dma_wait3A_708 = tpu.memref_slice %dma_wait3A_706[%dma_wait3A_707] : memref<1000000xf32, #tpu.memory_space<hbm>> -> memref<1000000xf32, #tpu.memory_space<hbm>>
      %dma_wait3A_709 = tpu.memref_slice %arg15[%dma_wait3A_700] : memref<2x!tpu.dma_semaphore, #tpu.memory_space<semaphore_mem>> -> memref<1x!tpu.dma_semaphore, #tpu.memory_space<semaphore_mem>>
      %dma_wait3A_710 = tpu.memref_squeeze %dma_wait3A_709 : memref<1x!tpu.dma_semaphore, #tpu.memory_space<semaphore_mem>> -> memref<!tpu.dma_semaphore, #tpu.memory_space<semaphore_mem>>
      tpu.wait_indirect_dma semaphore(%dma_wait3A_710 : memref<!tpu.dma_semaphore, #tpu.memory_space<semaphore_mem>>) src(%dma_wait3A_708 : memref<1000000xf32, #tpu.memory_space<hbm>>) dst(%dma_wait3A_703 : memref<512xf32, #tpu.memory_space<vmem>>)
      %dma_wait3A_711 = arith.constant 0 : i32
      %dma_wait3A_712 = arith.constant 0 : i32
      %dma_wait3A_713 = arith.constant 0 : i32
      %dma_wait3A_714 = arith.constant 0 : i32
      %dma_wait3A_715 = arith.constant 0 : i32
      %dma_wait3A_716 = tpu.memref_slice %arg12[%dma_wait3A_712, %dma_wait3A_713, %dma_wait3A_715] : memref<2x8x512xf32, #tpu.memory_space<vmem>> -> memref<1x1x512xf32, #tpu.memory_space<vmem>>
      %dma_wait3A_717 = tpu.memref_squeeze %dma_wait3A_716 : memref<1x1x512xf32, #tpu.memory_space<vmem>> -> memref<512xf32, #tpu.memory_space<vmem>>
      %dma_wait3A_718 = arith.constant 0 : i32
      %dma_wait3A_719 = tpu.memref_slice %arg3[%dma_wait3A_711, %dma_wait3A_718] : memref<64x1000000xf32, #tpu.memory_space<hbm>> -> memref<1x1000000xf32, #tpu.memory_space<hbm>>
      %dma_wait3A_720 = tpu.memref_squeeze %dma_wait3A_719 : memref<1x1000000xf32, #tpu.memory_space<hbm>> -> memref<1000000xf32, #tpu.memory_space<hbm>>
      %dma_wait3A_721 = arith.constant 0 : i32
      %dma_wait3A_722 = tpu.memref_slice %dma_wait3A_720[%dma_wait3A_721] : memref<1000000xf32, #tpu.memory_space<hbm>> -> memref<1000000xf32, #tpu.memory_space<hbm>>
      %dma_wait3A_723 = tpu.memref_slice %arg15[%dma_wait3A_714] : memref<2x!tpu.dma_semaphore, #tpu.memory_space<semaphore_mem>> -> memref<1x!tpu.dma_semaphore, #tpu.memory_space<semaphore_mem>>
      %dma_wait3A_724 = tpu.memref_squeeze %dma_wait3A_723 : memref<1x!tpu.dma_semaphore, #tpu.memory_space<semaphore_mem>> -> memref<!tpu.dma_semaphore, #tpu.memory_space<semaphore_mem>>
      tpu.wait_indirect_dma semaphore(%dma_wait3A_724 : memref<!tpu.dma_semaphore, #tpu.memory_space<semaphore_mem>>) src(%dma_wait3A_722 : memref<1000000xf32, #tpu.memory_space<hbm>>) dst(%dma_wait3A_717 : memref<512xf32, #tpu.memory_space<vmem>>)
      %dma_wait3A_725 = arith.constant 0 : i32
      %dma_wait3A_726 = arith.constant 0 : i32
      %dma_wait3A_727 = arith.constant 0 : i32
      %dma_wait3A_728 = arith.constant 0 : i32
      %dma_wait3A_729 = arith.constant 0 : i32
      %dma_wait3A_730 = tpu.memref_slice %arg13[%dma_wait3A_726, %dma_wait3A_727, %dma_wait3A_729] : memref<2x8x512xf32, #tpu.memory_space<vmem>> -> memref<1x1x512xf32, #tpu.memory_space<vmem>>
      %dma_wait3A_731 = tpu.memref_squeeze %dma_wait3A_730 : memref<1x1x512xf32, #tpu.memory_space<vmem>> -> memref<512xf32, #tpu.memory_space<vmem>>
      %dma_wait3A_732 = arith.constant 0 : i32
      %dma_wait3A_733 = tpu.memref_slice %arg2[%dma_wait3A_725, %dma_wait3A_732] : memref<64x1000000xf32, #tpu.memory_space<hbm>> -> memref<1x1000000xf32, #tpu.memory_space<hbm>>
      %dma_wait3A_734 = tpu.memref_squeeze %dma_wait3A_733 : memref<1x1000000xf32, #tpu.memory_space<hbm>> -> memref<1000000xf32, #tpu.memory_space<hbm>>
      %dma_wait3A_735 = arith.constant 0 : i32
      %dma_wait3A_736 = tpu.memref_slice %dma_wait3A_734[%dma_wait3A_735] : memref<1000000xf32, #tpu.memory_space<hbm>> -> memref<1000000xf32, #tpu.memory_space<hbm>>
      %dma_wait3A_737 = tpu.memref_slice %arg15[%dma_wait3A_728] : memref<2x!tpu.dma_semaphore, #tpu.memory_space<semaphore_mem>> -> memref<1x!tpu.dma_semaphore, #tpu.memory_space<semaphore_mem>>
      %dma_wait3A_738 = tpu.memref_squeeze %dma_wait3A_737 : memref<1x!tpu.dma_semaphore, #tpu.memory_space<semaphore_mem>> -> memref<!tpu.dma_semaphore, #tpu.memory_space<semaphore_mem>>
      tpu.wait_indirect_dma semaphore(%dma_wait3A_738 : memref<!tpu.dma_semaphore, #tpu.memory_space<semaphore_mem>>) src(%dma_wait3A_736 : memref<1000000xf32, #tpu.memory_space<hbm>>) dst(%dma_wait3A_731 : memref<512xf32, #tpu.memory_space<vmem>>)
      %dma_wait3A_739 = arith.constant 0 : i32
      %dma_wait3A_740 = arith.constant 0 : i32
      %dma_wait3A_741 = arith.constant 1 : i32
      %dma_wait3A_742 = arith.constant 0 : i32
      %dma_wait3A_743 = arith.constant 0 : i32
      %dma_wait3A_744 = tpu.memref_slice %arg11[%dma_wait3A_740, %dma_wait3A_741, %dma_wait3A_743] : memref<2x8x512xf32, #tpu.memory_space<vmem>> -> memref<1x1x512xf32, #tpu.memory_space<vmem>>
      %dma_wait3A_745 = tpu.memref_squeeze %dma_wait3A_744 : memref<1x1x512xf32, #tpu.memory_space<vmem>> -> memref<512xf32, #tpu.memory_space<vmem>>
      %dma_wait3A_746 = arith.constant 0 : i32
      %dma_wait3A_747 = tpu.memref_slice %arg2[%dma_wait3A_739, %dma_wait3A_746] : memref<64x1000000xf32, #tpu.memory_space<hbm>> -> memref<1x1000000xf32, #tpu.memory_space<hbm>>
      %dma_wait3A_748 = tpu.memref_squeeze %dma_wait3A_747 : memref<1x1000000xf32, #tpu.memory_space<hbm>> -> memref<1000000xf32, #tpu.memory_space<hbm>>
      %dma_wait3A_749 = arith.constant 0 : i32
      %dma_wait3A_750 = tpu.memref_slice %dma_wait3A_748[%dma_wait3A_749] : memref<1000000xf32, #tpu.memory_space<hbm>> -> memref<1000000xf32, #tpu.memory_space<hbm>>
      %dma_wait3A_751 = tpu.memref_slice %arg15[%dma_wait3A_742] : memref<2x!tpu.dma_semaphore, #tpu.memory_space<semaphore_mem>> -> memref<1x!tpu.dma_semaphore, #tpu.memory_space<semaphore_mem>>
      %dma_wait3A_752 = tpu.memref_squeeze %dma_wait3A_751 : memref<1x!tpu.dma_semaphore, #tpu.memory_space<semaphore_mem>> -> memref<!tpu.dma_semaphore, #tpu.memory_space<semaphore_mem>>
      tpu.wait_indirect_dma semaphore(%dma_wait3A_752 : memref<!tpu.dma_semaphore, #tpu.memory_space<semaphore_mem>>) src(%dma_wait3A_750 : memref<1000000xf32, #tpu.memory_space<hbm>>) dst(%dma_wait3A_745 : memref<512xf32, #tpu.memory_space<vmem>>)
      %dma_wait3A_753 = arith.constant 0 : i32
      %dma_wait3A_754 = arith.constant 0 : i32
      %dma_wait3A_755 = arith.constant 1 : i32
      %dma_wait3A_756 = arith.constant 0 : i32
      %dma_wait3A_757 = arith.constant 0 : i32
      %dma_wait3A_758 = tpu.memref_slice %arg12[%dma_wait3A_754, %dma_wait3A_755, %dma_wait3A_757] : memref<2x8x512xf32, #tpu.memory_space<vmem>> -> memref<1x1x512xf32, #tpu.memory_space<vmem>>
      %dma_wait3A_759 = tpu.memref_squeeze %dma_wait3A_758 : memref<1x1x512xf32, #tpu.memory_space<vmem>> -> memref<512xf32, #tpu.memory_space<vmem>>
      %dma_wait3A_760 = arith.constant 0 : i32
      %dma_wait3A_761 = tpu.memref_slice %arg3[%dma_wait3A_753, %dma_wait3A_760] : memref<64x1000000xf32, #tpu.memory_space<hbm>> -> memref<1x1000000xf32, #tpu.memory_space<hbm>>
      %dma_wait3A_762 = tpu.memref_squeeze %dma_wait3A_761 : memref<1x1000000xf32, #tpu.memory_space<hbm>> -> memref<1000000xf32, #tpu.memory_space<hbm>>
      %dma_wait3A_763 = arith.constant 0 : i32
      %dma_wait3A_764 = tpu.memref_slice %dma_wait3A_762[%dma_wait3A_763] : memref<1000000xf32, #tpu.memory_space<hbm>> -> memref<1000000xf32, #tpu.memory_space<hbm>>
      %dma_wait3A_765 = tpu.memref_slice %arg15[%dma_wait3A_756] : memref<2x!tpu.dma_semaphore, #tpu.memory_space<semaphore_mem>> -> memref<1x!tpu.dma_semaphore, #tpu.memory_space<semaphore_mem>>
      %dma_wait3A_766 = tpu.memref_squeeze %dma_wait3A_765 : memref<1x!tpu.dma_semaphore, #tpu.memory_space<semaphore_mem>> -> memref<!tpu.dma_semaphore, #tpu.memory_space<semaphore_mem>>
      tpu.wait_indirect_dma semaphore(%dma_wait3A_766 : memref<!tpu.dma_semaphore, #tpu.memory_space<semaphore_mem>>) src(%dma_wait3A_764 : memref<1000000xf32, #tpu.memory_space<hbm>>) dst(%dma_wait3A_759 : memref<512xf32, #tpu.memory_space<vmem>>)
      %dma_wait3A_767 = arith.constant 0 : i32
      %dma_wait3A_768 = arith.constant 0 : i32
      %dma_wait3A_769 = arith.constant 1 : i32
      %dma_wait3A_770 = arith.constant 0 : i32
      %dma_wait3A_771 = arith.constant 0 : i32
      %dma_wait3A_772 = tpu.memref_slice %arg13[%dma_wait3A_768, %dma_wait3A_769, %dma_wait3A_771] : memref<2x8x512xf32, #tpu.memory_space<vmem>> -> memref<1x1x512xf32, #tpu.memory_space<vmem>>
      %dma_wait3A_773 = tpu.memref_squeeze %dma_wait3A_772 : memref<1x1x512xf32, #tpu.memory_space<vmem>> -> memref<512xf32, #tpu.memory_space<vmem>>
      %dma_wait3A_774 = arith.constant 0 : i32
      %dma_wait3A_775 = tpu.memref_slice %arg2[%dma_wait3A_767, %dma_wait3A_774] : memref<64x1000000xf32, #tpu.memory_space<hbm>> -> memref<1x1000000xf32, #tpu.memory_space<hbm>>
      %dma_wait3A_776 = tpu.memref_squeeze %dma_wait3A_775 : memref<1x1000000xf32, #tpu.memory_space<hbm>> -> memref<1000000xf32, #tpu.memory_space<hbm>>
      %dma_wait3A_777 = arith.constant 0 : i32
      %dma_wait3A_778 = tpu.memref_slice %dma_wait3A_776[%dma_wait3A_777] : memref<1000000xf32, #tpu.memory_space<hbm>> -> memref<1000000xf32, #tpu.memory_space<hbm>>
      %dma_wait3A_779 = tpu.memref_slice %arg15[%dma_wait3A_770] : memref<2x!tpu.dma_semaphore, #tpu.memory_space<semaphore_mem>> -> memref<1x!tpu.dma_semaphore, #tpu.memory_space<semaphore_mem>>
      %dma_wait3A_780 = tpu.memref_squeeze %dma_wait3A_779 : memref<1x!tpu.dma_semaphore, #tpu.memory_space<semaphore_mem>> -> memref<!tpu.dma_semaphore, #tpu.memory_space<semaphore_mem>>
      tpu.wait_indirect_dma semaphore(%dma_wait3A_780 : memref<!tpu.dma_semaphore, #tpu.memory_space<semaphore_mem>>) src(%dma_wait3A_778 : memref<1000000xf32, #tpu.memory_space<hbm>>) dst(%dma_wait3A_773 : memref<512xf32, #tpu.memory_space<vmem>>)
      %dma_wait3A_781 = arith.constant 0 : i32
      %dma_wait3A_782 = arith.constant 0 : i32
      %dma_wait3A_783 = arith.constant 2 : i32
      %dma_wait3A_784 = arith.constant 0 : i32
      %dma_wait3A_785 = arith.constant 0 : i32
      %dma_wait3A_786 = tpu.memref_slice %arg11[%dma_wait3A_782, %dma_wait3A_783, %dma_wait3A_785] : memref<2x8x512xf32, #tpu.memory_space<vmem>> -> memref<1x1x512xf32, #tpu.memory_space<vmem>>
      %dma_wait3A_787 = tpu.memref_squeeze %dma_wait3A_786 : memref<1x1x512xf32, #tpu.memory_space<vmem>> -> memref<512xf32, #tpu.memory_space<vmem>>
      %dma_wait3A_788 = arith.constant 0 : i32
      %dma_wait3A_789 = tpu.memref_slice %arg2[%dma_wait3A_781, %dma_wait3A_788] : memref<64x1000000xf32, #tpu.memory_space<hbm>> -> memref<1x1000000xf32, #tpu.memory_space<hbm>>
      %dma_wait3A_790 = tpu.memref_squeeze %dma_wait3A_789 : memref<1x1000000xf32, #tpu.memory_space<hbm>> -> memref<1000000xf32, #tpu.memory_space<hbm>>
      %dma_wait3A_791 = arith.constant 0 : i32
      %dma_wait3A_792 = tpu.memref_slice %dma_wait3A_790[%dma_wait3A_791] : memref<1000000xf32, #tpu.memory_space<hbm>> -> memref<1000000xf32, #tpu.memory_space<hbm>>
      %dma_wait3A_793 = tpu.memref_slice %arg15[%dma_wait3A_784] : memref<2x!tpu.dma_semaphore, #tpu.memory_space<semaphore_mem>> -> memref<1x!tpu.dma_semaphore, #tpu.memory_space<semaphore_mem>>
      %dma_wait3A_794 = tpu.memref_squeeze %dma_wait3A_793 : memref<1x!tpu.dma_semaphore, #tpu.memory_space<semaphore_mem>> -> memref<!tpu.dma_semaphore, #tpu.memory_space<semaphore_mem>>
      tpu.wait_indirect_dma semaphore(%dma_wait3A_794 : memref<!tpu.dma_semaphore, #tpu.memory_space<semaphore_mem>>) src(%dma_wait3A_792 : memref<1000000xf32, #tpu.memory_space<hbm>>) dst(%dma_wait3A_787 : memref<512xf32, #tpu.memory_space<vmem>>)
      %dma_wait3A_795 = arith.constant 0 : i32
      %dma_wait3A_796 = arith.constant 0 : i32
      %dma_wait3A_797 = arith.constant 2 : i32
      %dma_wait3A_798 = arith.constant 0 : i32
      %dma_wait3A_799 = arith.constant 0 : i32
      %dma_wait3A_800 = tpu.memref_slice %arg12[%dma_wait3A_796, %dma_wait3A_797, %dma_wait3A_799] : memref<2x8x512xf32, #tpu.memory_space<vmem>> -> memref<1x1x512xf32, #tpu.memory_space<vmem>>
      %dma_wait3A_801 = tpu.memref_squeeze %dma_wait3A_800 : memref<1x1x512xf32, #tpu.memory_space<vmem>> -> memref<512xf32, #tpu.memory_space<vmem>>
      %dma_wait3A_802 = arith.constant 0 : i32
      %dma_wait3A_803 = tpu.memref_slice %arg3[%dma_wait3A_795, %dma_wait3A_802] : memref<64x1000000xf32, #tpu.memory_space<hbm>> -> memref<1x1000000xf32, #tpu.memory_space<hbm>>
      %dma_wait3A_804 = tpu.memref_squeeze %dma_wait3A_803 : memref<1x1000000xf32, #tpu.memory_space<hbm>> -> memref<1000000xf32, #tpu.memory_space<hbm>>
      %dma_wait3A_805 = arith.constant 0 : i32
      %dma_wait3A_806 = tpu.memref_slice %dma_wait3A_804[%dma_wait3A_805] : memref<1000000xf32, #tpu.memory_space<hbm>> -> memref<1000000xf32, #tpu.memory_space<hbm>>
      %dma_wait3A_807 = tpu.memref_slice %arg15[%dma_wait3A_798] : memref<2x!tpu.dma_semaphore, #tpu.memory_space<semaphore_mem>> -> memref<1x!tpu.dma_semaphore, #tpu.memory_space<semaphore_mem>>
      %dma_wait3A_808 = tpu.memref_squeeze %dma_wait3A_807 : memref<1x!tpu.dma_semaphore, #tpu.memory_space<semaphore_mem>> -> memref<!tpu.dma_semaphore, #tpu.memory_space<semaphore_mem>>
      tpu.wait_indirect_dma semaphore(%dma_wait3A_808 : memref<!tpu.dma_semaphore, #tpu.memory_space<semaphore_mem>>) src(%dma_wait3A_806 : memref<1000000xf32, #tpu.memory_space<hbm>>) dst(%dma_wait3A_801 : memref<512xf32, #tpu.memory_space<vmem>>)
      %dma_wait3A_809 = arith.constant 0 : i32
      %dma_wait3A_810 = arith.constant 0 : i32
      %dma_wait3A_811 = arith.constant 2 : i32
      %dma_wait3A_812 = arith.constant 0 : i32
      %dma_wait3A_813 = arith.constant 0 : i32
      %dma_wait3A_814 = tpu.memref_slice %arg13[%dma_wait3A_810, %dma_wait3A_811, %dma_wait3A_813] : memref<2x8x512xf32, #tpu.memory_space<vmem>> -> memref<1x1x512xf32, #tpu.memory_space<vmem>>
      %dma_wait3A_815 = tpu.memref_squeeze %dma_wait3A_814 : memref<1x1x512xf32, #tpu.memory_space<vmem>> -> memref<512xf32, #tpu.memory_space<vmem>>
      %dma_wait3A_816 = arith.constant 0 : i32
      %dma_wait3A_817 = tpu.memref_slice %arg2[%dma_wait3A_809, %dma_wait3A_816] : memref<64x1000000xf32, #tpu.memory_space<hbm>> -> memref<1x1000000xf32, #tpu.memory_space<hbm>>
      %dma_wait3A_818 = tpu.memref_squeeze %dma_wait3A_817 : memref<1x1000000xf32, #tpu.memory_space<hbm>> -> memref<1000000xf32, #tpu.memory_space<hbm>>
      %dma_wait3A_819 = arith.constant 0 : i32
      %dma_wait3A_820 = tpu.memref_slice %dma_wait3A_818[%dma_wait3A_819] : memref<1000000xf32, #tpu.memory_space<hbm>> -> memref<1000000xf32, #tpu.memory_space<hbm>>
      %dma_wait3A_821 = tpu.memref_slice %arg15[%dma_wait3A_812] : memref<2x!tpu.dma_semaphore, #tpu.memory_space<semaphore_mem>> -> memref<1x!tpu.dma_semaphore, #tpu.memory_space<semaphore_mem>>
      %dma_wait3A_822 = tpu.memref_squeeze %dma_wait3A_821 : memref<1x!tpu.dma_semaphore, #tpu.memory_space<semaphore_mem>> -> memref<!tpu.dma_semaphore, #tpu.memory_space<semaphore_mem>>
      tpu.wait_indirect_dma semaphore(%dma_wait3A_822 : memref<!tpu.dma_semaphore, #tpu.memory_space<semaphore_mem>>) src(%dma_wait3A_820 : memref<1000000xf32, #tpu.memory_space<hbm>>) dst(%dma_wait3A_815 : memref<512xf32, #tpu.memory_space<vmem>>)
      %dma_wait3A_823 = arith.constant 0 : i32
      %dma_wait3A_824 = arith.constant 0 : i32
      %dma_wait3A_825 = arith.constant 3 : i32
      %dma_wait3A_826 = arith.constant 0 : i32
      %dma_wait3A_827 = arith.constant 0 : i32
      %dma_wait3A_828 = tpu.memref_slice %arg11[%dma_wait3A_824, %dma_wait3A_825, %dma_wait3A_827] : memref<2x8x512xf32, #tpu.memory_space<vmem>> -> memref<1x1x512xf32, #tpu.memory_space<vmem>>
      %dma_wait3A_829 = tpu.memref_squeeze %dma_wait3A_828 : memref<1x1x512xf32, #tpu.memory_space<vmem>> -> memref<512xf32, #tpu.memory_space<vmem>>
      %dma_wait3A_830 = arith.constant 0 : i32
      %dma_wait3A_831 = tpu.memref_slice %arg2[%dma_wait3A_823, %dma_wait3A_830] : memref<64x1000000xf32, #tpu.memory_space<hbm>> -> memref<1x1000000xf32, #tpu.memory_space<hbm>>
      %dma_wait3A_832 = tpu.memref_squeeze %dma_wait3A_831 : memref<1x1000000xf32, #tpu.memory_space<hbm>> -> memref<1000000xf32, #tpu.memory_space<hbm>>
      %dma_wait3A_833 = arith.constant 0 : i32
      %dma_wait3A_834 = tpu.memref_slice %dma_wait3A_832[%dma_wait3A_833] : memref<1000000xf32, #tpu.memory_space<hbm>> -> memref<1000000xf32, #tpu.memory_space<hbm>>
      %dma_wait3A_835 = tpu.memref_slice %arg15[%dma_wait3A_826] : memref<2x!tpu.dma_semaphore, #tpu.memory_space<semaphore_mem>> -> memref<1x!tpu.dma_semaphore, #tpu.memory_space<semaphore_mem>>
      %dma_wait3A_836 = tpu.memref_squeeze %dma_wait3A_835 : memref<1x!tpu.dma_semaphore, #tpu.memory_space<semaphore_mem>> -> memref<!tpu.dma_semaphore, #tpu.memory_space<semaphore_mem>>
      tpu.wait_indirect_dma semaphore(%dma_wait3A_836 : memref<!tpu.dma_semaphore, #tpu.memory_space<semaphore_mem>>) src(%dma_wait3A_834 : memref<1000000xf32, #tpu.memory_space<hbm>>) dst(%dma_wait3A_829 : memref<512xf32, #tpu.memory_space<vmem>>)
      %dma_wait3A_837 = arith.constant 0 : i32
      %dma_wait3A_838 = arith.constant 0 : i32
      %dma_wait3A_839 = arith.constant 3 : i32
      %dma_wait3A_840 = arith.constant 0 : i32
      %dma_wait3A_841 = arith.constant 0 : i32
      %dma_wait3A_842 = tpu.memref_slice %arg12[%dma_wait3A_838, %dma_wait3A_839, %dma_wait3A_841] : memref<2x8x512xf32, #tpu.memory_space<vmem>> -> memref<1x1x512xf32, #tpu.memory_space<vmem>>
      %dma_wait3A_843 = tpu.memref_squeeze %dma_wait3A_842 : memref<1x1x512xf32, #tpu.memory_space<vmem>> -> memref<512xf32, #tpu.memory_space<vmem>>
      %dma_wait3A_844 = arith.constant 0 : i32
      %dma_wait3A_845 = tpu.memref_slice %arg3[%dma_wait3A_837, %dma_wait3A_844] : memref<64x1000000xf32, #tpu.memory_space<hbm>> -> memref<1x1000000xf32, #tpu.memory_space<hbm>>
      %dma_wait3A_846 = tpu.memref_squeeze %dma_wait3A_845 : memref<1x1000000xf32, #tpu.memory_space<hbm>> -> memref<1000000xf32, #tpu.memory_space<hbm>>
      %dma_wait3A_847 = arith.constant 0 : i32
      %dma_wait3A_848 = tpu.memref_slice %dma_wait3A_846[%dma_wait3A_847] : memref<1000000xf32, #tpu.memory_space<hbm>> -> memref<1000000xf32, #tpu.memory_space<hbm>>
      %dma_wait3A_849 = tpu.memref_slice %arg15[%dma_wait3A_840] : memref<2x!tpu.dma_semaphore, #tpu.memory_space<semaphore_mem>> -> memref<1x!tpu.dma_semaphore, #tpu.memory_space<semaphore_mem>>
      %dma_wait3A_850 = tpu.memref_squeeze %dma_wait3A_849 : memref<1x!tpu.dma_semaphore, #tpu.memory_space<semaphore_mem>> -> memref<!tpu.dma_semaphore, #tpu.memory_space<semaphore_mem>>
      tpu.wait_indirect_dma semaphore(%dma_wait3A_850 : memref<!tpu.dma_semaphore, #tpu.memory_space<semaphore_mem>>) src(%dma_wait3A_848 : memref<1000000xf32, #tpu.memory_space<hbm>>) dst(%dma_wait3A_843 : memref<512xf32, #tpu.memory_space<vmem>>)
      %dma_wait3A_851 = arith.constant 0 : i32
      %dma_wait3A_852 = arith.constant 0 : i32
      %dma_wait3A_853 = arith.constant 3 : i32
      %dma_wait3A_854 = arith.constant 0 : i32
      %dma_wait3A_855 = arith.constant 0 : i32
      %dma_wait3A_856 = tpu.memref_slice %arg13[%dma_wait3A_852, %dma_wait3A_853, %dma_wait3A_855] : memref<2x8x512xf32, #tpu.memory_space<vmem>> -> memref<1x1x512xf32, #tpu.memory_space<vmem>>
      %dma_wait3A_857 = tpu.memref_squeeze %dma_wait3A_856 : memref<1x1x512xf32, #tpu.memory_space<vmem>> -> memref<512xf32, #tpu.memory_space<vmem>>
      %dma_wait3A_858 = arith.constant 0 : i32
      %dma_wait3A_859 = tpu.memref_slice %arg2[%dma_wait3A_851, %dma_wait3A_858] : memref<64x1000000xf32, #tpu.memory_space<hbm>> -> memref<1x1000000xf32, #tpu.memory_space<hbm>>
      %dma_wait3A_860 = tpu.memref_squeeze %dma_wait3A_859 : memref<1x1000000xf32, #tpu.memory_space<hbm>> -> memref<1000000xf32, #tpu.memory_space<hbm>>
      %dma_wait3A_861 = arith.constant 0 : i32
      %dma_wait3A_862 = tpu.memref_slice %dma_wait3A_860[%dma_wait3A_861] : memref<1000000xf32, #tpu.memory_space<hbm>> -> memref<1000000xf32, #tpu.memory_space<hbm>>
      %dma_wait3A_863 = tpu.memref_slice %arg15[%dma_wait3A_854] : memref<2x!tpu.dma_semaphore, #tpu.memory_space<semaphore_mem>> -> memref<1x!tpu.dma_semaphore, #tpu.memory_space<semaphore_mem>>
      %dma_wait3A_864 = tpu.memref_squeeze %dma_wait3A_863 : memref<1x!tpu.dma_semaphore, #tpu.memory_space<semaphore_mem>> -> memref<!tpu.dma_semaphore, #tpu.memory_space<semaphore_mem>>
      tpu.wait_indirect_dma semaphore(%dma_wait3A_864 : memref<!tpu.dma_semaphore, #tpu.memory_space<semaphore_mem>>) src(%dma_wait3A_862 : memref<1000000xf32, #tpu.memory_space<hbm>>) dst(%dma_wait3A_857 : memref<512xf32, #tpu.memory_space<vmem>>)
      %dma_wait3A_865 = arith.constant 0 : i32
      %dma_wait3A_866 = arith.constant 0 : i32
      %dma_wait3A_867 = arith.constant 4 : i32
      %dma_wait3A_868 = arith.constant 0 : i32
      %dma_wait3A_869 = arith.constant 0 : i32
      %dma_wait3A_870 = tpu.memref_slice %arg11[%dma_wait3A_866, %dma_wait3A_867, %dma_wait3A_869] : memref<2x8x512xf32, #tpu.memory_space<vmem>> -> memref<1x1x512xf32, #tpu.memory_space<vmem>>
      %dma_wait3A_871 = tpu.memref_squeeze %dma_wait3A_870 : memref<1x1x512xf32, #tpu.memory_space<vmem>> -> memref<512xf32, #tpu.memory_space<vmem>>
      %dma_wait3A_872 = arith.constant 0 : i32
      %dma_wait3A_873 = tpu.memref_slice %arg2[%dma_wait3A_865, %dma_wait3A_872] : memref<64x1000000xf32, #tpu.memory_space<hbm>> -> memref<1x1000000xf32, #tpu.memory_space<hbm>>
      %dma_wait3A_874 = tpu.memref_squeeze %dma_wait3A_873 : memref<1x1000000xf32, #tpu.memory_space<hbm>> -> memref<1000000xf32, #tpu.memory_space<hbm>>
      %dma_wait3A_875 = arith.constant 0 : i32
      %dma_wait3A_876 = tpu.memref_slice %dma_wait3A_874[%dma_wait3A_875] : memref<1000000xf32, #tpu.memory_space<hbm>> -> memref<1000000xf32, #tpu.memory_space<hbm>>
      %dma_wait3A_877 = tpu.memref_slice %arg15[%dma_wait3A_868] : memref<2x!tpu.dma_semaphore, #tpu.memory_space<semaphore_mem>> -> memref<1x!tpu.dma_semaphore, #tpu.memory_space<semaphore_mem>>
      %dma_wait3A_878 = tpu.memref_squeeze %dma_wait3A_877 : memref<1x!tpu.dma_semaphore, #tpu.memory_space<semaphore_mem>> -> memref<!tpu.dma_semaphore, #tpu.memory_space<semaphore_mem>>
      tpu.wait_indirect_dma semaphore(%dma_wait3A_878 : memref<!tpu.dma_semaphore, #tpu.memory_space<semaphore_mem>>) src(%dma_wait3A_876 : memref<1000000xf32, #tpu.memory_space<hbm>>) dst(%dma_wait3A_871 : memref<512xf32, #tpu.memory_space<vmem>>)
      %dma_wait3A_879 = arith.constant 0 : i32
      %dma_wait3A_880 = arith.constant 0 : i32
      %dma_wait3A_881 = arith.constant 4 : i32
      %dma_wait3A_882 = arith.constant 0 : i32
      %dma_wait3A_883 = arith.constant 0 : i32
      %dma_wait3A_884 = tpu.memref_slice %arg12[%dma_wait3A_880, %dma_wait3A_881, %dma_wait3A_883] : memref<2x8x512xf32, #tpu.memory_space<vmem>> -> memref<1x1x512xf32, #tpu.memory_space<vmem>>
      %dma_wait3A_885 = tpu.memref_squeeze %dma_wait3A_884 : memref<1x1x512xf32, #tpu.memory_space<vmem>> -> memref<512xf32, #tpu.memory_space<vmem>>
      %dma_wait3A_886 = arith.constant 0 : i32
      %dma_wait3A_887 = tpu.memref_slice %arg3[%dma_wait3A_879, %dma_wait3A_886] : memref<64x1000000xf32, #tpu.memory_space<hbm>> -> memref<1x1000000xf32, #tpu.memory_space<hbm>>
      %dma_wait3A_888 = tpu.memref_squeeze %dma_wait3A_887 : memref<1x1000000xf32, #tpu.memory_space<hbm>> -> memref<1000000xf32, #tpu.memory_space<hbm>>
      %dma_wait3A_889 = arith.constant 0 : i32
      %dma_wait3A_890 = tpu.memref_slice %dma_wait3A_888[%dma_wait3A_889] : memref<1000000xf32, #tpu.memory_space<hbm>> -> memref<1000000xf32, #tpu.memory_space<hbm>>
      %dma_wait3A_891 = tpu.memref_slice %arg15[%dma_wait3A_882] : memref<2x!tpu.dma_semaphore, #tpu.memory_space<semaphore_mem>> -> memref<1x!tpu.dma_semaphore, #tpu.memory_space<semaphore_mem>>
      %dma_wait3A_892 = tpu.memref_squeeze %dma_wait3A_891 : memref<1x!tpu.dma_semaphore, #tpu.memory_space<semaphore_mem>> -> memref<!tpu.dma_semaphore, #tpu.memory_space<semaphore_mem>>
      tpu.wait_indirect_dma semaphore(%dma_wait3A_892 : memref<!tpu.dma_semaphore, #tpu.memory_space<semaphore_mem>>) src(%dma_wait3A_890 : memref<1000000xf32, #tpu.memory_space<hbm>>) dst(%dma_wait3A_885 : memref<512xf32, #tpu.memory_space<vmem>>)
      %dma_wait3A_893 = arith.constant 0 : i32
      %dma_wait3A_894 = arith.constant 0 : i32
      %dma_wait3A_895 = arith.constant 4 : i32
      %dma_wait3A_896 = arith.constant 0 : i32
      %dma_wait3A_897 = arith.constant 0 : i32
      %dma_wait3A_898 = tpu.memref_slice %arg13[%dma_wait3A_894, %dma_wait3A_895, %dma_wait3A_897] : memref<2x8x512xf32, #tpu.memory_space<vmem>> -> memref<1x1x512xf32, #tpu.memory_space<vmem>>
      %dma_wait3A_899 = tpu.memref_squeeze %dma_wait3A_898 : memref<1x1x512xf32, #tpu.memory_space<vmem>> -> memref<512xf32, #tpu.memory_space<vmem>>
      %dma_wait3A_900 = arith.constant 0 : i32
      %dma_wait3A_901 = tpu.memref_slice %arg2[%dma_wait3A_893, %dma_wait3A_900] : memref<64x1000000xf32, #tpu.memory_space<hbm>> -> memref<1x1000000xf32, #tpu.memory_space<hbm>>
      %dma_wait3A_902 = tpu.memref_squeeze %dma_wait3A_901 : memref<1x1000000xf32, #tpu.memory_space<hbm>> -> memref<1000000xf32, #tpu.memory_space<hbm>>
      %dma_wait3A_903 = arith.constant 0 : i32
      %dma_wait3A_904 = tpu.memref_slice %dma_wait3A_902[%dma_wait3A_903] : memref<1000000xf32, #tpu.memory_space<hbm>> -> memref<1000000xf32, #tpu.memory_space<hbm>>
      %dma_wait3A_905 = tpu.memref_slice %arg15[%dma_wait3A_896] : memref<2x!tpu.dma_semaphore, #tpu.memory_space<semaphore_mem>> -> memref<1x!tpu.dma_semaphore, #tpu.memory_space<semaphore_mem>>
      %dma_wait3A_906 = tpu.memref_squeeze %dma_wait3A_905 : memref<1x!tpu.dma_semaphore, #tpu.memory_space<semaphore_mem>> -> memref<!tpu.dma_semaphore, #tpu.memory_space<semaphore_mem>>
      tpu.wait_indirect_dma semaphore(%dma_wait3A_906 : memref<!tpu.dma_semaphore, #tpu.memory_space<semaphore_mem>>) src(%dma_wait3A_904 : memref<1000000xf32, #tpu.memory_space<hbm>>) dst(%dma_wait3A_899 : memref<512xf32, #tpu.memory_space<vmem>>)
      %dma_wait3A_907 = arith.constant 0 : i32
      %dma_wait3A_908 = arith.constant 0 : i32
      %dma_wait3A_909 = arith.constant 5 : i32
      %dma_wait3A_910 = arith.constant 0 : i32
      %dma_wait3A_911 = arith.constant 0 : i32
      %dma_wait3A_912 = tpu.memref_slice %arg11[%dma_wait3A_908, %dma_wait3A_909, %dma_wait3A_911] : memref<2x8x512xf32, #tpu.memory_space<vmem>> -> memref<1x1x512xf32, #tpu.memory_space<vmem>>
      %dma_wait3A_913 = tpu.memref_squeeze %dma_wait3A_912 : memref<1x1x512xf32, #tpu.memory_space<vmem>> -> memref<512xf32, #tpu.memory_space<vmem>>
      %dma_wait3A_914 = arith.constant 0 : i32
      %dma_wait3A_915 = tpu.memref_slice %arg2[%dma_wait3A_907, %dma_wait3A_914] : memref<64x1000000xf32, #tpu.memory_space<hbm>> -> memref<1x1000000xf32, #tpu.memory_space<hbm>>
      %dma_wait3A_916 = tpu.memref_squeeze %dma_wait3A_915 : memref<1x1000000xf32, #tpu.memory_space<hbm>> -> memref<1000000xf32, #tpu.memory_space<hbm>>
      %dma_wait3A_917 = arith.constant 0 : i32
      %dma_wait3A_918 = tpu.memref_slice %dma_wait3A_916[%dma_wait3A_917] : memref<1000000xf32, #tpu.memory_space<hbm>> -> memref<1000000xf32, #tpu.memory_space<hbm>>
      %dma_wait3A_919 = tpu.memref_slice %arg15[%dma_wait3A_910] : memref<2x!tpu.dma_semaphore, #tpu.memory_space<semaphore_mem>> -> memref<1x!tpu.dma_semaphore, #tpu.memory_space<semaphore_mem>>
      %dma_wait3A_920 = tpu.memref_squeeze %dma_wait3A_919 : memref<1x!tpu.dma_semaphore, #tpu.memory_space<semaphore_mem>> -> memref<!tpu.dma_semaphore, #tpu.memory_space<semaphore_mem>>
      tpu.wait_indirect_dma semaphore(%dma_wait3A_920 : memref<!tpu.dma_semaphore, #tpu.memory_space<semaphore_mem>>) src(%dma_wait3A_918 : memref<1000000xf32, #tpu.memory_space<hbm>>) dst(%dma_wait3A_913 : memref<512xf32, #tpu.memory_space<vmem>>)
      %dma_wait3A_921 = arith.constant 0 : i32
      %dma_wait3A_922 = arith.constant 0 : i32
      %dma_wait3A_923 = arith.constant 5 : i32
      %dma_wait3A_924 = arith.constant 0 : i32
      %dma_wait3A_925 = arith.constant 0 : i32
      %dma_wait3A_926 = tpu.memref_slice %arg12[%dma_wait3A_922, %dma_wait3A_923, %dma_wait3A_925] : memref<2x8x512xf32, #tpu.memory_space<vmem>> -> memref<1x1x512xf32, #tpu.memory_space<vmem>>
      %dma_wait3A_927 = tpu.memref_squeeze %dma_wait3A_926 : memref<1x1x512xf32, #tpu.memory_space<vmem>> -> memref<512xf32, #tpu.memory_space<vmem>>
      %dma_wait3A_928 = arith.constant 0 : i32
      %dma_wait3A_929 = tpu.memref_slice %arg3[%dma_wait3A_921, %dma_wait3A_928] : memref<64x1000000xf32, #tpu.memory_space<hbm>> -> memref<1x1000000xf32, #tpu.memory_space<hbm>>
      %dma_wait3A_930 = tpu.memref_squeeze %dma_wait3A_929 : memref<1x1000000xf32, #tpu.memory_space<hbm>> -> memref<1000000xf32, #tpu.memory_space<hbm>>
      %dma_wait3A_931 = arith.constant 0 : i32
      %dma_wait3A_932 = tpu.memref_slice %dma_wait3A_930[%dma_wait3A_931] : memref<1000000xf32, #tpu.memory_space<hbm>> -> memref<1000000xf32, #tpu.memory_space<hbm>>
      %dma_wait3A_933 = tpu.memref_slice %arg15[%dma_wait3A_924] : memref<2x!tpu.dma_semaphore, #tpu.memory_space<semaphore_mem>> -> memref<1x!tpu.dma_semaphore, #tpu.memory_space<semaphore_mem>>
      %dma_wait3A_934 = tpu.memref_squeeze %dma_wait3A_933 : memref<1x!tpu.dma_semaphore, #tpu.memory_space<semaphore_mem>> -> memref<!tpu.dma_semaphore, #tpu.memory_space<semaphore_mem>>
      tpu.wait_indirect_dma semaphore(%dma_wait3A_934 : memref<!tpu.dma_semaphore, #tpu.memory_space<semaphore_mem>>) src(%dma_wait3A_932 : memref<1000000xf32, #tpu.memory_space<hbm>>) dst(%dma_wait3A_927 : memref<512xf32, #tpu.memory_space<vmem>>)
      %dma_wait3A_935 = arith.constant 0 : i32
      %dma_wait3A_936 = arith.constant 0 : i32
      %dma_wait3A_937 = arith.constant 5 : i32
      %dma_wait3A_938 = arith.constant 0 : i32
      %dma_wait3A_939 = arith.constant 0 : i32
      %dma_wait3A_940 = tpu.memref_slice %arg13[%dma_wait3A_936, %dma_wait3A_937, %dma_wait3A_939] : memref<2x8x512xf32, #tpu.memory_space<vmem>> -> memref<1x1x512xf32, #tpu.memory_space<vmem>>
      %dma_wait3A_941 = tpu.memref_squeeze %dma_wait3A_940 : memref<1x1x512xf32, #tpu.memory_space<vmem>> -> memref<512xf32, #tpu.memory_space<vmem>>
      %dma_wait3A_942 = arith.constant 0 : i32
      %dma_wait3A_943 = tpu.memref_slice %arg2[%dma_wait3A_935, %dma_wait3A_942] : memref<64x1000000xf32, #tpu.memory_space<hbm>> -> memref<1x1000000xf32, #tpu.memory_space<hbm>>
      %dma_wait3A_944 = tpu.memref_squeeze %dma_wait3A_943 : memref<1x1000000xf32, #tpu.memory_space<hbm>> -> memref<1000000xf32, #tpu.memory_space<hbm>>
      %dma_wait3A_945 = arith.constant 0 : i32
      %dma_wait3A_946 = tpu.memref_slice %dma_wait3A_944[%dma_wait3A_945] : memref<1000000xf32, #tpu.memory_space<hbm>> -> memref<1000000xf32, #tpu.memory_space<hbm>>
      %dma_wait3A_947 = tpu.memref_slice %arg15[%dma_wait3A_938] : memref<2x!tpu.dma_semaphore, #tpu.memory_space<semaphore_mem>> -> memref<1x!tpu.dma_semaphore, #tpu.memory_space<semaphore_mem>>
      %dma_wait3A_948 = tpu.memref_squeeze %dma_wait3A_947 : memref<1x!tpu.dma_semaphore, #tpu.memory_space<semaphore_mem>> -> memref<!tpu.dma_semaphore, #tpu.memory_space<semaphore_mem>>
      tpu.wait_indirect_dma semaphore(%dma_wait3A_948 : memref<!tpu.dma_semaphore, #tpu.memory_space<semaphore_mem>>) src(%dma_wait3A_946 : memref<1000000xf32, #tpu.memory_space<hbm>>) dst(%dma_wait3A_941 : memref<512xf32, #tpu.memory_space<vmem>>)
      %dma_wait3A_949 = arith.constant 0 : i32
      %dma_wait3A_950 = arith.constant 0 : i32
      %dma_wait3A_951 = arith.constant 6 : i32
      %dma_wait3A_952 = arith.constant 0 : i32
      %dma_wait3A_953 = arith.constant 0 : i32
      %dma_wait3A_954 = tpu.memref_slice %arg11[%dma_wait3A_950, %dma_wait3A_951, %dma_wait3A_953] : memref<2x8x512xf32, #tpu.memory_space<vmem>> -> memref<1x1x512xf32, #tpu.memory_space<vmem>>
      %dma_wait3A_955 = tpu.memref_squeeze %dma_wait3A_954 : memref<1x1x512xf32, #tpu.memory_space<vmem>> -> memref<512xf32, #tpu.memory_space<vmem>>
      %dma_wait3A_956 = arith.constant 0 : i32
      %dma_wait3A_957 = tpu.memref_slice %arg2[%dma_wait3A_949, %dma_wait3A_956] : memref<64x1000000xf32, #tpu.memory_space<hbm>> -> memref<1x1000000xf32, #tpu.memory_space<hbm>>
      %dma_wait3A_958 = tpu.memref_squeeze %dma_wait3A_957 : memref<1x1000000xf32, #tpu.memory_space<hbm>> -> memref<1000000xf32, #tpu.memory_space<hbm>>
      %dma_wait3A_959 = arith.constant 0 : i32
      %dma_wait3A_960 = tpu.memref_slice %dma_wait3A_958[%dma_wait3A_959] : memref<1000000xf32, #tpu.memory_space<hbm>> -> memref<1000000xf32, #tpu.memory_space<hbm>>
      %dma_wait3A_961 = tpu.memref_slice %arg15[%dma_wait3A_952] : memref<2x!tpu.dma_semaphore, #tpu.memory_space<semaphore_mem>> -> memref<1x!tpu.dma_semaphore, #tpu.memory_space<semaphore_mem>>
      %dma_wait3A_962 = tpu.memref_squeeze %dma_wait3A_961 : memref<1x!tpu.dma_semaphore, #tpu.memory_space<semaphore_mem>> -> memref<!tpu.dma_semaphore, #tpu.memory_space<semaphore_mem>>
      tpu.wait_indirect_dma semaphore(%dma_wait3A_962 : memref<!tpu.dma_semaphore, #tpu.memory_space<semaphore_mem>>) src(%dma_wait3A_960 : memref<1000000xf32, #tpu.memory_space<hbm>>) dst(%dma_wait3A_955 : memref<512xf32, #tpu.memory_space<vmem>>)
      %dma_wait3A_963 = arith.constant 0 : i32
      %dma_wait3A_964 = arith.constant 0 : i32
      %dma_wait3A_965 = arith.constant 6 : i32
      %dma_wait3A_966 = arith.constant 0 : i32
      %dma_wait3A_967 = arith.constant 0 : i32
      %dma_wait3A_968 = tpu.memref_slice %arg12[%dma_wait3A_964, %dma_wait3A_965, %dma_wait3A_967] : memref<2x8x512xf32, #tpu.memory_space<vmem>> -> memref<1x1x512xf32, #tpu.memory_space<vmem>>
      %dma_wait3A_969 = tpu.memref_squeeze %dma_wait3A_968 : memref<1x1x512xf32, #tpu.memory_space<vmem>> -> memref<512xf32, #tpu.memory_space<vmem>>
      %dma_wait3A_970 = arith.constant 0 : i32
      %dma_wait3A_971 = tpu.memref_slice %arg3[%dma_wait3A_963, %dma_wait3A_970] : memref<64x1000000xf32, #tpu.memory_space<hbm>> -> memref<1x1000000xf32, #tpu.memory_space<hbm>>
      %dma_wait3A_972 = tpu.memref_squeeze %dma_wait3A_971 : memref<1x1000000xf32, #tpu.memory_space<hbm>> -> memref<1000000xf32, #tpu.memory_space<hbm>>
      %dma_wait3A_973 = arith.constant 0 : i32
      %dma_wait3A_974 = tpu.memref_slice %dma_wait3A_972[%dma_wait3A_973] : memref<1000000xf32, #tpu.memory_space<hbm>> -> memref<1000000xf32, #tpu.memory_space<hbm>>
      %dma_wait3A_975 = tpu.memref_slice %arg15[%dma_wait3A_966] : memref<2x!tpu.dma_semaphore, #tpu.memory_space<semaphore_mem>> -> memref<1x!tpu.dma_semaphore, #tpu.memory_space<semaphore_mem>>
      %dma_wait3A_976 = tpu.memref_squeeze %dma_wait3A_975 : memref<1x!tpu.dma_semaphore, #tpu.memory_space<semaphore_mem>> -> memref<!tpu.dma_semaphore, #tpu.memory_space<semaphore_mem>>
      tpu.wait_indirect_dma semaphore(%dma_wait3A_976 : memref<!tpu.dma_semaphore, #tpu.memory_space<semaphore_mem>>) src(%dma_wait3A_974 : memref<1000000xf32, #tpu.memory_space<hbm>>) dst(%dma_wait3A_969 : memref<512xf32, #tpu.memory_space<vmem>>)
      %dma_wait3A_977 = arith.constant 0 : i32
      %dma_wait3A_978 = arith.constant 0 : i32
      %dma_wait3A_979 = arith.constant 6 : i32
      %dma_wait3A_980 = arith.constant 0 : i32
      %dma_wait3A_981 = arith.constant 0 : i32
      %dma_wait3A_982 = tpu.memref_slice %arg13[%dma_wait3A_978, %dma_wait3A_979, %dma_wait3A_981] : memref<2x8x512xf32, #tpu.memory_space<vmem>> -> memref<1x1x512xf32, #tpu.memory_space<vmem>>
      %dma_wait3A_983 = tpu.memref_squeeze %dma_wait3A_982 : memref<1x1x512xf32, #tpu.memory_space<vmem>> -> memref<512xf32, #tpu.memory_space<vmem>>
      %dma_wait3A_984 = arith.constant 0 : i32
      %dma_wait3A_985 = tpu.memref_slice %arg2[%dma_wait3A_977, %dma_wait3A_984] : memref<64x1000000xf32, #tpu.memory_space<hbm>> -> memref<1x1000000xf32, #tpu.memory_space<hbm>>
      %dma_wait3A_986 = tpu.memref_squeeze %dma_wait3A_985 : memref<1x1000000xf32, #tpu.memory_space<hbm>> -> memref<1000000xf32, #tpu.memory_space<hbm>>
      %dma_wait3A_987 = arith.constant 0 : i32
      %dma_wait3A_988 = tpu.memref_slice %dma_wait3A_986[%dma_wait3A_987] : memref<1000000xf32, #tpu.memory_space<hbm>> -> memref<1000000xf32, #tpu.memory_space<hbm>>
      %dma_wait3A_989 = tpu.memref_slice %arg15[%dma_wait3A_980] : memref<2x!tpu.dma_semaphore, #tpu.memory_space<semaphore_mem>> -> memref<1x!tpu.dma_semaphore, #tpu.memory_space<semaphore_mem>>
      %dma_wait3A_990 = tpu.memref_squeeze %dma_wait3A_989 : memref<1x!tpu.dma_semaphore, #tpu.memory_space<semaphore_mem>> -> memref<!tpu.dma_semaphore, #tpu.memory_space<semaphore_mem>>
      tpu.wait_indirect_dma semaphore(%dma_wait3A_990 : memref<!tpu.dma_semaphore, #tpu.memory_space<semaphore_mem>>) src(%dma_wait3A_988 : memref<1000000xf32, #tpu.memory_space<hbm>>) dst(%dma_wait3A_983 : memref<512xf32, #tpu.memory_space<vmem>>)
      %dma_wait3A_991 = arith.constant 0 : i32
      %dma_wait3A_992 = arith.constant 0 : i32
      %dma_wait3A_993 = arith.constant 7 : i32
      %dma_wait3A_994 = arith.constant 0 : i32
      %dma_wait3A_995 = arith.constant 0 : i32
      %dma_wait3A_996 = tpu.memref_slice %arg11[%dma_wait3A_992, %dma_wait3A_993, %dma_wait3A_995] : memref<2x8x512xf32, #tpu.memory_space<vmem>> -> memref<1x1x512xf32, #tpu.memory_space<vmem>>
      %dma_wait3A_997 = tpu.memref_squeeze %dma_wait3A_996 : memref<1x1x512xf32, #tpu.memory_space<vmem>> -> memref<512xf32, #tpu.memory_space<vmem>>
      %dma_wait3A_998 = arith.constant 0 : i32
      %dma_wait3A_999 = tpu.memref_slice %arg2[%dma_wait3A_991, %dma_wait3A_998] : memref<64x1000000xf32, #tpu.memory_space<hbm>> -> memref<1x1000000xf32, #tpu.memory_space<hbm>>
      %dma_wait3A_1000 = tpu.memref_squeeze %dma_wait3A_999 : memref<1x1000000xf32, #tpu.memory_space<hbm>> -> memref<1000000xf32, #tpu.memory_space<hbm>>
      %dma_wait3A_1001 = arith.constant 0 : i32
      %dma_wait3A_1002 = tpu.memref_slice %dma_wait3A_1000[%dma_wait3A_1001] : memref<1000000xf32, #tpu.memory_space<hbm>> -> memref<1000000xf32, #tpu.memory_space<hbm>>
      %dma_wait3A_1003 = tpu.memref_slice %arg15[%dma_wait3A_994] : memref<2x!tpu.dma_semaphore, #tpu.memory_space<semaphore_mem>> -> memref<1x!tpu.dma_semaphore, #tpu.memory_space<semaphore_mem>>
      %dma_wait3A_1004 = tpu.memref_squeeze %dma_wait3A_1003 : memref<1x!tpu.dma_semaphore, #tpu.memory_space<semaphore_mem>> -> memref<!tpu.dma_semaphore, #tpu.memory_space<semaphore_mem>>
      tpu.wait_indirect_dma semaphore(%dma_wait3A_1004 : memref<!tpu.dma_semaphore, #tpu.memory_space<semaphore_mem>>) src(%dma_wait3A_1002 : memref<1000000xf32, #tpu.memory_space<hbm>>) dst(%dma_wait3A_997 : memref<512xf32, #tpu.memory_space<vmem>>)
      %dma_wait3A_1005 = arith.constant 0 : i32
      %dma_wait3A_1006 = arith.constant 0 : i32
      %dma_wait3A_1007 = arith.constant 7 : i32
      %dma_wait3A_1008 = arith.constant 0 : i32
      %dma_wait3A_1009 = arith.constant 0 : i32
      %dma_wait3A_1010 = tpu.memref_slice %arg12[%dma_wait3A_1006, %dma_wait3A_1007, %dma_wait3A_1009] : memref<2x8x512xf32, #tpu.memory_space<vmem>> -> memref<1x1x512xf32, #tpu.memory_space<vmem>>
      %dma_wait3A_1011 = tpu.memref_squeeze %dma_wait3A_1010 : memref<1x1x512xf32, #tpu.memory_space<vmem>> -> memref<512xf32, #tpu.memory_space<vmem>>
      %dma_wait3A_1012 = arith.constant 0 : i32
      %dma_wait3A_1013 = tpu.memref_slice %arg3[%dma_wait3A_1005, %dma_wait3A_1012] : memref<64x1000000xf32, #tpu.memory_space<hbm>> -> memref<1x1000000xf32, #tpu.memory_space<hbm>>
      %dma_wait3A_1014 = tpu.memref_squeeze %dma_wait3A_1013 : memref<1x1000000xf32, #tpu.memory_space<hbm>> -> memref<1000000xf32, #tpu.memory_space<hbm>>
      %dma_wait3A_1015 = arith.constant 0 : i32
      %dma_wait3A_1016 = tpu.memref_slice %dma_wait3A_1014[%dma_wait3A_1015] : memref<1000000xf32, #tpu.memory_space<hbm>> -> memref<1000000xf32, #tpu.memory_space<hbm>>
      %dma_wait3A_1017 = tpu.memref_slice %arg15[%dma_wait3A_1008] : memref<2x!tpu.dma_semaphore, #tpu.memory_space<semaphore_mem>> -> memref<1x!tpu.dma_semaphore, #tpu.memory_space<semaphore_mem>>
      %dma_wait3A_1018 = tpu.memref_squeeze %dma_wait3A_1017 : memref<1x!tpu.dma_semaphore, #tpu.memory_space<semaphore_mem>> -> memref<!tpu.dma_semaphore, #tpu.memory_space<semaphore_mem>>
      tpu.wait_indirect_dma semaphore(%dma_wait3A_1018 : memref<!tpu.dma_semaphore, #tpu.memory_space<semaphore_mem>>) src(%dma_wait3A_1016 : memref<1000000xf32, #tpu.memory_space<hbm>>) dst(%dma_wait3A_1011 : memref<512xf32, #tpu.memory_space<vmem>>)
      %dma_wait3A_1019 = arith.constant 0 : i32
      %dma_wait3A_1020 = arith.constant 0 : i32
      %dma_wait3A_1021 = arith.constant 7 : i32
      %dma_wait3A_1022 = arith.constant 0 : i32
      %dma_wait3A_1023 = arith.constant 0 : i32
      %dma_wait3A_1024 = tpu.memref_slice %arg13[%dma_wait3A_1020, %dma_wait3A_1021, %dma_wait3A_1023] : memref<2x8x512xf32, #tpu.memory_space<vmem>> -> memref<1x1x512xf32, #tpu.memory_space<vmem>>
      %dma_wait3A_1025 = tpu.memref_squeeze %dma_wait3A_1024 : memref<1x1x512xf32, #tpu.memory_space<vmem>> -> memref<512xf32, #tpu.memory_space<vmem>>
      %dma_wait3A_1026 = arith.constant 0 : i32
      %dma_wait3A_1027 = tpu.memref_slice %arg2[%dma_wait3A_1019, %dma_wait3A_1026] : memref<64x1000000xf32, #tpu.memory_space<hbm>> -> memref<1x1000000xf32, #tpu.memory_space<hbm>>
      %dma_wait3A_1028 = tpu.memref_squeeze %dma_wait3A_1027 : memref<1x1000000xf32, #tpu.memory_space<hbm>> -> memref<1000000xf32, #tpu.memory_space<hbm>>
      %dma_wait3A_1029 = arith.constant 0 : i32
      %dma_wait3A_1030 = tpu.memref_slice %dma_wait3A_1028[%dma_wait3A_1029] : memref<1000000xf32, #tpu.memory_space<hbm>> -> memref<1000000xf32, #tpu.memory_space<hbm>>
      %dma_wait3A_1031 = tpu.memref_slice %arg15[%dma_wait3A_1022] : memref<2x!tpu.dma_semaphore, #tpu.memory_space<semaphore_mem>> -> memref<1x!tpu.dma_semaphore, #tpu.memory_space<semaphore_mem>>
      %dma_wait3A_1032 = tpu.memref_squeeze %dma_wait3A_1031 : memref<1x!tpu.dma_semaphore, #tpu.memory_space<semaphore_mem>> -> memref<!tpu.dma_semaphore, #tpu.memory_space<semaphore_mem>>
      tpu.wait_indirect_dma semaphore(%dma_wait3A_1032 : memref<!tpu.dma_semaphore, #tpu.memory_space<semaphore_mem>>) src(%dma_wait3A_1030 : memref<1000000xf32, #tpu.memory_space<hbm>>) dst(%dma_wait3A_1025 : memref<512xf32, #tpu.memory_space<vmem>>)
      %scan3A_1033 = arith.constant 0 : i32
      %scan3A_1034 = arith.constant 0 : i32
      %scan3A_1035 = arith.constant 32 : i32
      %scan3A_1036 = arith.addi %scan3A_1034, %scan3A_1035 : i32
      %scan3A_1037 = arith.constant 1 : i32
      scf.for %scan3A_1385 = %scan3A_1034 to %scan3A_1036 step %scan3A_1037  : i32 {
        %mul3A_1386 = arith.constant 16 : i32
        %mul3A_1387 = arith.muli %scan3A_1385, %mul3A_1386 : i32
        %get3A = arith.index_cast %mul3A_1387 : i32 to index
        %get3A_1388 = tpu.vector_load %arg14[%get3A] {strides = array<i32>} : memref<512xf32, #tpu.memory_space<vmem>>, vector<16xf32>,
        %get3A_1389 = arith.constant 0 : i32
        %get3A_1390 = arith.constant 0 : i32
        %get3A_1391 = arith.index_cast %get3A_1389 : i32 to index
        %get3A_1392 = arith.index_cast %get3A_1390 : i32 to index
        %get3A_1393 = arith.index_cast %mul3A_1387 : i32 to index
        %get3A_1394 = tpu.vector_load %arg11[%get3A_1391, %get3A_1392, %get3A_1393] {strides = array<i32>} : memref<2x8x512xf32, #tpu.memory_space<vmem>>, vector<16xf32>,
        %get3A_1395 = arith.constant 0 : i32
        %get3A_1396 = arith.constant 0 : i32
        %get3A_1397 = arith.index_cast %get3A_1395 : i32 to index
        %get3A_1398 = arith.index_cast %get3A_1396 : i32 to index
        %get3A_1399 = arith.index_cast %mul3A_1387 : i32 to index
        %get3A_1400 = tpu.vector_load %arg12[%get3A_1397, %get3A_1398, %get3A_1399] {strides = array<i32>} : memref<2x8x512xf32, #tpu.memory_space<vmem>>, vector<16xf32>,
        %mul3A_1401 = arith.mulf %get3A_1394, %get3A_1400 : vector<16xf32>
        %get3A_1402 = arith.constant 0 : i32
        %get3A_1403 = arith.constant 0 : i32
        %get3A_1404 = arith.index_cast %get3A_1402 : i32 to index
        %get3A_1405 = arith.index_cast %get3A_1403 : i32 to index
        %get3A_1406 = arith.index_cast %mul3A_1387 : i32 to index
        %get3A_1407 = tpu.vector_load %arg13[%get3A_1404, %get3A_1405, %get3A_1406] {strides = array<i32>} : memref<2x8x512xf32, #tpu.memory_space<vmem>>, vector<16xf32>,
        %mul3A_1408 = arith.mulf %mul3A_1401, %get3A_1407 : vector<16xf32>
        %add3A_1409 = arith.addf %get3A_1388, %mul3A_1408 : vector<16xf32>
        %get3A_1410 = arith.constant 0 : i32
        %get3A_1411 = arith.constant 1 : i32
        %get3A_1412 = arith.index_cast %get3A_1410 : i32 to index
        %get3A_1413 = arith.index_cast %get3A_1411 : i32 to index
        %get3A_1414 = arith.index_cast %mul3A_1387 : i32 to index
        %get3A_1415 = tpu.vector_load %arg11[%get3A_1412, %get3A_1413, %get3A_1414] {strides = array<i32>} : memref<2x8x512xf32, #tpu.memory_space<vmem>>, vector<16xf32>,
        %get3A_1416 = arith.constant 0 : i32
        %get3A_1417 = arith.constant 1 : i32
        %get3A_1418 = arith.index_cast %get3A_1416 : i32 to index
        %get3A_1419 = arith.index_cast %get3A_1417 : i32 to index
        %get3A_1420 = arith.index_cast %mul3A_1387 : i32 to index
        %get3A_1421 = tpu.vector_load %arg12[%get3A_1418, %get3A_1419, %get3A_1420] {strides = array<i32>} : memref<2x8x512xf32, #tpu.memory_space<vmem>>, vector<16xf32>,
        %mul3A_1422 = arith.mulf %get3A_1415, %get3A_1421 : vector<16xf32>
        %get3A_1423 = arith.constant 0 : i32
        %get3A_1424 = arith.constant 1 : i32
        %get3A_1425 = arith.index_cast %get3A_1423 : i32 to index
        %get3A_1426 = arith.index_cast %get3A_1424 : i32 to index
        %get3A_1427 = arith.index_cast %mul3A_1387 : i32 to index
        %get3A_1428 = tpu.vector_load %arg13[%get3A_1425, %get3A_1426, %get3A_1427] {strides = array<i32>} : memref<2x8x512xf32, #tpu.memory_space<vmem>>, vector<16xf32>,
        %mul3A_1429 = arith.mulf %mul3A_1422, %get3A_1428 : vector<16xf32>
        %add3A_1430 = arith.addf %add3A_1409, %mul3A_1429 : vector<16xf32>
        %get3A_1431 = arith.constant 0 : i32
        %get3A_1432 = arith.constant 2 : i32
        %get3A_1433 = arith.index_cast %get3A_1431 : i32 to index
        %get3A_1434 = arith.index_cast %get3A_1432 : i32 to index
        %get3A_1435 = arith.index_cast %mul3A_1387 : i32 to index
        %get3A_1436 = tpu.vector_load %arg11[%get3A_1433, %get3A_1434, %get3A_1435] {strides = array<i32>} : memref<2x8x512xf32, #tpu.memory_space<vmem>>, vector<16xf32>,
        %get3A_1437 = arith.constant 0 : i32
        %get3A_1438 = arith.constant 2 : i32
        %get3A_1439 = arith.index_cast %get3A_1437 : i32 to index
        %get3A_1440 = arith.index_cast %get3A_1438 : i32 to index
        %get3A_1441 = arith.index_cast %mul3A_1387 : i32 to index
        %get3A_1442 = tpu.vector_load %arg12[%get3A_1439, %get3A_1440, %get3A_1441] {strides = array<i32>} : memref<2x8x512xf32, #tpu.memory_space<vmem>>, vector<16xf32>,
        %mul3A_1443 = arith.mulf %get3A_1436, %get3A_1442 : vector<16xf32>
        %get3A_1444 = arith.constant 0 : i32
        %get3A_1445 = arith.constant 2 : i32
        %get3A_1446 = arith.index_cast %get3A_1444 : i32 to index
        %get3A_1447 = arith.index_cast %get3A_1445 : i32 to index
        %get3A_1448 = arith.index_cast %mul3A_1387 : i32 to index
        %get3A_1449 = tpu.vector_load %arg13[%get3A_1446, %get3A_1447, %get3A_1448] {strides = array<i32>} : memref<2x8x512xf32, #tpu.memory_space<vmem>>, vector<16xf32>,
        %mul3A_1450 = arith.mulf %mul3A_1443, %get3A_1449 : vector<16xf32>
        %add3A_1451 = arith.addf %add3A_1430, %mul3A_1450 : vector<16xf32>
        %get3A_1452 = arith.constant 0 : i32
        %get3A_1453 = arith.constant 3 : i32
        %get3A_1454 = arith.index_cast %get3A_1452 : i32 to index
        %get3A_1455 = arith.index_cast %get3A_1453 : i32 to index
        %get3A_1456 = arith.index_cast %mul3A_1387 : i32 to index
        %get3A_1457 = tpu.vector_load %arg11[%get3A_1454, %get3A_1455, %get3A_1456] {strides = array<i32>} : memref<2x8x512xf32, #tpu.memory_space<vmem>>, vector<16xf32>,
        %get3A_1458 = arith.constant 0 : i32
        %get3A_1459 = arith.constant 3 : i32
        %get3A_1460 = arith.index_cast %get3A_1458 : i32 to index
        %get3A_1461 = arith.index_cast %get3A_1459 : i32 to index
        %get3A_1462 = arith.index_cast %mul3A_1387 : i32 to index
        %get3A_1463 = tpu.vector_load %arg12[%get3A_1460, %get3A_1461, %get3A_1462] {strides = array<i32>} : memref<2x8x512xf32, #tpu.memory_space<vmem>>, vector<16xf32>,
        %mul3A_1464 = arith.mulf %get3A_1457, %get3A_1463 : vector<16xf32>
        %get3A_1465 = arith.constant 0 : i32
        %get3A_1466 = arith.constant 3 : i32
        %get3A_1467 = arith.index_cast %get3A_1465 : i32 to index
        %get3A_1468 = arith.index_cast %get3A_1466 : i32 to index
        %get3A_1469 = arith.index_cast %mul3A_1387 : i32 to index
        %get3A_1470 = tpu.vector_load %arg13[%get3A_1467, %get3A_1468, %get3A_1469] {strides = array<i32>} : memref<2x8x512xf32, #tpu.memory_space<vmem>>, vector<16xf32>,
        %mul3A_1471 = arith.mulf %mul3A_1464, %get3A_1470 : vector<16xf32>
        %add3A_1472 = arith.addf %add3A_1451, %mul3A_1471 : vector<16xf32>
        %get3A_1473 = arith.constant 0 : i32
        %get3A_1474 = arith.constant 4 : i32
        %get3A_1475 = arith.index_cast %get3A_1473 : i32 to index
        %get3A_1476 = arith.index_cast %get3A_1474 : i32 to index
        %get3A_1477 = arith.index_cast %mul3A_1387 : i32 to index
        %get3A_1478 = tpu.vector_load %arg11[%get3A_1475, %get3A_1476, %get3A_1477] {strides = array<i32>} : memref<2x8x512xf32, #tpu.memory_space<vmem>>, vector<16xf32>,
        %get3A_1479 = arith.constant 0 : i32
        %get3A_1480 = arith.constant 4 : i32
        %get3A_1481 = arith.index_cast %get3A_1479 : i32 to index
        %get3A_1482 = arith.index_cast %get3A_1480 : i32 to index
        %get3A_1483 = arith.index_cast %mul3A_1387 : i32 to index
        %get3A_1484 = tpu.vector_load %arg12[%get3A_1481, %get3A_1482, %get3A_1483] {strides = array<i32>} : memref<2x8x512xf32, #tpu.memory_space<vmem>>, vector<16xf32>,
        %mul3A_1485 = arith.mulf %get3A_1478, %get3A_1484 : vector<16xf32>
        %get3A_1486 = arith.constant 0 : i32
        %get3A_1487 = arith.constant 4 : i32
        %get3A_1488 = arith.index_cast %get3A_1486 : i32 to index
        %get3A_1489 = arith.index_cast %get3A_1487 : i32 to index
        %get3A_1490 = arith.index_cast %mul3A_1387 : i32 to index
        %get3A_1491 = tpu.vector_load %arg13[%get3A_1488, %get3A_1489, %get3A_1490] {strides = array<i32>} : memref<2x8x512xf32, #tpu.memory_space<vmem>>, vector<16xf32>,
        %mul3A_1492 = arith.mulf %mul3A_1485, %get3A_1491 : vector<16xf32>
        %add3A_1493 = arith.addf %add3A_1472, %mul3A_1492 : vector<16xf32>
        %get3A_1494 = arith.constant 0 : i32
        %get3A_1495 = arith.constant 5 : i32
        %get3A_1496 = arith.index_cast %get3A_1494 : i32 to index
        %get3A_1497 = arith.index_cast %get3A_1495 : i32 to index
        %get3A_1498 = arith.index_cast %mul3A_1387 : i32 to index
        %get3A_1499 = tpu.vector_load %arg11[%get3A_1496, %get3A_1497, %get3A_1498] {strides = array<i32>} : memref<2x8x512xf32, #tpu.memory_space<vmem>>, vector<16xf32>,
        %get3A_1500 = arith.constant 0 : i32
        %get3A_1501 = arith.constant 5 : i32
        %get3A_1502 = arith.index_cast %get3A_1500 : i32 to index
        %get3A_1503 = arith.index_cast %get3A_1501 : i32 to index
        %get3A_1504 = arith.index_cast %mul3A_1387 : i32 to index
        %get3A_1505 = tpu.vector_load %arg12[%get3A_1502, %get3A_1503, %get3A_1504] {strides = array<i32>} : memref<2x8x512xf32, #tpu.memory_space<vmem>>, vector<16xf32>,
        %mul3A_1506 = arith.mulf %get3A_1499, %get3A_1505 : vector<16xf32>
        %get3A_1507 = arith.constant 0 : i32
        %get3A_1508 = arith.constant 5 : i32
        %get3A_1509 = arith.index_cast %get3A_1507 : i32 to index
        %get3A_1510 = arith.index_cast %get3A_1508 : i32 to index
        %get3A_1511 = arith.index_cast %mul3A_1387 : i32 to index
        %get3A_1512 = tpu.vector_load %arg13[%get3A_1509, %get3A_1510, %get3A_1511] {strides = array<i32>} : memref<2x8x512xf32, #tpu.memory_space<vmem>>, vector<16xf32>,
        %mul3A_1513 = arith.mulf %mul3A_1506, %get3A_1512 : vector<16xf32>
        %add3A_1514 = arith.addf %add3A_1493, %mul3A_1513 : vector<16xf32>
        %get3A_1515 = arith.constant 0 : i32
        %get3A_1516 = arith.constant 6 : i32
        %get3A_1517 = arith.index_cast %get3A_1515 : i32 to index
        %get3A_1518 = arith.index_cast %get3A_1516 : i32 to index
        %get3A_1519 = arith.index_cast %mul3A_1387 : i32 to index
        %get3A_1520 = tpu.vector_load %arg11[%get3A_1517, %get3A_1518, %get3A_1519] {strides = array<i32>} : memref<2x8x512xf32, #tpu.memory_space<vmem>>, vector<16xf32>,
        %get3A_1521 = arith.constant 0 : i32
        %get3A_1522 = arith.constant 6 : i32
        %get3A_1523 = arith.index_cast %get3A_1521 : i32 to index
        %get3A_1524 = arith.index_cast %get3A_1522 : i32 to index
        %get3A_1525 = arith.index_cast %mul3A_1387 : i32 to index
        %get3A_1526 = tpu.vector_load %arg12[%get3A_1523, %get3A_1524, %get3A_1525] {strides = array<i32>} : memref<2x8x512xf32, #tpu.memory_space<vmem>>, vector<16xf32>,
        %mul3A_1527 = arith.mulf %get3A_1520, %get3A_1526 : vector<16xf32>
        %get3A_1528 = arith.constant 0 : i32
        %get3A_1529 = arith.constant 6 : i32
        %get3A_1530 = arith.index_cast %get3A_1528 : i32 to index
        %get3A_1531 = arith.index_cast %get3A_1529 : i32 to index
        %get3A_1532 = arith.index_cast %mul3A_1387 : i32 to index
        %get3A_1533 = tpu.vector_load %arg13[%get3A_1530, %get3A_1531, %get3A_1532] {strides = array<i32>} : memref<2x8x512xf32, #tpu.memory_space<vmem>>, vector<16xf32>,
        %mul3A_1534 = arith.mulf %mul3A_1527, %get3A_1533 : vector<16xf32>
        %add3A_1535 = arith.addf %add3A_1514, %mul3A_1534 : vector<16xf32>
        %get3A_1536 = arith.constant 0 : i32
        %get3A_1537 = arith.constant 7 : i32
        %get3A_1538 = arith.index_cast %get3A_1536 : i32 to index
        %get3A_1539 = arith.index_cast %get3A_1537 : i32 to index
        %get3A_1540 = arith.index_cast %mul3A_1387 : i32 to index
        %get3A_1541 = tpu.vector_load %arg11[%get3A_1538, %get3A_1539, %get3A_1540] {strides = array<i32>} : memref<2x8x512xf32, #tpu.memory_space<vmem>>, vector<16xf32>,
        %get3A_1542 = arith.constant 0 : i32
        %get3A_1543 = arith.constant 7 : i32
        %get3A_1544 = arith.index_cast %get3A_1542 : i32 to index
        %get3A_1545 = arith.index_cast %get3A_1543 : i32 to index
        %get3A_1546 = arith.index_cast %mul3A_1387 : i32 to index
        %get3A_1547 = tpu.vector_load %arg12[%get3A_1544, %get3A_1545, %get3A_1546] {strides = array<i32>} : memref<2x8x512xf32, #tpu.memory_space<vmem>>, vector<16xf32>,
        %mul3A_1548 = arith.mulf %get3A_1541, %get3A_1547 : vector<16xf32>
        %get3A_1549 = arith.constant 0 : i32
        %get3A_1550 = arith.constant 7 : i32
        %get3A_1551 = arith.index_cast %get3A_1549 : i32 to index
        %get3A_1552 = arith.index_cast %get3A_1550 : i32 to index
        %get3A_1553 = arith.index_cast %mul3A_1387 : i32 to index
        %get3A_1554 = tpu.vector_load %arg13[%get3A_1551, %get3A_1552, %get3A_1553] {strides = array<i32>} : memref<2x8x512xf32, #tpu.memory_space<vmem>>, vector<16xf32>,
        %mul3A_1555 = arith.mulf %mul3A_1548, %get3A_1554 : vector<16xf32>
        %add3A_1556 = arith.addf %add3A_1535, %mul3A_1555 : vector<16xf32>
        %swap3A = arith.index_cast %mul3A_1387 : i32 to index
        %swap3A_1557 = tpu.vector_load %arg14[%swap3A] {strides = array<i32>} : memref<512xf32, #tpu.memory_space<vmem>>, vector<16xf32>,
        tpu.vector_store %arg14[%swap3A], %add3A_1556 {strides = array<i32>} : memref<512xf32, #tpu.memory_space<vmem>>, vector<16xf32>,
      }
      %scan3A_1038 = arith.constant 32 : i32
      %add3A_1039 = arith.constant 2 : i32
      %add3A_1040 = arith.addi %mul3A_351, %add3A_1039 : i32
      %lt3A = arith.constant 8 : i32
      %lt3A_1041 = arith.cmpi slt, %add3A_1040, %lt3A : i32
      %convert_element_type3A = arith.extui %lt3A_1041 : i1 to i32
      %cond3A = arith.constant 0 : i32
      %cond3A_1042 = arith.cmpi ne, %convert_element_type3A, %cond3A : i32
      scf.if %cond3A_1042 {
        %add3A_1385 = arith.constant 2 : i32
        %add3A_1386 = arith.addi %mul3A_351, %add3A_1385 : i32
        %mul3A_1387 = arith.constant 8 : i32
        %mul3A_1388 = arith.muli %add3A_1386, %mul3A_1387 : i32
        %add3A_1389 = arith.constant 0 : i32
        %add3A_1390 = arith.addi %mul3A_1388, %add3A_1389 : i32
        %dma_start3A_1391 = arith.constant 0 : i32
        %dma_start3A_1392 = arith.constant 0 : i32
        %dma_start3A_1393 = arith.constant 0 : i32
        %dma_start3A_1394 = arith.constant 0 : i32
        %dma_start3A_1395 = tpu.memref_slice %arg11[%dma_start3A_1391, %dma_start3A_1392, %dma_start3A_1394] : memref<2x8x512xf32, #tpu.memory_space<vmem>> -> memref<1x1x512xf32, #tpu.memory_space<vmem>>
        %dma_start3A_1396 = tpu.memref_squeeze %dma_start3A_1395 : memref<1x1x512xf32, #tpu.memory_space<vmem>> -> memref<512xf32, #tpu.memory_space<vmem>>
        %dma_start3A_1397 = arith.constant 0 : i32
        %dma_start3A_1398 = tpu.memref_slice %arg2[%add3A_1390, %dma_start3A_1397] : memref<64x1000000xf32, #tpu.memory_space<hbm>> -> memref<1x1000000xf32, #tpu.memory_space<hbm>>
        %dma_start3A_1399 = tpu.memref_squeeze %dma_start3A_1398 : memref<1x1000000xf32, #tpu.memory_space<hbm>> -> memref<1000000xf32, #tpu.memory_space<hbm>>
        %dma_start3A_1400 = arith.constant 0 : i32
        %dma_start3A_1401 = tpu.memref_slice %dma_start3A_1399[%dma_start3A_1400] : memref<1000000xf32, #tpu.memory_space<hbm>> -> memref<1000000xf32, #tpu.memory_space<hbm>>
        %dma_start3A_1402 = tpu.memref_slice %arg15[%dma_start3A_1393] : memref<2x!tpu.dma_semaphore, #tpu.memory_space<semaphore_mem>> -> memref<1x!tpu.dma_semaphore, #tpu.memory_space<semaphore_mem>>
        %dma_start3A_1403 = tpu.memref_squeeze %dma_start3A_1402 : memref<1x!tpu.dma_semaphore, #tpu.memory_space<semaphore_mem>> -> memref<!tpu.dma_semaphore, #tpu.memory_space<semaphore_mem>>
        tpu.enqueue_indirect_dma source(%dma_start3A_1401 : memref<1000000xf32, #tpu.memory_space<hbm>>) target(%dma_start3A_1396 : memref<512xf32, #tpu.memory_space<vmem>>) offsets(%arg8 : memref<512xi32, #tpu.memory_space<vmem>>) semaphore(%dma_start3A_1403 : memref<!tpu.dma_semaphore, #tpu.memory_space<semaphore_mem>>)
        %dma_start3A_1404 = arith.constant 0 : i32
        %dma_start3A_1405 = arith.constant 0 : i32
        %dma_start3A_1406 = arith.constant 0 : i32
        %dma_start3A_1407 = arith.constant 0 : i32
        %dma_start3A_1408 = tpu.memref_slice %arg12[%dma_start3A_1404, %dma_start3A_1405, %dma_start3A_1407] : memref<2x8x512xf32, #tpu.memory_space<vmem>> -> memref<1x1x512xf32, #tpu.memory_space<vmem>>
        %dma_start3A_1409 = tpu.memref_squeeze %dma_start3A_1408 : memref<1x1x512xf32, #tpu.memory_space<vmem>> -> memref<512xf32, #tpu.memory_space<vmem>>
        %dma_start3A_1410 = arith.constant 0 : i32
        %dma_start3A_1411 = tpu.memref_slice %arg3[%add3A_1390, %dma_start3A_1410] : memref<64x1000000xf32, #tpu.memory_space<hbm>> -> memref<1x1000000xf32, #tpu.memory_space<hbm>>
        %dma_start3A_1412 = tpu.memref_squeeze %dma_start3A_1411 : memref<1x1000000xf32, #tpu.memory_space<hbm>> -> memref<1000000xf32, #tpu.memory_space<hbm>>
        %dma_start3A_1413 = arith.constant 0 : i32
        %dma_start3A_1414 = tpu.memref_slice %dma_start3A_1412[%dma_start3A_1413] : memref<1000000xf32, #tpu.memory_space<hbm>> -> memref<1000000xf32, #tpu.memory_space<hbm>>
        %dma_start3A_1415 = tpu.memref_slice %arg15[%dma_start3A_1406] : memref<2x!tpu.dma_semaphore, #tpu.memory_space<semaphore_mem>> -> memref<1x!tpu.dma_semaphore, #tpu.memory_space<semaphore_mem>>
        %dma_start3A_1416 = tpu.memref_squeeze %dma_start3A_1415 : memref<1x!tpu.dma_semaphore, #tpu.memory_space<semaphore_mem>> -> memref<!tpu.dma_semaphore, #tpu.memory_space<semaphore_mem>>
        tpu.enqueue_indirect_dma source(%dma_start3A_1414 : memref<1000000xf32, #tpu.memory_space<hbm>>) target(%dma_start3A_1409 : memref<512xf32, #tpu.memory_space<vmem>>) offsets(%arg9 : memref<512xi32, #tpu.memory_space<vmem>>) semaphore(%dma_start3A_1416 : memref<!tpu.dma_semaphore, #tpu.memory_space<semaphore_mem>>)
        %dma_start3A_1417 = arith.constant 0 : i32
        %dma_start3A_1418 = arith.constant 0 : i32
        %dma_start3A_1419 = arith.constant 0 : i32
        %dma_start3A_1420 = arith.constant 0 : i32
        %dma_start3A_1421 = tpu.memref_slice %arg13[%dma_start3A_1417, %dma_start3A_1418, %dma_start3A_1420] : memref<2x8x512xf32, #tpu.memory_space<vmem>> -> memref<1x1x512xf32, #tpu.memory_space<vmem>>
        %dma_start3A_1422 = tpu.memref_squeeze %dma_start3A_1421 : memref<1x1x512xf32, #tpu.memory_space<vmem>> -> memref<512xf32, #tpu.memory_space<vmem>>
        %dma_start3A_1423 = arith.constant 0 : i32
        %dma_start3A_1424 = tpu.memref_slice %arg2[%add3A_1390, %dma_start3A_1423] : memref<64x1000000xf32, #tpu.memory_space<hbm>> -> memref<1x1000000xf32, #tpu.memory_space<hbm>>
        %dma_start3A_1425 = tpu.memref_squeeze %dma_start3A_1424 : memref<1x1000000xf32, #tpu.memory_space<hbm>> -> memref<1000000xf32, #tpu.memory_space<hbm>>
        %dma_start3A_1426 = arith.constant 0 : i32
        %dma_start3A_1427 = tpu.memref_slice %dma_start3A_1425[%dma_start3A_1426] : memref<1000000xf32, #tpu.memory_space<hbm>> -> memref<1000000xf32, #tpu.memory_space<hbm>>
        %dma_start3A_1428 = tpu.memref_slice %arg15[%dma_start3A_1419] : memref<2x!tpu.dma_semaphore, #tpu.memory_space<semaphore_mem>> -> memref<1x!tpu.dma_semaphore, #tpu.memory_space<semaphore_mem>>
        %dma_start3A_1429 = tpu.memref_squeeze %dma_start3A_1428 : memref<1x!tpu.dma_semaphore, #tpu.memory_space<semaphore_mem>> -> memref<!tpu.dma_semaphore, #tpu.memory_space<semaphore_mem>>
        tpu.enqueue_indirect_dma source(%dma_start3A_1427 : memref<1000000xf32, #tpu.memory_space<hbm>>) target(%dma_start3A_1422 : memref<512xf32, #tpu.memory_space<vmem>>) offsets(%arg10 : memref<512xi32, #tpu.memory_space<vmem>>) semaphore(%dma_start3A_1429 : memref<!tpu.dma_semaphore, #tpu.memory_space<semaphore_mem>>)
        %mul3A_1430 = arith.constant 8 : i32
        %mul3A_1431 = arith.muli %add3A_1386, %mul3A_1430 : i32
        %add3A_1432 = arith.constant 1 : i32
        %add3A_1433 = arith.addi %mul3A_1431, %add3A_1432 : i32
        %dma_start3A_1434 = arith.constant 0 : i32
        %dma_start3A_1435 = arith.constant 1 : i32
        %dma_start3A_1436 = arith.constant 0 : i32
        %dma_start3A_1437 = arith.constant 0 : i32
        %dma_start3A_1438 = tpu.memref_slice %arg11[%dma_start3A_1434, %dma_start3A_1435, %dma_start3A_1437] : memref<2x8x512xf32, #tpu.memory_space<vmem>> -> memref<1x1x512xf32, #tpu.memory_space<vmem>>
        %dma_start3A_1439 = tpu.memref_squeeze %dma_start3A_1438 : memref<1x1x512xf32, #tpu.memory_space<vmem>> -> memref<512xf32, #tpu.memory_space<vmem>>
        %dma_start3A_1440 = arith.constant 0 : i32
        %dma_start3A_1441 = tpu.memref_slice %arg2[%add3A_1433, %dma_start3A_1440] : memref<64x1000000xf32, #tpu.memory_space<hbm>> -> memref<1x1000000xf32, #tpu.memory_space<hbm>>
        %dma_start3A_1442 = tpu.memref_squeeze %dma_start3A_1441 : memref<1x1000000xf32, #tpu.memory_space<hbm>> -> memref<1000000xf32, #tpu.memory_space<hbm>>
        %dma_start3A_1443 = arith.constant 0 : i32
        %dma_start3A_1444 = tpu.memref_slice %dma_start3A_1442[%dma_start3A_1443] : memref<1000000xf32, #tpu.memory_space<hbm>> -> memref<1000000xf32, #tpu.memory_space<hbm>>
        %dma_start3A_1445 = tpu.memref_slice %arg15[%dma_start3A_1436] : memref<2x!tpu.dma_semaphore, #tpu.memory_space<semaphore_mem>> -> memref<1x!tpu.dma_semaphore, #tpu.memory_space<semaphore_mem>>
        %dma_start3A_1446 = tpu.memref_squeeze %dma_start3A_1445 : memref<1x!tpu.dma_semaphore, #tpu.memory_space<semaphore_mem>> -> memref<!tpu.dma_semaphore, #tpu.memory_space<semaphore_mem>>
        tpu.enqueue_indirect_dma source(%dma_start3A_1444 : memref<1000000xf32, #tpu.memory_space<hbm>>) target(%dma_start3A_1439 : memref<512xf32, #tpu.memory_space<vmem>>) offsets(%arg8 : memref<512xi32, #tpu.memory_space<vmem>>) semaphore(%dma_start3A_1446 : memref<!tpu.dma_semaphore, #tpu.memory_space<semaphore_mem>>)
        %dma_start3A_1447 = arith.constant 0 : i32
        %dma_start3A_1448 = arith.constant 1 : i32
        %dma_start3A_1449 = arith.constant 0 : i32
        %dma_start3A_1450 = arith.constant 0 : i32
        %dma_start3A_1451 = tpu.memref_slice %arg12[%dma_start3A_1447, %dma_start3A_1448, %dma_start3A_1450] : memref<2x8x512xf32, #tpu.memory_space<vmem>> -> memref<1x1x512xf32, #tpu.memory_space<vmem>>
        %dma_start3A_1452 = tpu.memref_squeeze %dma_start3A_1451 : memref<1x1x512xf32, #tpu.memory_space<vmem>> -> memref<512xf32, #tpu.memory_space<vmem>>
        %dma_start3A_1453 = arith.constant 0 : i32
        %dma_start3A_1454 = tpu.memref_slice %arg3[%add3A_1433, %dma_start3A_1453] : memref<64x1000000xf32, #tpu.memory_space<hbm>> -> memref<1x1000000xf32, #tpu.memory_space<hbm>>
        %dma_start3A_1455 = tpu.memref_squeeze %dma_start3A_1454 : memref<1x1000000xf32, #tpu.memory_space<hbm>> -> memref<1000000xf32, #tpu.memory_space<hbm>>
        %dma_start3A_1456 = arith.constant 0 : i32
        %dma_start3A_1457 = tpu.memref_slice %dma_start3A_1455[%dma_start3A_1456] : memref<1000000xf32, #tpu.memory_space<hbm>> -> memref<1000000xf32, #tpu.memory_space<hbm>>
        %dma_start3A_1458 = tpu.memref_slice %arg15[%dma_start3A_1449] : memref<2x!tpu.dma_semaphore, #tpu.memory_space<semaphore_mem>> -> memref<1x!tpu.dma_semaphore, #tpu.memory_space<semaphore_mem>>
        %dma_start3A_1459 = tpu.memref_squeeze %dma_start3A_1458 : memref<1x!tpu.dma_semaphore, #tpu.memory_space<semaphore_mem>> -> memref<!tpu.dma_semaphore, #tpu.memory_space<semaphore_mem>>
        tpu.enqueue_indirect_dma source(%dma_start3A_1457 : memref<1000000xf32, #tpu.memory_space<hbm>>) target(%dma_start3A_1452 : memref<512xf32, #tpu.memory_space<vmem>>) offsets(%arg9 : memref<512xi32, #tpu.memory_space<vmem>>) semaphore(%dma_start3A_1459 : memref<!tpu.dma_semaphore, #tpu.memory_space<semaphore_mem>>)
        %dma_start3A_1460 = arith.constant 0 : i32
        %dma_start3A_1461 = arith.constant 1 : i32
        %dma_start3A_1462 = arith.constant 0 : i32
        %dma_start3A_1463 = arith.constant 0 : i32
        %dma_start3A_1464 = tpu.memref_slice %arg13[%dma_start3A_1460, %dma_start3A_1461, %dma_start3A_1463] : memref<2x8x512xf32, #tpu.memory_space<vmem>> -> memref<1x1x512xf32, #tpu.memory_space<vmem>>
        %dma_start3A_1465 = tpu.memref_squeeze %dma_start3A_1464 : memref<1x1x512xf32, #tpu.memory_space<vmem>> -> memref<512xf32, #tpu.memory_space<vmem>>
        %dma_start3A_1466 = arith.constant 0 : i32
        %dma_start3A_1467 = tpu.memref_slice %arg2[%add3A_1433, %dma_start3A_1466] : memref<64x1000000xf32, #tpu.memory_space<hbm>> -> memref<1x1000000xf32, #tpu.memory_space<hbm>>
        %dma_start3A_1468 = tpu.memref_squeeze %dma_start3A_1467 : memref<1x1000000xf32, #tpu.memory_space<hbm>> -> memref<1000000xf32, #tpu.memory_space<hbm>>
        %dma_start3A_1469 = arith.constant 0 : i32
        %dma_start3A_1470 = tpu.memref_slice %dma_start3A_1468[%dma_start3A_1469] : memref<1000000xf32, #tpu.memory_space<hbm>> -> memref<1000000xf32, #tpu.memory_space<hbm>>
        %dma_start3A_1471 = tpu.memref_slice %arg15[%dma_start3A_1462] : memref<2x!tpu.dma_semaphore, #tpu.memory_space<semaphore_mem>> -> memref<1x!tpu.dma_semaphore, #tpu.memory_space<semaphore_mem>>
        %dma_start3A_1472 = tpu.memref_squeeze %dma_start3A_1471 : memref<1x!tpu.dma_semaphore, #tpu.memory_space<semaphore_mem>> -> memref<!tpu.dma_semaphore, #tpu.memory_space<semaphore_mem>>
        tpu.enqueue_indirect_dma source(%dma_start3A_1470 : memref<1000000xf32, #tpu.memory_space<hbm>>) target(%dma_start3A_1465 : memref<512xf32, #tpu.memory_space<vmem>>) offsets(%arg10 : memref<512xi32, #tpu.memory_space<vmem>>) semaphore(%dma_start3A_1472 : memref<!tpu.dma_semaphore, #tpu.memory_space<semaphore_mem>>)
        %mul3A_1473 = arith.constant 8 : i32
        %mul3A_1474 = arith.muli %add3A_1386, %mul3A_1473 : i32
        %add3A_1475 = arith.constant 2 : i32
        %add3A_1476 = arith.addi %mul3A_1474, %add3A_1475 : i32
        %dma_start3A_1477 = arith.constant 0 : i32
        %dma_start3A_1478 = arith.constant 2 : i32
        %dma_start3A_1479 = arith.constant 0 : i32
        %dma_start3A_1480 = arith.constant 0 : i32
        %dma_start3A_1481 = tpu.memref_slice %arg11[%dma_start3A_1477, %dma_start3A_1478, %dma_start3A_1480] : memref<2x8x512xf32, #tpu.memory_space<vmem>> -> memref<1x1x512xf32, #tpu.memory_space<vmem>>
        %dma_start3A_1482 = tpu.memref_squeeze %dma_start3A_1481 : memref<1x1x512xf32, #tpu.memory_space<vmem>> -> memref<512xf32, #tpu.memory_space<vmem>>
        %dma_start3A_1483 = arith.constant 0 : i32
        %dma_start3A_1484 = tpu.memref_slice %arg2[%add3A_1476, %dma_start3A_1483] : memref<64x1000000xf32, #tpu.memory_space<hbm>> -> memref<1x1000000xf32, #tpu.memory_space<hbm>>
        %dma_start3A_1485 = tpu.memref_squeeze %dma_start3A_1484 : memref<1x1000000xf32, #tpu.memory_space<hbm>> -> memref<1000000xf32, #tpu.memory_space<hbm>>
        %dma_start3A_1486 = arith.constant 0 : i32
        %dma_start3A_1487 = tpu.memref_slice %dma_start3A_1485[%dma_start3A_1486] : memref<1000000xf32, #tpu.memory_space<hbm>> -> memref<1000000xf32, #tpu.memory_space<hbm>>
        %dma_start3A_1488 = tpu.memref_slice %arg15[%dma_start3A_1479] : memref<2x!tpu.dma_semaphore, #tpu.memory_space<semaphore_mem>> -> memref<1x!tpu.dma_semaphore, #tpu.memory_space<semaphore_mem>>
        %dma_start3A_1489 = tpu.memref_squeeze %dma_start3A_1488 : memref<1x!tpu.dma_semaphore, #tpu.memory_space<semaphore_mem>> -> memref<!tpu.dma_semaphore, #tpu.memory_space<semaphore_mem>>
        tpu.enqueue_indirect_dma source(%dma_start3A_1487 : memref<1000000xf32, #tpu.memory_space<hbm>>) target(%dma_start3A_1482 : memref<512xf32, #tpu.memory_space<vmem>>) offsets(%arg8 : memref<512xi32, #tpu.memory_space<vmem>>) semaphore(%dma_start3A_1489 : memref<!tpu.dma_semaphore, #tpu.memory_space<semaphore_mem>>)
        %dma_start3A_1490 = arith.constant 0 : i32
        %dma_start3A_1491 = arith.constant 2 : i32
        %dma_start3A_1492 = arith.constant 0 : i32
        %dma_start3A_1493 = arith.constant 0 : i32
        %dma_start3A_1494 = tpu.memref_slice %arg12[%dma_start3A_1490, %dma_start3A_1491, %dma_start3A_1493] : memref<2x8x512xf32, #tpu.memory_space<vmem>> -> memref<1x1x512xf32, #tpu.memory_space<vmem>>
        %dma_start3A_1495 = tpu.memref_squeeze %dma_start3A_1494 : memref<1x1x512xf32, #tpu.memory_space<vmem>> -> memref<512xf32, #tpu.memory_space<vmem>>
        %dma_start3A_1496 = arith.constant 0 : i32
        %dma_start3A_1497 = tpu.memref_slice %arg3[%add3A_1476, %dma_start3A_1496] : memref<64x1000000xf32, #tpu.memory_space<hbm>> -> memref<1x1000000xf32, #tpu.memory_space<hbm>>
        %dma_start3A_1498 = tpu.memref_squeeze %dma_start3A_1497 : memref<1x1000000xf32, #tpu.memory_space<hbm>> -> memref<1000000xf32, #tpu.memory_space<hbm>>
        %dma_start3A_1499 = arith.constant 0 : i32
        %dma_start3A_1500 = tpu.memref_slice %dma_start3A_1498[%dma_start3A_1499] : memref<1000000xf32, #tpu.memory_space<hbm>> -> memref<1000000xf32, #tpu.memory_space<hbm>>
        %dma_start3A_1501 = tpu.memref_slice %arg15[%dma_start3A_1492] : memref<2x!tpu.dma_semaphore, #tpu.memory_space<semaphore_mem>> -> memref<1x!tpu.dma_semaphore, #tpu.memory_space<semaphore_mem>>
        %dma_start3A_1502 = tpu.memref_squeeze %dma_start3A_1501 : memref<1x!tpu.dma_semaphore, #tpu.memory_space<semaphore_mem>> -> memref<!tpu.dma_semaphore, #tpu.memory_space<semaphore_mem>>
        tpu.enqueue_indirect_dma source(%dma_start3A_1500 : memref<1000000xf32, #tpu.memory_space<hbm>>) target(%dma_start3A_1495 : memref<512xf32, #tpu.memory_space<vmem>>) offsets(%arg9 : memref<512xi32, #tpu.memory_space<vmem>>) semaphore(%dma_start3A_1502 : memref<!tpu.dma_semaphore, #tpu.memory_space<semaphore_mem>>)
        %dma_start3A_1503 = arith.constant 0 : i32
        %dma_start3A_1504 = arith.constant 2 : i32
        %dma_start3A_1505 = arith.constant 0 : i32
        %dma_start3A_1506 = arith.constant 0 : i32
        %dma_start3A_1507 = tpu.memref_slice %arg13[%dma_start3A_1503, %dma_start3A_1504, %dma_start3A_1506] : memref<2x8x512xf32, #tpu.memory_space<vmem>> -> memref<1x1x512xf32, #tpu.memory_space<vmem>>
        %dma_start3A_1508 = tpu.memref_squeeze %dma_start3A_1507 : memref<1x1x512xf32, #tpu.memory_space<vmem>> -> memref<512xf32, #tpu.memory_space<vmem>>
        %dma_start3A_1509 = arith.constant 0 : i32
        %dma_start3A_1510 = tpu.memref_slice %arg2[%add3A_1476, %dma_start3A_1509] : memref<64x1000000xf32, #tpu.memory_space<hbm>> -> memref<1x1000000xf32, #tpu.memory_space<hbm>>
        %dma_start3A_1511 = tpu.memref_squeeze %dma_start3A_1510 : memref<1x1000000xf32, #tpu.memory_space<hbm>> -> memref<1000000xf32, #tpu.memory_space<hbm>>
        %dma_start3A_1512 = arith.constant 0 : i32
        %dma_start3A_1513 = tpu.memref_slice %dma_start3A_1511[%dma_start3A_1512] : memref<1000000xf32, #tpu.memory_space<hbm>> -> memref<1000000xf32, #tpu.memory_space<hbm>>
        %dma_start3A_1514 = tpu.memref_slice %arg15[%dma_start3A_1505] : memref<2x!tpu.dma_semaphore, #tpu.memory_space<semaphore_mem>> -> memref<1x!tpu.dma_semaphore, #tpu.memory_space<semaphore_mem>>
        %dma_start3A_1515 = tpu.memref_squeeze %dma_start3A_1514 : memref<1x!tpu.dma_semaphore, #tpu.memory_space<semaphore_mem>> -> memref<!tpu.dma_semaphore, #tpu.memory_space<semaphore_mem>>
        tpu.enqueue_indirect_dma source(%dma_start3A_1513 : memref<1000000xf32, #tpu.memory_space<hbm>>) target(%dma_start3A_1508 : memref<512xf32, #tpu.memory_space<vmem>>) offsets(%arg10 : memref<512xi32, #tpu.memory_space<vmem>>) semaphore(%dma_start3A_1515 : memref<!tpu.dma_semaphore, #tpu.memory_space<semaphore_mem>>)
        %mul3A_1516 = arith.constant 8 : i32
        %mul3A_1517 = arith.muli %add3A_1386, %mul3A_1516 : i32
        %add3A_1518 = arith.constant 3 : i32
        %add3A_1519 = arith.addi %mul3A_1517, %add3A_1518 : i32
        %dma_start3A_1520 = arith.constant 0 : i32
        %dma_start3A_1521 = arith.constant 3 : i32
        %dma_start3A_1522 = arith.constant 0 : i32
        %dma_start3A_1523 = arith.constant 0 : i32
        %dma_start3A_1524 = tpu.memref_slice %arg11[%dma_start3A_1520, %dma_start3A_1521, %dma_start3A_1523] : memref<2x8x512xf32, #tpu.memory_space<vmem>> -> memref<1x1x512xf32, #tpu.memory_space<vmem>>
        %dma_start3A_1525 = tpu.memref_squeeze %dma_start3A_1524 : memref<1x1x512xf32, #tpu.memory_space<vmem>> -> memref<512xf32, #tpu.memory_space<vmem>>
        %dma_start3A_1526 = arith.constant 0 : i32
        %dma_start3A_1527 = tpu.memref_slice %arg2[%add3A_1519, %dma_start3A_1526] : memref<64x1000000xf32, #tpu.memory_space<hbm>> -> memref<1x1000000xf32, #tpu.memory_space<hbm>>
        %dma_start3A_1528 = tpu.memref_squeeze %dma_start3A_1527 : memref<1x1000000xf32, #tpu.memory_space<hbm>> -> memref<1000000xf32, #tpu.memory_space<hbm>>
        %dma_start3A_1529 = arith.constant 0 : i32
        %dma_start3A_1530 = tpu.memref_slice %dma_start3A_1528[%dma_start3A_1529] : memref<1000000xf32, #tpu.memory_space<hbm>> -> memref<1000000xf32, #tpu.memory_space<hbm>>
        %dma_start3A_1531 = tpu.memref_slice %arg15[%dma_start3A_1522] : memref<2x!tpu.dma_semaphore, #tpu.memory_space<semaphore_mem>> -> memref<1x!tpu.dma_semaphore, #tpu.memory_space<semaphore_mem>>
        %dma_start3A_1532 = tpu.memref_squeeze %dma_start3A_1531 : memref<1x!tpu.dma_semaphore, #tpu.memory_space<semaphore_mem>> -> memref<!tpu.dma_semaphore, #tpu.memory_space<semaphore_mem>>
        tpu.enqueue_indirect_dma source(%dma_start3A_1530 : memref<1000000xf32, #tpu.memory_space<hbm>>) target(%dma_start3A_1525 : memref<512xf32, #tpu.memory_space<vmem>>) offsets(%arg8 : memref<512xi32, #tpu.memory_space<vmem>>) semaphore(%dma_start3A_1532 : memref<!tpu.dma_semaphore, #tpu.memory_space<semaphore_mem>>)
        %dma_start3A_1533 = arith.constant 0 : i32
        %dma_start3A_1534 = arith.constant 3 : i32
        %dma_start3A_1535 = arith.constant 0 : i32
        %dma_start3A_1536 = arith.constant 0 : i32
        %dma_start3A_1537 = tpu.memref_slice %arg12[%dma_start3A_1533, %dma_start3A_1534, %dma_start3A_1536] : memref<2x8x512xf32, #tpu.memory_space<vmem>> -> memref<1x1x512xf32, #tpu.memory_space<vmem>>
        %dma_start3A_1538 = tpu.memref_squeeze %dma_start3A_1537 : memref<1x1x512xf32, #tpu.memory_space<vmem>> -> memref<512xf32, #tpu.memory_space<vmem>>
        %dma_start3A_1539 = arith.constant 0 : i32
        %dma_start3A_1540 = tpu.memref_slice %arg3[%add3A_1519, %dma_start3A_1539] : memref<64x1000000xf32, #tpu.memory_space<hbm>> -> memref<1x1000000xf32, #tpu.memory_space<hbm>>
        %dma_start3A_1541 = tpu.memref_squeeze %dma_start3A_1540 : memref<1x1000000xf32, #tpu.memory_space<hbm>> -> memref<1000000xf32, #tpu.memory_space<hbm>>
        %dma_start3A_1542 = arith.constant 0 : i32
        %dma_start3A_1543 = tpu.memref_slice %dma_start3A_1541[%dma_start3A_1542] : memref<1000000xf32, #tpu.memory_space<hbm>> -> memref<1000000xf32, #tpu.memory_space<hbm>>
        %dma_start3A_1544 = tpu.memref_slice %arg15[%dma_start3A_1535] : memref<2x!tpu.dma_semaphore, #tpu.memory_space<semaphore_mem>> -> memref<1x!tpu.dma_semaphore, #tpu.memory_space<semaphore_mem>>
        %dma_start3A_1545 = tpu.memref_squeeze %dma_start3A_1544 : memref<1x!tpu.dma_semaphore, #tpu.memory_space<semaphore_mem>> -> memref<!tpu.dma_semaphore, #tpu.memory_space<semaphore_mem>>
        tpu.enqueue_indirect_dma source(%dma_start3A_1543 : memref<1000000xf32, #tpu.memory_space<hbm>>) target(%dma_start3A_1538 : memref<512xf32, #tpu.memory_space<vmem>>) offsets(%arg9 : memref<512xi32, #tpu.memory_space<vmem>>) semaphore(%dma_start3A_1545 : memref<!tpu.dma_semaphore, #tpu.memory_space<semaphore_mem>>)
        %dma_start3A_1546 = arith.constant 0 : i32
        %dma_start3A_1547 = arith.constant 3 : i32
        %dma_start3A_1548 = arith.constant 0 : i32
        %dma_start3A_1549 = arith.constant 0 : i32
        %dma_start3A_1550 = tpu.memref_slice %arg13[%dma_start3A_1546, %dma_start3A_1547, %dma_start3A_1549] : memref<2x8x512xf32, #tpu.memory_space<vmem>> -> memref<1x1x512xf32, #tpu.memory_space<vmem>>
        %dma_start3A_1551 = tpu.memref_squeeze %dma_start3A_1550 : memref<1x1x512xf32, #tpu.memory_space<vmem>> -> memref<512xf32, #tpu.memory_space<vmem>>
        %dma_start3A_1552 = arith.constant 0 : i32
        %dma_start3A_1553 = tpu.memref_slice %arg2[%add3A_1519, %dma_start3A_1552] : memref<64x1000000xf32, #tpu.memory_space<hbm>> -> memref<1x1000000xf32, #tpu.memory_space<hbm>>
        %dma_start3A_1554 = tpu.memref_squeeze %dma_start3A_1553 : memref<1x1000000xf32, #tpu.memory_space<hbm>> -> memref<1000000xf32, #tpu.memory_space<hbm>>
        %dma_start3A_1555 = arith.constant 0 : i32
        %dma_start3A_1556 = tpu.memref_slice %dma_start3A_1554[%dma_start3A_1555] : memref<1000000xf32, #tpu.memory_space<hbm>> -> memref<1000000xf32, #tpu.memory_space<hbm>>
        %dma_start3A_1557 = tpu.memref_slice %arg15[%dma_start3A_1548] : memref<2x!tpu.dma_semaphore, #tpu.memory_space<semaphore_mem>> -> memref<1x!tpu.dma_semaphore, #tpu.memory_space<semaphore_mem>>
        %dma_start3A_1558 = tpu.memref_squeeze %dma_start3A_1557 : memref<1x!tpu.dma_semaphore, #tpu.memory_space<semaphore_mem>> -> memref<!tpu.dma_semaphore, #tpu.memory_space<semaphore_mem>>
        tpu.enqueue_indirect_dma source(%dma_start3A_1556 : memref<1000000xf32, #tpu.memory_space<hbm>>) target(%dma_start3A_1551 : memref<512xf32, #tpu.memory_space<vmem>>) offsets(%arg10 : memref<512xi32, #tpu.memory_space<vmem>>) semaphore(%dma_start3A_1558 : memref<!tpu.dma_semaphore, #tpu.memory_space<semaphore_mem>>)
        %mul3A_1559 = arith.constant 8 : i32
        %mul3A_1560 = arith.muli %add3A_1386, %mul3A_1559 : i32
        %add3A_1561 = arith.constant 4 : i32
        %add3A_1562 = arith.addi %mul3A_1560, %add3A_1561 : i32
        %dma_start3A_1563 = arith.constant 0 : i32
        %dma_start3A_1564 = arith.constant 4 : i32
        %dma_start3A_1565 = arith.constant 0 : i32
        %dma_start3A_1566 = arith.constant 0 : i32
        %dma_start3A_1567 = tpu.memref_slice %arg11[%dma_start3A_1563, %dma_start3A_1564, %dma_start3A_1566] : memref<2x8x512xf32, #tpu.memory_space<vmem>> -> memref<1x1x512xf32, #tpu.memory_space<vmem>>
        %dma_start3A_1568 = tpu.memref_squeeze %dma_start3A_1567 : memref<1x1x512xf32, #tpu.memory_space<vmem>> -> memref<512xf32, #tpu.memory_space<vmem>>
        %dma_start3A_1569 = arith.constant 0 : i32
        %dma_start3A_1570 = tpu.memref_slice %arg2[%add3A_1562, %dma_start3A_1569] : memref<64x1000000xf32, #tpu.memory_space<hbm>> -> memref<1x1000000xf32, #tpu.memory_space<hbm>>
        %dma_start3A_1571 = tpu.memref_squeeze %dma_start3A_1570 : memref<1x1000000xf32, #tpu.memory_space<hbm>> -> memref<1000000xf32, #tpu.memory_space<hbm>>
        %dma_start3A_1572 = arith.constant 0 : i32
        %dma_start3A_1573 = tpu.memref_slice %dma_start3A_1571[%dma_start3A_1572] : memref<1000000xf32, #tpu.memory_space<hbm>> -> memref<1000000xf32, #tpu.memory_space<hbm>>
        %dma_start3A_1574 = tpu.memref_slice %arg15[%dma_start3A_1565] : memref<2x!tpu.dma_semaphore, #tpu.memory_space<semaphore_mem>> -> memref<1x!tpu.dma_semaphore, #tpu.memory_space<semaphore_mem>>
        %dma_start3A_1575 = tpu.memref_squeeze %dma_start3A_1574 : memref<1x!tpu.dma_semaphore, #tpu.memory_space<semaphore_mem>> -> memref<!tpu.dma_semaphore, #tpu.memory_space<semaphore_mem>>
        tpu.enqueue_indirect_dma source(%dma_start3A_1573 : memref<1000000xf32, #tpu.memory_space<hbm>>) target(%dma_start3A_1568 : memref<512xf32, #tpu.memory_space<vmem>>) offsets(%arg8 : memref<512xi32, #tpu.memory_space<vmem>>) semaphore(%dma_start3A_1575 : memref<!tpu.dma_semaphore, #tpu.memory_space<semaphore_mem>>)
        %dma_start3A_1576 = arith.constant 0 : i32
        %dma_start3A_1577 = arith.constant 4 : i32
        %dma_start3A_1578 = arith.constant 0 : i32
        %dma_start3A_1579 = arith.constant 0 : i32
        %dma_start3A_1580 = tpu.memref_slice %arg12[%dma_start3A_1576, %dma_start3A_1577, %dma_start3A_1579] : memref<2x8x512xf32, #tpu.memory_space<vmem>> -> memref<1x1x512xf32, #tpu.memory_space<vmem>>
        %dma_start3A_1581 = tpu.memref_squeeze %dma_start3A_1580 : memref<1x1x512xf32, #tpu.memory_space<vmem>> -> memref<512xf32, #tpu.memory_space<vmem>>
        %dma_start3A_1582 = arith.constant 0 : i32
        %dma_start3A_1583 = tpu.memref_slice %arg3[%add3A_1562, %dma_start3A_1582] : memref<64x1000000xf32, #tpu.memory_space<hbm>> -> memref<1x1000000xf32, #tpu.memory_space<hbm>>
        %dma_start3A_1584 = tpu.memref_squeeze %dma_start3A_1583 : memref<1x1000000xf32, #tpu.memory_space<hbm>> -> memref<1000000xf32, #tpu.memory_space<hbm>>
        %dma_start3A_1585 = arith.constant 0 : i32
        %dma_start3A_1586 = tpu.memref_slice %dma_start3A_1584[%dma_start3A_1585] : memref<1000000xf32, #tpu.memory_space<hbm>> -> memref<1000000xf32, #tpu.memory_space<hbm>>
        %dma_start3A_1587 = tpu.memref_slice %arg15[%dma_start3A_1578] : memref<2x!tpu.dma_semaphore, #tpu.memory_space<semaphore_mem>> -> memref<1x!tpu.dma_semaphore, #tpu.memory_space<semaphore_mem>>
        %dma_start3A_1588 = tpu.memref_squeeze %dma_start3A_1587 : memref<1x!tpu.dma_semaphore, #tpu.memory_space<semaphore_mem>> -> memref<!tpu.dma_semaphore, #tpu.memory_space<semaphore_mem>>
        tpu.enqueue_indirect_dma source(%dma_start3A_1586 : memref<1000000xf32, #tpu.memory_space<hbm>>) target(%dma_start3A_1581 : memref<512xf32, #tpu.memory_space<vmem>>) offsets(%arg9 : memref<512xi32, #tpu.memory_space<vmem>>) semaphore(%dma_start3A_1588 : memref<!tpu.dma_semaphore, #tpu.memory_space<semaphore_mem>>)
        %dma_start3A_1589 = arith.constant 0 : i32
        %dma_start3A_1590 = arith.constant 4 : i32
        %dma_start3A_1591 = arith.constant 0 : i32
        %dma_start3A_1592 = arith.constant 0 : i32
        %dma_start3A_1593 = tpu.memref_slice %arg13[%dma_start3A_1589, %dma_start3A_1590, %dma_start3A_1592] : memref<2x8x512xf32, #tpu.memory_space<vmem>> -> memref<1x1x512xf32, #tpu.memory_space<vmem>>
        %dma_start3A_1594 = tpu.memref_squeeze %dma_start3A_1593 : memref<1x1x512xf32, #tpu.memory_space<vmem>> -> memref<512xf32, #tpu.memory_space<vmem>>
        %dma_start3A_1595 = arith.constant 0 : i32
        %dma_start3A_1596 = tpu.memref_slice %arg2[%add3A_1562, %dma_start3A_1595] : memref<64x1000000xf32, #tpu.memory_space<hbm>> -> memref<1x1000000xf32, #tpu.memory_space<hbm>>
        %dma_start3A_1597 = tpu.memref_squeeze %dma_start3A_1596 : memref<1x1000000xf32, #tpu.memory_space<hbm>> -> memref<1000000xf32, #tpu.memory_space<hbm>>
        %dma_start3A_1598 = arith.constant 0 : i32
        %dma_start3A_1599 = tpu.memref_slice %dma_start3A_1597[%dma_start3A_1598] : memref<1000000xf32, #tpu.memory_space<hbm>> -> memref<1000000xf32, #tpu.memory_space<hbm>>
        %dma_start3A_1600 = tpu.memref_slice %arg15[%dma_start3A_1591] : memref<2x!tpu.dma_semaphore, #tpu.memory_space<semaphore_mem>> -> memref<1x!tpu.dma_semaphore, #tpu.memory_space<semaphore_mem>>
        %dma_start3A_1601 = tpu.memref_squeeze %dma_start3A_1600 : memref<1x!tpu.dma_semaphore, #tpu.memory_space<semaphore_mem>> -> memref<!tpu.dma_semaphore, #tpu.memory_space<semaphore_mem>>
        tpu.enqueue_indirect_dma source(%dma_start3A_1599 : memref<1000000xf32, #tpu.memory_space<hbm>>) target(%dma_start3A_1594 : memref<512xf32, #tpu.memory_space<vmem>>) offsets(%arg10 : memref<512xi32, #tpu.memory_space<vmem>>) semaphore(%dma_start3A_1601 : memref<!tpu.dma_semaphore, #tpu.memory_space<semaphore_mem>>)
        %mul3A_1602 = arith.constant 8 : i32
        %mul3A_1603 = arith.muli %add3A_1386, %mul3A_1602 : i32
        %add3A_1604 = arith.constant 5 : i32
        %add3A_1605 = arith.addi %mul3A_1603, %add3A_1604 : i32
        %dma_start3A_1606 = arith.constant 0 : i32
        %dma_start3A_1607 = arith.constant 5 : i32
        %dma_start3A_1608 = arith.constant 0 : i32
        %dma_start3A_1609 = arith.constant 0 : i32
        %dma_start3A_1610 = tpu.memref_slice %arg11[%dma_start3A_1606, %dma_start3A_1607, %dma_start3A_1609] : memref<2x8x512xf32, #tpu.memory_space<vmem>> -> memref<1x1x512xf32, #tpu.memory_space<vmem>>
        %dma_start3A_1611 = tpu.memref_squeeze %dma_start3A_1610 : memref<1x1x512xf32, #tpu.memory_space<vmem>> -> memref<512xf32, #tpu.memory_space<vmem>>
        %dma_start3A_1612 = arith.constant 0 : i32
        %dma_start3A_1613 = tpu.memref_slice %arg2[%add3A_1605, %dma_start3A_1612] : memref<64x1000000xf32, #tpu.memory_space<hbm>> -> memref<1x1000000xf32, #tpu.memory_space<hbm>>
        %dma_start3A_1614 = tpu.memref_squeeze %dma_start3A_1613 : memref<1x1000000xf32, #tpu.memory_space<hbm>> -> memref<1000000xf32, #tpu.memory_space<hbm>>
        %dma_start3A_1615 = arith.constant 0 : i32
        %dma_start3A_1616 = tpu.memref_slice %dma_start3A_1614[%dma_start3A_1615] : memref<1000000xf32, #tpu.memory_space<hbm>> -> memref<1000000xf32, #tpu.memory_space<hbm>>
        %dma_start3A_1617 = tpu.memref_slice %arg15[%dma_start3A_1608] : memref<2x!tpu.dma_semaphore, #tpu.memory_space<semaphore_mem>> -> memref<1x!tpu.dma_semaphore, #tpu.memory_space<semaphore_mem>>
        %dma_start3A_1618 = tpu.memref_squeeze %dma_start3A_1617 : memref<1x!tpu.dma_semaphore, #tpu.memory_space<semaphore_mem>> -> memref<!tpu.dma_semaphore, #tpu.memory_space<semaphore_mem>>
        tpu.enqueue_indirect_dma source(%dma_start3A_1616 : memref<1000000xf32, #tpu.memory_space<hbm>>) target(%dma_start3A_1611 : memref<512xf32, #tpu.memory_space<vmem>>) offsets(%arg8 : memref<512xi32, #tpu.memory_space<vmem>>) semaphore(%dma_start3A_1618 : memref<!tpu.dma_semaphore, #tpu.memory_space<semaphore_mem>>)
        %dma_start3A_1619 = arith.constant 0 : i32
        %dma_start3A_1620 = arith.constant 5 : i32
        %dma_start3A_1621 = arith.constant 0 : i32
        %dma_start3A_1622 = arith.constant 0 : i32
        %dma_start3A_1623 = tpu.memref_slice %arg12[%dma_start3A_1619, %dma_start3A_1620, %dma_start3A_1622] : memref<2x8x512xf32, #tpu.memory_space<vmem>> -> memref<1x1x512xf32, #tpu.memory_space<vmem>>
        %dma_start3A_1624 = tpu.memref_squeeze %dma_start3A_1623 : memref<1x1x512xf32, #tpu.memory_space<vmem>> -> memref<512xf32, #tpu.memory_space<vmem>>
        %dma_start3A_1625 = arith.constant 0 : i32
        %dma_start3A_1626 = tpu.memref_slice %arg3[%add3A_1605, %dma_start3A_1625] : memref<64x1000000xf32, #tpu.memory_space<hbm>> -> memref<1x1000000xf32, #tpu.memory_space<hbm>>
        %dma_start3A_1627 = tpu.memref_squeeze %dma_start3A_1626 : memref<1x1000000xf32, #tpu.memory_space<hbm>> -> memref<1000000xf32, #tpu.memory_space<hbm>>
        %dma_start3A_1628 = arith.constant 0 : i32
        %dma_start3A_1629 = tpu.memref_slice %dma_start3A_1627[%dma_start3A_1628] : memref<1000000xf32, #tpu.memory_space<hbm>> -> memref<1000000xf32, #tpu.memory_space<hbm>>
        %dma_start3A_1630 = tpu.memref_slice %arg15[%dma_start3A_1621] : memref<2x!tpu.dma_semaphore, #tpu.memory_space<semaphore_mem>> -> memref<1x!tpu.dma_semaphore, #tpu.memory_space<semaphore_mem>>
        %dma_start3A_1631 = tpu.memref_squeeze %dma_start3A_1630 : memref<1x!tpu.dma_semaphore, #tpu.memory_space<semaphore_mem>> -> memref<!tpu.dma_semaphore, #tpu.memory_space<semaphore_mem>>
        tpu.enqueue_indirect_dma source(%dma_start3A_1629 : memref<1000000xf32, #tpu.memory_space<hbm>>) target(%dma_start3A_1624 : memref<512xf32, #tpu.memory_space<vmem>>) offsets(%arg9 : memref<512xi32, #tpu.memory_space<vmem>>) semaphore(%dma_start3A_1631 : memref<!tpu.dma_semaphore, #tpu.memory_space<semaphore_mem>>)
        %dma_start3A_1632 = arith.constant 0 : i32
        %dma_start3A_1633 = arith.constant 5 : i32
        %dma_start3A_1634 = arith.constant 0 : i32
        %dma_start3A_1635 = arith.constant 0 : i32
        %dma_start3A_1636 = tpu.memref_slice %arg13[%dma_start3A_1632, %dma_start3A_1633, %dma_start3A_1635] : memref<2x8x512xf32, #tpu.memory_space<vmem>> -> memref<1x1x512xf32, #tpu.memory_space<vmem>>
        %dma_start3A_1637 = tpu.memref_squeeze %dma_start3A_1636 : memref<1x1x512xf32, #tpu.memory_space<vmem>> -> memref<512xf32, #tpu.memory_space<vmem>>
        %dma_start3A_1638 = arith.constant 0 : i32
        %dma_start3A_1639 = tpu.memref_slice %arg2[%add3A_1605, %dma_start3A_1638] : memref<64x1000000xf32, #tpu.memory_space<hbm>> -> memref<1x1000000xf32, #tpu.memory_space<hbm>>
        %dma_start3A_1640 = tpu.memref_squeeze %dma_start3A_1639 : memref<1x1000000xf32, #tpu.memory_space<hbm>> -> memref<1000000xf32, #tpu.memory_space<hbm>>
        %dma_start3A_1641 = arith.constant 0 : i32
        %dma_start3A_1642 = tpu.memref_slice %dma_start3A_1640[%dma_start3A_1641] : memref<1000000xf32, #tpu.memory_space<hbm>> -> memref<1000000xf32, #tpu.memory_space<hbm>>
        %dma_start3A_1643 = tpu.memref_slice %arg15[%dma_start3A_1634] : memref<2x!tpu.dma_semaphore, #tpu.memory_space<semaphore_mem>> -> memref<1x!tpu.dma_semaphore, #tpu.memory_space<semaphore_mem>>
        %dma_start3A_1644 = tpu.memref_squeeze %dma_start3A_1643 : memref<1x!tpu.dma_semaphore, #tpu.memory_space<semaphore_mem>> -> memref<!tpu.dma_semaphore, #tpu.memory_space<semaphore_mem>>
        tpu.enqueue_indirect_dma source(%dma_start3A_1642 : memref<1000000xf32, #tpu.memory_space<hbm>>) target(%dma_start3A_1637 : memref<512xf32, #tpu.memory_space<vmem>>) offsets(%arg10 : memref<512xi32, #tpu.memory_space<vmem>>) semaphore(%dma_start3A_1644 : memref<!tpu.dma_semaphore, #tpu.memory_space<semaphore_mem>>)
        %mul3A_1645 = arith.constant 8 : i32
        %mul3A_1646 = arith.muli %add3A_1386, %mul3A_1645 : i32
        %add3A_1647 = arith.constant 6 : i32
        %add3A_1648 = arith.addi %mul3A_1646, %add3A_1647 : i32
        %dma_start3A_1649 = arith.constant 0 : i32
        %dma_start3A_1650 = arith.constant 6 : i32
        %dma_start3A_1651 = arith.constant 0 : i32
        %dma_start3A_1652 = arith.constant 0 : i32
        %dma_start3A_1653 = tpu.memref_slice %arg11[%dma_start3A_1649, %dma_start3A_1650, %dma_start3A_1652] : memref<2x8x512xf32, #tpu.memory_space<vmem>> -> memref<1x1x512xf32, #tpu.memory_space<vmem>>
        %dma_start3A_1654 = tpu.memref_squeeze %dma_start3A_1653 : memref<1x1x512xf32, #tpu.memory_space<vmem>> -> memref<512xf32, #tpu.memory_space<vmem>>
        %dma_start3A_1655 = arith.constant 0 : i32
        %dma_start3A_1656 = tpu.memref_slice %arg2[%add3A_1648, %dma_start3A_1655] : memref<64x1000000xf32, #tpu.memory_space<hbm>> -> memref<1x1000000xf32, #tpu.memory_space<hbm>>
        %dma_start3A_1657 = tpu.memref_squeeze %dma_start3A_1656 : memref<1x1000000xf32, #tpu.memory_space<hbm>> -> memref<1000000xf32, #tpu.memory_space<hbm>>
        %dma_start3A_1658 = arith.constant 0 : i32
        %dma_start3A_1659 = tpu.memref_slice %dma_start3A_1657[%dma_start3A_1658] : memref<1000000xf32, #tpu.memory_space<hbm>> -> memref<1000000xf32, #tpu.memory_space<hbm>>
        %dma_start3A_1660 = tpu.memref_slice %arg15[%dma_start3A_1651] : memref<2x!tpu.dma_semaphore, #tpu.memory_space<semaphore_mem>> -> memref<1x!tpu.dma_semaphore, #tpu.memory_space<semaphore_mem>>
        %dma_start3A_1661 = tpu.memref_squeeze %dma_start3A_1660 : memref<1x!tpu.dma_semaphore, #tpu.memory_space<semaphore_mem>> -> memref<!tpu.dma_semaphore, #tpu.memory_space<semaphore_mem>>
        tpu.enqueue_indirect_dma source(%dma_start3A_1659 : memref<1000000xf32, #tpu.memory_space<hbm>>) target(%dma_start3A_1654 : memref<512xf32, #tpu.memory_space<vmem>>) offsets(%arg8 : memref<512xi32, #tpu.memory_space<vmem>>) semaphore(%dma_start3A_1661 : memref<!tpu.dma_semaphore, #tpu.memory_space<semaphore_mem>>)
        %dma_start3A_1662 = arith.constant 0 : i32
        %dma_start3A_1663 = arith.constant 6 : i32
        %dma_start3A_1664 = arith.constant 0 : i32
        %dma_start3A_1665 = arith.constant 0 : i32
        %dma_start3A_1666 = tpu.memref_slice %arg12[%dma_start3A_1662, %dma_start3A_1663, %dma_start3A_1665] : memref<2x8x512xf32, #tpu.memory_space<vmem>> -> memref<1x1x512xf32, #tpu.memory_space<vmem>>
        %dma_start3A_1667 = tpu.memref_squeeze %dma_start3A_1666 : memref<1x1x512xf32, #tpu.memory_space<vmem>> -> memref<512xf32, #tpu.memory_space<vmem>>
        %dma_start3A_1668 = arith.constant 0 : i32
        %dma_start3A_1669 = tpu.memref_slice %arg3[%add3A_1648, %dma_start3A_1668] : memref<64x1000000xf32, #tpu.memory_space<hbm>> -> memref<1x1000000xf32, #tpu.memory_space<hbm>>
        %dma_start3A_1670 = tpu.memref_squeeze %dma_start3A_1669 : memref<1x1000000xf32, #tpu.memory_space<hbm>> -> memref<1000000xf32, #tpu.memory_space<hbm>>
        %dma_start3A_1671 = arith.constant 0 : i32
        %dma_start3A_1672 = tpu.memref_slice %dma_start3A_1670[%dma_start3A_1671] : memref<1000000xf32, #tpu.memory_space<hbm>> -> memref<1000000xf32, #tpu.memory_space<hbm>>
        %dma_start3A_1673 = tpu.memref_slice %arg15[%dma_start3A_1664] : memref<2x!tpu.dma_semaphore, #tpu.memory_space<semaphore_mem>> -> memref<1x!tpu.dma_semaphore, #tpu.memory_space<semaphore_mem>>
        %dma_start3A_1674 = tpu.memref_squeeze %dma_start3A_1673 : memref<1x!tpu.dma_semaphore, #tpu.memory_space<semaphore_mem>> -> memref<!tpu.dma_semaphore, #tpu.memory_space<semaphore_mem>>
        tpu.enqueue_indirect_dma source(%dma_start3A_1672 : memref<1000000xf32, #tpu.memory_space<hbm>>) target(%dma_start3A_1667 : memref<512xf32, #tpu.memory_space<vmem>>) offsets(%arg9 : memref<512xi32, #tpu.memory_space<vmem>>) semaphore(%dma_start3A_1674 : memref<!tpu.dma_semaphore, #tpu.memory_space<semaphore_mem>>)
        %dma_start3A_1675 = arith.constant 0 : i32
        %dma_start3A_1676 = arith.constant 6 : i32
        %dma_start3A_1677 = arith.constant 0 : i32
        %dma_start3A_1678 = arith.constant 0 : i32
        %dma_start3A_1679 = tpu.memref_slice %arg13[%dma_start3A_1675, %dma_start3A_1676, %dma_start3A_1678] : memref<2x8x512xf32, #tpu.memory_space<vmem>> -> memref<1x1x512xf32, #tpu.memory_space<vmem>>
        %dma_start3A_1680 = tpu.memref_squeeze %dma_start3A_1679 : memref<1x1x512xf32, #tpu.memory_space<vmem>> -> memref<512xf32, #tpu.memory_space<vmem>>
        %dma_start3A_1681 = arith.constant 0 : i32
        %dma_start3A_1682 = tpu.memref_slice %arg2[%add3A_1648, %dma_start3A_1681] : memref<64x1000000xf32, #tpu.memory_space<hbm>> -> memref<1x1000000xf32, #tpu.memory_space<hbm>>
        %dma_start3A_1683 = tpu.memref_squeeze %dma_start3A_1682 : memref<1x1000000xf32, #tpu.memory_space<hbm>> -> memref<1000000xf32, #tpu.memory_space<hbm>>
        %dma_start3A_1684 = arith.constant 0 : i32
        %dma_start3A_1685 = tpu.memref_slice %dma_start3A_1683[%dma_start3A_1684] : memref<1000000xf32, #tpu.memory_space<hbm>> -> memref<1000000xf32, #tpu.memory_space<hbm>>
        %dma_start3A_1686 = tpu.memref_slice %arg15[%dma_start3A_1677] : memref<2x!tpu.dma_semaphore, #tpu.memory_space<semaphore_mem>> -> memref<1x!tpu.dma_semaphore, #tpu.memory_space<semaphore_mem>>
        %dma_start3A_1687 = tpu.memref_squeeze %dma_start3A_1686 : memref<1x!tpu.dma_semaphore, #tpu.memory_space<semaphore_mem>> -> memref<!tpu.dma_semaphore, #tpu.memory_space<semaphore_mem>>
        tpu.enqueue_indirect_dma source(%dma_start3A_1685 : memref<1000000xf32, #tpu.memory_space<hbm>>) target(%dma_start3A_1680 : memref<512xf32, #tpu.memory_space<vmem>>) offsets(%arg10 : memref<512xi32, #tpu.memory_space<vmem>>) semaphore(%dma_start3A_1687 : memref<!tpu.dma_semaphore, #tpu.memory_space<semaphore_mem>>)
        %mul3A_1688 = arith.constant 8 : i32
        %mul3A_1689 = arith.muli %add3A_1386, %mul3A_1688 : i32
        %add3A_1690 = arith.constant 7 : i32
        %add3A_1691 = arith.addi %mul3A_1689, %add3A_1690 : i32
        %dma_start3A_1692 = arith.constant 0 : i32
        %dma_start3A_1693 = arith.constant 7 : i32
        %dma_start3A_1694 = arith.constant 0 : i32
        %dma_start3A_1695 = arith.constant 0 : i32
        %dma_start3A_1696 = tpu.memref_slice %arg11[%dma_start3A_1692, %dma_start3A_1693, %dma_start3A_1695] : memref<2x8x512xf32, #tpu.memory_space<vmem>> -> memref<1x1x512xf32, #tpu.memory_space<vmem>>
        %dma_start3A_1697 = tpu.memref_squeeze %dma_start3A_1696 : memref<1x1x512xf32, #tpu.memory_space<vmem>> -> memref<512xf32, #tpu.memory_space<vmem>>
        %dma_start3A_1698 = arith.constant 0 : i32
        %dma_start3A_1699 = tpu.memref_slice %arg2[%add3A_1691, %dma_start3A_1698] : memref<64x1000000xf32, #tpu.memory_space<hbm>> -> memref<1x1000000xf32, #tpu.memory_space<hbm>>
        %dma_start3A_1700 = tpu.memref_squeeze %dma_start3A_1699 : memref<1x1000000xf32, #tpu.memory_space<hbm>> -> memref<1000000xf32, #tpu.memory_space<hbm>>
        %dma_start3A_1701 = arith.constant 0 : i32
        %dma_start3A_1702 = tpu.memref_slice %dma_start3A_1700[%dma_start3A_1701] : memref<1000000xf32, #tpu.memory_space<hbm>> -> memref<1000000xf32, #tpu.memory_space<hbm>>
        %dma_start3A_1703 = tpu.memref_slice %arg15[%dma_start3A_1694] : memref<2x!tpu.dma_semaphore, #tpu.memory_space<semaphore_mem>> -> memref<1x!tpu.dma_semaphore, #tpu.memory_space<semaphore_mem>>
        %dma_start3A_1704 = tpu.memref_squeeze %dma_start3A_1703 : memref<1x!tpu.dma_semaphore, #tpu.memory_space<semaphore_mem>> -> memref<!tpu.dma_semaphore, #tpu.memory_space<semaphore_mem>>
        tpu.enqueue_indirect_dma source(%dma_start3A_1702 : memref<1000000xf32, #tpu.memory_space<hbm>>) target(%dma_start3A_1697 : memref<512xf32, #tpu.memory_space<vmem>>) offsets(%arg8 : memref<512xi32, #tpu.memory_space<vmem>>) semaphore(%dma_start3A_1704 : memref<!tpu.dma_semaphore, #tpu.memory_space<semaphore_mem>>)
        %dma_start3A_1705 = arith.constant 0 : i32
        %dma_start3A_1706 = arith.constant 7 : i32
        %dma_start3A_1707 = arith.constant 0 : i32
        %dma_start3A_1708 = arith.constant 0 : i32
        %dma_start3A_1709 = tpu.memref_slice %arg12[%dma_start3A_1705, %dma_start3A_1706, %dma_start3A_1708] : memref<2x8x512xf32, #tpu.memory_space<vmem>> -> memref<1x1x512xf32, #tpu.memory_space<vmem>>
        %dma_start3A_1710 = tpu.memref_squeeze %dma_start3A_1709 : memref<1x1x512xf32, #tpu.memory_space<vmem>> -> memref<512xf32, #tpu.memory_space<vmem>>
        %dma_start3A_1711 = arith.constant 0 : i32
        %dma_start3A_1712 = tpu.memref_slice %arg3[%add3A_1691, %dma_start3A_1711] : memref<64x1000000xf32, #tpu.memory_space<hbm>> -> memref<1x1000000xf32, #tpu.memory_space<hbm>>
        %dma_start3A_1713 = tpu.memref_squeeze %dma_start3A_1712 : memref<1x1000000xf32, #tpu.memory_space<hbm>> -> memref<1000000xf32, #tpu.memory_space<hbm>>
        %dma_start3A_1714 = arith.constant 0 : i32
        %dma_start3A_1715 = tpu.memref_slice %dma_start3A_1713[%dma_start3A_1714] : memref<1000000xf32, #tpu.memory_space<hbm>> -> memref<1000000xf32, #tpu.memory_space<hbm>>
        %dma_start3A_1716 = tpu.memref_slice %arg15[%dma_start3A_1707] : memref<2x!tpu.dma_semaphore, #tpu.memory_space<semaphore_mem>> -> memref<1x!tpu.dma_semaphore, #tpu.memory_space<semaphore_mem>>
        %dma_start3A_1717 = tpu.memref_squeeze %dma_start3A_1716 : memref<1x!tpu.dma_semaphore, #tpu.memory_space<semaphore_mem>> -> memref<!tpu.dma_semaphore, #tpu.memory_space<semaphore_mem>>
        tpu.enqueue_indirect_dma source(%dma_start3A_1715 : memref<1000000xf32, #tpu.memory_space<hbm>>) target(%dma_start3A_1710 : memref<512xf32, #tpu.memory_space<vmem>>) offsets(%arg9 : memref<512xi32, #tpu.memory_space<vmem>>) semaphore(%dma_start3A_1717 : memref<!tpu.dma_semaphore, #tpu.memory_space<semaphore_mem>>)
        %dma_start3A_1718 = arith.constant 0 : i32
        %dma_start3A_1719 = arith.constant 7 : i32
        %dma_start3A_1720 = arith.constant 0 : i32
        %dma_start3A_1721 = arith.constant 0 : i32
        %dma_start3A_1722 = tpu.memref_slice %arg13[%dma_start3A_1718, %dma_start3A_1719, %dma_start3A_1721] : memref<2x8x512xf32, #tpu.memory_space<vmem>> -> memref<1x1x512xf32, #tpu.memory_space<vmem>>
        %dma_start3A_1723 = tpu.memref_squeeze %dma_start3A_1722 : memref<1x1x512xf32, #tpu.memory_space<vmem>> -> memref<512xf32, #tpu.memory_space<vmem>>
        %dma_start3A_1724 = arith.constant 0 : i32
        %dma_start3A_1725 = tpu.memref_slice %arg2[%add3A_1691, %dma_start3A_1724] : memref<64x1000000xf32, #tpu.memory_space<hbm>> -> memref<1x1000000xf32, #tpu.memory_space<hbm>>
        %dma_start3A_1726 = tpu.memref_squeeze %dma_start3A_1725 : memref<1x1000000xf32, #tpu.memory_space<hbm>> -> memref<1000000xf32, #tpu.memory_space<hbm>>
        %dma_start3A_1727 = arith.constant 0 : i32
        %dma_start3A_1728 = tpu.memref_slice %dma_start3A_1726[%dma_start3A_1727] : memref<1000000xf32, #tpu.memory_space<hbm>> -> memref<1000000xf32, #tpu.memory_space<hbm>>
        %dma_start3A_1729 = tpu.memref_slice %arg15[%dma_start3A_1720] : memref<2x!tpu.dma_semaphore, #tpu.memory_space<semaphore_mem>> -> memref<1x!tpu.dma_semaphore, #tpu.memory_space<semaphore_mem>>
        %dma_start3A_1730 = tpu.memref_squeeze %dma_start3A_1729 : memref<1x!tpu.dma_semaphore, #tpu.memory_space<semaphore_mem>> -> memref<!tpu.dma_semaphore, #tpu.memory_space<semaphore_mem>>
        tpu.enqueue_indirect_dma source(%dma_start3A_1728 : memref<1000000xf32, #tpu.memory_space<hbm>>) target(%dma_start3A_1723 : memref<512xf32, #tpu.memory_space<vmem>>) offsets(%arg10 : memref<512xi32, #tpu.memory_space<vmem>>) semaphore(%dma_start3A_1730 : memref<!tpu.dma_semaphore, #tpu.memory_space<semaphore_mem>>)
      } else {
      }
      %dma_wait3A_1043 = arith.constant 0 : i32
      %dma_wait3A_1044 = arith.constant 1 : i32
      %dma_wait3A_1045 = arith.constant 0 : i32
      %dma_wait3A_1046 = arith.constant 1 : i32
      %dma_wait3A_1047 = arith.constant 0 : i32
      %dma_wait3A_1048 = tpu.memref_slice %arg11[%dma_wait3A_1044, %dma_wait3A_1045, %dma_wait3A_1047] : memref<2x8x512xf32, #tpu.memory_space<vmem>> -> memref<1x1x512xf32, #tpu.memory_space<vmem>>
      %dma_wait3A_1049 = tpu.memref_squeeze %dma_wait3A_1048 : memref<1x1x512xf32, #tpu.memory_space<vmem>> -> memref<512xf32, #tpu.memory_space<vmem>>
      %dma_wait3A_1050 = arith.constant 0 : i32
      %dma_wait3A_1051 = tpu.memref_slice %arg2[%dma_wait3A_1043, %dma_wait3A_1050] : memref<64x1000000xf32, #tpu.memory_space<hbm>> -> memref<1x1000000xf32, #tpu.memory_space<hbm>>
      %dma_wait3A_1052 = tpu.memref_squeeze %dma_wait3A_1051 : memref<1x1000000xf32, #tpu.memory_space<hbm>> -> memref<1000000xf32, #tpu.memory_space<hbm>>
      %dma_wait3A_1053 = arith.constant 0 : i32
      %dma_wait3A_1054 = tpu.memref_slice %dma_wait3A_1052[%dma_wait3A_1053] : memref<1000000xf32, #tpu.memory_space<hbm>> -> memref<1000000xf32, #tpu.memory_space<hbm>>
      %dma_wait3A_1055 = tpu.memref_slice %arg15[%dma_wait3A_1046] : memref<2x!tpu.dma_semaphore, #tpu.memory_space<semaphore_mem>> -> memref<1x!tpu.dma_semaphore, #tpu.memory_space<semaphore_mem>>
      %dma_wait3A_1056 = tpu.memref_squeeze %dma_wait3A_1055 : memref<1x!tpu.dma_semaphore, #tpu.memory_space<semaphore_mem>> -> memref<!tpu.dma_semaphore, #tpu.memory_space<semaphore_mem>>
      tpu.wait_indirect_dma semaphore(%dma_wait3A_1056 : memref<!tpu.dma_semaphore, #tpu.memory_space<semaphore_mem>>) src(%dma_wait3A_1054 : memref<1000000xf32, #tpu.memory_space<hbm>>) dst(%dma_wait3A_1049 : memref<512xf32, #tpu.memory_space<vmem>>)
      %dma_wait3A_1057 = arith.constant 0 : i32
      %dma_wait3A_1058 = arith.constant 1 : i32
      %dma_wait3A_1059 = arith.constant 0 : i32
      %dma_wait3A_1060 = arith.constant 1 : i32
      %dma_wait3A_1061 = arith.constant 0 : i32
      %dma_wait3A_1062 = tpu.memref_slice %arg12[%dma_wait3A_1058, %dma_wait3A_1059, %dma_wait3A_1061] : memref<2x8x512xf32, #tpu.memory_space<vmem>> -> memref<1x1x512xf32, #tpu.memory_space<vmem>>
      %dma_wait3A_1063 = tpu.memref_squeeze %dma_wait3A_1062 : memref<1x1x512xf32, #tpu.memory_space<vmem>> -> memref<512xf32, #tpu.memory_space<vmem>>
      %dma_wait3A_1064 = arith.constant 0 : i32
      %dma_wait3A_1065 = tpu.memref_slice %arg3[%dma_wait3A_1057, %dma_wait3A_1064] : memref<64x1000000xf32, #tpu.memory_space<hbm>> -> memref<1x1000000xf32, #tpu.memory_space<hbm>>
      %dma_wait3A_1066 = tpu.memref_squeeze %dma_wait3A_1065 : memref<1x1000000xf32, #tpu.memory_space<hbm>> -> memref<1000000xf32, #tpu.memory_space<hbm>>
      %dma_wait3A_1067 = arith.constant 0 : i32
      %dma_wait3A_1068 = tpu.memref_slice %dma_wait3A_1066[%dma_wait3A_1067] : memref<1000000xf32, #tpu.memory_space<hbm>> -> memref<1000000xf32, #tpu.memory_space<hbm>>
      %dma_wait3A_1069 = tpu.memref_slice %arg15[%dma_wait3A_1060] : memref<2x!tpu.dma_semaphore, #tpu.memory_space<semaphore_mem>> -> memref<1x!tpu.dma_semaphore, #tpu.memory_space<semaphore_mem>>
      %dma_wait3A_1070 = tpu.memref_squeeze %dma_wait3A_1069 : memref<1x!tpu.dma_semaphore, #tpu.memory_space<semaphore_mem>> -> memref<!tpu.dma_semaphore, #tpu.memory_space<semaphore_mem>>
      tpu.wait_indirect_dma semaphore(%dma_wait3A_1070 : memref<!tpu.dma_semaphore, #tpu.memory_space<semaphore_mem>>) src(%dma_wait3A_1068 : memref<1000000xf32, #tpu.memory_space<hbm>>) dst(%dma_wait3A_1063 : memref<512xf32, #tpu.memory_space<vmem>>)
      %dma_wait3A_1071 = arith.constant 0 : i32
      %dma_wait3A_1072 = arith.constant 1 : i32
      %dma_wait3A_1073 = arith.constant 0 : i32
      %dma_wait3A_1074 = arith.constant 1 : i32
      %dma_wait3A_1075 = arith.constant 0 : i32
      %dma_wait3A_1076 = tpu.memref_slice %arg13[%dma_wait3A_1072, %dma_wait3A_1073, %dma_wait3A_1075] : memref<2x8x512xf32, #tpu.memory_space<vmem>> -> memref<1x1x512xf32, #tpu.memory_space<vmem>>
      %dma_wait3A_1077 = tpu.memref_squeeze %dma_wait3A_1076 : memref<1x1x512xf32, #tpu.memory_space<vmem>> -> memref<512xf32, #tpu.memory_space<vmem>>
      %dma_wait3A_1078 = arith.constant 0 : i32
      %dma_wait3A_1079 = tpu.memref_slice %arg2[%dma_wait3A_1071, %dma_wait3A_1078] : memref<64x1000000xf32, #tpu.memory_space<hbm>> -> memref<1x1000000xf32, #tpu.memory_space<hbm>>
      %dma_wait3A_1080 = tpu.memref_squeeze %dma_wait3A_1079 : memref<1x1000000xf32, #tpu.memory_space<hbm>> -> memref<1000000xf32, #tpu.memory_space<hbm>>
      %dma_wait3A_1081 = arith.constant 0 : i32
      %dma_wait3A_1082 = tpu.memref_slice %dma_wait3A_1080[%dma_wait3A_1081] : memref<1000000xf32, #tpu.memory_space<hbm>> -> memref<1000000xf32, #tpu.memory_space<hbm>>
      %dma_wait3A_1083 = tpu.memref_slice %arg15[%dma_wait3A_1074] : memref<2x!tpu.dma_semaphore, #tpu.memory_space<semaphore_mem>> -> memref<1x!tpu.dma_semaphore, #tpu.memory_space<semaphore_mem>>
      %dma_wait3A_1084 = tpu.memref_squeeze %dma_wait3A_1083 : memref<1x!tpu.dma_semaphore, #tpu.memory_space<semaphore_mem>> -> memref<!tpu.dma_semaphore, #tpu.memory_space<semaphore_mem>>
      tpu.wait_indirect_dma semaphore(%dma_wait3A_1084 : memref<!tpu.dma_semaphore, #tpu.memory_space<semaphore_mem>>) src(%dma_wait3A_1082 : memref<1000000xf32, #tpu.memory_space<hbm>>) dst(%dma_wait3A_1077 : memref<512xf32, #tpu.memory_space<vmem>>)
      %dma_wait3A_1085 = arith.constant 0 : i32
      %dma_wait3A_1086 = arith.constant 1 : i32
      %dma_wait3A_1087 = arith.constant 1 : i32
      %dma_wait3A_1088 = arith.constant 1 : i32
      %dma_wait3A_1089 = arith.constant 0 : i32
      %dma_wait3A_1090 = tpu.memref_slice %arg11[%dma_wait3A_1086, %dma_wait3A_1087, %dma_wait3A_1089] : memref<2x8x512xf32, #tpu.memory_space<vmem>> -> memref<1x1x512xf32, #tpu.memory_space<vmem>>
      %dma_wait3A_1091 = tpu.memref_squeeze %dma_wait3A_1090 : memref<1x1x512xf32, #tpu.memory_space<vmem>> -> memref<512xf32, #tpu.memory_space<vmem>>
      %dma_wait3A_1092 = arith.constant 0 : i32
      %dma_wait3A_1093 = tpu.memref_slice %arg2[%dma_wait3A_1085, %dma_wait3A_1092] : memref<64x1000000xf32, #tpu.memory_space<hbm>> -> memref<1x1000000xf32, #tpu.memory_space<hbm>>
      %dma_wait3A_1094 = tpu.memref_squeeze %dma_wait3A_1093 : memref<1x1000000xf32, #tpu.memory_space<hbm>> -> memref<1000000xf32, #tpu.memory_space<hbm>>
      %dma_wait3A_1095 = arith.constant 0 : i32
      %dma_wait3A_1096 = tpu.memref_slice %dma_wait3A_1094[%dma_wait3A_1095] : memref<1000000xf32, #tpu.memory_space<hbm>> -> memref<1000000xf32, #tpu.memory_space<hbm>>
      %dma_wait3A_1097 = tpu.memref_slice %arg15[%dma_wait3A_1088] : memref<2x!tpu.dma_semaphore, #tpu.memory_space<semaphore_mem>> -> memref<1x!tpu.dma_semaphore, #tpu.memory_space<semaphore_mem>>
      %dma_wait3A_1098 = tpu.memref_squeeze %dma_wait3A_1097 : memref<1x!tpu.dma_semaphore, #tpu.memory_space<semaphore_mem>> -> memref<!tpu.dma_semaphore, #tpu.memory_space<semaphore_mem>>
      tpu.wait_indirect_dma semaphore(%dma_wait3A_1098 : memref<!tpu.dma_semaphore, #tpu.memory_space<semaphore_mem>>) src(%dma_wait3A_1096 : memref<1000000xf32, #tpu.memory_space<hbm>>) dst(%dma_wait3A_1091 : memref<512xf32, #tpu.memory_space<vmem>>)
      %dma_wait3A_1099 = arith.constant 0 : i32
      %dma_wait3A_1100 = arith.constant 1 : i32
      %dma_wait3A_1101 = arith.constant 1 : i32
      %dma_wait3A_1102 = arith.constant 1 : i32
      %dma_wait3A_1103 = arith.constant 0 : i32
      %dma_wait3A_1104 = tpu.memref_slice %arg12[%dma_wait3A_1100, %dma_wait3A_1101, %dma_wait3A_1103] : memref<2x8x512xf32, #tpu.memory_space<vmem>> -> memref<1x1x512xf32, #tpu.memory_space<vmem>>
      %dma_wait3A_1105 = tpu.memref_squeeze %dma_wait3A_1104 : memref<1x1x512xf32, #tpu.memory_space<vmem>> -> memref<512xf32, #tpu.memory_space<vmem>>
      %dma_wait3A_1106 = arith.constant 0 : i32
      %dma_wait3A_1107 = tpu.memref_slice %arg3[%dma_wait3A_1099, %dma_wait3A_1106] : memref<64x1000000xf32, #tpu.memory_space<hbm>> -> memref<1x1000000xf32, #tpu.memory_space<hbm>>
      %dma_wait3A_1108 = tpu.memref_squeeze %dma_wait3A_1107 : memref<1x1000000xf32, #tpu.memory_space<hbm>> -> memref<1000000xf32, #tpu.memory_space<hbm>>
      %dma_wait3A_1109 = arith.constant 0 : i32
      %dma_wait3A_1110 = tpu.memref_slice %dma_wait3A_1108[%dma_wait3A_1109] : memref<1000000xf32, #tpu.memory_space<hbm>> -> memref<1000000xf32, #tpu.memory_space<hbm>>
      %dma_wait3A_1111 = tpu.memref_slice %arg15[%dma_wait3A_1102] : memref<2x!tpu.dma_semaphore, #tpu.memory_space<semaphore_mem>> -> memref<1x!tpu.dma_semaphore, #tpu.memory_space<semaphore_mem>>
      %dma_wait3A_1112 = tpu.memref_squeeze %dma_wait3A_1111 : memref<1x!tpu.dma_semaphore, #tpu.memory_space<semaphore_mem>> -> memref<!tpu.dma_semaphore, #tpu.memory_space<semaphore_mem>>
      tpu.wait_indirect_dma semaphore(%dma_wait3A_1112 : memref<!tpu.dma_semaphore, #tpu.memory_space<semaphore_mem>>) src(%dma_wait3A_1110 : memref<1000000xf32, #tpu.memory_space<hbm>>) dst(%dma_wait3A_1105 : memref<512xf32, #tpu.memory_space<vmem>>)
      %dma_wait3A_1113 = arith.constant 0 : i32
      %dma_wait3A_1114 = arith.constant 1 : i32
      %dma_wait3A_1115 = arith.constant 1 : i32
      %dma_wait3A_1116 = arith.constant 1 : i32
      %dma_wait3A_1117 = arith.constant 0 : i32
      %dma_wait3A_1118 = tpu.memref_slice %arg13[%dma_wait3A_1114, %dma_wait3A_1115, %dma_wait3A_1117] : memref<2x8x512xf32, #tpu.memory_space<vmem>> -> memref<1x1x512xf32, #tpu.memory_space<vmem>>
      %dma_wait3A_1119 = tpu.memref_squeeze %dma_wait3A_1118 : memref<1x1x512xf32, #tpu.memory_space<vmem>> -> memref<512xf32, #tpu.memory_space<vmem>>
      %dma_wait3A_1120 = arith.constant 0 : i32
      %dma_wait3A_1121 = tpu.memref_slice %arg2[%dma_wait3A_1113, %dma_wait3A_1120] : memref<64x1000000xf32, #tpu.memory_space<hbm>> -> memref<1x1000000xf32, #tpu.memory_space<hbm>>
      %dma_wait3A_1122 = tpu.memref_squeeze %dma_wait3A_1121 : memref<1x1000000xf32, #tpu.memory_space<hbm>> -> memref<1000000xf32, #tpu.memory_space<hbm>>
      %dma_wait3A_1123 = arith.constant 0 : i32
      %dma_wait3A_1124 = tpu.memref_slice %dma_wait3A_1122[%dma_wait3A_1123] : memref<1000000xf32, #tpu.memory_space<hbm>> -> memref<1000000xf32, #tpu.memory_space<hbm>>
      %dma_wait3A_1125 = tpu.memref_slice %arg15[%dma_wait3A_1116] : memref<2x!tpu.dma_semaphore, #tpu.memory_space<semaphore_mem>> -> memref<1x!tpu.dma_semaphore, #tpu.memory_space<semaphore_mem>>
      %dma_wait3A_1126 = tpu.memref_squeeze %dma_wait3A_1125 : memref<1x!tpu.dma_semaphore, #tpu.memory_space<semaphore_mem>> -> memref<!tpu.dma_semaphore, #tpu.memory_space<semaphore_mem>>
      tpu.wait_indirect_dma semaphore(%dma_wait3A_1126 : memref<!tpu.dma_semaphore, #tpu.memory_space<semaphore_mem>>) src(%dma_wait3A_1124 : memref<1000000xf32, #tpu.memory_space<hbm>>) dst(%dma_wait3A_1119 : memref<512xf32, #tpu.memory_space<vmem>>)
      %dma_wait3A_1127 = arith.constant 0 : i32
      %dma_wait3A_1128 = arith.constant 1 : i32
      %dma_wait3A_1129 = arith.constant 2 : i32
      %dma_wait3A_1130 = arith.constant 1 : i32
      %dma_wait3A_1131 = arith.constant 0 : i32
      %dma_wait3A_1132 = tpu.memref_slice %arg11[%dma_wait3A_1128, %dma_wait3A_1129, %dma_wait3A_1131] : memref<2x8x512xf32, #tpu.memory_space<vmem>> -> memref<1x1x512xf32, #tpu.memory_space<vmem>>
      %dma_wait3A_1133 = tpu.memref_squeeze %dma_wait3A_1132 : memref<1x1x512xf32, #tpu.memory_space<vmem>> -> memref<512xf32, #tpu.memory_space<vmem>>
      %dma_wait3A_1134 = arith.constant 0 : i32
      %dma_wait3A_1135 = tpu.memref_slice %arg2[%dma_wait3A_1127, %dma_wait3A_1134] : memref<64x1000000xf32, #tpu.memory_space<hbm>> -> memref<1x1000000xf32, #tpu.memory_space<hbm>>
      %dma_wait3A_1136 = tpu.memref_squeeze %dma_wait3A_1135 : memref<1x1000000xf32, #tpu.memory_space<hbm>> -> memref<1000000xf32, #tpu.memory_space<hbm>>
      %dma_wait3A_1137 = arith.constant 0 : i32
      %dma_wait3A_1138 = tpu.memref_slice %dma_wait3A_1136[%dma_wait3A_1137] : memref<1000000xf32, #tpu.memory_space<hbm>> -> memref<1000000xf32, #tpu.memory_space<hbm>>
      %dma_wait3A_1139 = tpu.memref_slice %arg15[%dma_wait3A_1130] : memref<2x!tpu.dma_semaphore, #tpu.memory_space<semaphore_mem>> -> memref<1x!tpu.dma_semaphore, #tpu.memory_space<semaphore_mem>>
      %dma_wait3A_1140 = tpu.memref_squeeze %dma_wait3A_1139 : memref<1x!tpu.dma_semaphore, #tpu.memory_space<semaphore_mem>> -> memref<!tpu.dma_semaphore, #tpu.memory_space<semaphore_mem>>
      tpu.wait_indirect_dma semaphore(%dma_wait3A_1140 : memref<!tpu.dma_semaphore, #tpu.memory_space<semaphore_mem>>) src(%dma_wait3A_1138 : memref<1000000xf32, #tpu.memory_space<hbm>>) dst(%dma_wait3A_1133 : memref<512xf32, #tpu.memory_space<vmem>>)
      %dma_wait3A_1141 = arith.constant 0 : i32
      %dma_wait3A_1142 = arith.constant 1 : i32
      %dma_wait3A_1143 = arith.constant 2 : i32
      %dma_wait3A_1144 = arith.constant 1 : i32
      %dma_wait3A_1145 = arith.constant 0 : i32
      %dma_wait3A_1146 = tpu.memref_slice %arg12[%dma_wait3A_1142, %dma_wait3A_1143, %dma_wait3A_1145] : memref<2x8x512xf32, #tpu.memory_space<vmem>> -> memref<1x1x512xf32, #tpu.memory_space<vmem>>
      %dma_wait3A_1147 = tpu.memref_squeeze %dma_wait3A_1146 : memref<1x1x512xf32, #tpu.memory_space<vmem>> -> memref<512xf32, #tpu.memory_space<vmem>>
      %dma_wait3A_1148 = arith.constant 0 : i32
      %dma_wait3A_1149 = tpu.memref_slice %arg3[%dma_wait3A_1141, %dma_wait3A_1148] : memref<64x1000000xf32, #tpu.memory_space<hbm>> -> memref<1x1000000xf32, #tpu.memory_space<hbm>>
      %dma_wait3A_1150 = tpu.memref_squeeze %dma_wait3A_1149 : memref<1x1000000xf32, #tpu.memory_space<hbm>> -> memref<1000000xf32, #tpu.memory_space<hbm>>
      %dma_wait3A_1151 = arith.constant 0 : i32
      %dma_wait3A_1152 = tpu.memref_slice %dma_wait3A_1150[%dma_wait3A_1151] : memref<1000000xf32, #tpu.memory_space<hbm>> -> memref<1000000xf32, #tpu.memory_space<hbm>>
      %dma_wait3A_1153 = tpu.memref_slice %arg15[%dma_wait3A_1144] : memref<2x!tpu.dma_semaphore, #tpu.memory_space<semaphore_mem>> -> memref<1x!tpu.dma_semaphore, #tpu.memory_space<semaphore_mem>>
      %dma_wait3A_1154 = tpu.memref_squeeze %dma_wait3A_1153 : memref<1x!tpu.dma_semaphore, #tpu.memory_space<semaphore_mem>> -> memref<!tpu.dma_semaphore, #tpu.memory_space<semaphore_mem>>
      tpu.wait_indirect_dma semaphore(%dma_wait3A_1154 : memref<!tpu.dma_semaphore, #tpu.memory_space<semaphore_mem>>) src(%dma_wait3A_1152 : memref<1000000xf32, #tpu.memory_space<hbm>>) dst(%dma_wait3A_1147 : memref<512xf32, #tpu.memory_space<vmem>>)
      %dma_wait3A_1155 = arith.constant 0 : i32
      %dma_wait3A_1156 = arith.constant 1 : i32
      %dma_wait3A_1157 = arith.constant 2 : i32
      %dma_wait3A_1158 = arith.constant 1 : i32
      %dma_wait3A_1159 = arith.constant 0 : i32
      %dma_wait3A_1160 = tpu.memref_slice %arg13[%dma_wait3A_1156, %dma_wait3A_1157, %dma_wait3A_1159] : memref<2x8x512xf32, #tpu.memory_space<vmem>> -> memref<1x1x512xf32, #tpu.memory_space<vmem>>
      %dma_wait3A_1161 = tpu.memref_squeeze %dma_wait3A_1160 : memref<1x1x512xf32, #tpu.memory_space<vmem>> -> memref<512xf32, #tpu.memory_space<vmem>>
      %dma_wait3A_1162 = arith.constant 0 : i32
      %dma_wait3A_1163 = tpu.memref_slice %arg2[%dma_wait3A_1155, %dma_wait3A_1162] : memref<64x1000000xf32, #tpu.memory_space<hbm>> -> memref<1x1000000xf32, #tpu.memory_space<hbm>>
      %dma_wait3A_1164 = tpu.memref_squeeze %dma_wait3A_1163 : memref<1x1000000xf32, #tpu.memory_space<hbm>> -> memref<1000000xf32, #tpu.memory_space<hbm>>
      %dma_wait3A_1165 = arith.constant 0 : i32
      %dma_wait3A_1166 = tpu.memref_slice %dma_wait3A_1164[%dma_wait3A_1165] : memref<1000000xf32, #tpu.memory_space<hbm>> -> memref<1000000xf32, #tpu.memory_space<hbm>>
      %dma_wait3A_1167 = tpu.memref_slice %arg15[%dma_wait3A_1158] : memref<2x!tpu.dma_semaphore, #tpu.memory_space<semaphore_mem>> -> memref<1x!tpu.dma_semaphore, #tpu.memory_space<semaphore_mem>>
      %dma_wait3A_1168 = tpu.memref_squeeze %dma_wait3A_1167 : memref<1x!tpu.dma_semaphore, #tpu.memory_space<semaphore_mem>> -> memref<!tpu.dma_semaphore, #tpu.memory_space<semaphore_mem>>
      tpu.wait_indirect_dma semaphore(%dma_wait3A_1168 : memref<!tpu.dma_semaphore, #tpu.memory_space<semaphore_mem>>) src(%dma_wait3A_1166 : memref<1000000xf32, #tpu.memory_space<hbm>>) dst(%dma_wait3A_1161 : memref<512xf32, #tpu.memory_space<vmem>>)
      %dma_wait3A_1169 = arith.constant 0 : i32
      %dma_wait3A_1170 = arith.constant 1 : i32
      %dma_wait3A_1171 = arith.constant 3 : i32
      %dma_wait3A_1172 = arith.constant 1 : i32
      %dma_wait3A_1173 = arith.constant 0 : i32
      %dma_wait3A_1174 = tpu.memref_slice %arg11[%dma_wait3A_1170, %dma_wait3A_1171, %dma_wait3A_1173] : memref<2x8x512xf32, #tpu.memory_space<vmem>> -> memref<1x1x512xf32, #tpu.memory_space<vmem>>
      %dma_wait3A_1175 = tpu.memref_squeeze %dma_wait3A_1174 : memref<1x1x512xf32, #tpu.memory_space<vmem>> -> memref<512xf32, #tpu.memory_space<vmem>>
      %dma_wait3A_1176 = arith.constant 0 : i32
      %dma_wait3A_1177 = tpu.memref_slice %arg2[%dma_wait3A_1169, %dma_wait3A_1176] : memref<64x1000000xf32, #tpu.memory_space<hbm>> -> memref<1x1000000xf32, #tpu.memory_space<hbm>>
      %dma_wait3A_1178 = tpu.memref_squeeze %dma_wait3A_1177 : memref<1x1000000xf32, #tpu.memory_space<hbm>> -> memref<1000000xf32, #tpu.memory_space<hbm>>
      %dma_wait3A_1179 = arith.constant 0 : i32
      %dma_wait3A_1180 = tpu.memref_slice %dma_wait3A_1178[%dma_wait3A_1179] : memref<1000000xf32, #tpu.memory_space<hbm>> -> memref<1000000xf32, #tpu.memory_space<hbm>>
      %dma_wait3A_1181 = tpu.memref_slice %arg15[%dma_wait3A_1172] : memref<2x!tpu.dma_semaphore, #tpu.memory_space<semaphore_mem>> -> memref<1x!tpu.dma_semaphore, #tpu.memory_space<semaphore_mem>>
      %dma_wait3A_1182 = tpu.memref_squeeze %dma_wait3A_1181 : memref<1x!tpu.dma_semaphore, #tpu.memory_space<semaphore_mem>> -> memref<!tpu.dma_semaphore, #tpu.memory_space<semaphore_mem>>
      tpu.wait_indirect_dma semaphore(%dma_wait3A_1182 : memref<!tpu.dma_semaphore, #tpu.memory_space<semaphore_mem>>) src(%dma_wait3A_1180 : memref<1000000xf32, #tpu.memory_space<hbm>>) dst(%dma_wait3A_1175 : memref<512xf32, #tpu.memory_space<vmem>>)
      %dma_wait3A_1183 = arith.constant 0 : i32
      %dma_wait3A_1184 = arith.constant 1 : i32
      %dma_wait3A_1185 = arith.constant 3 : i32
      %dma_wait3A_1186 = arith.constant 1 : i32
      %dma_wait3A_1187 = arith.constant 0 : i32
      %dma_wait3A_1188 = tpu.memref_slice %arg12[%dma_wait3A_1184, %dma_wait3A_1185, %dma_wait3A_1187] : memref<2x8x512xf32, #tpu.memory_space<vmem>> -> memref<1x1x512xf32, #tpu.memory_space<vmem>>
      %dma_wait3A_1189 = tpu.memref_squeeze %dma_wait3A_1188 : memref<1x1x512xf32, #tpu.memory_space<vmem>> -> memref<512xf32, #tpu.memory_space<vmem>>
      %dma_wait3A_1190 = arith.constant 0 : i32
      %dma_wait3A_1191 = tpu.memref_slice %arg3[%dma_wait3A_1183, %dma_wait3A_1190] : memref<64x1000000xf32, #tpu.memory_space<hbm>> -> memref<1x1000000xf32, #tpu.memory_space<hbm>>
      %dma_wait3A_1192 = tpu.memref_squeeze %dma_wait3A_1191 : memref<1x1000000xf32, #tpu.memory_space<hbm>> -> memref<1000000xf32, #tpu.memory_space<hbm>>
      %dma_wait3A_1193 = arith.constant 0 : i32
      %dma_wait3A_1194 = tpu.memref_slice %dma_wait3A_1192[%dma_wait3A_1193] : memref<1000000xf32, #tpu.memory_space<hbm>> -> memref<1000000xf32, #tpu.memory_space<hbm>>
      %dma_wait3A_1195 = tpu.memref_slice %arg15[%dma_wait3A_1186] : memref<2x!tpu.dma_semaphore, #tpu.memory_space<semaphore_mem>> -> memref<1x!tpu.dma_semaphore, #tpu.memory_space<semaphore_mem>>
      %dma_wait3A_1196 = tpu.memref_squeeze %dma_wait3A_1195 : memref<1x!tpu.dma_semaphore, #tpu.memory_space<semaphore_mem>> -> memref<!tpu.dma_semaphore, #tpu.memory_space<semaphore_mem>>
      tpu.wait_indirect_dma semaphore(%dma_wait3A_1196 : memref<!tpu.dma_semaphore, #tpu.memory_space<semaphore_mem>>) src(%dma_wait3A_1194 : memref<1000000xf32, #tpu.memory_space<hbm>>) dst(%dma_wait3A_1189 : memref<512xf32, #tpu.memory_space<vmem>>)
      %dma_wait3A_1197 = arith.constant 0 : i32
      %dma_wait3A_1198 = arith.constant 1 : i32
      %dma_wait3A_1199 = arith.constant 3 : i32
      %dma_wait3A_1200 = arith.constant 1 : i32
      %dma_wait3A_1201 = arith.constant 0 : i32
      %dma_wait3A_1202 = tpu.memref_slice %arg13[%dma_wait3A_1198, %dma_wait3A_1199, %dma_wait3A_1201] : memref<2x8x512xf32, #tpu.memory_space<vmem>> -> memref<1x1x512xf32, #tpu.memory_space<vmem>>
      %dma_wait3A_1203 = tpu.memref_squeeze %dma_wait3A_1202 : memref<1x1x512xf32, #tpu.memory_space<vmem>> -> memref<512xf32, #tpu.memory_space<vmem>>
      %dma_wait3A_1204 = arith.constant 0 : i32
      %dma_wait3A_1205 = tpu.memref_slice %arg2[%dma_wait3A_1197, %dma_wait3A_1204] : memref<64x1000000xf32, #tpu.memory_space<hbm>> -> memref<1x1000000xf32, #tpu.memory_space<hbm>>
      %dma_wait3A_1206 = tpu.memref_squeeze %dma_wait3A_1205 : memref<1x1000000xf32, #tpu.memory_space<hbm>> -> memref<1000000xf32, #tpu.memory_space<hbm>>
      %dma_wait3A_1207 = arith.constant 0 : i32
      %dma_wait3A_1208 = tpu.memref_slice %dma_wait3A_1206[%dma_wait3A_1207] : memref<1000000xf32, #tpu.memory_space<hbm>> -> memref<1000000xf32, #tpu.memory_space<hbm>>
      %dma_wait3A_1209 = tpu.memref_slice %arg15[%dma_wait3A_1200] : memref<2x!tpu.dma_semaphore, #tpu.memory_space<semaphore_mem>> -> memref<1x!tpu.dma_semaphore, #tpu.memory_space<semaphore_mem>>
      %dma_wait3A_1210 = tpu.memref_squeeze %dma_wait3A_1209 : memref<1x!tpu.dma_semaphore, #tpu.memory_space<semaphore_mem>> -> memref<!tpu.dma_semaphore, #tpu.memory_space<semaphore_mem>>
      tpu.wait_indirect_dma semaphore(%dma_wait3A_1210 : memref<!tpu.dma_semaphore, #tpu.memory_space<semaphore_mem>>) src(%dma_wait3A_1208 : memref<1000000xf32, #tpu.memory_space<hbm>>) dst(%dma_wait3A_1203 : memref<512xf32, #tpu.memory_space<vmem>>)
      %dma_wait3A_1211 = arith.constant 0 : i32
      %dma_wait3A_1212 = arith.constant 1 : i32
      %dma_wait3A_1213 = arith.constant 4 : i32
      %dma_wait3A_1214 = arith.constant 1 : i32
      %dma_wait3A_1215 = arith.constant 0 : i32
      %dma_wait3A_1216 = tpu.memref_slice %arg11[%dma_wait3A_1212, %dma_wait3A_1213, %dma_wait3A_1215] : memref<2x8x512xf32, #tpu.memory_space<vmem>> -> memref<1x1x512xf32, #tpu.memory_space<vmem>>
      %dma_wait3A_1217 = tpu.memref_squeeze %dma_wait3A_1216 : memref<1x1x512xf32, #tpu.memory_space<vmem>> -> memref<512xf32, #tpu.memory_space<vmem>>
      %dma_wait3A_1218 = arith.constant 0 : i32
      %dma_wait3A_1219 = tpu.memref_slice %arg2[%dma_wait3A_1211, %dma_wait3A_1218] : memref<64x1000000xf32, #tpu.memory_space<hbm>> -> memref<1x1000000xf32, #tpu.memory_space<hbm>>
      %dma_wait3A_1220 = tpu.memref_squeeze %dma_wait3A_1219 : memref<1x1000000xf32, #tpu.memory_space<hbm>> -> memref<1000000xf32, #tpu.memory_space<hbm>>
      %dma_wait3A_1221 = arith.constant 0 : i32
      %dma_wait3A_1222 = tpu.memref_slice %dma_wait3A_1220[%dma_wait3A_1221] : memref<1000000xf32, #tpu.memory_space<hbm>> -> memref<1000000xf32, #tpu.memory_space<hbm>>
      %dma_wait3A_1223 = tpu.memref_slice %arg15[%dma_wait3A_1214] : memref<2x!tpu.dma_semaphore, #tpu.memory_space<semaphore_mem>> -> memref<1x!tpu.dma_semaphore, #tpu.memory_space<semaphore_mem>>
      %dma_wait3A_1224 = tpu.memref_squeeze %dma_wait3A_1223 : memref<1x!tpu.dma_semaphore, #tpu.memory_space<semaphore_mem>> -> memref<!tpu.dma_semaphore, #tpu.memory_space<semaphore_mem>>
      tpu.wait_indirect_dma semaphore(%dma_wait3A_1224 : memref<!tpu.dma_semaphore, #tpu.memory_space<semaphore_mem>>) src(%dma_wait3A_1222 : memref<1000000xf32, #tpu.memory_space<hbm>>) dst(%dma_wait3A_1217 : memref<512xf32, #tpu.memory_space<vmem>>)
      %dma_wait3A_1225 = arith.constant 0 : i32
      %dma_wait3A_1226 = arith.constant 1 : i32
      %dma_wait3A_1227 = arith.constant 4 : i32
      %dma_wait3A_1228 = arith.constant 1 : i32
      %dma_wait3A_1229 = arith.constant 0 : i32
      %dma_wait3A_1230 = tpu.memref_slice %arg12[%dma_wait3A_1226, %dma_wait3A_1227, %dma_wait3A_1229] : memref<2x8x512xf32, #tpu.memory_space<vmem>> -> memref<1x1x512xf32, #tpu.memory_space<vmem>>
      %dma_wait3A_1231 = tpu.memref_squeeze %dma_wait3A_1230 : memref<1x1x512xf32, #tpu.memory_space<vmem>> -> memref<512xf32, #tpu.memory_space<vmem>>
      %dma_wait3A_1232 = arith.constant 0 : i32
      %dma_wait3A_1233 = tpu.memref_slice %arg3[%dma_wait3A_1225, %dma_wait3A_1232] : memref<64x1000000xf32, #tpu.memory_space<hbm>> -> memref<1x1000000xf32, #tpu.memory_space<hbm>>
      %dma_wait3A_1234 = tpu.memref_squeeze %dma_wait3A_1233 : memref<1x1000000xf32, #tpu.memory_space<hbm>> -> memref<1000000xf32, #tpu.memory_space<hbm>>
      %dma_wait3A_1235 = arith.constant 0 : i32
      %dma_wait3A_1236 = tpu.memref_slice %dma_wait3A_1234[%dma_wait3A_1235] : memref<1000000xf32, #tpu.memory_space<hbm>> -> memref<1000000xf32, #tpu.memory_space<hbm>>
      %dma_wait3A_1237 = tpu.memref_slice %arg15[%dma_wait3A_1228] : memref<2x!tpu.dma_semaphore, #tpu.memory_space<semaphore_mem>> -> memref<1x!tpu.dma_semaphore, #tpu.memory_space<semaphore_mem>>
      %dma_wait3A_1238 = tpu.memref_squeeze %dma_wait3A_1237 : memref<1x!tpu.dma_semaphore, #tpu.memory_space<semaphore_mem>> -> memref<!tpu.dma_semaphore, #tpu.memory_space<semaphore_mem>>
      tpu.wait_indirect_dma semaphore(%dma_wait3A_1238 : memref<!tpu.dma_semaphore, #tpu.memory_space<semaphore_mem>>) src(%dma_wait3A_1236 : memref<1000000xf32, #tpu.memory_space<hbm>>) dst(%dma_wait3A_1231 : memref<512xf32, #tpu.memory_space<vmem>>)
      %dma_wait3A_1239 = arith.constant 0 : i32
      %dma_wait3A_1240 = arith.constant 1 : i32
      %dma_wait3A_1241 = arith.constant 4 : i32
      %dma_wait3A_1242 = arith.constant 1 : i32
      %dma_wait3A_1243 = arith.constant 0 : i32
      %dma_wait3A_1244 = tpu.memref_slice %arg13[%dma_wait3A_1240, %dma_wait3A_1241, %dma_wait3A_1243] : memref<2x8x512xf32, #tpu.memory_space<vmem>> -> memref<1x1x512xf32, #tpu.memory_space<vmem>>
      %dma_wait3A_1245 = tpu.memref_squeeze %dma_wait3A_1244 : memref<1x1x512xf32, #tpu.memory_space<vmem>> -> memref<512xf32, #tpu.memory_space<vmem>>
      %dma_wait3A_1246 = arith.constant 0 : i32
      %dma_wait3A_1247 = tpu.memref_slice %arg2[%dma_wait3A_1239, %dma_wait3A_1246] : memref<64x1000000xf32, #tpu.memory_space<hbm>> -> memref<1x1000000xf32, #tpu.memory_space<hbm>>
      %dma_wait3A_1248 = tpu.memref_squeeze %dma_wait3A_1247 : memref<1x1000000xf32, #tpu.memory_space<hbm>> -> memref<1000000xf32, #tpu.memory_space<hbm>>
      %dma_wait3A_1249 = arith.constant 0 : i32
      %dma_wait3A_1250 = tpu.memref_slice %dma_wait3A_1248[%dma_wait3A_1249] : memref<1000000xf32, #tpu.memory_space<hbm>> -> memref<1000000xf32, #tpu.memory_space<hbm>>
      %dma_wait3A_1251 = tpu.memref_slice %arg15[%dma_wait3A_1242] : memref<2x!tpu.dma_semaphore, #tpu.memory_space<semaphore_mem>> -> memref<1x!tpu.dma_semaphore, #tpu.memory_space<semaphore_mem>>
      %dma_wait3A_1252 = tpu.memref_squeeze %dma_wait3A_1251 : memref<1x!tpu.dma_semaphore, #tpu.memory_space<semaphore_mem>> -> memref<!tpu.dma_semaphore, #tpu.memory_space<semaphore_mem>>
      tpu.wait_indirect_dma semaphore(%dma_wait3A_1252 : memref<!tpu.dma_semaphore, #tpu.memory_space<semaphore_mem>>) src(%dma_wait3A_1250 : memref<1000000xf32, #tpu.memory_space<hbm>>) dst(%dma_wait3A_1245 : memref<512xf32, #tpu.memory_space<vmem>>)
      %dma_wait3A_1253 = arith.constant 0 : i32
      %dma_wait3A_1254 = arith.constant 1 : i32
      %dma_wait3A_1255 = arith.constant 5 : i32
      %dma_wait3A_1256 = arith.constant 1 : i32
      %dma_wait3A_1257 = arith.constant 0 : i32
      %dma_wait3A_1258 = tpu.memref_slice %arg11[%dma_wait3A_1254, %dma_wait3A_1255, %dma_wait3A_1257] : memref<2x8x512xf32, #tpu.memory_space<vmem>> -> memref<1x1x512xf32, #tpu.memory_space<vmem>>
      %dma_wait3A_1259 = tpu.memref_squeeze %dma_wait3A_1258 : memref<1x1x512xf32, #tpu.memory_space<vmem>> -> memref<512xf32, #tpu.memory_space<vmem>>
      %dma_wait3A_1260 = arith.constant 0 : i32
      %dma_wait3A_1261 = tpu.memref_slice %arg2[%dma_wait3A_1253, %dma_wait3A_1260] : memref<64x1000000xf32, #tpu.memory_space<hbm>> -> memref<1x1000000xf32, #tpu.memory_space<hbm>>
      %dma_wait3A_1262 = tpu.memref_squeeze %dma_wait3A_1261 : memref<1x1000000xf32, #tpu.memory_space<hbm>> -> memref<1000000xf32, #tpu.memory_space<hbm>>
      %dma_wait3A_1263 = arith.constant 0 : i32
      %dma_wait3A_1264 = tpu.memref_slice %dma_wait3A_1262[%dma_wait3A_1263] : memref<1000000xf32, #tpu.memory_space<hbm>> -> memref<1000000xf32, #tpu.memory_space<hbm>>
      %dma_wait3A_1265 = tpu.memref_slice %arg15[%dma_wait3A_1256] : memref<2x!tpu.dma_semaphore, #tpu.memory_space<semaphore_mem>> -> memref<1x!tpu.dma_semaphore, #tpu.memory_space<semaphore_mem>>
      %dma_wait3A_1266 = tpu.memref_squeeze %dma_wait3A_1265 : memref<1x!tpu.dma_semaphore, #tpu.memory_space<semaphore_mem>> -> memref<!tpu.dma_semaphore, #tpu.memory_space<semaphore_mem>>
      tpu.wait_indirect_dma semaphore(%dma_wait3A_1266 : memref<!tpu.dma_semaphore, #tpu.memory_space<semaphore_mem>>) src(%dma_wait3A_1264 : memref<1000000xf32, #tpu.memory_space<hbm>>) dst(%dma_wait3A_1259 : memref<512xf32, #tpu.memory_space<vmem>>)
      %dma_wait3A_1267 = arith.constant 0 : i32
      %dma_wait3A_1268 = arith.constant 1 : i32
      %dma_wait3A_1269 = arith.constant 5 : i32
      %dma_wait3A_1270 = arith.constant 1 : i32
      %dma_wait3A_1271 = arith.constant 0 : i32
      %dma_wait3A_1272 = tpu.memref_slice %arg12[%dma_wait3A_1268, %dma_wait3A_1269, %dma_wait3A_1271] : memref<2x8x512xf32, #tpu.memory_space<vmem>> -> memref<1x1x512xf32, #tpu.memory_space<vmem>>
      %dma_wait3A_1273 = tpu.memref_squeeze %dma_wait3A_1272 : memref<1x1x512xf32, #tpu.memory_space<vmem>> -> memref<512xf32, #tpu.memory_space<vmem>>
      %dma_wait3A_1274 = arith.constant 0 : i32
      %dma_wait3A_1275 = tpu.memref_slice %arg3[%dma_wait3A_1267, %dma_wait3A_1274] : memref<64x1000000xf32, #tpu.memory_space<hbm>> -> memref<1x1000000xf32, #tpu.memory_space<hbm>>
      %dma_wait3A_1276 = tpu.memref_squeeze %dma_wait3A_1275 : memref<1x1000000xf32, #tpu.memory_space<hbm>> -> memref<1000000xf32, #tpu.memory_space<hbm>>
      %dma_wait3A_1277 = arith.constant 0 : i32
      %dma_wait3A_1278 = tpu.memref_slice %dma_wait3A_1276[%dma_wait3A_1277] : memref<1000000xf32, #tpu.memory_space<hbm>> -> memref<1000000xf32, #tpu.memory_space<hbm>>
      %dma_wait3A_1279 = tpu.memref_slice %arg15[%dma_wait3A_1270] : memref<2x!tpu.dma_semaphore, #tpu.memory_space<semaphore_mem>> -> memref<1x!tpu.dma_semaphore, #tpu.memory_space<semaphore_mem>>
      %dma_wait3A_1280 = tpu.memref_squeeze %dma_wait3A_1279 : memref<1x!tpu.dma_semaphore, #tpu.memory_space<semaphore_mem>> -> memref<!tpu.dma_semaphore, #tpu.memory_space<semaphore_mem>>
      tpu.wait_indirect_dma semaphore(%dma_wait3A_1280 : memref<!tpu.dma_semaphore, #tpu.memory_space<semaphore_mem>>) src(%dma_wait3A_1278 : memref<1000000xf32, #tpu.memory_space<hbm>>) dst(%dma_wait3A_1273 : memref<512xf32, #tpu.memory_space<vmem>>)
      %dma_wait3A_1281 = arith.constant 0 : i32
      %dma_wait3A_1282 = arith.constant 1 : i32
      %dma_wait3A_1283 = arith.constant 5 : i32
      %dma_wait3A_1284 = arith.constant 1 : i32
      %dma_wait3A_1285 = arith.constant 0 : i32
      %dma_wait3A_1286 = tpu.memref_slice %arg13[%dma_wait3A_1282, %dma_wait3A_1283, %dma_wait3A_1285] : memref<2x8x512xf32, #tpu.memory_space<vmem>> -> memref<1x1x512xf32, #tpu.memory_space<vmem>>
      %dma_wait3A_1287 = tpu.memref_squeeze %dma_wait3A_1286 : memref<1x1x512xf32, #tpu.memory_space<vmem>> -> memref<512xf32, #tpu.memory_space<vmem>>
      %dma_wait3A_1288 = arith.constant 0 : i32
      %dma_wait3A_1289 = tpu.memref_slice %arg2[%dma_wait3A_1281, %dma_wait3A_1288] : memref<64x1000000xf32, #tpu.memory_space<hbm>> -> memref<1x1000000xf32, #tpu.memory_space<hbm>>
      %dma_wait3A_1290 = tpu.memref_squeeze %dma_wait3A_1289 : memref<1x1000000xf32, #tpu.memory_space<hbm>> -> memref<1000000xf32, #tpu.memory_space<hbm>>
      %dma_wait3A_1291 = arith.constant 0 : i32
      %dma_wait3A_1292 = tpu.memref_slice %dma_wait3A_1290[%dma_wait3A_1291] : memref<1000000xf32, #tpu.memory_space<hbm>> -> memref<1000000xf32, #tpu.memory_space<hbm>>
      %dma_wait3A_1293 = tpu.memref_slice %arg15[%dma_wait3A_1284] : memref<2x!tpu.dma_semaphore, #tpu.memory_space<semaphore_mem>> -> memref<1x!tpu.dma_semaphore, #tpu.memory_space<semaphore_mem>>
      %dma_wait3A_1294 = tpu.memref_squeeze %dma_wait3A_1293 : memref<1x!tpu.dma_semaphore, #tpu.memory_space<semaphore_mem>> -> memref<!tpu.dma_semaphore, #tpu.memory_space<semaphore_mem>>
      tpu.wait_indirect_dma semaphore(%dma_wait3A_1294 : memref<!tpu.dma_semaphore, #tpu.memory_space<semaphore_mem>>) src(%dma_wait3A_1292 : memref<1000000xf32, #tpu.memory_space<hbm>>) dst(%dma_wait3A_1287 : memref<512xf32, #tpu.memory_space<vmem>>)
      %dma_wait3A_1295 = arith.constant 0 : i32
      %dma_wait3A_1296 = arith.constant 1 : i32
      %dma_wait3A_1297 = arith.constant 6 : i32
      %dma_wait3A_1298 = arith.constant 1 : i32
      %dma_wait3A_1299 = arith.constant 0 : i32
      %dma_wait3A_1300 = tpu.memref_slice %arg11[%dma_wait3A_1296, %dma_wait3A_1297, %dma_wait3A_1299] : memref<2x8x512xf32, #tpu.memory_space<vmem>> -> memref<1x1x512xf32, #tpu.memory_space<vmem>>
      %dma_wait3A_1301 = tpu.memref_squeeze %dma_wait3A_1300 : memref<1x1x512xf32, #tpu.memory_space<vmem>> -> memref<512xf32, #tpu.memory_space<vmem>>
      %dma_wait3A_1302 = arith.constant 0 : i32
      %dma_wait3A_1303 = tpu.memref_slice %arg2[%dma_wait3A_1295, %dma_wait3A_1302] : memref<64x1000000xf32, #tpu.memory_space<hbm>> -> memref<1x1000000xf32, #tpu.memory_space<hbm>>
      %dma_wait3A_1304 = tpu.memref_squeeze %dma_wait3A_1303 : memref<1x1000000xf32, #tpu.memory_space<hbm>> -> memref<1000000xf32, #tpu.memory_space<hbm>>
      %dma_wait3A_1305 = arith.constant 0 : i32
      %dma_wait3A_1306 = tpu.memref_slice %dma_wait3A_1304[%dma_wait3A_1305] : memref<1000000xf32, #tpu.memory_space<hbm>> -> memref<1000000xf32, #tpu.memory_space<hbm>>
      %dma_wait3A_1307 = tpu.memref_slice %arg15[%dma_wait3A_1298] : memref<2x!tpu.dma_semaphore, #tpu.memory_space<semaphore_mem>> -> memref<1x!tpu.dma_semaphore, #tpu.memory_space<semaphore_mem>>
      %dma_wait3A_1308 = tpu.memref_squeeze %dma_wait3A_1307 : memref<1x!tpu.dma_semaphore, #tpu.memory_space<semaphore_mem>> -> memref<!tpu.dma_semaphore, #tpu.memory_space<semaphore_mem>>
      tpu.wait_indirect_dma semaphore(%dma_wait3A_1308 : memref<!tpu.dma_semaphore, #tpu.memory_space<semaphore_mem>>) src(%dma_wait3A_1306 : memref<1000000xf32, #tpu.memory_space<hbm>>) dst(%dma_wait3A_1301 : memref<512xf32, #tpu.memory_space<vmem>>)
      %dma_wait3A_1309 = arith.constant 0 : i32
      %dma_wait3A_1310 = arith.constant 1 : i32
      %dma_wait3A_1311 = arith.constant 6 : i32
      %dma_wait3A_1312 = arith.constant 1 : i32
      %dma_wait3A_1313 = arith.constant 0 : i32
      %dma_wait3A_1314 = tpu.memref_slice %arg12[%dma_wait3A_1310, %dma_wait3A_1311, %dma_wait3A_1313] : memref<2x8x512xf32, #tpu.memory_space<vmem>> -> memref<1x1x512xf32, #tpu.memory_space<vmem>>
      %dma_wait3A_1315 = tpu.memref_squeeze %dma_wait3A_1314 : memref<1x1x512xf32, #tpu.memory_space<vmem>> -> memref<512xf32, #tpu.memory_space<vmem>>
      %dma_wait3A_1316 = arith.constant 0 : i32
      %dma_wait3A_1317 = tpu.memref_slice %arg3[%dma_wait3A_1309, %dma_wait3A_1316] : memref<64x1000000xf32, #tpu.memory_space<hbm>> -> memref<1x1000000xf32, #tpu.memory_space<hbm>>
      %dma_wait3A_1318 = tpu.memref_squeeze %dma_wait3A_1317 : memref<1x1000000xf32, #tpu.memory_space<hbm>> -> memref<1000000xf32, #tpu.memory_space<hbm>>
      %dma_wait3A_1319 = arith.constant 0 : i32
      %dma_wait3A_1320 = tpu.memref_slice %dma_wait3A_1318[%dma_wait3A_1319] : memref<1000000xf32, #tpu.memory_space<hbm>> -> memref<1000000xf32, #tpu.memory_space<hbm>>
      %dma_wait3A_1321 = tpu.memref_slice %arg15[%dma_wait3A_1312] : memref<2x!tpu.dma_semaphore, #tpu.memory_space<semaphore_mem>> -> memref<1x!tpu.dma_semaphore, #tpu.memory_space<semaphore_mem>>
      %dma_wait3A_1322 = tpu.memref_squeeze %dma_wait3A_1321 : memref<1x!tpu.dma_semaphore, #tpu.memory_space<semaphore_mem>> -> memref<!tpu.dma_semaphore, #tpu.memory_space<semaphore_mem>>
      tpu.wait_indirect_dma semaphore(%dma_wait3A_1322 : memref<!tpu.dma_semaphore, #tpu.memory_space<semaphore_mem>>) src(%dma_wait3A_1320 : memref<1000000xf32, #tpu.memory_space<hbm>>) dst(%dma_wait3A_1315 : memref<512xf32, #tpu.memory_space<vmem>>)
      %dma_wait3A_1323 = arith.constant 0 : i32
      %dma_wait3A_1324 = arith.constant 1 : i32
      %dma_wait3A_1325 = arith.constant 6 : i32
      %dma_wait3A_1326 = arith.constant 1 : i32
      %dma_wait3A_1327 = arith.constant 0 : i32
      %dma_wait3A_1328 = tpu.memref_slice %arg13[%dma_wait3A_1324, %dma_wait3A_1325, %dma_wait3A_1327] : memref<2x8x512xf32, #tpu.memory_space<vmem>> -> memref<1x1x512xf32, #tpu.memory_space<vmem>>
      %dma_wait3A_1329 = tpu.memref_squeeze %dma_wait3A_1328 : memref<1x1x512xf32, #tpu.memory_space<vmem>> -> memref<512xf32, #tpu.memory_space<vmem>>
      %dma_wait3A_1330 = arith.constant 0 : i32
      %dma_wait3A_1331 = tpu.memref_slice %arg2[%dma_wait3A_1323, %dma_wait3A_1330] : memref<64x1000000xf32, #tpu.memory_space<hbm>> -> memref<1x1000000xf32, #tpu.memory_space<hbm>>
      %dma_wait3A_1332 = tpu.memref_squeeze %dma_wait3A_1331 : memref<1x1000000xf32, #tpu.memory_space<hbm>> -> memref<1000000xf32, #tpu.memory_space<hbm>>
      %dma_wait3A_1333 = arith.constant 0 : i32
      %dma_wait3A_1334 = tpu.memref_slice %dma_wait3A_1332[%dma_wait3A_1333] : memref<1000000xf32, #tpu.memory_space<hbm>> -> memref<1000000xf32, #tpu.memory_space<hbm>>
      %dma_wait3A_1335 = tpu.memref_slice %arg15[%dma_wait3A_1326] : memref<2x!tpu.dma_semaphore, #tpu.memory_space<semaphore_mem>> -> memref<1x!tpu.dma_semaphore, #tpu.memory_space<semaphore_mem>>
      %dma_wait3A_1336 = tpu.memref_squeeze %dma_wait3A_1335 : memref<1x!tpu.dma_semaphore, #tpu.memory_space<semaphore_mem>> -> memref<!tpu.dma_semaphore, #tpu.memory_space<semaphore_mem>>
      tpu.wait_indirect_dma semaphore(%dma_wait3A_1336 : memref<!tpu.dma_semaphore, #tpu.memory_space<semaphore_mem>>) src(%dma_wait3A_1334 : memref<1000000xf32, #tpu.memory_space<hbm>>) dst(%dma_wait3A_1329 : memref<512xf32, #tpu.memory_space<vmem>>)
      %dma_wait3A_1337 = arith.constant 0 : i32
      %dma_wait3A_1338 = arith.constant 1 : i32
      %dma_wait3A_1339 = arith.constant 7 : i32
      %dma_wait3A_1340 = arith.constant 1 : i32
      %dma_wait3A_1341 = arith.constant 0 : i32
      %dma_wait3A_1342 = tpu.memref_slice %arg11[%dma_wait3A_1338, %dma_wait3A_1339, %dma_wait3A_1341] : memref<2x8x512xf32, #tpu.memory_space<vmem>> -> memref<1x1x512xf32, #tpu.memory_space<vmem>>
      %dma_wait3A_1343 = tpu.memref_squeeze %dma_wait3A_1342 : memref<1x1x512xf32, #tpu.memory_space<vmem>> -> memref<512xf32, #tpu.memory_space<vmem>>
      %dma_wait3A_1344 = arith.constant 0 : i32
      %dma_wait3A_1345 = tpu.memref_slice %arg2[%dma_wait3A_1337, %dma_wait3A_1344] : memref<64x1000000xf32, #tpu.memory_space<hbm>> -> memref<1x1000000xf32, #tpu.memory_space<hbm>>
      %dma_wait3A_1346 = tpu.memref_squeeze %dma_wait3A_1345 : memref<1x1000000xf32, #tpu.memory_space<hbm>> -> memref<1000000xf32, #tpu.memory_space<hbm>>
      %dma_wait3A_1347 = arith.constant 0 : i32
      %dma_wait3A_1348 = tpu.memref_slice %dma_wait3A_1346[%dma_wait3A_1347] : memref<1000000xf32, #tpu.memory_space<hbm>> -> memref<1000000xf32, #tpu.memory_space<hbm>>
      %dma_wait3A_1349 = tpu.memref_slice %arg15[%dma_wait3A_1340] : memref<2x!tpu.dma_semaphore, #tpu.memory_space<semaphore_mem>> -> memref<1x!tpu.dma_semaphore, #tpu.memory_space<semaphore_mem>>
      %dma_wait3A_1350 = tpu.memref_squeeze %dma_wait3A_1349 : memref<1x!tpu.dma_semaphore, #tpu.memory_space<semaphore_mem>> -> memref<!tpu.dma_semaphore, #tpu.memory_space<semaphore_mem>>
      tpu.wait_indirect_dma semaphore(%dma_wait3A_1350 : memref<!tpu.dma_semaphore, #tpu.memory_space<semaphore_mem>>) src(%dma_wait3A_1348 : memref<1000000xf32, #tpu.memory_space<hbm>>) dst(%dma_wait3A_1343 : memref<512xf32, #tpu.memory_space<vmem>>)
      %dma_wait3A_1351 = arith.constant 0 : i32
      %dma_wait3A_1352 = arith.constant 1 : i32
      %dma_wait3A_1353 = arith.constant 7 : i32
      %dma_wait3A_1354 = arith.constant 1 : i32
      %dma_wait3A_1355 = arith.constant 0 : i32
      %dma_wait3A_1356 = tpu.memref_slice %arg12[%dma_wait3A_1352, %dma_wait3A_1353, %dma_wait3A_1355] : memref<2x8x512xf32, #tpu.memory_space<vmem>> -> memref<1x1x512xf32, #tpu.memory_space<vmem>>
      %dma_wait3A_1357 = tpu.memref_squeeze %dma_wait3A_1356 : memref<1x1x512xf32, #tpu.memory_space<vmem>> -> memref<512xf32, #tpu.memory_space<vmem>>
      %dma_wait3A_1358 = arith.constant 0 : i32
      %dma_wait3A_1359 = tpu.memref_slice %arg3[%dma_wait3A_1351, %dma_wait3A_1358] : memref<64x1000000xf32, #tpu.memory_space<hbm>> -> memref<1x1000000xf32, #tpu.memory_space<hbm>>
      %dma_wait3A_1360 = tpu.memref_squeeze %dma_wait3A_1359 : memref<1x1000000xf32, #tpu.memory_space<hbm>> -> memref<1000000xf32, #tpu.memory_space<hbm>>
      %dma_wait3A_1361 = arith.constant 0 : i32
      %dma_wait3A_1362 = tpu.memref_slice %dma_wait3A_1360[%dma_wait3A_1361] : memref<1000000xf32, #tpu.memory_space<hbm>> -> memref<1000000xf32, #tpu.memory_space<hbm>>
      %dma_wait3A_1363 = tpu.memref_slice %arg15[%dma_wait3A_1354] : memref<2x!tpu.dma_semaphore, #tpu.memory_space<semaphore_mem>> -> memref<1x!tpu.dma_semaphore, #tpu.memory_space<semaphore_mem>>
      %dma_wait3A_1364 = tpu.memref_squeeze %dma_wait3A_1363 : memref<1x!tpu.dma_semaphore, #tpu.memory_space<semaphore_mem>> -> memref<!tpu.dma_semaphore, #tpu.memory_space<semaphore_mem>>
      tpu.wait_indirect_dma semaphore(%dma_wait3A_1364 : memref<!tpu.dma_semaphore, #tpu.memory_space<semaphore_mem>>) src(%dma_wait3A_1362 : memref<1000000xf32, #tpu.memory_space<hbm>>) dst(%dma_wait3A_1357 : memref<512xf32, #tpu.memory_space<vmem>>)
      %dma_wait3A_1365 = arith.constant 0 : i32
      %dma_wait3A_1366 = arith.constant 1 : i32
      %dma_wait3A_1367 = arith.constant 7 : i32
      %dma_wait3A_1368 = arith.constant 1 : i32
      %dma_wait3A_1369 = arith.constant 0 : i32
      %dma_wait3A_1370 = tpu.memref_slice %arg13[%dma_wait3A_1366, %dma_wait3A_1367, %dma_wait3A_1369] : memref<2x8x512xf32, #tpu.memory_space<vmem>> -> memref<1x1x512xf32, #tpu.memory_space<vmem>>
      %dma_wait3A_1371 = tpu.memref_squeeze %dma_wait3A_1370 : memref<1x1x512xf32, #tpu.memory_space<vmem>> -> memref<512xf32, #tpu.memory_space<vmem>>
      %dma_wait3A_1372 = arith.constant 0 : i32
      %dma_wait3A_1373 = tpu.memref_slice %arg2[%dma_wait3A_1365, %dma_wait3A_1372] : memref<64x1000000xf32, #tpu.memory_space<hbm>> -> memref<1x1000000xf32, #tpu.memory_space<hbm>>
      %dma_wait3A_1374 = tpu.memref_squeeze %dma_wait3A_1373 : memref<1x1000000xf32, #tpu.memory_space<hbm>> -> memref<1000000xf32, #tpu.memory_space<hbm>>
      %dma_wait3A_1375 = arith.constant 0 : i32
      %dma_wait3A_1376 = tpu.memref_slice %dma_wait3A_1374[%dma_wait3A_1375] : memref<1000000xf32, #tpu.memory_space<hbm>> -> memref<1000000xf32, #tpu.memory_space<hbm>>
      %dma_wait3A_1377 = tpu.memref_slice %arg15[%dma_wait3A_1368] : memref<2x!tpu.dma_semaphore, #tpu.memory_space<semaphore_mem>> -> memref<1x!tpu.dma_semaphore, #tpu.memory_space<semaphore_mem>>
      %dma_wait3A_1378 = tpu.memref_squeeze %dma_wait3A_1377 : memref<1x!tpu.dma_semaphore, #tpu.memory_space<semaphore_mem>> -> memref<!tpu.dma_semaphore, #tpu.memory_space<semaphore_mem>>
      tpu.wait_indirect_dma semaphore(%dma_wait3A_1378 : memref<!tpu.dma_semaphore, #tpu.memory_space<semaphore_mem>>) src(%dma_wait3A_1376 : memref<1000000xf32, #tpu.memory_space<hbm>>) dst(%dma_wait3A_1371 : memref<512xf32, #tpu.memory_space<vmem>>)
      %scan3A_1379 = arith.constant 0 : i32
      %scan3A_1380 = arith.constant 0 : i32
      %scan3A_1381 = arith.constant 32 : i32
      %scan3A_1382 = arith.addi %scan3A_1380, %scan3A_1381 : i32
      %scan3A_1383 = arith.constant 1 : i32
      scf.for %scan3A_1385 = %scan3A_1380 to %scan3A_1382 step %scan3A_1383  : i32 {
        %mul3A_1386 = arith.constant 16 : i32
        %mul3A_1387 = arith.muli %scan3A_1385, %mul3A_1386 : i32
        %get3A = arith.index_cast %mul3A_1387 : i32 to index
        %get3A_1388 = tpu.vector_load %arg14[%get3A] {strides = array<i32>} : memref<512xf32, #tpu.memory_space<vmem>>, vector<16xf32>,
        %get3A_1389 = arith.constant 1 : i32
        %get3A_1390 = arith.constant 0 : i32
        %get3A_1391 = arith.index_cast %get3A_1389 : i32 to index
        %get3A_1392 = arith.index_cast %get3A_1390 : i32 to index
        %get3A_1393 = arith.index_cast %mul3A_1387 : i32 to index
        %get3A_1394 = tpu.vector_load %arg11[%get3A_1391, %get3A_1392, %get3A_1393] {strides = array<i32>} : memref<2x8x512xf32, #tpu.memory_space<vmem>>, vector<16xf32>,
        %get3A_1395 = arith.constant 1 : i32
        %get3A_1396 = arith.constant 0 : i32
        %get3A_1397 = arith.index_cast %get3A_1395 : i32 to index
        %get3A_1398 = arith.index_cast %get3A_1396 : i32 to index
        %get3A_1399 = arith.index_cast %mul3A_1387 : i32 to index
        %get3A_1400 = tpu.vector_load %arg12[%get3A_1397, %get3A_1398, %get3A_1399] {strides = array<i32>} : memref<2x8x512xf32, #tpu.memory_space<vmem>>, vector<16xf32>,
        %mul3A_1401 = arith.mulf %get3A_1394, %get3A_1400 : vector<16xf32>
        %get3A_1402 = arith.constant 1 : i32
        %get3A_1403 = arith.constant 0 : i32
        %get3A_1404 = arith.index_cast %get3A_1402 : i32 to index
        %get3A_1405 = arith.index_cast %get3A_1403 : i32 to index
        %get3A_1406 = arith.index_cast %mul3A_1387 : i32 to index
        %get3A_1407 = tpu.vector_load %arg13[%get3A_1404, %get3A_1405, %get3A_1406] {strides = array<i32>} : memref<2x8x512xf32, #tpu.memory_space<vmem>>, vector<16xf32>,
        %mul3A_1408 = arith.mulf %mul3A_1401, %get3A_1407 : vector<16xf32>
        %add3A_1409 = arith.addf %get3A_1388, %mul3A_1408 : vector<16xf32>
        %get3A_1410 = arith.constant 1 : i32
        %get3A_1411 = arith.constant 1 : i32
        %get3A_1412 = arith.index_cast %get3A_1410 : i32 to index
        %get3A_1413 = arith.index_cast %get3A_1411 : i32 to index
        %get3A_1414 = arith.index_cast %mul3A_1387 : i32 to index
        %get3A_1415 = tpu.vector_load %arg11[%get3A_1412, %get3A_1413, %get3A_1414] {strides = array<i32>} : memref<2x8x512xf32, #tpu.memory_space<vmem>>, vector<16xf32>,
        %get3A_1416 = arith.constant 1 : i32
        %get3A_1417 = arith.constant 1 : i32
        %get3A_1418 = arith.index_cast %get3A_1416 : i32 to index
        %get3A_1419 = arith.index_cast %get3A_1417 : i32 to index
        %get3A_1420 = arith.index_cast %mul3A_1387 : i32 to index
        %get3A_1421 = tpu.vector_load %arg12[%get3A_1418, %get3A_1419, %get3A_1420] {strides = array<i32>} : memref<2x8x512xf32, #tpu.memory_space<vmem>>, vector<16xf32>,
        %mul3A_1422 = arith.mulf %get3A_1415, %get3A_1421 : vector<16xf32>
        %get3A_1423 = arith.constant 1 : i32
        %get3A_1424 = arith.constant 1 : i32
        %get3A_1425 = arith.index_cast %get3A_1423 : i32 to index
        %get3A_1426 = arith.index_cast %get3A_1424 : i32 to index
        %get3A_1427 = arith.index_cast %mul3A_1387 : i32 to index
        %get3A_1428 = tpu.vector_load %arg13[%get3A_1425, %get3A_1426, %get3A_1427] {strides = array<i32>} : memref<2x8x512xf32, #tpu.memory_space<vmem>>, vector<16xf32>,
        %mul3A_1429 = arith.mulf %mul3A_1422, %get3A_1428 : vector<16xf32>
        %add3A_1430 = arith.addf %add3A_1409, %mul3A_1429 : vector<16xf32>
        %get3A_1431 = arith.constant 1 : i32
        %get3A_1432 = arith.constant 2 : i32
        %get3A_1433 = arith.index_cast %get3A_1431 : i32 to index
        %get3A_1434 = arith.index_cast %get3A_1432 : i32 to index
        %get3A_1435 = arith.index_cast %mul3A_1387 : i32 to index
        %get3A_1436 = tpu.vector_load %arg11[%get3A_1433, %get3A_1434, %get3A_1435] {strides = array<i32>} : memref<2x8x512xf32, #tpu.memory_space<vmem>>, vector<16xf32>,
        %get3A_1437 = arith.constant 1 : i32
        %get3A_1438 = arith.constant 2 : i32
        %get3A_1439 = arith.index_cast %get3A_1437 : i32 to index
        %get3A_1440 = arith.index_cast %get3A_1438 : i32 to index
        %get3A_1441 = arith.index_cast %mul3A_1387 : i32 to index
        %get3A_1442 = tpu.vector_load %arg12[%get3A_1439, %get3A_1440, %get3A_1441] {strides = array<i32>} : memref<2x8x512xf32, #tpu.memory_space<vmem>>, vector<16xf32>,
        %mul3A_1443 = arith.mulf %get3A_1436, %get3A_1442 : vector<16xf32>
        %get3A_1444 = arith.constant 1 : i32
        %get3A_1445 = arith.constant 2 : i32
        %get3A_1446 = arith.index_cast %get3A_1444 : i32 to index
        %get3A_1447 = arith.index_cast %get3A_1445 : i32 to index
        %get3A_1448 = arith.index_cast %mul3A_1387 : i32 to index
        %get3A_1449 = tpu.vector_load %arg13[%get3A_1446, %get3A_1447, %get3A_1448] {strides = array<i32>} : memref<2x8x512xf32, #tpu.memory_space<vmem>>, vector<16xf32>,
        %mul3A_1450 = arith.mulf %mul3A_1443, %get3A_1449 : vector<16xf32>
        %add3A_1451 = arith.addf %add3A_1430, %mul3A_1450 : vector<16xf32>
        %get3A_1452 = arith.constant 1 : i32
        %get3A_1453 = arith.constant 3 : i32
        %get3A_1454 = arith.index_cast %get3A_1452 : i32 to index
        %get3A_1455 = arith.index_cast %get3A_1453 : i32 to index
        %get3A_1456 = arith.index_cast %mul3A_1387 : i32 to index
        %get3A_1457 = tpu.vector_load %arg11[%get3A_1454, %get3A_1455, %get3A_1456] {strides = array<i32>} : memref<2x8x512xf32, #tpu.memory_space<vmem>>, vector<16xf32>,
        %get3A_1458 = arith.constant 1 : i32
        %get3A_1459 = arith.constant 3 : i32
        %get3A_1460 = arith.index_cast %get3A_1458 : i32 to index
        %get3A_1461 = arith.index_cast %get3A_1459 : i32 to index
        %get3A_1462 = arith.index_cast %mul3A_1387 : i32 to index
        %get3A_1463 = tpu.vector_load %arg12[%get3A_1460, %get3A_1461, %get3A_1462] {strides = array<i32>} : memref<2x8x512xf32, #tpu.memory_space<vmem>>, vector<16xf32>,
        %mul3A_1464 = arith.mulf %get3A_1457, %get3A_1463 : vector<16xf32>
        %get3A_1465 = arith.constant 1 : i32
        %get3A_1466 = arith.constant 3 : i32
        %get3A_1467 = arith.index_cast %get3A_1465 : i32 to index
        %get3A_1468 = arith.index_cast %get3A_1466 : i32 to index
        %get3A_1469 = arith.index_cast %mul3A_1387 : i32 to index
        %get3A_1470 = tpu.vector_load %arg13[%get3A_1467, %get3A_1468, %get3A_1469] {strides = array<i32>} : memref<2x8x512xf32, #tpu.memory_space<vmem>>, vector<16xf32>,
        %mul3A_1471 = arith.mulf %mul3A_1464, %get3A_1470 : vector<16xf32>
        %add3A_1472 = arith.addf %add3A_1451, %mul3A_1471 : vector<16xf32>
        %get3A_1473 = arith.constant 1 : i32
        %get3A_1474 = arith.constant 4 : i32
        %get3A_1475 = arith.index_cast %get3A_1473 : i32 to index
        %get3A_1476 = arith.index_cast %get3A_1474 : i32 to index
        %get3A_1477 = arith.index_cast %mul3A_1387 : i32 to index
        %get3A_1478 = tpu.vector_load %arg11[%get3A_1475, %get3A_1476, %get3A_1477] {strides = array<i32>} : memref<2x8x512xf32, #tpu.memory_space<vmem>>, vector<16xf32>,
        %get3A_1479 = arith.constant 1 : i32
        %get3A_1480 = arith.constant 4 : i32
        %get3A_1481 = arith.index_cast %get3A_1479 : i32 to index
        %get3A_1482 = arith.index_cast %get3A_1480 : i32 to index
        %get3A_1483 = arith.index_cast %mul3A_1387 : i32 to index
        %get3A_1484 = tpu.vector_load %arg12[%get3A_1481, %get3A_1482, %get3A_1483] {strides = array<i32>} : memref<2x8x512xf32, #tpu.memory_space<vmem>>, vector<16xf32>,
        %mul3A_1485 = arith.mulf %get3A_1478, %get3A_1484 : vector<16xf32>
        %get3A_1486 = arith.constant 1 : i32
        %get3A_1487 = arith.constant 4 : i32
        %get3A_1488 = arith.index_cast %get3A_1486 : i32 to index
        %get3A_1489 = arith.index_cast %get3A_1487 : i32 to index
        %get3A_1490 = arith.index_cast %mul3A_1387 : i32 to index
        %get3A_1491 = tpu.vector_load %arg13[%get3A_1488, %get3A_1489, %get3A_1490] {strides = array<i32>} : memref<2x8x512xf32, #tpu.memory_space<vmem>>, vector<16xf32>,
        %mul3A_1492 = arith.mulf %mul3A_1485, %get3A_1491 : vector<16xf32>
        %add3A_1493 = arith.addf %add3A_1472, %mul3A_1492 : vector<16xf32>
        %get3A_1494 = arith.constant 1 : i32
        %get3A_1495 = arith.constant 5 : i32
        %get3A_1496 = arith.index_cast %get3A_1494 : i32 to index
        %get3A_1497 = arith.index_cast %get3A_1495 : i32 to index
        %get3A_1498 = arith.index_cast %mul3A_1387 : i32 to index
        %get3A_1499 = tpu.vector_load %arg11[%get3A_1496, %get3A_1497, %get3A_1498] {strides = array<i32>} : memref<2x8x512xf32, #tpu.memory_space<vmem>>, vector<16xf32>,
        %get3A_1500 = arith.constant 1 : i32
        %get3A_1501 = arith.constant 5 : i32
        %get3A_1502 = arith.index_cast %get3A_1500 : i32 to index
        %get3A_1503 = arith.index_cast %get3A_1501 : i32 to index
        %get3A_1504 = arith.index_cast %mul3A_1387 : i32 to index
        %get3A_1505 = tpu.vector_load %arg12[%get3A_1502, %get3A_1503, %get3A_1504] {strides = array<i32>} : memref<2x8x512xf32, #tpu.memory_space<vmem>>, vector<16xf32>,
        %mul3A_1506 = arith.mulf %get3A_1499, %get3A_1505 : vector<16xf32>
        %get3A_1507 = arith.constant 1 : i32
        %get3A_1508 = arith.constant 5 : i32
        %get3A_1509 = arith.index_cast %get3A_1507 : i32 to index
        %get3A_1510 = arith.index_cast %get3A_1508 : i32 to index
        %get3A_1511 = arith.index_cast %mul3A_1387 : i32 to index
        %get3A_1512 = tpu.vector_load %arg13[%get3A_1509, %get3A_1510, %get3A_1511] {strides = array<i32>} : memref<2x8x512xf32, #tpu.memory_space<vmem>>, vector<16xf32>,
        %mul3A_1513 = arith.mulf %mul3A_1506, %get3A_1512 : vector<16xf32>
        %add3A_1514 = arith.addf %add3A_1493, %mul3A_1513 : vector<16xf32>
        %get3A_1515 = arith.constant 1 : i32
        %get3A_1516 = arith.constant 6 : i32
        %get3A_1517 = arith.index_cast %get3A_1515 : i32 to index
        %get3A_1518 = arith.index_cast %get3A_1516 : i32 to index
        %get3A_1519 = arith.index_cast %mul3A_1387 : i32 to index
        %get3A_1520 = tpu.vector_load %arg11[%get3A_1517, %get3A_1518, %get3A_1519] {strides = array<i32>} : memref<2x8x512xf32, #tpu.memory_space<vmem>>, vector<16xf32>,
        %get3A_1521 = arith.constant 1 : i32
        %get3A_1522 = arith.constant 6 : i32
        %get3A_1523 = arith.index_cast %get3A_1521 : i32 to index
        %get3A_1524 = arith.index_cast %get3A_1522 : i32 to index
        %get3A_1525 = arith.index_cast %mul3A_1387 : i32 to index
        %get3A_1526 = tpu.vector_load %arg12[%get3A_1523, %get3A_1524, %get3A_1525] {strides = array<i32>} : memref<2x8x512xf32, #tpu.memory_space<vmem>>, vector<16xf32>,
        %mul3A_1527 = arith.mulf %get3A_1520, %get3A_1526 : vector<16xf32>
        %get3A_1528 = arith.constant 1 : i32
        %get3A_1529 = arith.constant 6 : i32
        %get3A_1530 = arith.index_cast %get3A_1528 : i32 to index
        %get3A_1531 = arith.index_cast %get3A_1529 : i32 to index
        %get3A_1532 = arith.index_cast %mul3A_1387 : i32 to index
        %get3A_1533 = tpu.vector_load %arg13[%get3A_1530, %get3A_1531, %get3A_1532] {strides = array<i32>} : memref<2x8x512xf32, #tpu.memory_space<vmem>>, vector<16xf32>,
        %mul3A_1534 = arith.mulf %mul3A_1527, %get3A_1533 : vector<16xf32>
        %add3A_1535 = arith.addf %add3A_1514, %mul3A_1534 : vector<16xf32>
        %get3A_1536 = arith.constant 1 : i32
        %get3A_1537 = arith.constant 7 : i32
        %get3A_1538 = arith.index_cast %get3A_1536 : i32 to index
        %get3A_1539 = arith.index_cast %get3A_1537 : i32 to index
        %get3A_1540 = arith.index_cast %mul3A_1387 : i32 to index
        %get3A_1541 = tpu.vector_load %arg11[%get3A_1538, %get3A_1539, %get3A_1540] {strides = array<i32>} : memref<2x8x512xf32, #tpu.memory_space<vmem>>, vector<16xf32>,
        %get3A_1542 = arith.constant 1 : i32
        %get3A_1543 = arith.constant 7 : i32
        %get3A_1544 = arith.index_cast %get3A_1542 : i32 to index
        %get3A_1545 = arith.index_cast %get3A_1543 : i32 to index
        %get3A_1546 = arith.index_cast %mul3A_1387 : i32 to index
        %get3A_1547 = tpu.vector_load %arg12[%get3A_1544, %get3A_1545, %get3A_1546] {strides = array<i32>} : memref<2x8x512xf32, #tpu.memory_space<vmem>>, vector<16xf32>,
        %mul3A_1548 = arith.mulf %get3A_1541, %get3A_1547 : vector<16xf32>
        %get3A_1549 = arith.constant 1 : i32
        %get3A_1550 = arith.constant 7 : i32
        %get3A_1551 = arith.index_cast %get3A_1549 : i32 to index
        %get3A_1552 = arith.index_cast %get3A_1550 : i32 to index
        %get3A_1553 = arith.index_cast %mul3A_1387 : i32 to index
        %get3A_1554 = tpu.vector_load %arg13[%get3A_1551, %get3A_1552, %get3A_1553] {strides = array<i32>} : memref<2x8x512xf32, #tpu.memory_space<vmem>>, vector<16xf32>,
        %mul3A_1555 = arith.mulf %mul3A_1548, %get3A_1554 : vector<16xf32>
        %add3A_1556 = arith.addf %add3A_1535, %mul3A_1555 : vector<16xf32>
        %swap3A = arith.index_cast %mul3A_1387 : i32 to index
        %swap3A_1557 = tpu.vector_load %arg14[%swap3A] {strides = array<i32>} : memref<512xf32, #tpu.memory_space<vmem>>, vector<16xf32>,
        tpu.vector_store %arg14[%swap3A], %add3A_1556 {strides = array<i32>} : memref<512xf32, #tpu.memory_space<vmem>>, vector<16xf32>,
      }
      %scan3A_1384 = arith.constant 32 : i32
    }
    %scan3A_348 = arith.constant 4 : i32
    "tpu.region"() ({
      %run_scoped3A = tpu.sem_alloc : memref<!tpu.dma_semaphore, #tpu.memory_space<semaphore_mem>>
      %dma_start3A_349 = tpu.memref_slice %arg7[%mul3A_2] : memref<16384xf32, #tpu.memory_space<hbm>> -> memref<512xf32, #tpu.memory_space<hbm>>
      %dma_start3A_350 = tpu.memref_slice %arg7[%mul3A_2] : memref<16384xf32, #tpu.memory_space<hbm>> -> memref<512xf32, #tpu.memory_space<hbm>>
      tpu.enqueue_dma source(%arg14 : memref<512xf32, #tpu.memory_space<vmem>>) target(%dma_start3A_350 : memref<512xf32, #tpu.memory_space<hbm>>) target_semaphore(%run_scoped3A : memref<!tpu.dma_semaphore, #tpu.memory_space<semaphore_mem>>)
      %dma_wait3A = tpu.memref_slice %arg7[%mul3A_2] : memref<16384xf32, #tpu.memory_space<hbm>> -> memref<512xf32, #tpu.memory_space<hbm>>
      %dma_wait3A_351 = tpu.memref_slice %arg7[%mul3A_2] : memref<16384xf32, #tpu.memory_space<hbm>> -> memref<512xf32, #tpu.memory_space<hbm>>
      tpu.wait_dma2 semaphore(%run_scoped3A : memref<!tpu.dma_semaphore, #tpu.memory_space<semaphore_mem>>) src(%arg14 : memref<512xf32, #tpu.memory_space<vmem>>) dst(%dma_wait3A_351 : memref<512xf32, #tpu.memory_space<hbm>>)
      tpu.yield
    }) : () -> ()
    return
  }
}

</mosaic_0001>

<sc_bundles>
// kernel: kernel.3.cloned.1.call-start
scs
__scs_entry_jumppad:
0x0: {  	(pc) =	sbr.rel $0x88, $3  }
0x1: {  	(tag) =	ssettag $0x0;
	lr =	simm.s32 $0x1  }
0x2: {  	[smem:$0x3F9E] =	sst lr;
	_ =	strace $0xD0000000  }
0x3: {  	_ = 	snop  }
0x4: {  	_ = 	snop  }
0x5: {  	_ = 	snop  }
0x6: {  	_ = 	snop  }
0x7: {  	_ = 	snop  }
__scs_overlays_trampoline_lowered:
0x8: {  	[smem:$0x3FAD] =	sst s0  }
0x9: {  	[smem:$0x3FAE] =	sst s1  }
0xa: {  	[smem:$0x3FAF] =	sst s2  }
0xb: {  	[smem:$0x3FB0] =	sst s3  }
0xc: {  	[smem:$0x3FB1] =	sst s4  }
0xd: {  	[smem:$0x3FB2] =	sst s5  }
0xe: {  	[smem:$0x3FB3] =	sst s6  }
0xf: {  	[smem:$0x3FB4] =	sst s7  }
0x10: {  	[smem:$0x3FB5] =	sst s8  }
0x11: {  	[smem:$0x3FB6] =	sst s9;
	s0 =	simm.s32 @!p0 $0x0  }
0x12: {  	s1 =	sld [smem:$0x3F9C];
	s0 =	simm.s32 @p0 $0x1  }
0x13: {  	[smem:$0x3FB7] =	sst s0;
	s0 =	simm.s32 @!p1 $0x0  }
0x14: {  	s2 =	sld [smem:$0x3F9B];
	s0 =	simm.s32 @p1 $0x1  }
0x15: {  	[smem:$0x3FB8] =	sst s0;
	s0 =	simm.s32 @!p2 $0x0  }
0x16: {  	s3 =	sld [smem:$0x3FDB];
	s0 =	simm.s32 @p2 $0x1  }
0x17: {  	s4 =	simm.s32 $0x1BF5;
	[smem:$0x3FBA] =	sst s0  }
0x18: {  	s0 =	sld [smem:$0x3F9D];
	_ =	swait.ge [sflag:s4], $0x0  }
0x19: {  	s7 =	sld [smem:$0x3F9E]  }
0x1a: {  	s8 =	sadd.s32 $0xFFFFE003, lr  }
0x1b: {  	s9 =	sadd.s32 $0xFFFFFEF7, lr;
	s5 =	simm.s32 $0xFFFFFFFF;
	p2 =	slt.u32 s8, $0xFFFFF086  }
0x1c: {  	p1 =	slt.u32 s9, $0xF7A;
	s5 =	simm.s32 @!p2 $0x0  }
0x1d: {  	s5 =	simm.s32 @p1 $0x1;
	p0 =	seq.s32 s7, s2  }
0x1e: {  	s7 =	smul.u32 @!p0 $0xF7A, s2;
	p2 =	seq.s32 @!p0 s5, $0x0  }
0x1f: {  	s9 =	smul.u32 $0xF7A, s1;
	s8 =	simm.s32 @!p0 $0x1BF5;
	p2 =	por !p2, p0  }
0x20: {  	[sflag:s8] =	ssyncset.s32 @!p0 $0xFFFFF086;
	s6 =	sadd.s32 @!p0 s3, s7;
	s7 =	simm.s32 @!p0 $0x108  }
0x21: {  	s3 =	sadd.s32 s3, s9;
	s6 =	sadd.s32 @!p0 $0x88, s6;
	s7 =	simm.s32 @p2 $0x1082  }
0x22: {  	[simem:s7], [sflag:s8] =	dma.local @!p0 [hbm:s6], $0xF7A  }
0x23: {  	s9 =	sor.u32 $0xD0000000, s2;
	s6 =	simm.s32 $0x108;
	_ =	swait.ge @!p0 [sflag:s8], $0x0  }
0x24: {  	s3 =	sadd.s32 $0x88, s3;
	s6 =	simm.s32 @!p1 $0x1082;
	[sflag:s4] =	ssyncset.s32 $0xFFFFF086  }
0x25: {  	[simem:s6], [sflag:s4] =	dma.local [hbm:s3], $0xF7A  }
0x26: {  	[smem:$0x3F9E] =	sst s1;
	(tag) =	ssettag s2;
	_ =	strace s9  }
0x27: {  	s1 =	sld [smem:$0x3FAE]  }
0x28: {  	s2 =	sld [smem:$0x3FAF]  }
0x29: {  	s4 =	sld [smem:$0x3FB1]  }
0x2a: {  	p0 =	seq.s32 s5, $0x0;
	s5 =	sld [smem:$0x3FB2]  }
0x2b: {  	s6 =	sld [smem:$0x3FB3]  }
0x2c: {  	s7 =	sld [smem:$0x3FB4]  }
0x2d: {  	s3 =	simm.s32 $0x108;
	s8 =	sld [smem:$0x3FB5]  }
0x2e: {  	s3 =	simm.s32 @!p0 $0x1082;
	s9 =	sld [smem:$0x3FB6]  }
0x2f: {  	lr =	sadd.s32 s0, s3;
	s0 =	sld [smem:$0x3FAD]  }
0x30: {  	s3 =	sld [smem:$0x3FB0]  }
0x31: {  	[smem:$0x3FB9] =	sst s10  }
0x32: {  	s10 =	sld [smem:$0x3FB7];
	_ =	sdelay $0x3  }
0x33: {  	p0 =	seq.s32 s10, $0x1;
	s10 =	sld [smem:$0x3FB9];
	_ =	sdelay $0x3  }
0x34: {  	[smem:$0x3FB9] =	sst s10  }
0x35: {  	s10 =	sld [smem:$0x3FB8];
	_ =	sdelay $0x3  }
0x36: {  	p1 =	seq.s32 s10, $0x1;
	s10 =	sld [smem:$0x3FB9];
	_ =	sdelay $0x3  }
0x37: {  	[smem:$0x3FB9] =	sst s10  }
0x38: {  	s10 =	sld [smem:$0x3FBA]  }
0x39: {  	_ = 	snop;
	(pc) =	sbr.ind lr, $3  }
0x3a: {  	_ = 	snop  }
0x3b: {  	_ = 	snop  }
0x3c: {  	p2 =	seq.s32 s10, $0x1;
	s10 =	sld [smem:$0x3FB9]  }
0x3d: {  	_ =	shalt  }
0x3e: {  	_ =	shalt  }
0x3f: {  	_ =	shalt  }
0x40: {  	_ =	shalt  }
0x41: {  	_ =	shalt  }
0x42: {  	_ =	shalt  }
0x43: {  	_ =	shalt  }
0x44: {  	_ =	shalt  }
0x45: {  	_ =	shalt  }
0x46: {  	_ =	shalt  }
0x47: {  	_ =	shalt  }
0x48: {  	_ =	shalt  }
0x49: {  	_ =	shalt  }
0x4a: {  	_ =	shalt  }
0x4b: {  	_ =	shalt  }
0x4c: {  	_ =	shalt  }
0x4d: {  	_ =	shalt  }
0x4e: {  	_ =	shalt  }
0x4f: {  	_ =	shalt  }
0x50: {  	_ =	shalt  }
0x51: {  	_ =	shalt  }
0x52: {  	_ =	shalt  }
0x53: {  	_ =	shalt  }
0x54: {  	_ =	shalt  }
0x55: {  	_ =	shalt  }
0x56: {  	_ =	shalt  }
0x57: {  	_ =	shalt  }
0x58: {  	_ =	shalt  }
0x59: {  	_ =	shalt  }
0x5a: {  	_ =	shalt  }
0x5b: {  	_ =	shalt  }
0x5c: {  	_ =	shalt  }
0x5d: {  	_ =	shalt  }
0x5e: {  	_ =	shalt  }
0x5f: {  	_ =	shalt  }
0x60: {  	_ =	shalt  }
0x61: {  	_ =	shalt  }
0x62: {  	_ =	shalt  }
0x63: {  	_ =	shalt  }
0x64: {  	_ =	shalt  }
0x65: {  	_ =	shalt  }
0x66: {  	_ =	shalt  }
0x67: {  	_ =	shalt  }
0x68: {  	_ =	shalt  }
0x69: {  	_ =	shalt  }
0x6a: {  	_ =	shalt  }
0x6b: {  	_ =	shalt  }
0x6c: {  	_ =	shalt  }
0x6d: {  	_ =	shalt  }
0x6e: {  	_ =	shalt  }
0x6f: {  	_ =	shalt  }
0x70: {  	_ =	shalt  }
0x71: {  	_ =	shalt  }
0x72: {  	_ =	shalt  }
0x73: {  	_ =	shalt  }
0x74: {  	_ =	shalt  }
0x75: {  	_ =	shalt  }
0x76: {  	_ =	shalt  }
0x77: {  	_ =	shalt  }
0x78: {  	_ =	shalt  }
0x79: {  	_ =	shalt  }
0x7a: {  	_ =	shalt  }
0x7b: {  	_ =	shalt  }
0x7c: {  	_ =	shalt  }
0x7d: {  	_ =	shalt  }
0x7e: {  	_ =	shalt  }
0x7f: {  	_ =	shalt  }
0x80: {  	_ =	shalt  }
0x81: {  	_ =	shalt  }
0x82: {  	_ =	shalt  }
0x83: {  	_ =	shalt  }
0x84: {  	_ =	shalt  }
0x85: {  	_ =	shalt  }
0x86: {  	_ =	shalt  }
0x87: {  	_ =	shalt  }
.Lfunc_end0:
.L_simem_size_0:
called_computation_lowered:
.L_overlay_start_0:
0x88: {  	s2 =	sld [smem:$0x3FD9]  }
0x89: {  	s3 =	sld [smem:$0x3FFE];
	_ =	sdelay $0x1  }
0x8a: {  	s1 =	srdreg.scid  }
0x8b: {  	s0 =	sand.u32 $0x1, s1  }
0x8c: {  	s17 =	sshll.u32 s0, $0xA;
	s2 =	sadd.s32 s3, s2  }
0x8d: {  	s2 =	sadd.s32 s2, s17  }
0x8e: {  	[smem:$0x3FC5] =	sst s2  }
0x8f: {  	_ = 	snop  }
0x90: {  	s2 =	sld [smem:$0x3FD0];
	(tm) =	ssettm $0x1  }
0x91: {  	s18 =	sld [smem:$0x3FFB];
	_ =	sdelay $0x3  }
0x92: {  	_ =	strace s18  }
0x93: {  	s3 =	sld [smem:$0x3FFC];
	_ =	sdelay $0x3  }
0x94: {  	_ =	strace s3  }
0x95: {  	s3 =	sld [smem:$0x3FFD];
	_ =	sdelay $0x3  }
0x96: {  	_ =	strace s3  }
0x97: {  	_ =	strace $0x8FFFFFFF  }
0x98: {  	s19 =	sld [smem:$0x3FDB];
	_ =	sdelay $0x1  }
0x99: {  	s4 =	simm.s32 $_scs_section_size  }
0x9a: {  	s5 =	simm.s32 $_size__tile_overlayer_lowered;
	s6 =	simm.s32 $_tile_overlayer_lowered  }
0x9b: {  	s22 =	simm.s32 $0x1BFF;
	s21 =	sshll.u32 s6, $0x1;
	s3 =	sadd.s32 s4, s19  }
0x9c: {  	s7 =	simm.s32 $0x0;
	s20 =	sshll.u32 s5, $0x1;
	s5 =	sadd.s32 s21, s3  }
0x9d: {  	[timem:s7], [sflag:s22] =	dma.local [hbm:s5], s20  }
0x9e: {  	_ =	swait.ge [sflag:s22], s20  }
0x9f: {  	s4 =	ssub.s32 $0x0, s20;
	[sflag:s22] =	ssyncset.done $0x0  }
0xa0: {  	[sflag:s22] =	ssyncadd.s32 s4;
	_ =	sdelay $0x1  }
0xa1: {  	s23 =	simm.s32 $0x1B8B  }
0xa2: {  	_ =	swait.ge [sflag:s23], $0x1  }
0xa3: {  	[sflag:s23] =	ssyncset.done $0x0  }
0xa4: {  	s25 =	simm.s32 $0x1B8E;
	s24 =	sld [smem:$0x3FFE];
	[sflag:s23] =	ssyncadd.s32 $0xFFFFFFFF  }
0xa5: {  	s26 =	simm.s32 $execute0_lowered;
	[smem:$0x3FD2] =	sst s25  }
0xa6: {  	s5 =	sshll.u32 s26, $0x1;
	_ =	strace $0x80000046;
	[dreg:$0x1] =	wrdreg $0xFFFFFFFF  }
0xa7: {  	s28 =	simm.s32 $_size_execute0_lowered;
	s3 =	sadd.s32 s3, s5;
	[dreg:$0x0] =	wrdreg $0x0  }
0xa8: {  	s5 =	sshll.u32 s28, $0x1;
	[dreg:$0x2] =	wrdreg s3  }
0xa9: {  	[dreg:$0x3] =	wrdreg s5  }
0xaa: {  	[dreg:$0x4] =	wrdreg $0xC0  }
0xab: {  	_ =	task [dreg:s7], $0x5FFFF  }
0xac: {  	[dreg:$0x1] =	wrdreg $0xFFFFFFFF  }
0xad: {  	[dreg:$0x0] =	wrdreg $0x60  }
0xae: {  	[dreg:$0x2] =	wrdreg s24  }
0xaf: {  	[dreg:$0x3] =	wrdreg s2  }
0xb0: {  	[dreg:$0x4] =	wrdreg $0x9  }
0xb1: {  	_ =	task.clear_ibuf [dreg:s7], $0x5FFFF;
	_ =	strace $0x90000046  }
0xb2: {  	s29 =	simm.s32 $0x9;
	_ =	strace $0x80000048  }
0xb3: {  	_ =	swait.ge [sflag:s29], $0x1  }
0xb4: {  	[sflag:s29] =	ssyncadd.s32 $0xFFFFFFFF  }
0xb5: {  	_ =	strace $0x90000048  }
0xb6: {  	_ =	sfence  }
0xb7: {  	s30 =	sld [smem:$0x0];
	_ =	sdelay $0x2  }
0xb8: {  	s31 =	sshll.u32 s1, $0xD;
	s1 =	sshrl.u32 s1, $0x2  }
0xb9: {  	s3 =	sand.u32 $0x4000, s31;
	s1 =	sadd.s32 s1, s30  }
0xba: {  	s0 =	sor.u32 s3, s0;
	s1 =	sshll.u32 s1, $0x11  }
0xbb: {  	s0 =	sor.u32 s1, s0  }
0xbc: {  	s0 =	sadd.s32 $0x8F2B, s0  }
0xbd: {  	[sflag:s0] =	ssyncadd.remote.s32 $0x1  }
0xbe: {  	_ =	sfence.sel $0xFFFF  }
0xbf: {  	[dreg:$0x0] =	wrdreg $0xFFFFFFFF;
	(pc) =	sbr.abs _section_cstart, $3  }
0xc0: {  	[dreg:$0x1] =	wrdreg $0xFFFFFFFF  }
0xc1: {  	_ =	task.clear_ibuf [dreg:s7], $0x2FFFF;
	_ =	strace $0x9FFFFFFF  }
0xc2: {  	(tm) =	ssettm $0x7FFFFFFF  }
0xc3: {  	_ =	shalt  }
tec
execute0_lowered:
.L_overlay_start_1:
0x0: {  	(tag) =	ssettag $0x1  }
0x1: {  	s2 =	rddreg [dreg:$0x0]  }
0x2: {  	s0 =	rddreg [dreg:$0x1];
	s3 =	simm.s32 $0x0  }
0x3: {  	[smem:$0x7FF] =	sst s3;
	s14 =	sadd.s32 $0x1E848, s2  }
0x4: {  	s16 =	sadd.s32 $0x7BFC48, s2;
	_ =	strace $0x80000047;
	[dreg:$0x6] =	wrdreg s14  }
0x5: {  	s17 =	sadd.s32 $0x7DE490, s2;
	[dreg:$0x7] =	wrdreg s16  }
0x6: {  	s18 =	sadd.s32 $0x3D090, s2;
	[dreg:$0x8] =	wrdreg s17  }
0x7: {  	s1 =	srdreg.scid;
	s19 =	sadd.s32 $0x5B8D8, s2;
	[dreg:$0x9] =	wrdreg s18  }
0x8: {  	s4 =	stileid.u32;
	s20 =	sadd.s32 $0x7FCCD8, s2;
	[dreg:$0xa] =	wrdreg s19  }
0x9: {  	s9 =	simm.s32 $0x5C00;
	s21 =	sadd.s32 $0x7A120, s2;
	[dreg:$0xb] =	wrdreg s20  }
0xa: {  	s10 =	simm.s32 $0x1E00;
	s22 =	sadd.s32 $0x81B520, s2;
	[dreg:$0xc] =	wrdreg s21  }
0xb: {  	s8 =	simm.s32 $0x6200;
	s23 =	sadd.s32 $0x98968, s2;
	[dreg:$0xd] =	wrdreg s22  }
0xc: {  	s11 =	simm.s32 $0x2400;
	s24 =	sadd.s32 $0x839D68, s2;
	[dreg:$0xe] =	wrdreg s23  }
0xd: {  	s12 =	simm.s32 $0x4400;
	s25 =	sadd.s32 $0x8585B0, s2;
	[dreg:$0xf] =	wrdreg s24  }
0xe: {  	s28 =	simm.s32 $0x0;
	s26 =	sadd.s32 $0xB71B0, s2;
	[dreg:$0x10] =	wrdreg s25  }
0xf: {  	s1 =	sand.u32 $0x1, s1;
	s29 =	sadd.s32 $0xD59F8, s2;
	[dreg:$0x11] =	wrdreg s26  }
0x10: {  	s4 =	sshll.u32 s4, $0x7;
	s30 =	sadd.s32 $0x876DF8, s2;
	[dreg:$0x12] =	wrdreg s29  }
0x11: {  	s5 =	sshll.u32 s1, $0x6;
	s1 =	ssub.s32 $0x2, s1;
	[dreg:$0x13] =	wrdreg s30  }
0x12: {  	s24 =	simm.s32 $0x3;
	s25 =	simm.s32 $0x200;
	s26 =	simm.s32 $0x400  }
0x13: {  	s17 =	simm.s32 $0x2000;
	s18 =	simm.s32 $0x4000;
	s21 =	simm.s32 $0x6000  }
0x14: {  	s22 =	simm.s32 $0x2200;
	s23 =	simm.s32 $0x4200;
	s14 =	simm.s32 $0x6400  }
0x15: {  	s16 =	simm.s32 $0x1;
	s19 =	simm.s32 $0x2;
	s5 =	sor.u32 s5, s4  }
0x16: {  	s4 =	sadd.s32 $0x7A1400, s2;
	s6 =	sadd.s32 s5, s2;
	s0 =	sadd.s32 s0, s5  }
0x17: {  	s15 =	sshrl.u32 s1, $0x1;
	s7 =	sadd.s32 $0xF43600, s6;
	[dreg:$0x14] =	wrdreg s0  }
0x18: {  	s1 =	ssub.s32 s1, s15;
	s13 =	sadd.s32 $0xF42E00, s6;
	[dreg:$0x3] =	wrdreg s7  }
0x19: {  	s5 =	simm.s32 $0x5A00;
	s6 =	sadd.s32 $0xF42600, s6;
	[dreg:$0x4] =	wrdreg s13  }
0x1a: {  	s15 =	simm.s32 $0x5E00;
	s31 =	smax.u32 s1, $0x1;
	[dreg:$0x5] =	wrdreg s6  }
0x1b: {  	s0 =	simm.s32 $0x1A00;
	s1 =	simm.s32 $0x3A00;
	[dreg:$0x15] =	wrdreg s31  }
0x1c: {  	v0 =	vimm.f32 $0.0e+00;
	s6 =	simm.s32 $0x1C00;
	s7 =	simm.s32 $0x3C00;
	s13 =	simm.s32 $0x3E00  }
.LBB2_1:
0x1d: {  	[dreg:$0x16] =	wrdreg s28  }
0x1e: {  	s20 =	rddreg [dreg:$0x3]  }
0x1f: {  	[tilespmem:s3], [sflag:$0x3] =	stream.linear.gather [hbm4b:s20+s3], $0x200, $0x38;
	[tilespmem:$0x6800] =	vst v63  }
0x20: {  	_ =	swait.ge [sflag:s24], $0x200  }
0x21: {  	[sflag:s24] =	ssyncset.done $0x0  }
0x22: {  	s28 =	rddreg [dreg:$0x4];
	[sflag:s24] =	ssyncadd.s32 $0xFFFFFE00  }
0x23: {  	[tilespmem:s25], [sflag:$0x3] =	stream.linear.gather [hbm4b:s28+s3], $0x200, $0x38;
	[tilespmem:$0x6800] =	vst v63  }
0x24: {  	_ =	swait.ge [sflag:s24], $0x200  }
0x25: {  	[sflag:s24] =	ssyncset.done $0x0  }
0x26: {  	s29 =	rddreg [dreg:$0x5];
	[sflag:s24] =	ssyncadd.s32 $0xFFFFFE00  }
0x27: {  	[tilespmem:s26], [sflag:$0x3] =	stream.linear.gather [hbm4b:s29+s3], $0x200, $0x38;
	[tilespmem:$0x6800] =	vst v63  }
0x28: {  	_ =	swait.ge [sflag:s24], $0x200  }
0x29: {  	[sflag:s24] =	ssyncset.done $0x0  }
0x2a: {  	[sflag:s24] =	ssyncadd.s32 $0xFFFFFE00  }
0x2b: {  	[tilespmem:$0x6600] =	vst v0  }
0x2c: {  	[tilespmem:$0x6610] =	vst v0  }
0x2d: {  	[tilespmem:$0x6620] =	vst v0  }
0x2e: {  	[tilespmem:$0x6630] =	vst v0  }
0x2f: {  	[tilespmem:$0x6640] =	vst v0  }
0x30: {  	[tilespmem:$0x6650] =	vst v0  }
0x31: {  	[tilespmem:$0x6660] =	vst v0  }
0x32: {  	[tilespmem:$0x6670] =	vst v0  }
0x33: {  	[tilespmem:$0x6680] =	vst v0  }
0x34: {  	[tilespmem:$0x6690] =	vst v0  }
0x35: {  	[tilespmem:$0x66A0] =	vst v0  }
0x36: {  	[tilespmem:$0x66B0] =	vst v0  }
0x37: {  	[tilespmem:$0x66C0] =	vst v0  }
0x38: {  	[tilespmem:$0x66D0] =	vst v0  }
0x39: {  	[tilespmem:$0x66E0] =	vst v0  }
0x3a: {  	[tilespmem:$0x66F0] =	vst v0  }
0x3b: {  	[tilespmem:$0x6700] =	vst v0  }
0x3c: {  	[tilespmem:$0x6710] =	vst v0  }
0x3d: {  	[tilespmem:$0x6720] =	vst v0  }
0x3e: {  	[tilespmem:$0x6730] =	vst v0  }
0x3f: {  	[tilespmem:$0x6740] =	vst v0  }
0x40: {  	[tilespmem:$0x6750] =	vst v0  }
0x41: {  	[tilespmem:$0x6760] =	vst v0  }
0x42: {  	[tilespmem:$0x6770] =	vst v0  }
0x43: {  	[tilespmem:$0x6780] =	vst v0  }
0x44: {  	[tilespmem:$0x6790] =	vst v0  }
0x45: {  	[tilespmem:$0x67A0] =	vst v0  }
0x46: {  	[tilespmem:$0x67B0] =	vst v0  }
0x47: {  	[tilespmem:$0x67C0] =	vst v0  }
0x48: {  	[tilespmem:$0x67D0] =	vst v0  }
0x49: {  	[tilespmem:$0x67E0] =	vst v0  }
0x4a: {  	s30 =	simm.s32 $0x600;
	[tilespmem:$0x67F0] =	vst v0  }
0x4b: {  	[tilespmem:s30], [sflag:$0x1] =	stream.indirect.gather [hbm4b:s2+s25], $0x1, s3, s25, $0xb8;
	[tilespmem:$0x6800] =	vst v63  }
0x4c: {  	s31 =	simm.s32 $0x2600  }
0x4d: {  	[tilespmem:s31], [sflag:$0x1] =	stream.indirect.gather [hbm4b:s4+s25], $0x1, s25, s25, $0xb8;
	[tilespmem:$0x6800] =	vst v63  }
0x4e: {  	s24 =	simm.s32 $0x4600  }
0x4f: {  	[tilespmem:s24], [sflag:$0x1] =	stream.indirect.gather [hbm4b:s2+s25], $0x1, s26, s25, $0xb8;
	[tilespmem:$0x6800] =	vst v63  }
0x50: {  	s28 =	simm.s32 $0x800;
	s20 =	rddreg [dreg:$0x6]  }
0x51: {  	[tilespmem:s28], [sflag:$0x1] =	stream.indirect.gather [hbm4b:s20+s25], $0x1, s3, s25, $0xb8;
	[tilespmem:$0x6800] =	vst v63  }
0x52: {  	s29 =	rddreg [dreg:$0x7];
	s30 =	simm.s32 $0x2800  }
0x53: {  	[tilespmem:s30], [sflag:$0x1] =	stream.indirect.gather [hbm4b:s29+s25], $0x1, s25, s25, $0xb8;
	[tilespmem:$0x6800] =	vst v63  }
0x54: {  	s31 =	simm.s32 $0x4800  }
0x55: {  	[tilespmem:s31], [sflag:$0x1] =	stream.indirect.gather [hbm4b:s20+s25], $0x1, s26, s25, $0xb8;
	[tilespmem:$0x6800] =	vst v63  }
0x56: {  	s24 =	rddreg [dreg:$0x9];
	s28 =	simm.s32 $0xA00  }
0x57: {  	[tilespmem:s28], [sflag:$0x1] =	stream.indirect.gather [hbm4b:s24+s25], $0x1, s3, s25, $0xb8;
	[tilespmem:$0x6800] =	vst v63  }
0x58: {  	s29 =	rddreg [dreg:$0x8];
	s30 =	simm.s32 $0x2A00  }
0x59: {  	[tilespmem:s30], [sflag:$0x1] =	stream.indirect.gather [hbm4b:s29+s25], $0x1, s25, s25, $0xb8;
	[tilespmem:$0x6800] =	vst v63  }
0x5a: {  	s31 =	simm.s32 $0x4A00  }
0x5b: {  	[tilespmem:s31], [sflag:$0x1] =	stream.indirect.gather [hbm4b:s24+s25], $0x1, s26, s25, $0xb8;
	[tilespmem:$0x6800] =	vst v63  }
0x5c: {  	s20 =	rddreg [dreg:$0xa];
	s28 =	simm.s32 $0xC00  }
0x5d: {  	[tilespmem:s28], [sflag:$0x1] =	stream.indirect.gather [hbm4b:s20+s25], $0x1, s3, s25, $0xb8;
	[tilespmem:$0x6800] =	vst v63  }
0x5e: {  	s29 =	rddreg [dreg:$0xb];
	s30 =	simm.s32 $0x2C00  }
0x5f: {  	[tilespmem:s30], [sflag:$0x1] =	stream.indirect.gather [hbm4b:s29+s25], $0x1, s25, s25, $0xb8;
	[tilespmem:$0x6800] =	vst v63  }
0x60: {  	s31 =	simm.s32 $0x4C00  }
0x61: {  	[tilespmem:s31], [sflag:$0x1] =	stream.indirect.gather [hbm4b:s20+s25], $0x1, s26, s25, $0xb8;
	[tilespmem:$0x6800] =	vst v63  }
0x62: {  	s28 =	simm.s32 $0xE00;
	s20 =	rddreg [dreg:$0xc]  }
0x63: {  	[tilespmem:s28], [sflag:$0x1] =	stream.indirect.gather [hbm4b:s20+s25], $0x1, s3, s25, $0xb8;
	[tilespmem:$0x6800] =	vst v63  }
0x64: {  	s29 =	rddreg [dreg:$0xd];
	s30 =	simm.s32 $0x2E00  }
0x65: {  	[tilespmem:s30], [sflag:$0x1] =	stream.indirect.gather [hbm4b:s29+s25], $0x1, s25, s25, $0xb8;
	[tilespmem:$0x6800] =	vst v63  }
0x66: {  	s31 =	simm.s32 $0x4E00  }
0x67: {  	[tilespmem:s31], [sflag:$0x1] =	stream.indirect.gather [hbm4b:s20+s25], $0x1, s26, s25, $0xb8;
	[tilespmem:$0x6800] =	vst v63  }
0x68: {  	s28 =	simm.s32 $0x1000;
	s20 =	rddreg [dreg:$0xe]  }
0x69: {  	[tilespmem:s28], [sflag:$0x1] =	stream.indirect.gather [hbm4b:s20+s25], $0x1, s3, s25, $0xb8;
	[tilespmem:$0x6800] =	vst v63  }
0x6a: {  	s29 =	rddreg [dreg:$0xf];
	s30 =	simm.s32 $0x3000  }
0x6b: {  	[tilespmem:s30], [sflag:$0x1] =	stream.indirect.gather [hbm4b:s29+s25], $0x1, s25, s25, $0xb8;
	[tilespmem:$0x6800] =	vst v63  }
0x6c: {  	s31 =	simm.s32 $0x5000  }
0x6d: {  	[tilespmem:s31], [sflag:$0x1] =	stream.indirect.gather [hbm4b:s20+s25], $0x1, s26, s25, $0xb8;
	[tilespmem:$0x6800] =	vst v63  }
0x6e: {  	s24 =	rddreg [dreg:$0x11];
	s28 =	simm.s32 $0x1200  }
0x6f: {  	[tilespmem:s28], [sflag:$0x1] =	stream.indirect.gather [hbm4b:s24+s25], $0x1, s3, s25, $0xb8;
	[tilespmem:$0x6800] =	vst v63  }
0x70: {  	s29 =	rddreg [dreg:$0x10];
	s30 =	simm.s32 $0x3200  }
0x71: {  	[tilespmem:s30], [sflag:$0x1] =	stream.indirect.gather [hbm4b:s29+s25], $0x1, s25, s25, $0xb8;
	[tilespmem:$0x6800] =	vst v63  }
0x72: {  	s31 =	simm.s32 $0x5200  }
0x73: {  	[tilespmem:s31], [sflag:$0x1] =	stream.indirect.gather [hbm4b:s24+s25], $0x1, s26, s25, $0xb8;
	[tilespmem:$0x6800] =	vst v63  }
0x74: {  	s20 =	rddreg [dreg:$0x12];
	s28 =	simm.s32 $0x1400  }
0x75: {  	[tilespmem:s28], [sflag:$0x1] =	stream.indirect.gather [hbm4b:s20+s25], $0x1, s3, s25, $0xb8;
	[tilespmem:$0x6800] =	vst v63  }
0x76: {  	s29 =	rddreg [dreg:$0x13];
	s30 =	simm.s32 $0x3400  }
0x77: {  	[tilespmem:s30], [sflag:$0x1] =	stream.indirect.gather [hbm4b:s29+s25], $0x1, s25, s25, $0xb8;
	[tilespmem:$0x6800] =	vst v63  }
0x78: {  	s31 =	simm.s32 $0x5400  }
0x79: {  	[tilespmem:s31], [sflag:$0x1] =	stream.indirect.gather [hbm4b:s20+s25], $0x1, s26, s25, $0xb8;
	[tilespmem:$0x6800] =	vst v63  }
0x7a: {  	s20 =	simm.s32 $0x0  }
.LBB2_2:
0x7b: {  	s24 =	smul.u32 $0xF42400, s20;
	_ =	sdelay $0x1  }
0x7c: {  	s24 =	sshrl.u32 s24, $0x3  }
0x7d: {  	s28 =	sadd.s32 $0xF4240, s24  }
0x7e: {  	s30 =	simm.s32 $0x0;
	s31 =	simm.s32 $0x1600;
	s29 =	sadd.s32 s2, s28  }
0x7f: {  	[tilespmem:s31], [sflag:$0x2] =	stream.indirect.gather [hbm4b:s29+s25], $0x1, s30, s25, $0xb8;
	[tilespmem:$0x6800] =	vst v63  }
0x80: {  	s28 =	sadd.s32 s4, s28;
	s31 =	simm.s32 $0x3600  }
0x81: {  	[tilespmem:s31], [sflag:$0x2] =	stream.indirect.gather [hbm4b:s28+s25], $0x1, s25, s25, $0xb8;
	[tilespmem:$0x6800] =	vst v63  }
0x82: {  	s28 =	simm.s32 $0x5600  }
0x83: {  	[tilespmem:s28], [sflag:$0x2] =	stream.indirect.gather [hbm4b:s29+s25], $0x1, s26, s25, $0xb8;
	[tilespmem:$0x6800] =	vst v63  }
0x84: {  	s28 =	sadd.s32 $0x112A88, s24  }
0x85: {  	s31 =	simm.s32 $0x1800;
	s29 =	sadd.s32 s2, s28  }
0x86: {  	[tilespmem:s31], [sflag:$0x2] =	stream.indirect.gather [hbm4b:s29+s25], $0x1, s30, s25, $0xb8;
	[tilespmem:$0x6800] =	vst v63  }
0x87: {  	s28 =	sadd.s32 s4, s28;
	s31 =	simm.s32 $0x3800  }
0x88: {  	[tilespmem:s31], [sflag:$0x2] =	stream.indirect.gather [hbm4b:s28+s25], $0x1, s25, s25, $0xb8;
	[tilespmem:$0x6800] =	vst v63  }
0x89: {  	s28 =	simm.s32 $0x5800  }
0x8a: {  	[tilespmem:s28], [sflag:$0x2] =	stream.indirect.gather [hbm4b:s29+s25], $0x1, s26, s25, $0xb8;
	[tilespmem:$0x6800] =	vst v63  }
0x8b: {  	s28 =	sadd.s32 $0x1312D0, s24  }
0x8c: {  	s29 =	sadd.s32 s2, s28  }
0x8d: {  	[tilespmem:s0], [sflag:$0x2] =	stream.indirect.gather [hbm4b:s29+s25], $0x1, s30, s25, $0xb8;
	[tilespmem:$0x6800] =	vst v63  }
0x8e: {  	s28 =	sadd.s32 s4, s28  }
0x8f: {  	[tilespmem:s1], [sflag:$0x2] =	stream.indirect.gather [hbm4b:s28+s25], $0x1, s25, s25, $0xb8;
	[tilespmem:$0x6800] =	vst v63  }
0x90: {  	s28 =	sadd.s32 $0x14FB18, s24  }
0x91: {  	[tilespmem:s5], [sflag:$0x2] =	stream.indirect.gather [hbm4b:s29+s25], $0x1, s26, s25, $0xb8;
	[tilespmem:$0x6800] =	vst v63  }
0x92: {  	s29 =	sadd.s32 s2, s28  }
0x93: {  	[tilespmem:s6], [sflag:$0x2] =	stream.indirect.gather [hbm4b:s29+s25], $0x1, s30, s25, $0xb8;
	[tilespmem:$0x6800] =	vst v63  }
0x94: {  	s28 =	sadd.s32 s4, s28  }
0x95: {  	[tilespmem:s7], [sflag:$0x2] =	stream.indirect.gather [hbm4b:s28+s25], $0x1, s25, s25, $0xb8;
	[tilespmem:$0x6800] =	vst v63  }
0x96: {  	s28 =	sadd.s32 $0x16E360, s24  }
0x97: {  	[tilespmem:s9], [sflag:$0x2] =	stream.indirect.gather [hbm4b:s29+s25], $0x1, s26, s25, $0xb8;
	[tilespmem:$0x6800] =	vst v63  }
0x98: {  	s29 =	sadd.s32 s2, s28  }
0x99: {  	[tilespmem:s10], [sflag:$0x2] =	stream.indirect.gather [hbm4b:s29+s25], $0x1, s30, s25, $0xb8;
	[tilespmem:$0x6800] =	vst v63  }
0x9a: {  	s28 =	sadd.s32 s4, s28  }
0x9b: {  	[tilespmem:s13], [sflag:$0x2] =	stream.indirect.gather [hbm4b:s28+s25], $0x1, s25, s25, $0xb8;
	[tilespmem:$0x6800] =	vst v63  }
0x9c: {  	s28 =	sadd.s32 $0x18CBA8, s24  }
0x9d: {  	[tilespmem:s15], [sflag:$0x2] =	stream.indirect.gather [hbm4b:s29+s25], $0x1, s26, s25, $0xb8;
	[tilespmem:$0x6800] =	vst v63  }
0x9e: {  	s29 =	sadd.s32 s2, s28  }
0x9f: {  	[tilespmem:s17], [sflag:$0x2] =	stream.indirect.gather [hbm4b:s29+s25], $0x1, s30, s25, $0xb8;
	[tilespmem:$0x6800] =	vst v63  }
0xa0: {  	s28 =	sadd.s32 s4, s28  }
0xa1: {  	[tilespmem:s18], [sflag:$0x2] =	stream.indirect.gather [hbm4b:s28+s25], $0x1, s25, s25, $0xb8;
	[tilespmem:$0x6800] =	vst v63  }
0xa2: {  	s28 =	sadd.s32 $0x1AB3F0, s24  }
0xa3: {  	[tilespmem:s21], [sflag:$0x2] =	stream.indirect.gather [hbm4b:s29+s25], $0x1, s26, s25, $0xb8;
	[tilespmem:$0x6800] =	vst v63  }
0xa4: {  	s29 =	sadd.s32 s2, s28  }
0xa5: {  	[tilespmem:s22], [sflag:$0x2] =	stream.indirect.gather [hbm4b:s29+s25], $0x1, s30, s25, $0xb8;
	[tilespmem:$0x6800] =	vst v63  }
0xa6: {  	s28 =	sadd.s32 s4, s28  }
0xa7: {  	[tilespmem:s23], [sflag:$0x2] =	stream.indirect.gather [hbm4b:s28+s25], $0x1, s25, s25, $0xb8;
	[tilespmem:$0x6800] =	vst v63  }
0xa8: {  	s24 =	sadd.s32 $0x1C9C38, s24  }
0xa9: {  	[tilespmem:s8], [sflag:$0x2] =	stream.indirect.gather [hbm4b:s29+s25], $0x1, s26, s25, $0xb8;
	[tilespmem:$0x6800] =	vst v63  }
0xaa: {  	s28 =	sadd.s32 s2, s24  }
0xab: {  	[tilespmem:s11], [sflag:$0x2] =	stream.indirect.gather [hbm4b:s28+s25], $0x1, s30, s25, $0xb8;
	[tilespmem:$0x6800] =	vst v63  }
0xac: {  	s24 =	sadd.s32 s4, s24  }
0xad: {  	[tilespmem:s12], [sflag:$0x2] =	stream.indirect.gather [hbm4b:s24+s25], $0x1, s25, s25, $0xb8;
	[tilespmem:$0x6800] =	vst v63  }
0xae: {  	_ = 	snop  }
0xaf: {  	[tilespmem:s14], [sflag:$0x2] =	stream.indirect.gather [hbm4b:s28+s25], $0x1, s26, s25, $0xb8;
	[tilespmem:$0x6800] =	vst v63  }
0xb0: {  	_ =	swait.ge [sflag:s16], $0x200  }
0xb1: {  	[sflag:s16] =	ssyncset.done $0x0  }
0xb2: {  	[sflag:s16] =	ssyncadd.s32 $0xFFFFFE00  }
0xb3: {  	_ =	swait.ge [sflag:s16], $0x200  }
0xb4: {  	[sflag:s16] =	ssyncset.done $0x0  }
0xb5: {  	[sflag:s16] =	ssyncadd.s32 $0xFFFFFE00  }
0xb6: {  	_ =	swait.ge [sflag:s16], $0x200  }
0xb7: {  	[sflag:s16] =	ssyncset.done $0x0  }
0xb8: {  	[sflag:s16] =	ssyncadd.s32 $0xFFFFFE00  }
0xb9: {  	_ =	swait.ge [sflag:s16], $0x200  }
0xba: {  	[sflag:s16] =	ssyncset.done $0x0  }
0xbb: {  	[sflag:s16] =	ssyncadd.s32 $0xFFFFFE00  }
0xbc: {  	_ =	swait.ge [sflag:s16], $0x200  }
0xbd: {  	[sflag:s16] =	ssyncset.done $0x0  }
0xbe: {  	[sflag:s16] =	ssyncadd.s32 $0xFFFFFE00  }
0xbf: {  	_ =	swait.ge [sflag:s16], $0x200  }
0xc0: {  	[sflag:s16] =	ssyncset.done $0x0  }
0xc1: {  	[sflag:s16] =	ssyncadd.s32 $0xFFFFFE00  }
0xc2: {  	_ =	swait.ge [sflag:s16], $0x200  }
0xc3: {  	[sflag:s16] =	ssyncset.done $0x0  }
0xc4: {  	[sflag:s16] =	ssyncadd.s32 $0xFFFFFE00  }
0xc5: {  	_ =	swait.ge [sflag:s16], $0x200  }
0xc6: {  	[sflag:s16] =	ssyncset.done $0x0  }
0xc7: {  	[sflag:s16] =	ssyncadd.s32 $0xFFFFFE00  }
0xc8: {  	_ =	swait.ge [sflag:s16], $0x200  }
0xc9: {  	[sflag:s16] =	ssyncset.done $0x0  }
0xca: {  	[sflag:s16] =	ssyncadd.s32 $0xFFFFFE00  }
0xcb: {  	_ =	swait.ge [sflag:s16], $0x200  }
0xcc: {  	[sflag:s16] =	ssyncset.done $0x0  }
0xcd: {  	[sflag:s16] =	ssyncadd.s32 $0xFFFFFE00  }
0xce: {  	_ =	swait.ge [sflag:s16], $0x200  }
0xcf: {  	[sflag:s16] =	ssyncset.done $0x0  }
0xd0: {  	[sflag:s16] =	ssyncadd.s32 $0xFFFFFE00  }
0xd1: {  	_ =	swait.ge [sflag:s16], $0x200  }
0xd2: {  	[sflag:s16] =	ssyncset.done $0x0  }
0xd3: {  	[sflag:s16] =	ssyncadd.s32 $0xFFFFFE00  }
0xd4: {  	_ =	swait.ge [sflag:s16], $0x200  }
0xd5: {  	[sflag:s16] =	ssyncset.done $0x0  }
0xd6: {  	[sflag:s16] =	ssyncadd.s32 $0xFFFFFE00  }
0xd7: {  	_ =	swait.ge [sflag:s16], $0x200  }
0xd8: {  	[sflag:s16] =	ssyncset.done $0x0  }
0xd9: {  	[sflag:s16] =	ssyncadd.s32 $0xFFFFFE00  }
0xda: {  	_ =	swait.ge [sflag:s16], $0x200  }
0xdb: {  	[sflag:s16] =	ssyncset.done $0x0  }
0xdc: {  	[sflag:s16] =	ssyncadd.s32 $0xFFFFFE00  }
0xdd: {  	_ =	swait.ge [sflag:s16], $0x200  }
0xde: {  	[sflag:s16] =	ssyncset.done $0x0  }
0xdf: {  	[sflag:s16] =	ssyncadd.s32 $0xFFFFFE00  }
0xe0: {  	_ =	swait.ge [sflag:s16], $0x200  }
0xe1: {  	[sflag:s16] =	ssyncset.done $0x0  }
0xe2: {  	[sflag:s16] =	ssyncadd.s32 $0xFFFFFE00  }
0xe3: {  	_ =	swait.ge [sflag:s16], $0x200  }
0xe4: {  	[sflag:s16] =	ssyncset.done $0x0  }
0xe5: {  	[sflag:s16] =	ssyncadd.s32 $0xFFFFFE00  }
0xe6: {  	_ =	swait.ge [sflag:s16], $0x200  }
0xe7: {  	[sflag:s16] =	ssyncset.done $0x0  }
0xe8: {  	[sflag:s16] =	ssyncadd.s32 $0xFFFFFE00  }
0xe9: {  	_ =	swait.ge [sflag:s16], $0x200  }
0xea: {  	[sflag:s16] =	ssyncset.done $0x0  }
0xeb: {  	[sflag:s16] =	ssyncadd.s32 $0xFFFFFE00  }
0xec: {  	_ =	swait.ge [sflag:s16], $0x200  }
0xed: {  	[sflag:s16] =	ssyncset.done $0x0  }
0xee: {  	[sflag:s16] =	ssyncadd.s32 $0xFFFFFE00  }
0xef: {  	_ =	swait.ge [sflag:s16], $0x200  }
0xf0: {  	[sflag:s16] =	ssyncset.done $0x0  }
0xf1: {  	[sflag:s16] =	ssyncadd.s32 $0xFFFFFE00  }
0xf2: {  	_ =	swait.ge [sflag:s16], $0x200  }
0xf3: {  	[sflag:s16] =	ssyncset.done $0x0  }
0xf4: {  	[sflag:s16] =	ssyncadd.s32 $0xFFFFFE00  }
0xf5: {  	_ =	swait.ge [sflag:s16], $0x200  }
0xf6: {  	[sflag:s16] =	ssyncset.done $0x0  }
0xf7: {  	s24 =	simm.s32 $0x0;
	[sflag:s16] =	ssyncadd.s32 $0xFFFFFE00  }
0xf8: {  	v5 =	vld [tilespmem:s24+$0x5200]  }
0xf9: {  	v3 =	vld [tilespmem:s24+$0x5000]  }
0xfa: {  	v1 =	vld [tilespmem:s24+$0x4E00]  }
0xfb: {  	v2 =	vld [tilespmem:s24+$0x4C00]  }
0xfc: {  	v4 =	vld [tilespmem:s24+$0x4A00]  }
0xfd: {  	v6 =	vld [tilespmem:s24+$0x4800]  }
0xfe: {  	v7 =	vld [tilespmem:s24+$0xA00]  }
0xff: {  	v8 =	vld [tilespmem:s24+$0x4600]  }
0x100: {  	v9 =	vld [tilespmem:s24+$0x600]  }
0x101: {  	v10 =	vld [tilespmem:s24+$0x2600]  }
0x102: {  	v11 =	vld [tilespmem:s24+$0x800]  }
0x103: {  	v12 =	vld [tilespmem:s24+$0x2800]  }
0x104: {  	v13 =	vld [tilespmem:s24+$0x2A00]  }
0x105: {  	v14 =	vld [tilespmem:s24+$0x6600]  }
0x106: {  	v15 =	vld [tilespmem:s24+$0xC00];
	v9 =	vmul.f32 v10, v9  }
0x107: {  	v10 =	vld [tilespmem:s24+$0x2C00]  }
0x108: {  	v16 =	vld [tilespmem:s24+$0xE00];
	v8 =	vmul.f32 v8, v9;
	v9 =	vmul.f32 v12, v11  }
0x109: {  	v11 =	vld [tilespmem:s24+$0x2E00]  }
0x10a: {  	v62 =	vld [tilespmem:s24+$0x1000];
	v7 =	vmul.f32 v13, v7;
	v8 =	vadd.f32 v8, v14;
	v6 =	vmul.f32 v6, v9  }
0x10b: {  	v9 =	vld [tilespmem:s24+$0x3000]  }
0x10c: {  	v63 =	vld [tilespmem:s24+$0x1200];
	v4 =	vmul.f32 v4, v7;
	v7 =	vmul.f32 v10, v15;
	v6 =	vadd.f32 v6, v8  }
0x10d: {  	v8 =	vld [tilespmem:s24+$0x3200]  }
0x10e: {  	v10 =	vld [tilespmem:s24+$0x1400];
	v2 =	vmul.f32 v2, v7;
	v4 =	vadd.f32 v4, v6;
	v6 =	vmul.f32 v11, v16  }
0x10f: {  	v7 =	vld [tilespmem:s24+$0x3400]  }
0x110: {  	s28 =	simm.s32 $0x10;
	v11 =	vld [tilespmem:s24+$0x5400];
	v9 =	vmul.f32 v9, v62;
	v4 =	vadd.f32 v2, v4;
	v6 =	vmul.f32 v1, v6  }
0x111: {  	v2 =	vld [tilespmem:s28+$0x5200]  }
0x112: {  	v1 =	vld [tilespmem:s28+$0x5000];
	v9 =	vmul.f32 v3, v9;
	v8 =	vmul.f32 v8, v63;
	v6 =	vadd.f32 v6, v4  }
0x113: {  	v3 =	vld [tilespmem:s28+$0x4E00]  }
0x114: {  	v4 =	vld [tilespmem:s28+$0x4C00];
	v7 =	vmul.f32 v7, v10;
	v8 =	vmul.f32 v5, v8;
	v9 =	vadd.f32 v9, v6  }
0x115: {  	v5 =	vld [tilespmem:s28+$0x4A00]  }
0x116: {  	v6 =	vld [tilespmem:s28+$0x4800];
	v10 =	vmul.f32 v11, v7;
	v9 =	vadd.f32 v8, v9  }
0x117: {  	v7 =	vld [tilespmem:s28+$0xA00]  }
0x118: {  	v8 =	vld [tilespmem:s28+$0x4600];
	v10 =	vadd.f32 v10, v9  }
0x119: {  	s29 =	simm.s32 $0x80;
	v9 =	vld [tilespmem:s28+$0x600]  }
.LBB2_3:
0x11a: {  	p0 =	sne.s32 s29, $0x7C0;
	v11 =	vld [tilespmem:s28+$0x2600];
	[tilespmem:s24+$0x6600] =	vst v10;
	s24 =	smov.u32 s28  }
0x11b: {  	v10 =	vld [tilespmem:s24+$0x800]  }
0x11c: {  	v12 =	vld [tilespmem:s24+$0x2800]  }
0x11d: {  	v13 =	vld [tilespmem:s24+$0x2A00]  }
0x11e: {  	v14 =	vld [tilespmem:s24+$0x6600]  }
0x11f: {  	v9 =	vmul.f32 v11, v9;
	v11 =	vld [tilespmem:s24+$0xC00]  }
0x120: {  	v15 =	vld [tilespmem:s24+$0x2C00]  }
0x121: {  	v8 =	vmul.f32 v8, v9;
	v9 =	vmul.f32 v12, v10;
	v10 =	vld [tilespmem:s24+$0xE00]  }
0x122: {  	v12 =	vld [tilespmem:s24+$0x2E00]  }
0x123: {  	v7 =	vmul.f32 v13, v7;
	v8 =	vadd.f32 v8, v14;
	v6 =	vmul.f32 v6, v9;
	v9 =	vld [tilespmem:s24+$0x1000]  }
0x124: {  	v13 =	vld [tilespmem:s24+$0x3000]  }
0x125: {  	v5 =	vmul.f32 v5, v7;
	v6 =	vadd.f32 v6, v8;
	v7 =	vmul.f32 v15, v11;
	v8 =	vld [tilespmem:s24+$0x1200]  }
0x126: {  	v11 =	vld [tilespmem:s24+$0x3200]  }
0x127: {  	v5 =	vadd.f32 v5, v6;
	v4 =	vmul.f32 v4, v7;
	v6 =	vmul.f32 v12, v10;
	v7 =	vld [tilespmem:s24+$0x1400]  }
0x128: {  	v10 =	vld [tilespmem:s24+$0x3400]  }
0x129: {  	s28 =	sshra.s32 s29, $0x2;
	v4 =	vadd.f32 v4, v5;
	v3 =	vmul.f32 v3, v6;
	v5 =	vmul.f32 v13, v9;
	v9 =	vld [tilespmem:s24+$0x5400]  }
0x12a: {  	v12 =	vld [tilespmem:s28+$0x5200]  }
0x12b: {  	v6 =	vadd.f32 v3, v4;
	v5 =	vmul.f32 v1, v5;
	v1 =	vld [tilespmem:s28+$0x5000];
	v8 =	vmul.f32 v11, v8  }
0x12c: {  	v3 =	vld [tilespmem:s28+$0x4E00]  }
0x12d: {  	v4 =	vld [tilespmem:s28+$0x4C00];
	v11 =	vadd.f32 v5, v6;
	v8 =	vmul.f32 v2, v8;
	v7 =	vmul.f32 v10, v7  }
.Ltmp0:
0x12e: {  	v5 =	vld [tilespmem:s28+$0x4A00];
	(pc) =	sbr.rel @p0 .LBB2_3-.Ltmp0, $4  }
0x12f: {  	v6 =	vld [tilespmem:s28+$0x4800];
	v10 =	vadd.f32 v8, v11;
	v9 =	vmul.f32 v9, v7;
	v2 =	vmov v12  }
0x130: {  	v7 =	vld [tilespmem:s28+$0xA00]  }
0x131: {  	v8 =	vld [tilespmem:s28+$0x4600];
	v10 =	vadd.f32 v9, v10  }
0x132: {  	s29 =	sadd.s32 $0x40, s29;
	v9 =	vld [tilespmem:s28+$0x600]  }
0x133: {  	v11 =	vld [tilespmem:s28+$0x2600];
	[tilespmem:s24+$0x6600] =	vst v10  }
0x134: {  	v10 =	vld [tilespmem:s28+$0x800]  }
0x135: {  	v12 =	vld [tilespmem:s28+$0x2800]  }
0x136: {  	v13 =	vld [tilespmem:s28+$0x2A00]  }
0x137: {  	v14 =	vld [tilespmem:s28+$0x6600]  }
0x138: {  	v49 =	vld [tilespmem:s28+$0xC00];
	v9 =	vmul.f32 v11, v9  }
0x139: {  	v15 =	vld [tilespmem:s28+$0x2C00]  }
0x13a: {  	v51 =	vld [tilespmem:s28+$0xE00];
	v50 =	vmul.f32 v12, v10;
	v8 =	vmul.f32 v8, v9  }
0x13b: {  	v52 =	vld [tilespmem:s28+$0x2E00]  }
0x13c: {  	v53 =	vld [tilespmem:s28+$0x1000];
	v7 =	vmul.f32 v13, v7;
	v6 =	vmul.f32 v6, v50;
	v8 =	vadd.f32 v8, v14  }
0x13d: {  	v54 =	vld [tilespmem:s28+$0x3000]  }
0x13e: {  	v56 =	vld [tilespmem:s28+$0x1200];
	v55 =	vmul.f32 v15, v49;
	v5 =	vmul.f32 v5, v7;
	v6 =	vadd.f32 v6, v8  }
0x13f: {  	v57 =	vld [tilespmem:s28+$0x3200]  }
0x140: {  	v59 =	vld [tilespmem:s28+$0x1400];
	v58 =	vmul.f32 v52, v51;
	v4 =	vmul.f32 v4, v55;
	v5 =	vadd.f32 v5, v6  }
0x141: {  	v60 =	vld [tilespmem:s28+$0x3400]  }
0x142: {  	v61 =	vmul.f32 v54, v53;
	v3 =	vmul.f32 v3, v58;
	v4 =	vadd.f32 v4, v5  }
0x143: {  	v62 =	vld [tilespmem:s28+$0x5400]  }
0x144: {  	v63 =	vmul.f32 v57, v56;
	v1 =	vmul.f32 v1, v61;
	v3 =	vadd.f32 v3, v4;
	_ =	sdelay $0x1  }
0x145: {  	v2 =	vmul.f32 v2, v63;
	v1 =	vadd.f32 v1, v3;
	v3 =	vmul.f32 v60, v59  }
0x146: {  	p0 =	seq.s32 s20, $0x3  }
.Ltmp1:
0x147: {  	v1 =	vadd.f32 v2, v1;
	v2 =	vmul.f32 v62, v3;
	(pc) =	sbr.rel @p0 .LBB2_6-.Ltmp1, $3  }
0x148: {  	_ = 	snop  }
0x149: {  	v1 =	vadd.f32 v2, v1;
	_ =	sdelay $0x1  }
0x14a: {  	[tilespmem:s28+$0x6600] =	vst v1  }
0x14b: {  	s24 =	sshll.u32 s20, $0x1  }
0x14c: {  	s24 =	sadd.s32 $0x2, s24  }
0x14d: {  	s28 =	smul.u32 $0xF4240, s24;
	_ =	sdelay $0x1  }
0x14e: {  	s30 =	simm.s32 $0x600;
	s24 =	smul.u32 $0x7A1200, s24;
	s29 =	sadd.s32 s2, s28  }
0x14f: {  	[tilespmem:s30], [sflag:$0x1] =	stream.indirect.gather [hbm4b:s29+s25], $0x1, s3, s25, $0xb8;
	[tilespmem:$0x6800] =	vst v63  }
0x150: {  	s31 =	simm.s32 $0x2600;
	s28 =	sadd.s32 s4, s28;
	s24 =	sshrl.u32 s24, $0x3  }
0x151: {  	[tilespmem:s31], [sflag:$0x1] =	stream.indirect.gather [hbm4b:s28+s25], $0x1, s25, s25, $0xb8;
	[tilespmem:$0x6800] =	vst v63  }
0x152: {  	s30 =	simm.s32 $0x4600;
	s28 =	sadd.s32 $0x1E848, s24  }
0x153: {  	[tilespmem:s30], [sflag:$0x1] =	stream.indirect.gather [hbm4b:s29+s25], $0x1, s26, s25, $0xb8;
	[tilespmem:$0x6800] =	vst v63  }
0x154: {  	s31 =	simm.s32 $0x800;
	s29 =	sadd.s32 s2, s28  }
0x155: {  	[tilespmem:s31], [sflag:$0x1] =	stream.indirect.gather [hbm4b:s29+s25], $0x1, s3, s25, $0xb8;
	[tilespmem:$0x6800] =	vst v63  }
0x156: {  	s28 =	sadd.s32 s4, s28;
	s31 =	simm.s32 $0x2800  }
0x157: {  	[tilespmem:s31], [sflag:$0x1] =	stream.indirect.gather [hbm4b:s28+s25], $0x1, s25, s25, $0xb8;
	[tilespmem:$0x6800] =	vst v63  }
0x158: {  	s30 =	simm.s32 $0x4800;
	s28 =	sadd.s32 $0x3D090, s24  }
0x159: {  	[tilespmem:s30], [sflag:$0x1] =	stream.indirect.gather [hbm4b:s29+s25], $0x1, s26, s25, $0xb8;
	[tilespmem:$0x6800] =	vst v63  }
0x15a: {  	s31 =	simm.s32 $0xA00;
	s29 =	sadd.s32 s2, s28  }
0x15b: {  	[tilespmem:s31], [sflag:$0x1] =	stream.indirect.gather [hbm4b:s29+s25], $0x1, s3, s25, $0xb8;
	[tilespmem:$0x6800] =	vst v63  }
0x15c: {  	s28 =	sadd.s32 s4, s28;
	s31 =	simm.s32 $0x2A00  }
0x15d: {  	[tilespmem:s31], [sflag:$0x1] =	stream.indirect.gather [hbm4b:s28+s25], $0x1, s25, s25, $0xb8;
	[tilespmem:$0x6800] =	vst v63  }
0x15e: {  	s30 =	simm.s32 $0x4A00;
	s28 =	sadd.s32 $0x5B8D8, s24  }
0x15f: {  	[tilespmem:s30], [sflag:$0x1] =	stream.indirect.gather [hbm4b:s29+s25], $0x1, s26, s25, $0xb8;
	[tilespmem:$0x6800] =	vst v63  }
0x160: {  	s31 =	simm.s32 $0xC00;
	s29 =	sadd.s32 s2, s28  }
0x161: {  	[tilespmem:s31], [sflag:$0x1] =	stream.indirect.gather [hbm4b:s29+s25], $0x1, s3, s25, $0xb8;
	[tilespmem:$0x6800] =	vst v63  }
0x162: {  	s28 =	sadd.s32 s4, s28;
	s31 =	simm.s32 $0x2C00  }
0x163: {  	[tilespmem:s31], [sflag:$0x1] =	stream.indirect.gather [hbm4b:s28+s25], $0x1, s25, s25, $0xb8;
	[tilespmem:$0x6800] =	vst v63  }
0x164: {  	s30 =	simm.s32 $0x4C00;
	s28 =	sadd.s32 $0x7A120, s24  }
0x165: {  	[tilespmem:s30], [sflag:$0x1] =	stream.indirect.gather [hbm4b:s29+s25], $0x1, s26, s25, $0xb8;
	[tilespmem:$0x6800] =	vst v63  }
0x166: {  	s31 =	simm.s32 $0xE00;
	s29 =	sadd.s32 s2, s28  }
0x167: {  	[tilespmem:s31], [sflag:$0x1] =	stream.indirect.gather [hbm4b:s29+s25], $0x1, s3, s25, $0xb8;
	[tilespmem:$0x6800] =	vst v63  }
0x168: {  	s28 =	sadd.s32 s4, s28;
	s31 =	simm.s32 $0x2E00  }
0x169: {  	[tilespmem:s31], [sflag:$0x1] =	stream.indirect.gather [hbm4b:s28+s25], $0x1, s25, s25, $0xb8;
	[tilespmem:$0x6800] =	vst v63  }
0x16a: {  	s30 =	simm.s32 $0x4E00;
	s28 =	sadd.s32 $0x98968, s24  }
0x16b: {  	[tilespmem:s30], [sflag:$0x1] =	stream.indirect.gather [hbm4b:s29+s25], $0x1, s26, s25, $0xb8;
	[tilespmem:$0x6800] =	vst v63  }
0x16c: {  	s31 =	simm.s32 $0x1000;
	s29 =	sadd.s32 s2, s28  }
0x16d: {  	[tilespmem:s31], [sflag:$0x1] =	stream.indirect.gather [hbm4b:s29+s25], $0x1, s3, s25, $0xb8;
	[tilespmem:$0x6800] =	vst v63  }
0x16e: {  	s28 =	sadd.s32 s4, s28;
	s31 =	simm.s32 $0x3000  }
0x16f: {  	[tilespmem:s31], [sflag:$0x1] =	stream.indirect.gather [hbm4b:s28+s25], $0x1, s25, s25, $0xb8;
	[tilespmem:$0x6800] =	vst v63  }
0x170: {  	s30 =	simm.s32 $0x5000;
	s28 =	sadd.s32 $0xB71B0, s24  }
0x171: {  	[tilespmem:s30], [sflag:$0x1] =	stream.indirect.gather [hbm4b:s29+s25], $0x1, s26, s25, $0xb8;
	[tilespmem:$0x6800] =	vst v63  }
0x172: {  	s31 =	simm.s32 $0x1200;
	s29 =	sadd.s32 s2, s28  }
0x173: {  	[tilespmem:s31], [sflag:$0x1] =	stream.indirect.gather [hbm4b:s29+s25], $0x1, s3, s25, $0xb8;
	[tilespmem:$0x6800] =	vst v63  }
0x174: {  	s28 =	sadd.s32 s4, s28;
	s31 =	simm.s32 $0x3200  }
0x175: {  	[tilespmem:s31], [sflag:$0x1] =	stream.indirect.gather [hbm4b:s28+s25], $0x1, s25, s25, $0xb8;
	[tilespmem:$0x6800] =	vst v63  }
0x176: {  	s24 =	sadd.s32 $0xD59F8, s24;
	s30 =	simm.s32 $0x5200  }
0x177: {  	[tilespmem:s30], [sflag:$0x1] =	stream.indirect.gather [hbm4b:s29+s25], $0x1, s26, s25, $0xb8;
	[tilespmem:$0x6800] =	vst v63  }
0x178: {  	s28 =	sadd.s32 s2, s24;
	s31 =	simm.s32 $0x1400  }
0x179: {  	[tilespmem:s31], [sflag:$0x1] =	stream.indirect.gather [hbm4b:s28+s25], $0x1, s3, s25, $0xb8;
	[tilespmem:$0x6800] =	vst v63  }
0x17a: {  	s24 =	sadd.s32 s4, s24;
	s30 =	simm.s32 $0x3400  }
0x17b: {  	[tilespmem:s30], [sflag:$0x1] =	stream.indirect.gather [hbm4b:s24+s25], $0x1, s25, s25, $0xb8;
	[tilespmem:$0x6800] =	vst v63  }
0x17c: {  	s31 =	simm.s32 $0x5400  }
0x17d: {  	[tilespmem:s31], [sflag:$0x1] =	stream.indirect.gather [hbm4b:s28+s25], $0x1, s26, s25, $0xb8;
	[tilespmem:$0x6800] =	vst v63  }
.LBB2_6:
0x17e: {  	_ =	swait.ge [sflag:s19], $0x200  }
0x17f: {  	[sflag:s19] =	ssyncset.done $0x0  }
0x180: {  	[sflag:s19] =	ssyncadd.s32 $0xFFFFFE00  }
0x181: {  	_ =	swait.ge [sflag:s19], $0x200  }
0x182: {  	[sflag:s19] =	ssyncset.done $0x0  }
0x183: {  	[sflag:s19] =	ssyncadd.s32 $0xFFFFFE00  }
0x184: {  	_ =	swait.ge [sflag:s19], $0x200  }
0x185: {  	[sflag:s19] =	ssyncset.done $0x0  }
0x186: {  	[sflag:s19] =	ssyncadd.s32 $0xFFFFFE00  }
0x187: {  	_ =	swait.ge [sflag:s19], $0x200  }
0x188: {  	[sflag:s19] =	ssyncset.done $0x0  }
0x189: {  	[sflag:s19] =	ssyncadd.s32 $0xFFFFFE00  }
0x18a: {  	_ =	swait.ge [sflag:s19], $0x200  }
0x18b: {  	[sflag:s19] =	ssyncset.done $0x0  }
0x18c: {  	[sflag:s19] =	ssyncadd.s32 $0xFFFFFE00  }
0x18d: {  	_ =	swait.ge [sflag:s19], $0x200  }
0x18e: {  	[sflag:s19] =	ssyncset.done $0x0  }
0x18f: {  	[sflag:s19] =	ssyncadd.s32 $0xFFFFFE00  }
0x190: {  	_ =	swait.ge [sflag:s19], $0x200  }
0x191: {  	[sflag:s19] =	ssyncset.done $0x0  }
0x192: {  	[sflag:s19] =	ssyncadd.s32 $0xFFFFFE00  }
0x193: {  	_ =	swait.ge [sflag:s19], $0x200  }
0x194: {  	[sflag:s19] =	ssyncset.done $0x0  }
0x195: {  	[sflag:s19] =	ssyncadd.s32 $0xFFFFFE00  }
0x196: {  	_ =	swait.ge [sflag:s19], $0x200  }
0x197: {  	[sflag:s19] =	ssyncset.done $0x0  }
0x198: {  	[sflag:s19] =	ssyncadd.s32 $0xFFFFFE00  }
0x199: {  	_ =	swait.ge [sflag:s19], $0x200  }
0x19a: {  	[sflag:s19] =	ssyncset.done $0x0  }
0x19b: {  	[sflag:s19] =	ssyncadd.s32 $0xFFFFFE00  }
0x19c: {  	_ =	swait.ge [sflag:s19], $0x200  }
0x19d: {  	[sflag:s19] =	ssyncset.done $0x0  }
0x19e: {  	[sflag:s19] =	ssyncadd.s32 $0xFFFFFE00  }
0x19f: {  	_ =	swait.ge [sflag:s19], $0x200  }
0x1a0: {  	[sflag:s19] =	ssyncset.done $0x0  }
0x1a1: {  	[sflag:s19] =	ssyncadd.s32 $0xFFFFFE00  }
0x1a2: {  	_ =	swait.ge [sflag:s19], $0x200  }
0x1a3: {  	[sflag:s19] =	ssyncset.done $0x0  }
0x1a4: {  	[sflag:s19] =	ssyncadd.s32 $0xFFFFFE00  }
0x1a5: {  	_ =	swait.ge [sflag:s19], $0x200  }
0x1a6: {  	[sflag:s19] =	ssyncset.done $0x0  }
0x1a7: {  	[sflag:s19] =	ssyncadd.s32 $0xFFFFFE00  }
0x1a8: {  	_ =	swait.ge [sflag:s19], $0x200  }
0x1a9: {  	[sflag:s19] =	ssyncset.done $0x0  }
0x1aa: {  	[sflag:s19] =	ssyncadd.s32 $0xFFFFFE00  }
0x1ab: {  	_ =	swait.ge [sflag:s19], $0x200  }
0x1ac: {  	[sflag:s19] =	ssyncset.done $0x0  }
0x1ad: {  	[sflag:s19] =	ssyncadd.s32 $0xFFFFFE00  }
0x1ae: {  	_ =	swait.ge [sflag:s19], $0x200  }
0x1af: {  	[sflag:s19] =	ssyncset.done $0x0  }
0x1b0: {  	[sflag:s19] =	ssyncadd.s32 $0xFFFFFE00  }
0x1b1: {  	_ =	swait.ge [sflag:s19], $0x200  }
0x1b2: {  	[sflag:s19] =	ssyncset.done $0x0  }
0x1b3: {  	[sflag:s19] =	ssyncadd.s32 $0xFFFFFE00  }
0x1b4: {  	_ =	swait.ge [sflag:s19], $0x200  }
0x1b5: {  	[sflag:s19] =	ssyncset.done $0x0  }
0x1b6: {  	[sflag:s19] =	ssyncadd.s32 $0xFFFFFE00  }
0x1b7: {  	_ =	swait.ge [sflag:s19], $0x200  }
0x1b8: {  	[sflag:s19] =	ssyncset.done $0x0  }
0x1b9: {  	[sflag:s19] =	ssyncadd.s32 $0xFFFFFE00  }
0x1ba: {  	_ =	swait.ge [sflag:s19], $0x200  }
0x1bb: {  	[sflag:s19] =	ssyncset.done $0x0  }
0x1bc: {  	[sflag:s19] =	ssyncadd.s32 $0xFFFFFE00  }
0x1bd: {  	_ =	swait.ge [sflag:s19], $0x200  }
0x1be: {  	[sflag:s19] =	ssyncset.done $0x0  }
0x1bf: {  	[sflag:s19] =	ssyncadd.s32 $0xFFFFFE00  }
0x1c0: {  	_ =	swait.ge [sflag:s19], $0x200  }
0x1c1: {  	[sflag:s19] =	ssyncset.done $0x0  }
0x1c2: {  	[sflag:s19] =	ssyncadd.s32 $0xFFFFFE00  }
0x1c3: {  	_ =	swait.ge [sflag:s19], $0x200  }
0x1c4: {  	[sflag:s19] =	ssyncset.done $0x0  }
0x1c5: {  	s24 =	simm.s32 $0x0;
	[sflag:s19] =	ssyncadd.s32 $0xFFFFFE00  }
0x1c6: {  	v5 =	vld [tilespmem:s24+$0x6200]  }
0x1c7: {  	v3 =	vld [tilespmem:s24+$0x6000]  }
0x1c8: {  	v1 =	vld [tilespmem:s24+$0x5E00]  }
0x1c9: {  	v2 =	vld [tilespmem:s24+$0x5C00]  }
0x1ca: {  	v4 =	vld [tilespmem:s24+$0x5A00]  }
0x1cb: {  	v6 =	vld [tilespmem:s24+$0x5800]  }
0x1cc: {  	v7 =	vld [tilespmem:s24+$0x1A00]  }
0x1cd: {  	v8 =	vld [tilespmem:s24+$0x5600]  }
0x1ce: {  	v9 =	vld [tilespmem:s24+$0x1600]  }
0x1cf: {  	v10 =	vld [tilespmem:s24+$0x3600]  }
0x1d0: {  	v11 =	vld [tilespmem:s24+$0x1800]  }
0x1d1: {  	v12 =	vld [tilespmem:s24+$0x3800]  }
0x1d2: {  	v13 =	vld [tilespmem:s24+$0x3A00]  }
0x1d3: {  	v14 =	vld [tilespmem:s24+$0x6600]  }
0x1d4: {  	v15 =	vld [tilespmem:s24+$0x1C00];
	v9 =	vmul.f32 v10, v9  }
0x1d5: {  	v10 =	vld [tilespmem:s24+$0x3C00]  }
0x1d6: {  	v16 =	vld [tilespmem:s24+$0x1E00];
	v8 =	vmul.f32 v8, v9;
	v9 =	vmul.f32 v12, v11  }
0x1d7: {  	v11 =	vld [tilespmem:s24+$0x3E00]  }
0x1d8: {  	v62 =	vld [tilespmem:s24+$0x2000];
	v7 =	vmul.f32 v13, v7;
	v8 =	vadd.f32 v8, v14;
	v6 =	vmul.f32 v6, v9  }
0x1d9: {  	v9 =	vld [tilespmem:s24+$0x4000]  }
0x1da: {  	v63 =	vld [tilespmem:s24+$0x2200];
	v4 =	vmul.f32 v4, v7;
	v7 =	vmul.f32 v10, v15;
	v6 =	vadd.f32 v6, v8  }
0x1db: {  	v8 =	vld [tilespmem:s24+$0x4200]  }
0x1dc: {  	v10 =	vld [tilespmem:s24+$0x2400];
	v2 =	vmul.f32 v2, v7;
	v4 =	vadd.f32 v4, v6;
	v6 =	vmul.f32 v11, v16  }
0x1dd: {  	v7 =	vld [tilespmem:s24+$0x4400]  }
0x1de: {  	s28 =	simm.s32 $0x10;
	v11 =	vld [tilespmem:s24+$0x6400];
	v9 =	vmul.f32 v9, v62;
	v4 =	vadd.f32 v2, v4;
	v6 =	vmul.f32 v1, v6  }
0x1df: {  	v2 =	vld [tilespmem:s28+$0x6200]  }
0x1e0: {  	v1 =	vld [tilespmem:s28+$0x6000];
	v9 =	vmul.f32 v3, v9;
	v8 =	vmul.f32 v8, v63;
	v6 =	vadd.f32 v6, v4  }
0x1e1: {  	v3 =	vld [tilespmem:s28+$0x5E00]  }
0x1e2: {  	v4 =	vld [tilespmem:s28+$0x5C00];
	v7 =	vmul.f32 v7, v10;
	v8 =	vmul.f32 v5, v8;
	v9 =	vadd.f32 v9, v6  }
0x1e3: {  	v5 =	vld [tilespmem:s28+$0x5A00]  }
0x1e4: {  	v6 =	vld [tilespmem:s28+$0x5800];
	v10 =	vmul.f32 v11, v7;
	v9 =	vadd.f32 v8, v9  }
0x1e5: {  	v7 =	vld [tilespmem:s28+$0x1A00]  }
0x1e6: {  	v8 =	vld [tilespmem:s28+$0x5600];
	v10 =	vadd.f32 v10, v9  }
0x1e7: {  	s29 =	simm.s32 $0x80;
	v9 =	vld [tilespmem:s28+$0x1600]  }
.LBB2_7:
0x1e8: {  	p0 =	sne.s32 s29, $0x7C0;
	v11 =	vld [tilespmem:s28+$0x3600];
	[tilespmem:s24+$0x6600] =	vst v10;
	s24 =	smov.u32 s28  }
0x1e9: {  	v10 =	vld [tilespmem:s24+$0x1800]  }
0x1ea: {  	v12 =	vld [tilespmem:s24+$0x3800]  }
0x1eb: {  	v13 =	vld [tilespmem:s24+$0x3A00]  }
0x1ec: {  	v14 =	vld [tilespmem:s24+$0x6600]  }
0x1ed: {  	v9 =	vmul.f32 v11, v9;
	v11 =	vld [tilespmem:s24+$0x1C00]  }
0x1ee: {  	v15 =	vld [tilespmem:s24+$0x3C00]  }
0x1ef: {  	v8 =	vmul.f32 v8, v9;
	v9 =	vmul.f32 v12, v10;
	v10 =	vld [tilespmem:s24+$0x1E00]  }
0x1f0: {  	v12 =	vld [tilespmem:s24+$0x3E00]  }
0x1f1: {  	v7 =	vmul.f32 v13, v7;
	v8 =	vadd.f32 v8, v14;
	v6 =	vmul.f32 v6, v9;
	v9 =	vld [tilespmem:s24+$0x2000]  }
0x1f2: {  	v13 =	vld [tilespmem:s24+$0x4000]  }
0x1f3: {  	v5 =	vmul.f32 v5, v7;
	v6 =	vadd.f32 v6, v8;
	v7 =	vmul.f32 v15, v11;
	v8 =	vld [tilespmem:s24+$0x2200]  }
0x1f4: {  	v11 =	vld [tilespmem:s24+$0x4200]  }
0x1f5: {  	v5 =	vadd.f32 v5, v6;
	v4 =	vmul.f32 v4, v7;
	v6 =	vmul.f32 v12, v10;
	v7 =	vld [tilespmem:s24+$0x2400]  }
0x1f6: {  	v10 =	vld [tilespmem:s24+$0x4400]  }
0x1f7: {  	s28 =	sshra.s32 s29, $0x2;
	v4 =	vadd.f32 v4, v5;
	v3 =	vmul.f32 v3, v6;
	v5 =	vmul.f32 v13, v9;
	v9 =	vld [tilespmem:s24+$0x6400]  }
0x1f8: {  	v12 =	vld [tilespmem:s28+$0x6200]  }
0x1f9: {  	v6 =	vadd.f32 v3, v4;
	v5 =	vmul.f32 v1, v5;
	v1 =	vld [tilespmem:s28+$0x6000];
	v8 =	vmul.f32 v11, v8  }
0x1fa: {  	v3 =	vld [tilespmem:s28+$0x5E00]  }
0x1fb: {  	v4 =	vld [tilespmem:s28+$0x5C00];
	v11 =	vadd.f32 v5, v6;
	v8 =	vmul.f32 v2, v8;
	v7 =	vmul.f32 v10, v7  }
.Ltmp2:
0x1fc: {  	v5 =	vld [tilespmem:s28+$0x5A00];
	(pc) =	sbr.rel @p0 .LBB2_7-.Ltmp2, $4  }
0x1fd: {  	v6 =	vld [tilespmem:s28+$0x5800];
	v10 =	vadd.f32 v8, v11;
	v9 =	vmul.f32 v9, v7;
	v2 =	vmov v12  }
0x1fe: {  	v7 =	vld [tilespmem:s28+$0x1A00]  }
0x1ff: {  	v8 =	vld [tilespmem:s28+$0x5600];
	v10 =	vadd.f32 v9, v10  }
0x200: {  	s29 =	sadd.s32 $0x40, s29;
	v9 =	vld [tilespmem:s28+$0x1600]  }
0x201: {  	v11 =	vld [tilespmem:s28+$0x3600];
	[tilespmem:s24+$0x6600] =	vst v10  }
0x202: {  	v10 =	vld [tilespmem:s28+$0x1800]  }
0x203: {  	v12 =	vld [tilespmem:s28+$0x3800]  }
0x204: {  	v13 =	vld [tilespmem:s28+$0x3A00]  }
0x205: {  	v14 =	vld [tilespmem:s28+$0x6600]  }
0x206: {  	v49 =	vld [tilespmem:s28+$0x1C00];
	v9 =	vmul.f32 v11, v9  }
0x207: {  	v15 =	vld [tilespmem:s28+$0x3C00]  }
0x208: {  	v51 =	vld [tilespmem:s28+$0x1E00];
	v50 =	vmul.f32 v12, v10;
	v8 =	vmul.f32 v8, v9  }
0x209: {  	v52 =	vld [tilespmem:s28+$0x3E00]  }
0x20a: {  	v53 =	vld [tilespmem:s28+$0x2000];
	v7 =	vmul.f32 v13, v7;
	v6 =	vmul.f32 v6, v50;
	v8 =	vadd.f32 v8, v14  }
0x20b: {  	v54 =	vld [tilespmem:s28+$0x4000]  }
0x20c: {  	v56 =	vld [tilespmem:s28+$0x2200];
	v55 =	vmul.f32 v15, v49;
	v5 =	vmul.f32 v5, v7;
	v6 =	vadd.f32 v6, v8  }
0x20d: {  	v57 =	vld [tilespmem:s28+$0x4200]  }
0x20e: {  	v59 =	vld [tilespmem:s28+$0x2400];
	v58 =	vmul.f32 v52, v51;
	v4 =	vmul.f32 v4, v55;
	v5 =	vadd.f32 v5, v6  }
0x20f: {  	v60 =	vld [tilespmem:s28+$0x4400]  }
0x210: {  	v61 =	vmul.f32 v54, v53;
	v3 =	vmul.f32 v3, v58;
	v4 =	vadd.f32 v4, v5  }
0x211: {  	v62 =	vld [tilespmem:s28+$0x6400]  }
0x212: {  	v63 =	vmul.f32 v57, v56;
	v1 =	vmul.f32 v1, v61;
	v3 =	vadd.f32 v3, v4;
	_ =	sdelay $0x1  }
0x213: {  	s20 =	sadd.s32 $0x1, s20;
	v2 =	vmul.f32 v2, v63;
	v1 =	vadd.f32 v1, v3;
	v3 =	vmul.f32 v60, v59  }
0x214: {  	p0 =	sne.s32 s20, $0x4  }
.Ltmp3:
0x215: {  	v1 =	vadd.f32 v2, v1;
	v2 =	vmul.f32 v62, v3;
	(pc) =	sbr.rel @p0 .LBB2_2-.Ltmp3, $3  }
0x216: {  	_ = 	snop  }
0x217: {  	v1 =	vadd.f32 v2, v1;
	_ =	sdelay $0x1  }
0x218: {  	[tilespmem:s28+$0x6600] =	vst v1  }
0x219: {  	s20 =	rddreg [dreg:$0x14];
	s24 =	simm.s32 $0x6600  }
0x21a: {  	[hbm4b:s20+s3] =	stream.linear.scatter [tilespmem:s24], [sflag:$0x3], $0x200, $0x38;
	[tilespmem:$0x6800] =	vst v63  }
0x21b: {  	s24 =	simm.s32 $0x3  }
0x21c: {  	_ =	swait.ge [sflag:s24], $0x200  }
0x21d: {  	s28 =	rddreg [dreg:$0x16]  }
0x21e: {  	s31 =	rddreg [dreg:$0x15];
	s28 =	sadd.s32 $0x1, s28  }
0x21f: {  	p0 =	sne.s32 s28, s31  }
.Ltmp4:
0x220: {  	_ = 	snop;
	(pc) =	sbr.rel @p0 .LBB2_1-.Ltmp4, $3  }
0x221: {  	_ =	sdelay $0x1  }
0x222: {  	[sflag:s24] =	ssyncset.done $0x0  }
0x223: {  	[sflag:s24] =	ssyncadd.s32 $0xFFFFFE00  }
0x224: {  	_ =	sfence.sel $0x180000  }
0x225: {  	[bflag:$0x0] =	sbarrier.arrive $0xFFFF  }
0x226: {  	_ =	strace $0x90000047  }
0x227: {  	s0 =	stileid.u32;
	[bflag:$0x2] =	sbarrier.arrive $0xFFFF  }
0x228: {  	p0 =	sne.s32 s0, $0x0;
	s0 =	rddreg [dreg:$0x2]  }
0x229: {  	s0 =	sadd.s32 @!p0 $0x100000, s0  }
0x22a: {  	[sflag:s0] =	ssyncadd.tile.s32 @!p0 $0x1;
	_ =	shalt  }
.Lfunc_end2:
_tile_overlayer_lowered:
.L_overlay_start_2:
0x22b: {  	(tag) =	ssettag $0x2  }
0x22c: {  	s0 =	rddreg [dreg:$0x0];
	s2 =	stileid.u32  }
0x22d: {  	s1 =	rddreg [dreg:$0x1];
	p0 =	sne.s32 s2, $0x0  }
0x22e: {  	s3 =	rddreg [dreg:$0x2];
	[bflag:$0x3] =	sbarrier.arrive $0xFFFF;
	s2 =	simm.s32 @!p0 $0x1C03  }
0x22f: {  	[timem:s3], [sflag:s2] =	dma.local @!p0 [hbm:s0], s1  }
0x230: {  	s0 =	simm.s32 @!p0 $0x3  }
0x231: {  	_ =	swait.ge @!p0 [sflag:s0], s1  }
0x232: {  	s1 =	ssub.s32 @!p0 $0x0, s1;
	[sflag:s0] =	ssyncset.done @!p0 $0x0  }
0x233: {  	[sflag:s0] =	ssyncadd.s32 @!p0 s1  }
0x234: {  	[bflag:$0x3] =	sbarrier.arrive $0xFFFF  }
0x235: {  	_ =	shalt  }

</sc_bundles>
